<compile_context>
chip_gen: v7x
topology: tpu7x:2x2x1
jax: 0.10.2.dev20260603
libtpu: 0.0.44.dev20260713+nightly
codegen_flags: <defaults>
</compile_context>

<pallas_src>
import functools

import jax
import jax.numpy as jnp
from jax import lax
from jax.experimental import pallas as pl
from jax.experimental.pallas import tpu as pltpu
from jax.experimental.pallas import tpu_sc as plsc

N = 100000
E = 1600000
VOCAB = 128
D = 30
C = 5
DP = 32
H = 16

NC, NS, L = 2, 16, 16
NW = NC * NS

NPAD = 100352
RSC = NPAD // NS

CH = 8
R = 12544
EPAD = R * 128
RT = R // NW
NIT = RT // CH

BLK = 2048
GRID = NPAD // BLK


def _sc_mesh():
    return plsc.VectorSubcoreMesh(
        core_axis_name="c", subcore_axis_name="s",
        num_cores=NC, num_subcores=NS)



def _deg_body(srcd, zeros1, degp, idx_v, ones_v, accum):
    cid = lax.axis_index("c")
    sid = lax.axis_index("s")
    wid = sid * NC + cid
    for i in range(128 // L):
        ones_v[pl.ds(i * L, L)] = jnp.ones((L,), jnp.float32)
    r0 = sid * RSC
    pltpu.sync_copy(zeros1.at[pl.ds(r0, RSC)], accum.at[pl.ds(r0, RSC)])
    plsc.subcore_barrier()
    base = wid * RT

    def it(t, carry):
        row = base + t * CH
        pltpu.sync_copy(srcd.at[pl.ds(row, CH)], idx_v)
        for j in range(CH):
            pltpu.sync_copy(ones_v, accum.at[idx_v.at[j]], add=True)
        return carry

    lax.fori_loop(0, NIT, it, 0)
    plsc.subcore_barrier()
    pltpu.sync_copy(accum.at[pl.ds(r0, RSC)],
                    degp.at[pl.ds(cid * NPAD + r0, RSC)])


_deg_call = pl.kernel(
    _deg_body,
    out_type=jax.ShapeDtypeStruct((NC * NPAD,), jnp.float32),
    mesh=_sc_mesh(),
    scratch_types=[
        pltpu.VMEM((CH, 128), jnp.int32),
        pltpu.VMEM((128,), jnp.float32),
        pltpu.VMEM_SHARED((NPAD,), jnp.float32),
    ],
    compiler_params=pltpu.CompilerParams(use_tc_tiling_on_sc=False),
)


CE = 512
NCHUNK = RT * 128 // CE
assert NCHUNK == 98


def _agg_body(hnA, hnB, srcg, dsts, zeros2, pA, pB,
              s0, d0, s1, d1, s2, d2, rows0, rows1, rows2, accum,
              semg0, semg1, semg2, sems0, sems1, sems2,
              semi0, semi1, semi2):
    cid = lax.axis_index("c")
    sid = lax.axis_index("s")
    wid = sid * NC + cid
    r0 = sid * RSC
    base = wid * RT * 128
    B = ((s0, d0, rows0, semg0, sems0, semi0),
         (s1, d1, rows1, semg1, sems1, semi1),
         (s2, d2, rows2, semg2, sems2, semi2))

    for half in range(2):
        hn = (hnA, hnB)[half]
        out = (pA, pB)[half]

        def idx(t, k):
            s, d, _, _, _, semi = B[k]
            pltpu.async_copy(srcg.at[pl.ds(base + t * CE, CE)], s, semi)
            pltpu.async_copy(dsts.at[pl.ds(base + t * CE, CE)], d, semi)

        def wait_i(k):
            s, d, _, _, _, semi = B[k]
            pltpu.make_async_copy(srcg.at[pl.ds(base, CE)], s, semi).wait()
            pltpu.make_async_copy(dsts.at[pl.ds(base, CE)], d, semi).wait()

        def gather(k):
            s, _, rows, semg, _, _ = B[k]
            pltpu.async_copy(hn.at[s], rows, semg)

        def wait_g(k):
            s, _, rows, semg, _, _ = B[k]
            pltpu.make_async_copy(hn.at[s], rows, semg).wait()

        def flush(k):
            _, d, rows, _, sems, _ = B[k]
            pltpu.async_copy(rows, accum.at[d], sems, add=True)

        def wait_s(k):
            _, d, rows, _, sems, _ = B[k]
            pltpu.make_async_copy(rows, accum.at[d], sems).wait()

        @pl.when(cid == 0)
        def _():
            pltpu.sync_copy(hn.at[pl.ds(r0, RSC)], accum.at[pl.ds(r0, RSC)])

        @pl.when(cid != 0)
        def _():
            pltpu.sync_copy(zeros2.at[pl.ds(r0, RSC)], accum.at[pl.ds(r0, RSC)])

        plsc.subcore_barrier()

        idx(0, 0)
        idx(1, 1)
        idx(2, 2)
        wait_i(0)
        gather(0)
        wait_i(1)
        gather(1)
        wait_g(0)
        flush(0)
        wait_s(0)
        idx(3, 0)
        wait_i(2)
        gather(2)
        wait_g(1)
        flush(1)

        def it_fixed(g, carry):
            for j in range(3):
                t = 3 * g + 2 + j
                kt = (2 + j) % 3
                kp = (kt + 2) % 3
                kn = (kt + 1) % 3
                wait_s(kp)
                idx(t + 2, kp)
                wait_i(kn)
                gather(kn)
                wait_g(kt)
                flush(kt)
            return carry

        lax.fori_loop(0, 31, it_fixed, 0)
        wait_s(1)
        idx(97, 1)
        wait_i(0)
        gather(0)
        wait_g(2)
        flush(2)
        wait_i(1)
        gather(1)
        wait_g(0)
        flush(0)
        wait_g(1)
        flush(1)
        wait_s(2)
        wait_s(0)
        wait_s(1)

        plsc.subcore_barrier()
        pltpu.sync_copy(accum.at[pl.ds(r0, RSC)], out.at[cid, pl.ds(r0, RSC)])
        if half == 0:
            plsc.subcore_barrier()


_agg_call = pl.kernel(
    _agg_body,
    out_type=(jax.ShapeDtypeStruct((NC, NPAD, H), jnp.float32),
              jax.ShapeDtypeStruct((NC, NPAD, H), jnp.float32)),
    mesh=_sc_mesh(),
    scratch_types=(
        [pltpu.VMEM((CE,), jnp.int32)] * 6
        + [pltpu.VMEM((CE, H), jnp.float32)] * 3
        + [pltpu.VMEM_SHARED((NPAD, H), jnp.float32)]
        + [pltpu.SemaphoreType.DMA] * 9
    ),
    compiler_params=pltpu.CompilerParams(use_tc_tiling_on_sc=False),
)



BLK8 = BLK // 8
NPAD8 = NPAD // 8


def _init_body(x_ref, emb_ref, d_ref, hnA_ref, hnB_ref, inv_ref):
    i = pl.program_id(0)
    xb = x_ref[...]
    onehot = (xb == lax.broadcasted_iota(jnp.int32, (BLK, VOCAB), 1)
              ).astype(jnp.float32)
    h0 = jnp.dot(onehot, emb_ref[...], preferred_element_type=jnp.float32)
    deg = d_ref[:, 0:1] + d_ref[:, 1:2] + 1.0
    row = i * BLK + lax.broadcasted_iota(jnp.int32, (BLK, 1), 0)
    inv = jnp.where(row < N, 1.0 / deg, 0.0)
    hn = h0 * inv
    hnA_ref[...] = hn[:, :H]
    hnB_ref[...] = hn[:, H:]
    inv_ref[...] = inv


_init_call = pl.pallas_call(
    _init_body,
    grid=(GRID,),
    in_specs=[
        pl.BlockSpec((BLK, 1), lambda i: (i, 0)),
        pl.BlockSpec((VOCAB, DP), lambda i: (0, 0)),
        pl.BlockSpec((BLK, NC), lambda i: (i, 0)),
    ],
    out_specs=[
        pl.BlockSpec((BLK, H), lambda i: (i, 0)),
        pl.BlockSpec((BLK, H), lambda i: (i, 0)),
        pl.BlockSpec((BLK, 1), lambda i: (i, 0)),
    ],
    out_shape=[
        jax.ShapeDtypeStruct((NPAD, H), jnp.float32),
        jax.ShapeDtypeStruct((NPAD, H), jnp.float32),
        jax.ShapeDtypeStruct((NPAD, 1), jnp.float32),
    ],
)



def _hidden_packed(pA_ref, pB_ref, wa_ref, wb_ref, b_ref):
    za = jnp.dot(pA_ref[0] + pA_ref[1], wa_ref[...],
                 preferred_element_type=jnp.float32)
    zb = jnp.dot(pB_ref[0] + pB_ref[1], wb_ref[...],
                 preferred_element_type=jnp.float32)
    return jnp.maximum(za + zb + b_ref[...], 0.0)


def _mid_body(pA_ref, pB_ref, inv_ref, wa_ref, wb_ref, b_ref, sa_ref, sb_ref,
              hnA_ref, hnB_ref):
    h = _hidden_packed(pA_ref, pB_ref, wa_ref, wb_ref, b_ref)
    ip = inv_ref[...]
    hnA_ref[...] = jnp.dot(h, sa_ref[...],
                           preferred_element_type=jnp.float32) * ip
    hnB_ref[...] = jnp.dot(h, sb_ref[...],
                           preferred_element_type=jnp.float32) * ip


_mid_call = pl.pallas_call(
    _mid_body,
    grid=(GRID,),
    in_specs=[
        pl.BlockSpec((NC, BLK8, 128), lambda i: (0, i, 0)),
        pl.BlockSpec((NC, BLK8, 128), lambda i: (0, i, 0)),
        pl.BlockSpec((BLK8, 128), lambda i: (i, 0)),
        pl.BlockSpec((128, 256), lambda i: (0, 0)),
        pl.BlockSpec((128, 256), lambda i: (0, 0)),
        pl.BlockSpec((1, 256), lambda i: (0, 0)),
        pl.BlockSpec((256, 128), lambda i: (0, 0)),
        pl.BlockSpec((256, 128), lambda i: (0, 0)),
    ],
    out_specs=[
        pl.BlockSpec((BLK8, 128), lambda i: (i, 0)),
        pl.BlockSpec((BLK8, 128), lambda i: (i, 0)),
    ],
    out_shape=[
        jax.ShapeDtypeStruct((NPAD8, 128), jnp.float32),
        jax.ShapeDtypeStruct((NPAD8, 128), jnp.float32),
    ],
)


def _fin_body(pA_ref, pB_ref, wa_ref, wb_ref, b_ref, wo_ref, bo_ref, out_ref):
    h = _hidden_packed(pA_ref, pB_ref, wa_ref, wb_ref, b_ref)
    out_ref[...] = (jnp.dot(h, wo_ref[...], preferred_element_type=jnp.float32)
                    + bo_ref[...])


_fin_call = pl.pallas_call(
    _fin_body,
    grid=(GRID,),
    in_specs=[
        pl.BlockSpec((NC, BLK8, 128), lambda i: (0, i, 0)),
        pl.BlockSpec((NC, BLK8, 128), lambda i: (0, i, 0)),
        pl.BlockSpec((128, 256), lambda i: (0, 0)),
        pl.BlockSpec((128, 256), lambda i: (0, 0)),
        pl.BlockSpec((1, 256), lambda i: (0, 0)),
        pl.BlockSpec((256, 64), lambda i: (0, 0)),
        pl.BlockSpec((1, 64), lambda i: (0, 0)),
    ],
    out_specs=pl.BlockSpec((BLK8, 64), lambda i: (i, 0)),
    out_shape=jax.ShapeDtypeStruct((NPAD8, 64), jnp.float32),
)



def kernel(x, edge_index, emb, W0, b0, W1, b1, W2, b2, Wout, bout):
    f32 = jnp.float32
    x = x.astype(jnp.int32)
    src = edge_index[0].astype(jnp.int32)
    dst = edge_index[1].astype(jnp.int32)
    pad = EPAD - E
    srcg = jnp.concatenate([src, jnp.zeros((pad,), jnp.int32)])
    dsts = jnp.concatenate([dst, jnp.full((pad,), N, jnp.int32)])
    srcd = jnp.concatenate([src, jnp.full((pad,), N, jnp.int32)]).reshape(R, 128)
    zeros1 = jnp.zeros((NPAD,), f32)
    zeros2 = jnp.zeros((NPAD, H), f32)
    xp = jnp.concatenate([x, jnp.zeros((NPAD - N,), jnp.int32)]).reshape(NPAD, 1)
    embp = jnp.zeros((VOCAB, DP), f32).at[:, :D].set(emb.astype(f32))

    eye8 = jnp.eye(8, dtype=f32)

    def padw(w):
        wp = jnp.zeros((DP, DP), f32).at[:D, :D].set(w.astype(f32).T)
        return (jnp.kron(eye8, wp[:H]), jnp.kron(eye8, wp[H:]))

    def padb(b):
        bp = jnp.zeros((1, DP), f32).at[0, :D].set(b.astype(f32))
        return jnp.tile(bp, (1, 8))

    sel_a = jnp.kron(eye8, jnp.eye(DP, H, dtype=f32))
    sel_b = jnp.kron(eye8, jnp.eye(DP, H, -H, dtype=f32))
    wop = jnp.zeros((DP, 8), f32).at[:D, :C].set(Wout.astype(f32).T)
    wo = jnp.kron(eye8, wop)
    bo = jnp.tile(jnp.zeros((1, 8), f32).at[0, :C].set(bout.astype(f32)),
                  (1, 8))

    degp = _deg_call(srcd, zeros1)
    hnA, hnB, inv = _init_call(xp, embp, degp.reshape(NC, NPAD).T)
    invp16 = jnp.repeat(inv.reshape(NPAD), H).reshape(NPAD8, 128)
    for w, b in ((W0, b0), (W1, b1)):
        pA, pB = _agg_call(hnA, hnB, srcg, dsts, zeros2)
        wa, wb = padw(w)
        hnA8, hnB8 = _mid_call(pA.reshape(NC, NPAD8, 128),
                               pB.reshape(NC, NPAD8, 128),
                               invp16, wa, wb, padb(b), sel_a, sel_b)
        hnA = hnA8.reshape(NPAD, H)
        hnB = hnB8.reshape(NPAD, H)
    pA, pB = _agg_call(hnA, hnB, srcg, dsts, zeros2)
    wa, wb = padw(W2)
    out = _fin_call(pA.reshape(NC, NPAD8, 128), pB.reshape(NC, NPAD8, 128),
                    wa, wb, padb(b2), wo, bo)
    return out.reshape(NPAD, 8)[:N, :C]

# --- scband reference (transcript-rebuilt; emitter-appended) ---
"""Pipeline reference for scband-gnnedge-type-classifier-21852793602865 (READ-ONLY COPY).

The authoritative reference and input builder live on the scoring server;
editing this copy changes nothing except your own understanding.
"""

import jax, jax.numpy as jnp
import numpy as np

N = 100000
E = 1600000
VOCAB = 128
D = 30
C = 5


def setup_inputs(seed: int = 0) -> dict:
    key = jax.random.key(seed)
    ks = jax.random.split(key, 12)
    x = jax.random.randint(ks[0], (N,), 0, VOCAB)
    edge_index = jax.random.randint(ks[1], (2, E), 0, N)
    emb = jax.random.normal(ks[2], (VOCAB, D), dtype=jnp.float32) * 0.1
    W0 = jax.random.normal(ks[3], (D, D), dtype=jnp.float32) * 0.1
    b0 = jnp.zeros((D,), dtype=jnp.float32)
    W1 = jax.random.normal(ks[4], (D, D), dtype=jnp.float32) * 0.1
    b1 = jnp.zeros((D,), dtype=jnp.float32)
    W2 = jax.random.normal(ks[5], (D, D), dtype=jnp.float32) * 0.1
    b2 = jnp.zeros((D,), dtype=jnp.float32)
    Wout = jax.random.normal(ks[6], (C, D), dtype=jnp.float32) * 0.1
    bout = jnp.zeros((C,), dtype=jnp.float32)
    return {"x": x, "edge_index": edge_index, "emb": emb,
            "W0": W0, "b0": b0, "W1": W1, "b1": b1, "W2": W2, "b2": b2,
            "Wout": Wout, "bout": bout}


def reference(x, edge_index, emb, W0, b0, W1, b1, W2, b2, Wout, bout):
    n = x.shape[0]
    # add self loops
    loop = jnp.arange(n, dtype=edge_index.dtype)
    src = jnp.concatenate([edge_index[0], loop])
    dst = jnp.concatenate([edge_index[1], loop])
    # degree of row (source) nodes, includes self loops so deg >= 1
    deg = jax.ops.segment_sum(jnp.ones(src.shape[0], dtype=jnp.float32), src, num_segments=n)
    h = emb[x]
    for W, b in ((W0, b0), (W1, b1), (W2, b2)):
        # message: x_j / deg (source-degree normalization), gather from source
        msg = h[src] / deg[src][:, None]
        # aggr='add': scatter-add into target nodes
        aggr = jax.ops.segment_sum(msg, dst, num_segments=n)
        # update: relu(linear(aggr))
        h = jax.nn.relu(aggr @ W.T + b)
    return h @ Wout.T + bout

if __name__ == "__main__":
    import jax
    _d = setup_inputs()
    print(jax.jit(kernel)(*tuple(_d.values())))

</pallas_src>

<mosaic_0001>
#map = affine_map<(d0, d1) -> (0, 0)>
#map1 = affine_map<(d0, d1) -> (0)>
#map2 = affine_map<(d0, d1) -> (0, 0, 0)>
module attributes {stable_mosaic.version = 14 : i64} {
  func.func @_agg_body(%arg0: i32, %arg1: i32, %arg2: memref<100352x16xf32, #tpu.memory_space<hbm>>, %arg3: memref<100352x16xf32, #tpu.memory_space<hbm>>, %arg4: memref<1605632xi32, #tpu.memory_space<hbm>>, %arg5: memref<1605632xi32, #tpu.memory_space<hbm>>, %arg6: memref<100352x16xf32, #tpu.memory_space<hbm>>, %arg7: memref<2x100352x16xf32, #tpu.memory_space<hbm>>, %arg8: memref<2x100352x16xf32, #tpu.memory_space<hbm>>, %arg9: memref<512xi32, #tpu.memory_space<vmem>>, %arg10: memref<512xi32, #tpu.memory_space<vmem>>, %arg11: memref<512xi32, #tpu.memory_space<vmem>>, %arg12: memref<512xi32, #tpu.memory_space<vmem>>, %arg13: memref<512xi32, #tpu.memory_space<vmem>>, %arg14: memref<512xi32, #tpu.memory_space<vmem>>, %arg15: memref<512x16xf32, #tpu.memory_space<vmem>>, %arg16: memref<512x16xf32, #tpu.memory_space<vmem>>, %arg17: memref<512x16xf32, #tpu.memory_space<vmem>>, %arg18: memref<100352x16xf32, #tpu.memory_space<vmem_shared>>, %arg19: memref<!tpu.dma_semaphore, #tpu.memory_space<semaphore_mem>>, %arg20: memref<!tpu.dma_semaphore, #tpu.memory_space<semaphore_mem>>, %arg21: memref<!tpu.dma_semaphore, #tpu.memory_space<semaphore_mem>>, %arg22: memref<!tpu.dma_semaphore, #tpu.memory_space<semaphore_mem>>, %arg23: memref<!tpu.dma_semaphore, #tpu.memory_space<semaphore_mem>>, %arg24: memref<!tpu.dma_semaphore, #tpu.memory_space<semaphore_mem>>, %arg25: memref<!tpu.dma_semaphore, #tpu.memory_space<semaphore_mem>>, %arg26: memref<!tpu.dma_semaphore, #tpu.memory_space<semaphore_mem>>, %arg27: memref<!tpu.dma_semaphore, #tpu.memory_space<semaphore_mem>>) attributes {dimension_semantics = [#tpu.dimension_semantics<core_parallel>, #tpu.dimension_semantics<subcore_parallel>], iteration_bounds = array<i64: 2, 16>, scalar_prefetch = 0 : i64, scratch_operands = 19 : i64, tpu.core_type = #tpu.core_type<sc_vector_subcore>, window_params = [{transform_indices = #map}, {transform_indices = #map}, {transform_indices = #map1}, {transform_indices = #map1}, {transform_indices = #map}, {transform_indices = #map2}, {transform_indices = #map2}]} {
    %mul3A = arith.constant 2 : i32
    %mul3A_0 = arith.muli %arg1, %mul3A : i32
    %add3A = arith.addi %mul3A_0, %arg0 : i32
    %mul3A_1 = arith.constant 6272 : i32
    %mul3A_2 = arith.muli %arg1, %mul3A_1 : i32
    %mul3A_3 = arith.constant 392 : i32
    %mul3A_4 = arith.muli %add3A, %mul3A_3 : i32
    %mul3A_5 = arith.constant 128 : i32
    %mul3A_6 = arith.muli %mul3A_4, %mul3A_5 : i32
    %eq3A = arith.constant 0 : i32
    %eq3A_7 = arith.cmpi eq, %arg0, %eq3A : i32
    %convert_element_type3A = arith.extui %eq3A_7 : i1 to i32
    %cond3A = arith.constant 0 : i32
    %cond3A_8 = arith.cmpi ne, %convert_element_type3A, %cond3A : i32
    scf.if %cond3A_8 {
      "tpu.region"() ({
        %run_scoped3A = tpu.sem_alloc : memref<!tpu.dma_semaphore, #tpu.memory_space<semaphore_mem>>
        %dma_start3A_276 = arith.constant 0 : i32
        %dma_start3A_277 = tpu.memref_slice %arg18[%mul3A_2, %dma_start3A_276] : memref<100352x16xf32, #tpu.memory_space<vmem_shared>> -> memref<6272x16xf32, #tpu.memory_space<vmem_shared>>
        %dma_start3A_278 = arith.constant 0 : i32
        %dma_start3A_279 = tpu.memref_slice %arg2[%mul3A_2, %dma_start3A_278] : memref<100352x16xf32, #tpu.memory_space<hbm>> -> memref<6272x16xf32, #tpu.memory_space<hbm>>
        tpu.enqueue_dma source(%dma_start3A_279 : memref<6272x16xf32, #tpu.memory_space<hbm>>) target(%dma_start3A_277 : memref<6272x16xf32, #tpu.memory_space<vmem_shared>>) target_semaphore(%run_scoped3A : memref<!tpu.dma_semaphore, #tpu.memory_space<semaphore_mem>>)
        %dma_wait3A_280 = arith.constant 0 : i32
        %dma_wait3A_281 = tpu.memref_slice %arg18[%mul3A_2, %dma_wait3A_280] : memref<100352x16xf32, #tpu.memory_space<vmem_shared>> -> memref<6272x16xf32, #tpu.memory_space<vmem_shared>>
        %dma_wait3A_282 = arith.constant 0 : i32
        %dma_wait3A_283 = tpu.memref_slice %arg2[%mul3A_2, %dma_wait3A_282] : memref<100352x16xf32, #tpu.memory_space<hbm>> -> memref<6272x16xf32, #tpu.memory_space<hbm>>
        tpu.wait_dma2 semaphore(%run_scoped3A : memref<!tpu.dma_semaphore, #tpu.memory_space<semaphore_mem>>) src(%dma_wait3A_283 : memref<6272x16xf32, #tpu.memory_space<hbm>>) dst(%dma_wait3A_281 : memref<6272x16xf32, #tpu.memory_space<vmem_shared>>)
        tpu.yield
      }) : () -> ()
    } else {
    }
    %ne3A = arith.constant 0 : i32
    %ne3A_9 = arith.cmpi ne, %arg0, %ne3A : i32
    %convert_element_type3A_10 = arith.extui %ne3A_9 : i1 to i32
    %cond3A_11 = arith.constant 0 : i32
    %cond3A_12 = arith.cmpi ne, %convert_element_type3A_10, %cond3A_11 : i32
    scf.if %cond3A_12 {
      "tpu.region"() ({
        %run_scoped3A = tpu.sem_alloc : memref<!tpu.dma_semaphore, #tpu.memory_space<semaphore_mem>>
        %dma_start3A_276 = arith.constant 0 : i32
        %dma_start3A_277 = tpu.memref_slice %arg18[%mul3A_2, %dma_start3A_276] : memref<100352x16xf32, #tpu.memory_space<vmem_shared>> -> memref<6272x16xf32, #tpu.memory_space<vmem_shared>>
        %dma_start3A_278 = arith.constant 0 : i32
        %dma_start3A_279 = tpu.memref_slice %arg6[%mul3A_2, %dma_start3A_278] : memref<100352x16xf32, #tpu.memory_space<hbm>> -> memref<6272x16xf32, #tpu.memory_space<hbm>>
        tpu.enqueue_dma source(%dma_start3A_279 : memref<6272x16xf32, #tpu.memory_space<hbm>>) target(%dma_start3A_277 : memref<6272x16xf32, #tpu.memory_space<vmem_shared>>) target_semaphore(%run_scoped3A : memref<!tpu.dma_semaphore, #tpu.memory_space<semaphore_mem>>)
        %dma_wait3A_280 = arith.constant 0 : i32
        %dma_wait3A_281 = tpu.memref_slice %arg18[%mul3A_2, %dma_wait3A_280] : memref<100352x16xf32, #tpu.memory_space<vmem_shared>> -> memref<6272x16xf32, #tpu.memory_space<vmem_shared>>
        %dma_wait3A_282 = arith.constant 0 : i32
        %dma_wait3A_283 = tpu.memref_slice %arg6[%mul3A_2, %dma_wait3A_282] : memref<100352x16xf32, #tpu.memory_space<hbm>> -> memref<6272x16xf32, #tpu.memory_space<hbm>>
        tpu.wait_dma2 semaphore(%run_scoped3A : memref<!tpu.dma_semaphore, #tpu.memory_space<semaphore_mem>>) src(%dma_wait3A_283 : memref<6272x16xf32, #tpu.memory_space<hbm>>) dst(%dma_wait3A_281 : memref<6272x16xf32, #tpu.memory_space<vmem_shared>>)
        tpu.yield
      }) : () -> ()
    } else {
    }
    %barrier3A = arith.constant 0 : index
    tpu.barrier barrier_id(%barrier3A)
    %add3A_13 = arith.constant 0 : i32
    %add3A_14 = arith.addi %mul3A_6, %add3A_13 : i32
    %dma_start3A = tpu.memref_slice %arg4[%add3A_14] : memref<1605632xi32, #tpu.memory_space<hbm>> -> memref<512xi32, #tpu.memory_space<hbm>>
    %dma_start3A_15 = tpu.memref_slice %arg4[%add3A_14] : memref<1605632xi32, #tpu.memory_space<hbm>> -> memref<512xi32, #tpu.memory_space<hbm>>
    tpu.enqueue_dma source(%dma_start3A_15 : memref<512xi32, #tpu.memory_space<hbm>>) target(%arg9 : memref<512xi32, #tpu.memory_space<vmem>>) target_semaphore(%arg25 : memref<!tpu.dma_semaphore, #tpu.memory_space<semaphore_mem>>)
    %add3A_16 = arith.constant 0 : i32
    %add3A_17 = arith.addi %mul3A_6, %add3A_16 : i32
    %dma_start3A_18 = tpu.memref_slice %arg5[%add3A_17] : memref<1605632xi32, #tpu.memory_space<hbm>> -> memref<512xi32, #tpu.memory_space<hbm>>
    %dma_start3A_19 = tpu.memref_slice %arg5[%add3A_17] : memref<1605632xi32, #tpu.memory_space<hbm>> -> memref<512xi32, #tpu.memory_space<hbm>>
    tpu.enqueue_dma source(%dma_start3A_19 : memref<512xi32, #tpu.memory_space<hbm>>) target(%arg10 : memref<512xi32, #tpu.memory_space<vmem>>) target_semaphore(%arg25 : memref<!tpu.dma_semaphore, #tpu.memory_space<semaphore_mem>>)
    %add3A_20 = arith.constant 512 : i32
    %add3A_21 = arith.addi %mul3A_6, %add3A_20 : i32
    %dma_start3A_22 = tpu.memref_slice %arg4[%add3A_21] : memref<1605632xi32, #tpu.memory_space<hbm>> -> memref<512xi32, #tpu.memory_space<hbm>>
    %dma_start3A_23 = tpu.memref_slice %arg4[%add3A_21] : memref<1605632xi32, #tpu.memory_space<hbm>> -> memref<512xi32, #tpu.memory_space<hbm>>
    tpu.enqueue_dma source(%dma_start3A_23 : memref<512xi32, #tpu.memory_space<hbm>>) target(%arg11 : memref<512xi32, #tpu.memory_space<vmem>>) target_semaphore(%arg26 : memref<!tpu.dma_semaphore, #tpu.memory_space<semaphore_mem>>)
    %add3A_24 = arith.constant 512 : i32
    %add3A_25 = arith.addi %mul3A_6, %add3A_24 : i32
    %dma_start3A_26 = tpu.memref_slice %arg5[%add3A_25] : memref<1605632xi32, #tpu.memory_space<hbm>> -> memref<512xi32, #tpu.memory_space<hbm>>
    %dma_start3A_27 = tpu.memref_slice %arg5[%add3A_25] : memref<1605632xi32, #tpu.memory_space<hbm>> -> memref<512xi32, #tpu.memory_space<hbm>>
    tpu.enqueue_dma source(%dma_start3A_27 : memref<512xi32, #tpu.memory_space<hbm>>) target(%arg12 : memref<512xi32, #tpu.memory_space<vmem>>) target_semaphore(%arg26 : memref<!tpu.dma_semaphore, #tpu.memory_space<semaphore_mem>>)
    %add3A_28 = arith.constant 1024 : i32
    %add3A_29 = arith.addi %mul3A_6, %add3A_28 : i32
    %dma_start3A_30 = tpu.memref_slice %arg4[%add3A_29] : memref<1605632xi32, #tpu.memory_space<hbm>> -> memref<512xi32, #tpu.memory_space<hbm>>
    %dma_start3A_31 = tpu.memref_slice %arg4[%add3A_29] : memref<1605632xi32, #tpu.memory_space<hbm>> -> memref<512xi32, #tpu.memory_space<hbm>>
    tpu.enqueue_dma source(%dma_start3A_31 : memref<512xi32, #tpu.memory_space<hbm>>) target(%arg13 : memref<512xi32, #tpu.memory_space<vmem>>) target_semaphore(%arg27 : memref<!tpu.dma_semaphore, #tpu.memory_space<semaphore_mem>>)
    %add3A_32 = arith.constant 1024 : i32
    %add3A_33 = arith.addi %mul3A_6, %add3A_32 : i32
    %dma_start3A_34 = tpu.memref_slice %arg5[%add3A_33] : memref<1605632xi32, #tpu.memory_space<hbm>> -> memref<512xi32, #tpu.memory_space<hbm>>
    %dma_start3A_35 = tpu.memref_slice %arg5[%add3A_33] : memref<1605632xi32, #tpu.memory_space<hbm>> -> memref<512xi32, #tpu.memory_space<hbm>>
    tpu.enqueue_dma source(%dma_start3A_35 : memref<512xi32, #tpu.memory_space<hbm>>) target(%arg14 : memref<512xi32, #tpu.memory_space<vmem>>) target_semaphore(%arg27 : memref<!tpu.dma_semaphore, #tpu.memory_space<semaphore_mem>>)
    %dma_wait3A = tpu.memref_slice %arg4[%mul3A_6] : memref<1605632xi32, #tpu.memory_space<hbm>> -> memref<512xi32, #tpu.memory_space<hbm>>
    %dma_wait3A_36 = tpu.memref_slice %arg4[%mul3A_6] : memref<1605632xi32, #tpu.memory_space<hbm>> -> memref<512xi32, #tpu.memory_space<hbm>>
    tpu.wait_dma2 semaphore(%arg25 : memref<!tpu.dma_semaphore, #tpu.memory_space<semaphore_mem>>) src(%dma_wait3A_36 : memref<512xi32, #tpu.memory_space<hbm>>) dst(%arg9 : memref<512xi32, #tpu.memory_space<vmem>>)
    %dma_wait3A_37 = tpu.memref_slice %arg5[%mul3A_6] : memref<1605632xi32, #tpu.memory_space<hbm>> -> memref<512xi32, #tpu.memory_space<hbm>>
    %dma_wait3A_38 = tpu.memref_slice %arg5[%mul3A_6] : memref<1605632xi32, #tpu.memory_space<hbm>> -> memref<512xi32, #tpu.memory_space<hbm>>
    tpu.wait_dma2 semaphore(%arg25 : memref<!tpu.dma_semaphore, #tpu.memory_space<semaphore_mem>>) src(%dma_wait3A_38 : memref<512xi32, #tpu.memory_space<hbm>>) dst(%arg10 : memref<512xi32, #tpu.memory_space<vmem>>)
    %dma_start3A_39 = arith.constant 0 : i32
    %dma_start3A_40 = arith.constant 0 : i32
    %dma_start3A_41 = tpu.memref_slice %arg2[%dma_start3A_39, %dma_start3A_40] : memref<100352x16xf32, #tpu.memory_space<hbm>> -> memref<100352x16xf32, #tpu.memory_space<hbm>>
    tpu.enqueue_indirect_dma source(%dma_start3A_41 : memref<100352x16xf32, #tpu.memory_space<hbm>>) target(%arg15 : memref<512x16xf32, #tpu.memory_space<vmem>>) offsets(%arg9 : memref<512xi32, #tpu.memory_space<vmem>>) semaphore(%arg19 : memref<!tpu.dma_semaphore, #tpu.memory_space<semaphore_mem>>)
    %dma_wait3A_42 = tpu.memref_slice %arg4[%mul3A_6] : memref<1605632xi32, #tpu.memory_space<hbm>> -> memref<512xi32, #tpu.memory_space<hbm>>
    %dma_wait3A_43 = tpu.memref_slice %arg4[%mul3A_6] : memref<1605632xi32, #tpu.memory_space<hbm>> -> memref<512xi32, #tpu.memory_space<hbm>>
    tpu.wait_dma2 semaphore(%arg26 : memref<!tpu.dma_semaphore, #tpu.memory_space<semaphore_mem>>) src(%dma_wait3A_43 : memref<512xi32, #tpu.memory_space<hbm>>) dst(%arg11 : memref<512xi32, #tpu.memory_space<vmem>>)
    %dma_wait3A_44 = tpu.memref_slice %arg5[%mul3A_6] : memref<1605632xi32, #tpu.memory_space<hbm>> -> memref<512xi32, #tpu.memory_space<hbm>>
    %dma_wait3A_45 = tpu.memref_slice %arg5[%mul3A_6] : memref<1605632xi32, #tpu.memory_space<hbm>> -> memref<512xi32, #tpu.memory_space<hbm>>
    tpu.wait_dma2 semaphore(%arg26 : memref<!tpu.dma_semaphore, #tpu.memory_space<semaphore_mem>>) src(%dma_wait3A_45 : memref<512xi32, #tpu.memory_space<hbm>>) dst(%arg12 : memref<512xi32, #tpu.memory_space<vmem>>)
    %dma_start3A_46 = arith.constant 0 : i32
    %dma_start3A_47 = arith.constant 0 : i32
    %dma_start3A_48 = tpu.memref_slice %arg2[%dma_start3A_46, %dma_start3A_47] : memref<100352x16xf32, #tpu.memory_space<hbm>> -> memref<100352x16xf32, #tpu.memory_space<hbm>>
    tpu.enqueue_indirect_dma source(%dma_start3A_48 : memref<100352x16xf32, #tpu.memory_space<hbm>>) target(%arg16 : memref<512x16xf32, #tpu.memory_space<vmem>>) offsets(%arg11 : memref<512xi32, #tpu.memory_space<vmem>>) semaphore(%arg20 : memref<!tpu.dma_semaphore, #tpu.memory_space<semaphore_mem>>)
    %dma_wait3A_49 = arith.constant 0 : i32
    %dma_wait3A_50 = arith.constant 0 : i32
    %dma_wait3A_51 = tpu.memref_slice %arg2[%dma_wait3A_49, %dma_wait3A_50] : memref<100352x16xf32, #tpu.memory_space<hbm>> -> memref<100352x16xf32, #tpu.memory_space<hbm>>
    tpu.wait_indirect_dma semaphore(%arg19 : memref<!tpu.dma_semaphore, #tpu.memory_space<semaphore_mem>>) src(%dma_wait3A_51 : memref<100352x16xf32, #tpu.memory_space<hbm>>) dst(%arg15 : memref<512x16xf32, #tpu.memory_space<vmem>>)
    %dma_start3A_52 = arith.constant 0 : i32
    %dma_start3A_53 = arith.constant 0 : i32
    %dma_start3A_54 = tpu.memref_slice %arg18[%dma_start3A_52, %dma_start3A_53] : memref<100352x16xf32, #tpu.memory_space<vmem_shared>> -> memref<100352x16xf32, #tpu.memory_space<vmem_shared>>
    tpu.enqueue_indirect_dma source(%arg15 : memref<512x16xf32, #tpu.memory_space<vmem>>) target(%dma_start3A_54 : memref<100352x16xf32, #tpu.memory_space<vmem_shared>>) offsets(%arg10 : memref<512xi32, #tpu.memory_space<vmem>>) semaphore(%arg22 : memref<!tpu.dma_semaphore, #tpu.memory_space<semaphore_mem>>) {add = true}
    %dma_wait3A_55 = arith.constant 0 : i32
    %dma_wait3A_56 = arith.constant 0 : i32
    %dma_wait3A_57 = tpu.memref_slice %arg18[%dma_wait3A_55, %dma_wait3A_56] : memref<100352x16xf32, #tpu.memory_space<vmem_shared>> -> memref<100352x16xf32, #tpu.memory_space<vmem_shared>>
    tpu.wait_indirect_dma semaphore(%arg22 : memref<!tpu.dma_semaphore, #tpu.memory_space<semaphore_mem>>) src(%arg15 : memref<512x16xf32, #tpu.memory_space<vmem>>) dst(%dma_wait3A_57 : memref<100352x16xf32, #tpu.memory_space<vmem_shared>>)
    %add3A_58 = arith.constant 1536 : i32
    %add3A_59 = arith.addi %mul3A_6, %add3A_58 : i32
    %dma_start3A_60 = tpu.memref_slice %arg4[%add3A_59] : memref<1605632xi32, #tpu.memory_space<hbm>> -> memref<512xi32, #tpu.memory_space<hbm>>
    %dma_start3A_61 = tpu.memref_slice %arg4[%add3A_59] : memref<1605632xi32, #tpu.memory_space<hbm>> -> memref<512xi32, #tpu.memory_space<hbm>>
    tpu.enqueue_dma source(%dma_start3A_61 : memref<512xi32, #tpu.memory_space<hbm>>) target(%arg9 : memref<512xi32, #tpu.memory_space<vmem>>) target_semaphore(%arg25 : memref<!tpu.dma_semaphore, #tpu.memory_space<semaphore_mem>>)
    %add3A_62 = arith.constant 1536 : i32
    %add3A_63 = arith.addi %mul3A_6, %add3A_62 : i32
    %dma_start3A_64 = tpu.memref_slice %arg5[%add3A_63] : memref<1605632xi32, #tpu.memory_space<hbm>> -> memref<512xi32, #tpu.memory_space<hbm>>
    %dma_start3A_65 = tpu.memref_slice %arg5[%add3A_63] : memref<1605632xi32, #tpu.memory_space<hbm>> -> memref<512xi32, #tpu.memory_space<hbm>>
    tpu.enqueue_dma source(%dma_start3A_65 : memref<512xi32, #tpu.memory_space<hbm>>) target(%arg10 : memref<512xi32, #tpu.memory_space<vmem>>) target_semaphore(%arg25 : memref<!tpu.dma_semaphore, #tpu.memory_space<semaphore_mem>>)
    %dma_wait3A_66 = tpu.memref_slice %arg4[%mul3A_6] : memref<1605632xi32, #tpu.memory_space<hbm>> -> memref<512xi32, #tpu.memory_space<hbm>>
    %dma_wait3A_67 = tpu.memref_slice %arg4[%mul3A_6] : memref<1605632xi32, #tpu.memory_space<hbm>> -> memref<512xi32, #tpu.memory_space<hbm>>
    tpu.wait_dma2 semaphore(%arg27 : memref<!tpu.dma_semaphore, #tpu.memory_space<semaphore_mem>>) src(%dma_wait3A_67 : memref<512xi32, #tpu.memory_space<hbm>>) dst(%arg13 : memref<512xi32, #tpu.memory_space<vmem>>)
    %dma_wait3A_68 = tpu.memref_slice %arg5[%mul3A_6] : memref<1605632xi32, #tpu.memory_space<hbm>> -> memref<512xi32, #tpu.memory_space<hbm>>
    %dma_wait3A_69 = tpu.memref_slice %arg5[%mul3A_6] : memref<1605632xi32, #tpu.memory_space<hbm>> -> memref<512xi32, #tpu.memory_space<hbm>>
    tpu.wait_dma2 semaphore(%arg27 : memref<!tpu.dma_semaphore, #tpu.memory_space<semaphore_mem>>) src(%dma_wait3A_69 : memref<512xi32, #tpu.memory_space<hbm>>) dst(%arg14 : memref<512xi32, #tpu.memory_space<vmem>>)
    %dma_start3A_70 = arith.constant 0 : i32
    %dma_start3A_71 = arith.constant 0 : i32
    %dma_start3A_72 = tpu.memref_slice %arg2[%dma_start3A_70, %dma_start3A_71] : memref<100352x16xf32, #tpu.memory_space<hbm>> -> memref<100352x16xf32, #tpu.memory_space<hbm>>
    tpu.enqueue_indirect_dma source(%dma_start3A_72 : memref<100352x16xf32, #tpu.memory_space<hbm>>) target(%arg17 : memref<512x16xf32, #tpu.memory_space<vmem>>) offsets(%arg13 : memref<512xi32, #tpu.memory_space<vmem>>) semaphore(%arg21 : memref<!tpu.dma_semaphore, #tpu.memory_space<semaphore_mem>>)
    %dma_wait3A_73 = arith.constant 0 : i32
    %dma_wait3A_74 = arith.constant 0 : i32
    %dma_wait3A_75 = tpu.memref_slice %arg2[%dma_wait3A_73, %dma_wait3A_74] : memref<100352x16xf32, #tpu.memory_space<hbm>> -> memref<100352x16xf32, #tpu.memory_space<hbm>>
    tpu.wait_indirect_dma semaphore(%arg20 : memref<!tpu.dma_semaphore, #tpu.memory_space<semaphore_mem>>) src(%dma_wait3A_75 : memref<100352x16xf32, #tpu.memory_space<hbm>>) dst(%arg16 : memref<512x16xf32, #tpu.memory_space<vmem>>)
    %dma_start3A_76 = arith.constant 0 : i32
    %dma_start3A_77 = arith.constant 0 : i32
    %dma_start3A_78 = tpu.memref_slice %arg18[%dma_start3A_76, %dma_start3A_77] : memref<100352x16xf32, #tpu.memory_space<vmem_shared>> -> memref<100352x16xf32, #tpu.memory_space<vmem_shared>>
    tpu.enqueue_indirect_dma source(%arg16 : memref<512x16xf32, #tpu.memory_space<vmem>>) target(%dma_start3A_78 : memref<100352x16xf32, #tpu.memory_space<vmem_shared>>) offsets(%arg12 : memref<512xi32, #tpu.memory_space<vmem>>) semaphore(%arg23 : memref<!tpu.dma_semaphore, #tpu.memory_space<semaphore_mem>>) {add = true}
    %scan3A = arith.constant 0 : i32
    %scan3A_79 = arith.constant 0 : i32
    %scan3A_80 = arith.constant 31 : i32
    %scan3A_81 = arith.addi %scan3A_79, %scan3A_80 : i32
    %scan3A_82 = arith.constant 1 : i32
    scf.for %scan3A_276 = %scan3A_79 to %scan3A_81 step %scan3A_82  : i32 {
      %mul3A_277 = arith.constant 3 : i32
      %mul3A_278 = arith.muli %mul3A_277, %scan3A_276 : i32
      %add3A_279 = arith.constant 2 : i32
      %add3A_280 = arith.addi %mul3A_278, %add3A_279 : i32
      %add3A_281 = arith.constant 0 : i32
      %add3A_282 = arith.addi %add3A_280, %add3A_281 : i32
      %dma_wait3A_283 = arith.constant 0 : i32
      %dma_wait3A_284 = arith.constant 0 : i32
      %dma_wait3A_285 = tpu.memref_slice %arg18[%dma_wait3A_283, %dma_wait3A_284] : memref<100352x16xf32, #tpu.memory_space<vmem_shared>> -> memref<100352x16xf32, #tpu.memory_space<vmem_shared>>
      tpu.wait_indirect_dma semaphore(%arg23 : memref<!tpu.dma_semaphore, #tpu.memory_space<semaphore_mem>>) src(%arg16 : memref<512x16xf32, #tpu.memory_space<vmem>>) dst(%dma_wait3A_285 : memref<100352x16xf32, #tpu.memory_space<vmem_shared>>)
      %add3A_286 = arith.constant 2 : i32
      %add3A_287 = arith.addi %add3A_282, %add3A_286 : i32
      %mul3A_288 = arith.constant 512 : i32
      %mul3A_289 = arith.muli %add3A_287, %mul3A_288 : i32
      %add3A_290 = arith.addi %mul3A_6, %mul3A_289 : i32
      %dma_start3A_291 = tpu.memref_slice %arg4[%add3A_290] : memref<1605632xi32, #tpu.memory_space<hbm>> -> memref<512xi32, #tpu.memory_space<hbm>>
      %dma_start3A_292 = tpu.memref_slice %arg4[%add3A_290] : memref<1605632xi32, #tpu.memory_space<hbm>> -> memref<512xi32, #tpu.memory_space<hbm>>
      tpu.enqueue_dma source(%dma_start3A_292 : memref<512xi32, #tpu.memory_space<hbm>>) target(%arg11 : memref<512xi32, #tpu.memory_space<vmem>>) target_semaphore(%arg26 : memref<!tpu.dma_semaphore, #tpu.memory_space<semaphore_mem>>)
      %mul3A_293 = arith.constant 512 : i32
      %mul3A_294 = arith.muli %add3A_287, %mul3A_293 : i32
      %add3A_295 = arith.addi %mul3A_6, %mul3A_294 : i32
      %dma_start3A_296 = tpu.memref_slice %arg5[%add3A_295] : memref<1605632xi32, #tpu.memory_space<hbm>> -> memref<512xi32, #tpu.memory_space<hbm>>
      %dma_start3A_297 = tpu.memref_slice %arg5[%add3A_295] : memref<1605632xi32, #tpu.memory_space<hbm>> -> memref<512xi32, #tpu.memory_space<hbm>>
      tpu.enqueue_dma source(%dma_start3A_297 : memref<512xi32, #tpu.memory_space<hbm>>) target(%arg12 : memref<512xi32, #tpu.memory_space<vmem>>) target_semaphore(%arg26 : memref<!tpu.dma_semaphore, #tpu.memory_space<semaphore_mem>>)
      %dma_wait3A_298 = tpu.memref_slice %arg4[%mul3A_6] : memref<1605632xi32, #tpu.memory_space<hbm>> -> memref<512xi32, #tpu.memory_space<hbm>>
      %dma_wait3A_299 = tpu.memref_slice %arg4[%mul3A_6] : memref<1605632xi32, #tpu.memory_space<hbm>> -> memref<512xi32, #tpu.memory_space<hbm>>
      tpu.wait_dma2 semaphore(%arg25 : memref<!tpu.dma_semaphore, #tpu.memory_space<semaphore_mem>>) src(%dma_wait3A_299 : memref<512xi32, #tpu.memory_space<hbm>>) dst(%arg9 : memref<512xi32, #tpu.memory_space<vmem>>)
      %dma_wait3A_300 = tpu.memref_slice %arg5[%mul3A_6] : memref<1605632xi32, #tpu.memory_space<hbm>> -> memref<512xi32, #tpu.memory_space<hbm>>
      %dma_wait3A_301 = tpu.memref_slice %arg5[%mul3A_6] : memref<1605632xi32, #tpu.memory_space<hbm>> -> memref<512xi32, #tpu.memory_space<hbm>>
      tpu.wait_dma2 semaphore(%arg25 : memref<!tpu.dma_semaphore, #tpu.memory_space<semaphore_mem>>) src(%dma_wait3A_301 : memref<512xi32, #tpu.memory_space<hbm>>) dst(%arg10 : memref<512xi32, #tpu.memory_space<vmem>>)
      %dma_start3A_302 = arith.constant 0 : i32
      %dma_start3A_303 = arith.constant 0 : i32
      %dma_start3A_304 = tpu.memref_slice %arg2[%dma_start3A_302, %dma_start3A_303] : memref<100352x16xf32, #tpu.memory_space<hbm>> -> memref<100352x16xf32, #tpu.memory_space<hbm>>
      tpu.enqueue_indirect_dma source(%dma_start3A_304 : memref<100352x16xf32, #tpu.memory_space<hbm>>) target(%arg15 : memref<512x16xf32, #tpu.memory_space<vmem>>) offsets(%arg9 : memref<512xi32, #tpu.memory_space<vmem>>) semaphore(%arg19 : memref<!tpu.dma_semaphore, #tpu.memory_space<semaphore_mem>>)
      %dma_wait3A_305 = arith.constant 0 : i32
      %dma_wait3A_306 = arith.constant 0 : i32
      %dma_wait3A_307 = tpu.memref_slice %arg2[%dma_wait3A_305, %dma_wait3A_306] : memref<100352x16xf32, #tpu.memory_space<hbm>> -> memref<100352x16xf32, #tpu.memory_space<hbm>>
      tpu.wait_indirect_dma semaphore(%arg21 : memref<!tpu.dma_semaphore, #tpu.memory_space<semaphore_mem>>) src(%dma_wait3A_307 : memref<100352x16xf32, #tpu.memory_space<hbm>>) dst(%arg17 : memref<512x16xf32, #tpu.memory_space<vmem>>)
      %dma_start3A_308 = arith.constant 0 : i32
      %dma_start3A_309 = arith.constant 0 : i32
      %dma_start3A_310 = tpu.memref_slice %arg18[%dma_start3A_308, %dma_start3A_309] : memref<100352x16xf32, #tpu.memory_space<vmem_shared>> -> memref<100352x16xf32, #tpu.memory_space<vmem_shared>>
      tpu.enqueue_indirect_dma source(%arg17 : memref<512x16xf32, #tpu.memory_space<vmem>>) target(%dma_start3A_310 : memref<100352x16xf32, #tpu.memory_space<vmem_shared>>) offsets(%arg14 : memref<512xi32, #tpu.memory_space<vmem>>) semaphore(%arg24 : memref<!tpu.dma_semaphore, #tpu.memory_space<semaphore_mem>>) {add = true}
      %mul3A_311 = arith.constant 3 : i32
      %mul3A_312 = arith.muli %mul3A_311, %scan3A_276 : i32
      %add3A_313 = arith.constant 2 : i32
      %add3A_314 = arith.addi %mul3A_312, %add3A_313 : i32
      %add3A_315 = arith.constant 1 : i32
      %add3A_316 = arith.addi %add3A_314, %add3A_315 : i32
      %dma_wait3A_317 = arith.constant 0 : i32
      %dma_wait3A_318 = arith.constant 0 : i32
      %dma_wait3A_319 = tpu.memref_slice %arg18[%dma_wait3A_317, %dma_wait3A_318] : memref<100352x16xf32, #tpu.memory_space<vmem_shared>> -> memref<100352x16xf32, #tpu.memory_space<vmem_shared>>
      tpu.wait_indirect_dma semaphore(%arg24 : memref<!tpu.dma_semaphore, #tpu.memory_space<semaphore_mem>>) src(%arg17 : memref<512x16xf32, #tpu.memory_space<vmem>>) dst(%dma_wait3A_319 : memref<100352x16xf32, #tpu.memory_space<vmem_shared>>)
      %add3A_320 = arith.constant 2 : i32
      %add3A_321 = arith.addi %add3A_316, %add3A_320 : i32
      %mul3A_322 = arith.constant 512 : i32
      %mul3A_323 = arith.muli %add3A_321, %mul3A_322 : i32
      %add3A_324 = arith.addi %mul3A_6, %mul3A_323 : i32
      %dma_start3A_325 = tpu.memref_slice %arg4[%add3A_324] : memref<1605632xi32, #tpu.memory_space<hbm>> -> memref<512xi32, #tpu.memory_space<hbm>>
      %dma_start3A_326 = tpu.memref_slice %arg4[%add3A_324] : memref<1605632xi32, #tpu.memory_space<hbm>> -> memref<512xi32, #tpu.memory_space<hbm>>
      tpu.enqueue_dma source(%dma_start3A_326 : memref<512xi32, #tpu.memory_space<hbm>>) target(%arg13 : memref<512xi32, #tpu.memory_space<vmem>>) target_semaphore(%arg27 : memref<!tpu.dma_semaphore, #tpu.memory_space<semaphore_mem>>)
      %mul3A_327 = arith.constant 512 : i32
      %mul3A_328 = arith.muli %add3A_321, %mul3A_327 : i32
      %add3A_329 = arith.addi %mul3A_6, %mul3A_328 : i32
      %dma_start3A_330 = tpu.memref_slice %arg5[%add3A_329] : memref<1605632xi32, #tpu.memory_space<hbm>> -> memref<512xi32, #tpu.memory_space<hbm>>
      %dma_start3A_331 = tpu.memref_slice %arg5[%add3A_329] : memref<1605632xi32, #tpu.memory_space<hbm>> -> memref<512xi32, #tpu.memory_space<hbm>>
      tpu.enqueue_dma source(%dma_start3A_331 : memref<512xi32, #tpu.memory_space<hbm>>) target(%arg14 : memref<512xi32, #tpu.memory_space<vmem>>) target_semaphore(%arg27 : memref<!tpu.dma_semaphore, #tpu.memory_space<semaphore_mem>>)
      %dma_wait3A_332 = tpu.memref_slice %arg4[%mul3A_6] : memref<1605632xi32, #tpu.memory_space<hbm>> -> memref<512xi32, #tpu.memory_space<hbm>>
      %dma_wait3A_333 = tpu.memref_slice %arg4[%mul3A_6] : memref<1605632xi32, #tpu.memory_space<hbm>> -> memref<512xi32, #tpu.memory_space<hbm>>
      tpu.wait_dma2 semaphore(%arg26 : memref<!tpu.dma_semaphore, #tpu.memory_space<semaphore_mem>>) src(%dma_wait3A_333 : memref<512xi32, #tpu.memory_space<hbm>>) dst(%arg11 : memref<512xi32, #tpu.memory_space<vmem>>)
      %dma_wait3A_334 = tpu.memref_slice %arg5[%mul3A_6] : memref<1605632xi32, #tpu.memory_space<hbm>> -> memref<512xi32, #tpu.memory_space<hbm>>
      %dma_wait3A_335 = tpu.memref_slice %arg5[%mul3A_6] : memref<1605632xi32, #tpu.memory_space<hbm>> -> memref<512xi32, #tpu.memory_space<hbm>>
      tpu.wait_dma2 semaphore(%arg26 : memref<!tpu.dma_semaphore, #tpu.memory_space<semaphore_mem>>) src(%dma_wait3A_335 : memref<512xi32, #tpu.memory_space<hbm>>) dst(%arg12 : memref<512xi32, #tpu.memory_space<vmem>>)
      %dma_start3A_336 = arith.constant 0 : i32
      %dma_start3A_337 = arith.constant 0 : i32
      %dma_start3A_338 = tpu.memref_slice %arg2[%dma_start3A_336, %dma_start3A_337] : memref<100352x16xf32, #tpu.memory_space<hbm>> -> memref<100352x16xf32, #tpu.memory_space<hbm>>
      tpu.enqueue_indirect_dma source(%dma_start3A_338 : memref<100352x16xf32, #tpu.memory_space<hbm>>) target(%arg16 : memref<512x16xf32, #tpu.memory_space<vmem>>) offsets(%arg11 : memref<512xi32, #tpu.memory_space<vmem>>) semaphore(%arg20 : memref<!tpu.dma_semaphore, #tpu.memory_space<semaphore_mem>>)
      %dma_wait3A_339 = arith.constant 0 : i32
      %dma_wait3A_340 = arith.constant 0 : i32
      %dma_wait3A_341 = tpu.memref_slice %arg2[%dma_wait3A_339, %dma_wait3A_340] : memref<100352x16xf32, #tpu.memory_space<hbm>> -> memref<100352x16xf32, #tpu.memory_space<hbm>>
      tpu.wait_indirect_dma semaphore(%arg19 : memref<!tpu.dma_semaphore, #tpu.memory_space<semaphore_mem>>) src(%dma_wait3A_341 : memref<100352x16xf32, #tpu.memory_space<hbm>>) dst(%arg15 : memref<512x16xf32, #tpu.memory_space<vmem>>)
      %dma_start3A_342 = arith.constant 0 : i32
      %dma_start3A_343 = arith.constant 0 : i32
      %dma_start3A_344 = tpu.memref_slice %arg18[%dma_start3A_342, %dma_start3A_343] : memref<100352x16xf32, #tpu.memory_space<vmem_shared>> -> memref<100352x16xf32, #tpu.memory_space<vmem_shared>>
      tpu.enqueue_indirect_dma source(%arg15 : memref<512x16xf32, #tpu.memory_space<vmem>>) target(%dma_start3A_344 : memref<100352x16xf32, #tpu.memory_space<vmem_shared>>) offsets(%arg10 : memref<512xi32, #tpu.memory_space<vmem>>) semaphore(%arg22 : memref<!tpu.dma_semaphore, #tpu.memory_space<semaphore_mem>>) {add = true}
      %mul3A_345 = arith.constant 3 : i32
      %mul3A_346 = arith.muli %mul3A_345, %scan3A_276 : i32
      %add3A_347 = arith.constant 2 : i32
      %add3A_348 = arith.addi %mul3A_346, %add3A_347 : i32
      %add3A_349 = arith.constant 2 : i32
      %add3A_350 = arith.addi %add3A_348, %add3A_349 : i32
      %dma_wait3A_351 = arith.constant 0 : i32
      %dma_wait3A_352 = arith.constant 0 : i32
      %dma_wait3A_353 = tpu.memref_slice %arg18[%dma_wait3A_351, %dma_wait3A_352] : memref<100352x16xf32, #tpu.memory_space<vmem_shared>> -> memref<100352x16xf32, #tpu.memory_space<vmem_shared>>
      tpu.wait_indirect_dma semaphore(%arg22 : memref<!tpu.dma_semaphore, #tpu.memory_space<semaphore_mem>>) src(%arg15 : memref<512x16xf32, #tpu.memory_space<vmem>>) dst(%dma_wait3A_353 : memref<100352x16xf32, #tpu.memory_space<vmem_shared>>)
      %add3A_354 = arith.constant 2 : i32
      %add3A_355 = arith.addi %add3A_350, %add3A_354 : i32
      %mul3A_356 = arith.constant 512 : i32
      %mul3A_357 = arith.muli %add3A_355, %mul3A_356 : i32
      %add3A_358 = arith.addi %mul3A_6, %mul3A_357 : i32
      %dma_start3A_359 = tpu.memref_slice %arg4[%add3A_358] : memref<1605632xi32, #tpu.memory_space<hbm>> -> memref<512xi32, #tpu.memory_space<hbm>>
      %dma_start3A_360 = tpu.memref_slice %arg4[%add3A_358] : memref<1605632xi32, #tpu.memory_space<hbm>> -> memref<512xi32, #tpu.memory_space<hbm>>
      tpu.enqueue_dma source(%dma_start3A_360 : memref<512xi32, #tpu.memory_space<hbm>>) target(%arg9 : memref<512xi32, #tpu.memory_space<vmem>>) target_semaphore(%arg25 : memref<!tpu.dma_semaphore, #tpu.memory_space<semaphore_mem>>)
      %mul3A_361 = arith.constant 512 : i32
      %mul3A_362 = arith.muli %add3A_355, %mul3A_361 : i32
      %add3A_363 = arith.addi %mul3A_6, %mul3A_362 : i32
      %dma_start3A_364 = tpu.memref_slice %arg5[%add3A_363] : memref<1605632xi32, #tpu.memory_space<hbm>> -> memref<512xi32, #tpu.memory_space<hbm>>
      %dma_start3A_365 = tpu.memref_slice %arg5[%add3A_363] : memref<1605632xi32, #tpu.memory_space<hbm>> -> memref<512xi32, #tpu.memory_space<hbm>>
      tpu.enqueue_dma source(%dma_start3A_365 : memref<512xi32, #tpu.memory_space<hbm>>) target(%arg10 : memref<512xi32, #tpu.memory_space<vmem>>) target_semaphore(%arg25 : memref<!tpu.dma_semaphore, #tpu.memory_space<semaphore_mem>>)
      %dma_wait3A_366 = tpu.memref_slice %arg4[%mul3A_6] : memref<1605632xi32, #tpu.memory_space<hbm>> -> memref<512xi32, #tpu.memory_space<hbm>>
      %dma_wait3A_367 = tpu.memref_slice %arg4[%mul3A_6] : memref<1605632xi32, #tpu.memory_space<hbm>> -> memref<512xi32, #tpu.memory_space<hbm>>
      tpu.wait_dma2 semaphore(%arg27 : memref<!tpu.dma_semaphore, #tpu.memory_space<semaphore_mem>>) src(%dma_wait3A_367 : memref<512xi32, #tpu.memory_space<hbm>>) dst(%arg13 : memref<512xi32, #tpu.memory_space<vmem>>)
      %dma_wait3A_368 = tpu.memref_slice %arg5[%mul3A_6] : memref<1605632xi32, #tpu.memory_space<hbm>> -> memref<512xi32, #tpu.memory_space<hbm>>
      %dma_wait3A_369 = tpu.memref_slice %arg5[%mul3A_6] : memref<1605632xi32, #tpu.memory_space<hbm>> -> memref<512xi32, #tpu.memory_space<hbm>>
      tpu.wait_dma2 semaphore(%arg27 : memref<!tpu.dma_semaphore, #tpu.memory_space<semaphore_mem>>) src(%dma_wait3A_369 : memref<512xi32, #tpu.memory_space<hbm>>) dst(%arg14 : memref<512xi32, #tpu.memory_space<vmem>>)
      %dma_start3A_370 = arith.constant 0 : i32
      %dma_start3A_371 = arith.constant 0 : i32
      %dma_start3A_372 = tpu.memref_slice %arg2[%dma_start3A_370, %dma_start3A_371] : memref<100352x16xf32, #tpu.memory_space<hbm>> -> memref<100352x16xf32, #tpu.memory_space<hbm>>
      tpu.enqueue_indirect_dma source(%dma_start3A_372 : memref<100352x16xf32, #tpu.memory_space<hbm>>) target(%arg17 : memref<512x16xf32, #tpu.memory_space<vmem>>) offsets(%arg13 : memref<512xi32, #tpu.memory_space<vmem>>) semaphore(%arg21 : memref<!tpu.dma_semaphore, #tpu.memory_space<semaphore_mem>>)
      %dma_wait3A_373 = arith.constant 0 : i32
      %dma_wait3A_374 = arith.constant 0 : i32
      %dma_wait3A_375 = tpu.memref_slice %arg2[%dma_wait3A_373, %dma_wait3A_374] : memref<100352x16xf32, #tpu.memory_space<hbm>> -> memref<100352x16xf32, #tpu.memory_space<hbm>>
      tpu.wait_indirect_dma semaphore(%arg20 : memref<!tpu.dma_semaphore, #tpu.memory_space<semaphore_mem>>) src(%dma_wait3A_375 : memref<100352x16xf32, #tpu.memory_space<hbm>>) dst(%arg16 : memref<512x16xf32, #tpu.memory_space<vmem>>)
      %dma_start3A_376 = arith.constant 0 : i32
      %dma_start3A_377 = arith.constant 0 : i32
      %dma_start3A_378 = tpu.memref_slice %arg18[%dma_start3A_376, %dma_start3A_377] : memref<100352x16xf32, #tpu.memory_space<vmem_shared>> -> memref<100352x16xf32, #tpu.memory_space<vmem_shared>>
      tpu.enqueue_indirect_dma source(%arg16 : memref<512x16xf32, #tpu.memory_space<vmem>>) target(%dma_start3A_378 : memref<100352x16xf32, #tpu.memory_space<vmem_shared>>) offsets(%arg12 : memref<512xi32, #tpu.memory_space<vmem>>) semaphore(%arg23 : memref<!tpu.dma_semaphore, #tpu.memory_space<semaphore_mem>>) {add = true}
    }
    %scan3A_83 = arith.constant 31 : i32
    %dma_wait3A_84 = arith.constant 0 : i32
    %dma_wait3A_85 = arith.constant 0 : i32
    %dma_wait3A_86 = tpu.memref_slice %arg18[%dma_wait3A_84, %dma_wait3A_85] : memref<100352x16xf32, #tpu.memory_space<vmem_shared>> -> memref<100352x16xf32, #tpu.memory_space<vmem_shared>>
    tpu.wait_indirect_dma semaphore(%arg23 : memref<!tpu.dma_semaphore, #tpu.memory_space<semaphore_mem>>) src(%arg16 : memref<512x16xf32, #tpu.memory_space<vmem>>) dst(%dma_wait3A_86 : memref<100352x16xf32, #tpu.memory_space<vmem_shared>>)
    %add3A_87 = arith.constant 49664 : i32
    %add3A_88 = arith.addi %mul3A_6, %add3A_87 : i32
    %dma_start3A_89 = tpu.memref_slice %arg4[%add3A_88] : memref<1605632xi32, #tpu.memory_space<hbm>> -> memref<512xi32, #tpu.memory_space<hbm>>
    %dma_start3A_90 = tpu.memref_slice %arg4[%add3A_88] : memref<1605632xi32, #tpu.memory_space<hbm>> -> memref<512xi32, #tpu.memory_space<hbm>>
    tpu.enqueue_dma source(%dma_start3A_90 : memref<512xi32, #tpu.memory_space<hbm>>) target(%arg11 : memref<512xi32, #tpu.memory_space<vmem>>) target_semaphore(%arg26 : memref<!tpu.dma_semaphore, #tpu.memory_space<semaphore_mem>>)
    %add3A_91 = arith.constant 49664 : i32
    %add3A_92 = arith.addi %mul3A_6, %add3A_91 : i32
    %dma_start3A_93 = tpu.memref_slice %arg5[%add3A_92] : memref<1605632xi32, #tpu.memory_space<hbm>> -> memref<512xi32, #tpu.memory_space<hbm>>
    %dma_start3A_94 = tpu.memref_slice %arg5[%add3A_92] : memref<1605632xi32, #tpu.memory_space<hbm>> -> memref<512xi32, #tpu.memory_space<hbm>>
    tpu.enqueue_dma source(%dma_start3A_94 : memref<512xi32, #tpu.memory_space<hbm>>) target(%arg12 : memref<512xi32, #tpu.memory_space<vmem>>) target_semaphore(%arg26 : memref<!tpu.dma_semaphore, #tpu.memory_space<semaphore_mem>>)
    %dma_wait3A_95 = tpu.memref_slice %arg4[%mul3A_6] : memref<1605632xi32, #tpu.memory_space<hbm>> -> memref<512xi32, #tpu.memory_space<hbm>>
    %dma_wait3A_96 = tpu.memref_slice %arg4[%mul3A_6] : memref<1605632xi32, #tpu.memory_space<hbm>> -> memref<512xi32, #tpu.memory_space<hbm>>
    tpu.wait_dma2 semaphore(%arg25 : memref<!tpu.dma_semaphore, #tpu.memory_space<semaphore_mem>>) src(%dma_wait3A_96 : memref<512xi32, #tpu.memory_space<hbm>>) dst(%arg9 : memref<512xi32, #tpu.memory_space<vmem>>)
    %dma_wait3A_97 = tpu.memref_slice %arg5[%mul3A_6] : memref<1605632xi32, #tpu.memory_space<hbm>> -> memref<512xi32, #tpu.memory_space<hbm>>
    %dma_wait3A_98 = tpu.memref_slice %arg5[%mul3A_6] : memref<1605632xi32, #tpu.memory_space<hbm>> -> memref<512xi32, #tpu.memory_space<hbm>>
    tpu.wait_dma2 semaphore(%arg25 : memref<!tpu.dma_semaphore, #tpu.memory_space<semaphore_mem>>) src(%dma_wait3A_98 : memref<512xi32, #tpu.memory_space<hbm>>) dst(%arg10 : memref<512xi32, #tpu.memory_space<vmem>>)
    %dma_start3A_99 = arith.constant 0 : i32
    %dma_start3A_100 = arith.constant 0 : i32
    %dma_start3A_101 = tpu.memref_slice %arg2[%dma_start3A_99, %dma_start3A_100] : memref<100352x16xf32, #tpu.memory_space<hbm>> -> memref<100352x16xf32, #tpu.memory_space<hbm>>
    tpu.enqueue_indirect_dma source(%dma_start3A_101 : memref<100352x16xf32, #tpu.memory_space<hbm>>) target(%arg15 : memref<512x16xf32, #tpu.memory_space<vmem>>) offsets(%arg9 : memref<512xi32, #tpu.memory_space<vmem>>) semaphore(%arg19 : memref<!tpu.dma_semaphore, #tpu.memory_space<semaphore_mem>>)
    %dma_wait3A_102 = arith.constant 0 : i32
    %dma_wait3A_103 = arith.constant 0 : i32
    %dma_wait3A_104 = tpu.memref_slice %arg2[%dma_wait3A_102, %dma_wait3A_103] : memref<100352x16xf32, #tpu.memory_space<hbm>> -> memref<100352x16xf32, #tpu.memory_space<hbm>>
    tpu.wait_indirect_dma semaphore(%arg21 : memref<!tpu.dma_semaphore, #tpu.memory_space<semaphore_mem>>) src(%dma_wait3A_104 : memref<100352x16xf32, #tpu.memory_space<hbm>>) dst(%arg17 : memref<512x16xf32, #tpu.memory_space<vmem>>)
    %dma_start3A_105 = arith.constant 0 : i32
    %dma_start3A_106 = arith.constant 0 : i32
    %dma_start3A_107 = tpu.memref_slice %arg18[%dma_start3A_105, %dma_start3A_106] : memref<100352x16xf32, #tpu.memory_space<vmem_shared>> -> memref<100352x16xf32, #tpu.memory_space<vmem_shared>>
    tpu.enqueue_indirect_dma source(%arg17 : memref<512x16xf32, #tpu.memory_space<vmem>>) target(%dma_start3A_107 : memref<100352x16xf32, #tpu.memory_space<vmem_shared>>) offsets(%arg14 : memref<512xi32, #tpu.memory_space<vmem>>) semaphore(%arg24 : memref<!tpu.dma_semaphore, #tpu.memory_space<semaphore_mem>>) {add = true}
    %dma_wait3A_108 = tpu.memref_slice %arg4[%mul3A_6] : memref<1605632xi32, #tpu.memory_space<hbm>> -> memref<512xi32, #tpu.memory_space<hbm>>
    %dma_wait3A_109 = tpu.memref_slice %arg4[%mul3A_6] : memref<1605632xi32, #tpu.memory_space<hbm>> -> memref<512xi32, #tpu.memory_space<hbm>>
    tpu.wait_dma2 semaphore(%arg26 : memref<!tpu.dma_semaphore, #tpu.memory_space<semaphore_mem>>) src(%dma_wait3A_109 : memref<512xi32, #tpu.memory_space<hbm>>) dst(%arg11 : memref<512xi32, #tpu.memory_space<vmem>>)
    %dma_wait3A_110 = tpu.memref_slice %arg5[%mul3A_6] : memref<1605632xi32, #tpu.memory_space<hbm>> -> memref<512xi32, #tpu.memory_space<hbm>>
    %dma_wait3A_111 = tpu.memref_slice %arg5[%mul3A_6] : memref<1605632xi32, #tpu.memory_space<hbm>> -> memref<512xi32, #tpu.memory_space<hbm>>
    tpu.wait_dma2 semaphore(%arg26 : memref<!tpu.dma_semaphore, #tpu.memory_space<semaphore_mem>>) src(%dma_wait3A_111 : memref<512xi32, #tpu.memory_space<hbm>>) dst(%arg12 : memref<512xi32, #tpu.memory_space<vmem>>)
    %dma_start3A_112 = arith.constant 0 : i32
    %dma_start3A_113 = arith.constant 0 : i32
    %dma_start3A_114 = tpu.memref_slice %arg2[%dma_start3A_112, %dma_start3A_113] : memref<100352x16xf32, #tpu.memory_space<hbm>> -> memref<100352x16xf32, #tpu.memory_space<hbm>>
    tpu.enqueue_indirect_dma source(%dma_start3A_114 : memref<100352x16xf32, #tpu.memory_space<hbm>>) target(%arg16 : memref<512x16xf32, #tpu.memory_space<vmem>>) offsets(%arg11 : memref<512xi32, #tpu.memory_space<vmem>>) semaphore(%arg20 : memref<!tpu.dma_semaphore, #tpu.memory_space<semaphore_mem>>)
    %dma_wait3A_115 = arith.constant 0 : i32
    %dma_wait3A_116 = arith.constant 0 : i32
    %dma_wait3A_117 = tpu.memref_slice %arg2[%dma_wait3A_115, %dma_wait3A_116] : memref<100352x16xf32, #tpu.memory_space<hbm>> -> memref<100352x16xf32, #tpu.memory_space<hbm>>
    tpu.wait_indirect_dma semaphore(%arg19 : memref<!tpu.dma_semaphore, #tpu.memory_space<semaphore_mem>>) src(%dma_wait3A_117 : memref<100352x16xf32, #tpu.memory_space<hbm>>) dst(%arg15 : memref<512x16xf32, #tpu.memory_space<vmem>>)
    %dma_start3A_118 = arith.constant 0 : i32
    %dma_start3A_119 = arith.constant 0 : i32
    %dma_start3A_120 = tpu.memref_slice %arg18[%dma_start3A_118, %dma_start3A_119] : memref<100352x16xf32, #tpu.memory_space<vmem_shared>> -> memref<100352x16xf32, #tpu.memory_space<vmem_shared>>
    tpu.enqueue_indirect_dma source(%arg15 : memref<512x16xf32, #tpu.memory_space<vmem>>) target(%dma_start3A_120 : memref<100352x16xf32, #tpu.memory_space<vmem_shared>>) offsets(%arg10 : memref<512xi32, #tpu.memory_space<vmem>>) semaphore(%arg22 : memref<!tpu.dma_semaphore, #tpu.memory_space<semaphore_mem>>) {add = true}
    %dma_wait3A_121 = arith.constant 0 : i32
    %dma_wait3A_122 = arith.constant 0 : i32
    %dma_wait3A_123 = tpu.memref_slice %arg2[%dma_wait3A_121, %dma_wait3A_122] : memref<100352x16xf32, #tpu.memory_space<hbm>> -> memref<100352x16xf32, #tpu.memory_space<hbm>>
    tpu.wait_indirect_dma semaphore(%arg20 : memref<!tpu.dma_semaphore, #tpu.memory_space<semaphore_mem>>) src(%dma_wait3A_123 : memref<100352x16xf32, #tpu.memory_space<hbm>>) dst(%arg16 : memref<512x16xf32, #tpu.memory_space<vmem>>)
    %dma_start3A_124 = arith.constant 0 : i32
    %dma_start3A_125 = arith.constant 0 : i32
    %dma_start3A_126 = tpu.memref_slice %arg18[%dma_start3A_124, %dma_start3A_125] : memref<100352x16xf32, #tpu.memory_space<vmem_shared>> -> memref<100352x16xf32, #tpu.memory_space<vmem_shared>>
    tpu.enqueue_indirect_dma source(%arg16 : memref<512x16xf32, #tpu.memory_space<vmem>>) target(%dma_start3A_126 : memref<100352x16xf32, #tpu.memory_space<vmem_shared>>) offsets(%arg12 : memref<512xi32, #tpu.memory_space<vmem>>) semaphore(%arg23 : memref<!tpu.dma_semaphore, #tpu.memory_space<semaphore_mem>>) {add = true}
    %dma_wait3A_127 = arith.constant 0 : i32
    %dma_wait3A_128 = arith.constant 0 : i32
    %dma_wait3A_129 = tpu.memref_slice %arg18[%dma_wait3A_127, %dma_wait3A_128] : memref<100352x16xf32, #tpu.memory_space<vmem_shared>> -> memref<100352x16xf32, #tpu.memory_space<vmem_shared>>
    tpu.wait_indirect_dma semaphore(%arg24 : memref<!tpu.dma_semaphore, #tpu.memory_space<semaphore_mem>>) src(%arg17 : memref<512x16xf32, #tpu.memory_space<vmem>>) dst(%dma_wait3A_129 : memref<100352x16xf32, #tpu.memory_space<vmem_shared>>)
    %dma_wait3A_130 = arith.constant 0 : i32
    %dma_wait3A_131 = arith.constant 0 : i32
    %dma_wait3A_132 = tpu.memref_slice %arg18[%dma_wait3A_130, %dma_wait3A_131] : memref<100352x16xf32, #tpu.memory_space<vmem_shared>> -> memref<100352x16xf32, #tpu.memory_space<vmem_shared>>
    tpu.wait_indirect_dma semaphore(%arg22 : memref<!tpu.dma_semaphore, #tpu.memory_space<semaphore_mem>>) src(%arg15 : memref<512x16xf32, #tpu.memory_space<vmem>>) dst(%dma_wait3A_132 : memref<100352x16xf32, #tpu.memory_space<vmem_shared>>)
    %dma_wait3A_133 = arith.constant 0 : i32
    %dma_wait3A_134 = arith.constant 0 : i32
    %dma_wait3A_135 = tpu.memref_slice %arg18[%dma_wait3A_133, %dma_wait3A_134] : memref<100352x16xf32, #tpu.memory_space<vmem_shared>> -> memref<100352x16xf32, #tpu.memory_space<vmem_shared>>
    tpu.wait_indirect_dma semaphore(%arg23 : memref<!tpu.dma_semaphore, #tpu.memory_space<semaphore_mem>>) src(%arg16 : memref<512x16xf32, #tpu.memory_space<vmem>>) dst(%dma_wait3A_135 : memref<100352x16xf32, #tpu.memory_space<vmem_shared>>)
    %barrier3A_136 = arith.constant 0 : index
    tpu.barrier barrier_id(%barrier3A_136)
    "tpu.region"() ({
      %run_scoped3A = tpu.sem_alloc : memref<!tpu.dma_semaphore, #tpu.memory_space<semaphore_mem>>
      %dma_start3A_276 = arith.constant 0 : i32
      %dma_start3A_277 = tpu.memref_slice %arg7[%arg0, %mul3A_2, %dma_start3A_276] : memref<2x100352x16xf32, #tpu.memory_space<hbm>> -> memref<1x6272x16xf32, #tpu.memory_space<hbm>>
      %dma_start3A_278 = tpu.memref_squeeze %dma_start3A_277 : memref<1x6272x16xf32, #tpu.memory_space<hbm>> -> memref<6272x16xf32, #tpu.memory_space<hbm>>
      %dma_start3A_279 = arith.constant 0 : i32
      %dma_start3A_280 = tpu.memref_slice %arg18[%mul3A_2, %dma_start3A_279] : memref<100352x16xf32, #tpu.memory_space<vmem_shared>> -> memref<6272x16xf32, #tpu.memory_space<vmem_shared>>
      tpu.enqueue_dma source(%dma_start3A_280 : memref<6272x16xf32, #tpu.memory_space<vmem_shared>>) target(%dma_start3A_278 : memref<6272x16xf32, #tpu.memory_space<hbm>>) target_semaphore(%run_scoped3A : memref<!tpu.dma_semaphore, #tpu.memory_space<semaphore_mem>>)
      %dma_wait3A_281 = arith.constant 0 : i32
      %dma_wait3A_282 = tpu.memref_slice %arg7[%arg0, %mul3A_2, %dma_wait3A_281] : memref<2x100352x16xf32, #tpu.memory_space<hbm>> -> memref<1x6272x16xf32, #tpu.memory_space<hbm>>
      %dma_wait3A_283 = tpu.memref_squeeze %dma_wait3A_282 : memref<1x6272x16xf32, #tpu.memory_space<hbm>> -> memref<6272x16xf32, #tpu.memory_space<hbm>>
      %dma_wait3A_284 = arith.constant 0 : i32
      %dma_wait3A_285 = tpu.memref_slice %arg18[%mul3A_2, %dma_wait3A_284] : memref<100352x16xf32, #tpu.memory_space<vmem_shared>> -> memref<6272x16xf32, #tpu.memory_space<vmem_shared>>
      tpu.wait_dma2 semaphore(%run_scoped3A : memref<!tpu.dma_semaphore, #tpu.memory_space<semaphore_mem>>) src(%dma_wait3A_285 : memref<6272x16xf32, #tpu.memory_space<vmem_shared>>) dst(%dma_wait3A_283 : memref<6272x16xf32, #tpu.memory_space<hbm>>)
      tpu.yield
    }) : () -> ()
    %barrier3A_137 = arith.constant 0 : index
    tpu.barrier barrier_id(%barrier3A_137)
    %eq3A_138 = arith.constant 0 : i32
    %eq3A_139 = arith.cmpi eq, %arg0, %eq3A_138 : i32
    %convert_element_type3A_140 = arith.extui %eq3A_139 : i1 to i32
    %cond3A_141 = arith.constant 0 : i32
    %cond3A_142 = arith.cmpi ne, %convert_element_type3A_140, %cond3A_141 : i32
    scf.if %cond3A_142 {
      "tpu.region"() ({
        %run_scoped3A = tpu.sem_alloc : memref<!tpu.dma_semaphore, #tpu.memory_space<semaphore_mem>>
        %dma_start3A_276 = arith.constant 0 : i32
        %dma_start3A_277 = tpu.memref_slice %arg18[%mul3A_2, %dma_start3A_276] : memref<100352x16xf32, #tpu.memory_space<vmem_shared>> -> memref<6272x16xf32, #tpu.memory_space<vmem_shared>>
        %dma_start3A_278 = arith.constant 0 : i32
        %dma_start3A_279 = tpu.memref_slice %arg3[%mul3A_2, %dma_start3A_278] : memref<100352x16xf32, #tpu.memory_space<hbm>> -> memref<6272x16xf32, #tpu.memory_space<hbm>>
        tpu.enqueue_dma source(%dma_start3A_279 : memref<6272x16xf32, #tpu.memory_space<hbm>>) target(%dma_start3A_277 : memref<6272x16xf32, #tpu.memory_space<vmem_shared>>) target_semaphore(%run_scoped3A : memref<!tpu.dma_semaphore, #tpu.memory_space<semaphore_mem>>)
        %dma_wait3A_280 = arith.constant 0 : i32
        %dma_wait3A_281 = tpu.memref_slice %arg18[%mul3A_2, %dma_wait3A_280] : memref<100352x16xf32, #tpu.memory_space<vmem_shared>> -> memref<6272x16xf32, #tpu.memory_space<vmem_shared>>
        %dma_wait3A_282 = arith.constant 0 : i32
        %dma_wait3A_283 = tpu.memref_slice %arg3[%mul3A_2, %dma_wait3A_282] : memref<100352x16xf32, #tpu.memory_space<hbm>> -> memref<6272x16xf32, #tpu.memory_space<hbm>>
        tpu.wait_dma2 semaphore(%run_scoped3A : memref<!tpu.dma_semaphore, #tpu.memory_space<semaphore_mem>>) src(%dma_wait3A_283 : memref<6272x16xf32, #tpu.memory_space<hbm>>) dst(%dma_wait3A_281 : memref<6272x16xf32, #tpu.memory_space<vmem_shared>>)
        tpu.yield
      }) : () -> ()
    } else {
    }
    %ne3A_143 = arith.constant 0 : i32
    %ne3A_144 = arith.cmpi ne, %arg0, %ne3A_143 : i32
    %convert_element_type3A_145 = arith.extui %ne3A_144 : i1 to i32
    %cond3A_146 = arith.constant 0 : i32
    %cond3A_147 = arith.cmpi ne, %convert_element_type3A_145, %cond3A_146 : i32
    scf.if %cond3A_147 {
      "tpu.region"() ({
        %run_scoped3A = tpu.sem_alloc : memref<!tpu.dma_semaphore, #tpu.memory_space<semaphore_mem>>
        %dma_start3A_276 = arith.constant 0 : i32
        %dma_start3A_277 = tpu.memref_slice %arg18[%mul3A_2, %dma_start3A_276] : memref<100352x16xf32, #tpu.memory_space<vmem_shared>> -> memref<6272x16xf32, #tpu.memory_space<vmem_shared>>
        %dma_start3A_278 = arith.constant 0 : i32
        %dma_start3A_279 = tpu.memref_slice %arg6[%mul3A_2, %dma_start3A_278] : memref<100352x16xf32, #tpu.memory_space<hbm>> -> memref<6272x16xf32, #tpu.memory_space<hbm>>
        tpu.enqueue_dma source(%dma_start3A_279 : memref<6272x16xf32, #tpu.memory_space<hbm>>) target(%dma_start3A_277 : memref<6272x16xf32, #tpu.memory_space<vmem_shared>>) target_semaphore(%run_scoped3A : memref<!tpu.dma_semaphore, #tpu.memory_space<semaphore_mem>>)
        %dma_wait3A_280 = arith.constant 0 : i32
        %dma_wait3A_281 = tpu.memref_slice %arg18[%mul3A_2, %dma_wait3A_280] : memref<100352x16xf32, #tpu.memory_space<vmem_shared>> -> memref<6272x16xf32, #tpu.memory_space<vmem_shared>>
        %dma_wait3A_282 = arith.constant 0 : i32
        %dma_wait3A_283 = tpu.memref_slice %arg6[%mul3A_2, %dma_wait3A_282] : memref<100352x16xf32, #tpu.memory_space<hbm>> -> memref<6272x16xf32, #tpu.memory_space<hbm>>
        tpu.wait_dma2 semaphore(%run_scoped3A : memref<!tpu.dma_semaphore, #tpu.memory_space<semaphore_mem>>) src(%dma_wait3A_283 : memref<6272x16xf32, #tpu.memory_space<hbm>>) dst(%dma_wait3A_281 : memref<6272x16xf32, #tpu.memory_space<vmem_shared>>)
        tpu.yield
      }) : () -> ()
    } else {
    }
    %barrier3A_148 = arith.constant 0 : index
    tpu.barrier barrier_id(%barrier3A_148)
    %add3A_149 = arith.constant 0 : i32
    %add3A_150 = arith.addi %mul3A_6, %add3A_149 : i32
    %dma_start3A_151 = tpu.memref_slice %arg4[%add3A_150] : memref<1605632xi32, #tpu.memory_space<hbm>> -> memref<512xi32, #tpu.memory_space<hbm>>
    %dma_start3A_152 = tpu.memref_slice %arg4[%add3A_150] : memref<1605632xi32, #tpu.memory_space<hbm>> -> memref<512xi32, #tpu.memory_space<hbm>>
    tpu.enqueue_dma source(%dma_start3A_152 : memref<512xi32, #tpu.memory_space<hbm>>) target(%arg9 : memref<512xi32, #tpu.memory_space<vmem>>) target_semaphore(%arg25 : memref<!tpu.dma_semaphore, #tpu.memory_space<semaphore_mem>>)
    %add3A_153 = arith.constant 0 : i32
    %add3A_154 = arith.addi %mul3A_6, %add3A_153 : i32
    %dma_start3A_155 = tpu.memref_slice %arg5[%add3A_154] : memref<1605632xi32, #tpu.memory_space<hbm>> -> memref<512xi32, #tpu.memory_space<hbm>>
    %dma_start3A_156 = tpu.memref_slice %arg5[%add3A_154] : memref<1605632xi32, #tpu.memory_space<hbm>> -> memref<512xi32, #tpu.memory_space<hbm>>
    tpu.enqueue_dma source(%dma_start3A_156 : memref<512xi32, #tpu.memory_space<hbm>>) target(%arg10 : memref<512xi32, #tpu.memory_space<vmem>>) target_semaphore(%arg25 : memref<!tpu.dma_semaphore, #tpu.memory_space<semaphore_mem>>)
    %add3A_157 = arith.constant 512 : i32
    %add3A_158 = arith.addi %mul3A_6, %add3A_157 : i32
    %dma_start3A_159 = tpu.memref_slice %arg4[%add3A_158] : memref<1605632xi32, #tpu.memory_space<hbm>> -> memref<512xi32, #tpu.memory_space<hbm>>
    %dma_start3A_160 = tpu.memref_slice %arg4[%add3A_158] : memref<1605632xi32, #tpu.memory_space<hbm>> -> memref<512xi32, #tpu.memory_space<hbm>>
    tpu.enqueue_dma source(%dma_start3A_160 : memref<512xi32, #tpu.memory_space<hbm>>) target(%arg11 : memref<512xi32, #tpu.memory_space<vmem>>) target_semaphore(%arg26 : memref<!tpu.dma_semaphore, #tpu.memory_space<semaphore_mem>>)
    %add3A_161 = arith.constant 512 : i32
    %add3A_162 = arith.addi %mul3A_6, %add3A_161 : i32
    %dma_start3A_163 = tpu.memref_slice %arg5[%add3A_162] : memref<1605632xi32, #tpu.memory_space<hbm>> -> memref<512xi32, #tpu.memory_space<hbm>>
    %dma_start3A_164 = tpu.memref_slice %arg5[%add3A_162] : memref<1605632xi32, #tpu.memory_space<hbm>> -> memref<512xi32, #tpu.memory_space<hbm>>
    tpu.enqueue_dma source(%dma_start3A_164 : memref<512xi32, #tpu.memory_space<hbm>>) target(%arg12 : memref<512xi32, #tpu.memory_space<vmem>>) target_semaphore(%arg26 : memref<!tpu.dma_semaphore, #tpu.memory_space<semaphore_mem>>)
    %add3A_165 = arith.constant 1024 : i32
    %add3A_166 = arith.addi %mul3A_6, %add3A_165 : i32
    %dma_start3A_167 = tpu.memref_slice %arg4[%add3A_166] : memref<1605632xi32, #tpu.memory_space<hbm>> -> memref<512xi32, #tpu.memory_space<hbm>>
    %dma_start3A_168 = tpu.memref_slice %arg4[%add3A_166] : memref<1605632xi32, #tpu.memory_space<hbm>> -> memref<512xi32, #tpu.memory_space<hbm>>
    tpu.enqueue_dma source(%dma_start3A_168 : memref<512xi32, #tpu.memory_space<hbm>>) target(%arg13 : memref<512xi32, #tpu.memory_space<vmem>>) target_semaphore(%arg27 : memref<!tpu.dma_semaphore, #tpu.memory_space<semaphore_mem>>)
    %add3A_169 = arith.constant 1024 : i32
    %add3A_170 = arith.addi %mul3A_6, %add3A_169 : i32
    %dma_start3A_171 = tpu.memref_slice %arg5[%add3A_170] : memref<1605632xi32, #tpu.memory_space<hbm>> -> memref<512xi32, #tpu.memory_space<hbm>>
    %dma_start3A_172 = tpu.memref_slice %arg5[%add3A_170] : memref<1605632xi32, #tpu.memory_space<hbm>> -> memref<512xi32, #tpu.memory_space<hbm>>
    tpu.enqueue_dma source(%dma_start3A_172 : memref<512xi32, #tpu.memory_space<hbm>>) target(%arg14 : memref<512xi32, #tpu.memory_space<vmem>>) target_semaphore(%arg27 : memref<!tpu.dma_semaphore, #tpu.memory_space<semaphore_mem>>)
    %dma_wait3A_173 = tpu.memref_slice %arg4[%mul3A_6] : memref<1605632xi32, #tpu.memory_space<hbm>> -> memref<512xi32, #tpu.memory_space<hbm>>
    %dma_wait3A_174 = tpu.memref_slice %arg4[%mul3A_6] : memref<1605632xi32, #tpu.memory_space<hbm>> -> memref<512xi32, #tpu.memory_space<hbm>>
    tpu.wait_dma2 semaphore(%arg25 : memref<!tpu.dma_semaphore, #tpu.memory_space<semaphore_mem>>) src(%dma_wait3A_174 : memref<512xi32, #tpu.memory_space<hbm>>) dst(%arg9 : memref<512xi32, #tpu.memory_space<vmem>>)
    %dma_wait3A_175 = tpu.memref_slice %arg5[%mul3A_6] : memref<1605632xi32, #tpu.memory_space<hbm>> -> memref<512xi32, #tpu.memory_space<hbm>>
    %dma_wait3A_176 = tpu.memref_slice %arg5[%mul3A_6] : memref<1605632xi32, #tpu.memory_space<hbm>> -> memref<512xi32, #tpu.memory_space<hbm>>
    tpu.wait_dma2 semaphore(%arg25 : memref<!tpu.dma_semaphore, #tpu.memory_space<semaphore_mem>>) src(%dma_wait3A_176 : memref<512xi32, #tpu.memory_space<hbm>>) dst(%arg10 : memref<512xi32, #tpu.memory_space<vmem>>)
    %dma_start3A_177 = arith.constant 0 : i32
    %dma_start3A_178 = arith.constant 0 : i32
    %dma_start3A_179 = tpu.memref_slice %arg3[%dma_start3A_177, %dma_start3A_178] : memref<100352x16xf32, #tpu.memory_space<hbm>> -> memref<100352x16xf32, #tpu.memory_space<hbm>>
    tpu.enqueue_indirect_dma source(%dma_start3A_179 : memref<100352x16xf32, #tpu.memory_space<hbm>>) target(%arg15 : memref<512x16xf32, #tpu.memory_space<vmem>>) offsets(%arg9 : memref<512xi32, #tpu.memory_space<vmem>>) semaphore(%arg19 : memref<!tpu.dma_semaphore, #tpu.memory_space<semaphore_mem>>)
    %dma_wait3A_180 = tpu.memref_slice %arg4[%mul3A_6] : memref<1605632xi32, #tpu.memory_space<hbm>> -> memref<512xi32, #tpu.memory_space<hbm>>
    %dma_wait3A_181 = tpu.memref_slice %arg4[%mul3A_6] : memref<1605632xi32, #tpu.memory_space<hbm>> -> memref<512xi32, #tpu.memory_space<hbm>>
    tpu.wait_dma2 semaphore(%arg26 : memref<!tpu.dma_semaphore, #tpu.memory_space<semaphore_mem>>) src(%dma_wait3A_181 : memref<512xi32, #tpu.memory_space<hbm>>) dst(%arg11 : memref<512xi32, #tpu.memory_space<vmem>>)
    %dma_wait3A_182 = tpu.memref_slice %arg5[%mul3A_6] : memref<1605632xi32, #tpu.memory_space<hbm>> -> memref<512xi32, #tpu.memory_space<hbm>>
    %dma_wait3A_183 = tpu.memref_slice %arg5[%mul3A_6] : memref<1605632xi32, #tpu.memory_space<hbm>> -> memref<512xi32, #tpu.memory_space<hbm>>
    tpu.wait_dma2 semaphore(%arg26 : memref<!tpu.dma_semaphore, #tpu.memory_space<semaphore_mem>>) src(%dma_wait3A_183 : memref<512xi32, #tpu.memory_space<hbm>>) dst(%arg12 : memref<512xi32, #tpu.memory_space<vmem>>)
    %dma_start3A_184 = arith.constant 0 : i32
    %dma_start3A_185 = arith.constant 0 : i32
    %dma_start3A_186 = tpu.memref_slice %arg3[%dma_start3A_184, %dma_start3A_185] : memref<100352x16xf32, #tpu.memory_space<hbm>> -> memref<100352x16xf32, #tpu.memory_space<hbm>>
    tpu.enqueue_indirect_dma source(%dma_start3A_186 : memref<100352x16xf32, #tpu.memory_space<hbm>>) target(%arg16 : memref<512x16xf32, #tpu.memory_space<vmem>>) offsets(%arg11 : memref<512xi32, #tpu.memory_space<vmem>>) semaphore(%arg20 : memref<!tpu.dma_semaphore, #tpu.memory_space<semaphore_mem>>)
    %dma_wait3A_187 = arith.constant 0 : i32
    %dma_wait3A_188 = arith.constant 0 : i32
    %dma_wait3A_189 = tpu.memref_slice %arg3[%dma_wait3A_187, %dma_wait3A_188] : memref<100352x16xf32, #tpu.memory_space<hbm>> -> memref<100352x16xf32, #tpu.memory_space<hbm>>
    tpu.wait_indirect_dma semaphore(%arg19 : memref<!tpu.dma_semaphore, #tpu.memory_space<semaphore_mem>>) src(%dma_wait3A_189 : memref<100352x16xf32, #tpu.memory_space<hbm>>) dst(%arg15 : memref<512x16xf32, #tpu.memory_space<vmem>>)
    %dma_start3A_190 = arith.constant 0 : i32
    %dma_start3A_191 = arith.constant 0 : i32
    %dma_start3A_192 = tpu.memref_slice %arg18[%dma_start3A_190, %dma_start3A_191] : memref<100352x16xf32, #tpu.memory_space<vmem_shared>> -> memref<100352x16xf32, #tpu.memory_space<vmem_shared>>
    tpu.enqueue_indirect_dma source(%arg15 : memref<512x16xf32, #tpu.memory_space<vmem>>) target(%dma_start3A_192 : memref<100352x16xf32, #tpu.memory_space<vmem_shared>>) offsets(%arg10 : memref<512xi32, #tpu.memory_space<vmem>>) semaphore(%arg22 : memref<!tpu.dma_semaphore, #tpu.memory_space<semaphore_mem>>) {add = true}
    %dma_wait3A_193 = arith.constant 0 : i32
    %dma_wait3A_194 = arith.constant 0 : i32
    %dma_wait3A_195 = tpu.memref_slice %arg18[%dma_wait3A_193, %dma_wait3A_194] : memref<100352x16xf32, #tpu.memory_space<vmem_shared>> -> memref<100352x16xf32, #tpu.memory_space<vmem_shared>>
    tpu.wait_indirect_dma semaphore(%arg22 : memref<!tpu.dma_semaphore, #tpu.memory_space<semaphore_mem>>) src(%arg15 : memref<512x16xf32, #tpu.memory_space<vmem>>) dst(%dma_wait3A_195 : memref<100352x16xf32, #tpu.memory_space<vmem_shared>>)
    %add3A_196 = arith.constant 1536 : i32
    %add3A_197 = arith.addi %mul3A_6, %add3A_196 : i32
    %dma_start3A_198 = tpu.memref_slice %arg4[%add3A_197] : memref<1605632xi32, #tpu.memory_space<hbm>> -> memref<512xi32, #tpu.memory_space<hbm>>
    %dma_start3A_199 = tpu.memref_slice %arg4[%add3A_197] : memref<1605632xi32, #tpu.memory_space<hbm>> -> memref<512xi32, #tpu.memory_space<hbm>>
    tpu.enqueue_dma source(%dma_start3A_199 : memref<512xi32, #tpu.memory_space<hbm>>) target(%arg9 : memref<512xi32, #tpu.memory_space<vmem>>) target_semaphore(%arg25 : memref<!tpu.dma_semaphore, #tpu.memory_space<semaphore_mem>>)
    %add3A_200 = arith.constant 1536 : i32
    %add3A_201 = arith.addi %mul3A_6, %add3A_200 : i32
    %dma_start3A_202 = tpu.memref_slice %arg5[%add3A_201] : memref<1605632xi32, #tpu.memory_space<hbm>> -> memref<512xi32, #tpu.memory_space<hbm>>
    %dma_start3A_203 = tpu.memref_slice %arg5[%add3A_201] : memref<1605632xi32, #tpu.memory_space<hbm>> -> memref<512xi32, #tpu.memory_space<hbm>>
    tpu.enqueue_dma source(%dma_start3A_203 : memref<512xi32, #tpu.memory_space<hbm>>) target(%arg10 : memref<512xi32, #tpu.memory_space<vmem>>) target_semaphore(%arg25 : memref<!tpu.dma_semaphore, #tpu.memory_space<semaphore_mem>>)
    %dma_wait3A_204 = tpu.memref_slice %arg4[%mul3A_6] : memref<1605632xi32, #tpu.memory_space<hbm>> -> memref<512xi32, #tpu.memory_space<hbm>>
    %dma_wait3A_205 = tpu.memref_slice %arg4[%mul3A_6] : memref<1605632xi32, #tpu.memory_space<hbm>> -> memref<512xi32, #tpu.memory_space<hbm>>
    tpu.wait_dma2 semaphore(%arg27 : memref<!tpu.dma_semaphore, #tpu.memory_space<semaphore_mem>>) src(%dma_wait3A_205 : memref<512xi32, #tpu.memory_space<hbm>>) dst(%arg13 : memref<512xi32, #tpu.memory_space<vmem>>)
    %dma_wait3A_206 = tpu.memref_slice %arg5[%mul3A_6] : memref<1605632xi32, #tpu.memory_space<hbm>> -> memref<512xi32, #tpu.memory_space<hbm>>
    %dma_wait3A_207 = tpu.memref_slice %arg5[%mul3A_6] : memref<1605632xi32, #tpu.memory_space<hbm>> -> memref<512xi32, #tpu.memory_space<hbm>>
    tpu.wait_dma2 semaphore(%arg27 : memref<!tpu.dma_semaphore, #tpu.memory_space<semaphore_mem>>) src(%dma_wait3A_207 : memref<512xi32, #tpu.memory_space<hbm>>) dst(%arg14 : memref<512xi32, #tpu.memory_space<vmem>>)
    %dma_start3A_208 = arith.constant 0 : i32
    %dma_start3A_209 = arith.constant 0 : i32
    %dma_start3A_210 = tpu.memref_slice %arg3[%dma_start3A_208, %dma_start3A_209] : memref<100352x16xf32, #tpu.memory_space<hbm>> -> memref<100352x16xf32, #tpu.memory_space<hbm>>
    tpu.enqueue_indirect_dma source(%dma_start3A_210 : memref<100352x16xf32, #tpu.memory_space<hbm>>) target(%arg17 : memref<512x16xf32, #tpu.memory_space<vmem>>) offsets(%arg13 : memref<512xi32, #tpu.memory_space<vmem>>) semaphore(%arg21 : memref<!tpu.dma_semaphore, #tpu.memory_space<semaphore_mem>>)
    %dma_wait3A_211 = arith.constant 0 : i32
    %dma_wait3A_212 = arith.constant 0 : i32
    %dma_wait3A_213 = tpu.memref_slice %arg3[%dma_wait3A_211, %dma_wait3A_212] : memref<100352x16xf32, #tpu.memory_space<hbm>> -> memref<100352x16xf32, #tpu.memory_space<hbm>>
    tpu.wait_indirect_dma semaphore(%arg20 : memref<!tpu.dma_semaphore, #tpu.memory_space<semaphore_mem>>) src(%dma_wait3A_213 : memref<100352x16xf32, #tpu.memory_space<hbm>>) dst(%arg16 : memref<512x16xf32, #tpu.memory_space<vmem>>)
    %dma_start3A_214 = arith.constant 0 : i32
    %dma_start3A_215 = arith.constant 0 : i32
    %dma_start3A_216 = tpu.memref_slice %arg18[%dma_start3A_214, %dma_start3A_215] : memref<100352x16xf32, #tpu.memory_space<vmem_shared>> -> memref<100352x16xf32, #tpu.memory_space<vmem_shared>>
    tpu.enqueue_indirect_dma source(%arg16 : memref<512x16xf32, #tpu.memory_space<vmem>>) target(%dma_start3A_216 : memref<100352x16xf32, #tpu.memory_space<vmem_shared>>) offsets(%arg12 : memref<512xi32, #tpu.memory_space<vmem>>) semaphore(%arg23 : memref<!tpu.dma_semaphore, #tpu.memory_space<semaphore_mem>>) {add = true}
    %scan3A_217 = arith.constant 0 : i32
    %scan3A_218 = arith.constant 0 : i32
    %scan3A_219 = arith.constant 31 : i32
    %scan3A_220 = arith.addi %scan3A_218, %scan3A_219 : i32
    %scan3A_221 = arith.constant 1 : i32
    scf.for %scan3A_276 = %scan3A_218 to %scan3A_220 step %scan3A_221  : i32 {
      %mul3A_277 = arith.constant 3 : i32
      %mul3A_278 = arith.muli %mul3A_277, %scan3A_276 : i32
      %add3A_279 = arith.constant 2 : i32
      %add3A_280 = arith.addi %mul3A_278, %add3A_279 : i32
      %add3A_281 = arith.constant 0 : i32
      %add3A_282 = arith.addi %add3A_280, %add3A_281 : i32
      %dma_wait3A_283 = arith.constant 0 : i32
      %dma_wait3A_284 = arith.constant 0 : i32
      %dma_wait3A_285 = tpu.memref_slice %arg18[%dma_wait3A_283, %dma_wait3A_284] : memref<100352x16xf32, #tpu.memory_space<vmem_shared>> -> memref<100352x16xf32, #tpu.memory_space<vmem_shared>>
      tpu.wait_indirect_dma semaphore(%arg23 : memref<!tpu.dma_semaphore, #tpu.memory_space<semaphore_mem>>) src(%arg16 : memref<512x16xf32, #tpu.memory_space<vmem>>) dst(%dma_wait3A_285 : memref<100352x16xf32, #tpu.memory_space<vmem_shared>>)
      %add3A_286 = arith.constant 2 : i32
      %add3A_287 = arith.addi %add3A_282, %add3A_286 : i32
      %mul3A_288 = arith.constant 512 : i32
      %mul3A_289 = arith.muli %add3A_287, %mul3A_288 : i32
      %add3A_290 = arith.addi %mul3A_6, %mul3A_289 : i32
      %dma_start3A_291 = tpu.memref_slice %arg4[%add3A_290] : memref<1605632xi32, #tpu.memory_space<hbm>> -> memref<512xi32, #tpu.memory_space<hbm>>
      %dma_start3A_292 = tpu.memref_slice %arg4[%add3A_290] : memref<1605632xi32, #tpu.memory_space<hbm>> -> memref<512xi32, #tpu.memory_space<hbm>>
      tpu.enqueue_dma source(%dma_start3A_292 : memref<512xi32, #tpu.memory_space<hbm>>) target(%arg11 : memref<512xi32, #tpu.memory_space<vmem>>) target_semaphore(%arg26 : memref<!tpu.dma_semaphore, #tpu.memory_space<semaphore_mem>>)
      %mul3A_293 = arith.constant 512 : i32
      %mul3A_294 = arith.muli %add3A_287, %mul3A_293 : i32
      %add3A_295 = arith.addi %mul3A_6, %mul3A_294 : i32
      %dma_start3A_296 = tpu.memref_slice %arg5[%add3A_295] : memref<1605632xi32, #tpu.memory_space<hbm>> -> memref<512xi32, #tpu.memory_space<hbm>>
      %dma_start3A_297 = tpu.memref_slice %arg5[%add3A_295] : memref<1605632xi32, #tpu.memory_space<hbm>> -> memref<512xi32, #tpu.memory_space<hbm>>
      tpu.enqueue_dma source(%dma_start3A_297 : memref<512xi32, #tpu.memory_space<hbm>>) target(%arg12 : memref<512xi32, #tpu.memory_space<vmem>>) target_semaphore(%arg26 : memref<!tpu.dma_semaphore, #tpu.memory_space<semaphore_mem>>)
      %dma_wait3A_298 = tpu.memref_slice %arg4[%mul3A_6] : memref<1605632xi32, #tpu.memory_space<hbm>> -> memref<512xi32, #tpu.memory_space<hbm>>
      %dma_wait3A_299 = tpu.memref_slice %arg4[%mul3A_6] : memref<1605632xi32, #tpu.memory_space<hbm>> -> memref<512xi32, #tpu.memory_space<hbm>>
      tpu.wait_dma2 semaphore(%arg25 : memref<!tpu.dma_semaphore, #tpu.memory_space<semaphore_mem>>) src(%dma_wait3A_299 : memref<512xi32, #tpu.memory_space<hbm>>) dst(%arg9 : memref<512xi32, #tpu.memory_space<vmem>>)
      %dma_wait3A_300 = tpu.memref_slice %arg5[%mul3A_6] : memref<1605632xi32, #tpu.memory_space<hbm>> -> memref<512xi32, #tpu.memory_space<hbm>>
      %dma_wait3A_301 = tpu.memref_slice %arg5[%mul3A_6] : memref<1605632xi32, #tpu.memory_space<hbm>> -> memref<512xi32, #tpu.memory_space<hbm>>
      tpu.wait_dma2 semaphore(%arg25 : memref<!tpu.dma_semaphore, #tpu.memory_space<semaphore_mem>>) src(%dma_wait3A_301 : memref<512xi32, #tpu.memory_space<hbm>>) dst(%arg10 : memref<512xi32, #tpu.memory_space<vmem>>)
      %dma_start3A_302 = arith.constant 0 : i32
      %dma_start3A_303 = arith.constant 0 : i32
      %dma_start3A_304 = tpu.memref_slice %arg3[%dma_start3A_302, %dma_start3A_303] : memref<100352x16xf32, #tpu.memory_space<hbm>> -> memref<100352x16xf32, #tpu.memory_space<hbm>>
      tpu.enqueue_indirect_dma source(%dma_start3A_304 : memref<100352x16xf32, #tpu.memory_space<hbm>>) target(%arg15 : memref<512x16xf32, #tpu.memory_space<vmem>>) offsets(%arg9 : memref<512xi32, #tpu.memory_space<vmem>>) semaphore(%arg19 : memref<!tpu.dma_semaphore, #tpu.memory_space<semaphore_mem>>)
      %dma_wait3A_305 = arith.constant 0 : i32
      %dma_wait3A_306 = arith.constant 0 : i32
      %dma_wait3A_307 = tpu.memref_slice %arg3[%dma_wait3A_305, %dma_wait3A_306] : memref<100352x16xf32, #tpu.memory_space<hbm>> -> memref<100352x16xf32, #tpu.memory_space<hbm>>
      tpu.wait_indirect_dma semaphore(%arg21 : memref<!tpu.dma_semaphore, #tpu.memory_space<semaphore_mem>>) src(%dma_wait3A_307 : memref<100352x16xf32, #tpu.memory_space<hbm>>) dst(%arg17 : memref<512x16xf32, #tpu.memory_space<vmem>>)
      %dma_start3A_308 = arith.constant 0 : i32
      %dma_start3A_309 = arith.constant 0 : i32
      %dma_start3A_310 = tpu.memref_slice %arg18[%dma_start3A_308, %dma_start3A_309] : memref<100352x16xf32, #tpu.memory_space<vmem_shared>> -> memref<100352x16xf32, #tpu.memory_space<vmem_shared>>
      tpu.enqueue_indirect_dma source(%arg17 : memref<512x16xf32, #tpu.memory_space<vmem>>) target(%dma_start3A_310 : memref<100352x16xf32, #tpu.memory_space<vmem_shared>>) offsets(%arg14 : memref<512xi32, #tpu.memory_space<vmem>>) semaphore(%arg24 : memref<!tpu.dma_semaphore, #tpu.memory_space<semaphore_mem>>) {add = true}
      %mul3A_311 = arith.constant 3 : i32
      %mul3A_312 = arith.muli %mul3A_311, %scan3A_276 : i32
      %add3A_313 = arith.constant 2 : i32
      %add3A_314 = arith.addi %mul3A_312, %add3A_313 : i32
      %add3A_315 = arith.constant 1 : i32
      %add3A_316 = arith.addi %add3A_314, %add3A_315 : i32
      %dma_wait3A_317 = arith.constant 0 : i32
      %dma_wait3A_318 = arith.constant 0 : i32
      %dma_wait3A_319 = tpu.memref_slice %arg18[%dma_wait3A_317, %dma_wait3A_318] : memref<100352x16xf32, #tpu.memory_space<vmem_shared>> -> memref<100352x16xf32, #tpu.memory_space<vmem_shared>>
      tpu.wait_indirect_dma semaphore(%arg24 : memref<!tpu.dma_semaphore, #tpu.memory_space<semaphore_mem>>) src(%arg17 : memref<512x16xf32, #tpu.memory_space<vmem>>) dst(%dma_wait3A_319 : memref<100352x16xf32, #tpu.memory_space<vmem_shared>>)
      %add3A_320 = arith.constant 2 : i32
      %add3A_321 = arith.addi %add3A_316, %add3A_320 : i32
      %mul3A_322 = arith.constant 512 : i32
      %mul3A_323 = arith.muli %add3A_321, %mul3A_322 : i32
      %add3A_324 = arith.addi %mul3A_6, %mul3A_323 : i32
      %dma_start3A_325 = tpu.memref_slice %arg4[%add3A_324] : memref<1605632xi32, #tpu.memory_space<hbm>> -> memref<512xi32, #tpu.memory_space<hbm>>
      %dma_start3A_326 = tpu.memref_slice %arg4[%add3A_324] : memref<1605632xi32, #tpu.memory_space<hbm>> -> memref<512xi32, #tpu.memory_space<hbm>>
      tpu.enqueue_dma source(%dma_start3A_326 : memref<512xi32, #tpu.memory_space<hbm>>) target(%arg13 : memref<512xi32, #tpu.memory_space<vmem>>) target_semaphore(%arg27 : memref<!tpu.dma_semaphore, #tpu.memory_space<semaphore_mem>>)
      %mul3A_327 = arith.constant 512 : i32
      %mul3A_328 = arith.muli %add3A_321, %mul3A_327 : i32
      %add3A_329 = arith.addi %mul3A_6, %mul3A_328 : i32
      %dma_start3A_330 = tpu.memref_slice %arg5[%add3A_329] : memref<1605632xi32, #tpu.memory_space<hbm>> -> memref<512xi32, #tpu.memory_space<hbm>>
      %dma_start3A_331 = tpu.memref_slice %arg5[%add3A_329] : memref<1605632xi32, #tpu.memory_space<hbm>> -> memref<512xi32, #tpu.memory_space<hbm>>
      tpu.enqueue_dma source(%dma_start3A_331 : memref<512xi32, #tpu.memory_space<hbm>>) target(%arg14 : memref<512xi32, #tpu.memory_space<vmem>>) target_semaphore(%arg27 : memref<!tpu.dma_semaphore, #tpu.memory_space<semaphore_mem>>)
      %dma_wait3A_332 = tpu.memref_slice %arg4[%mul3A_6] : memref<1605632xi32, #tpu.memory_space<hbm>> -> memref<512xi32, #tpu.memory_space<hbm>>
      %dma_wait3A_333 = tpu.memref_slice %arg4[%mul3A_6] : memref<1605632xi32, #tpu.memory_space<hbm>> -> memref<512xi32, #tpu.memory_space<hbm>>
      tpu.wait_dma2 semaphore(%arg26 : memref<!tpu.dma_semaphore, #tpu.memory_space<semaphore_mem>>) src(%dma_wait3A_333 : memref<512xi32, #tpu.memory_space<hbm>>) dst(%arg11 : memref<512xi32, #tpu.memory_space<vmem>>)
      %dma_wait3A_334 = tpu.memref_slice %arg5[%mul3A_6] : memref<1605632xi32, #tpu.memory_space<hbm>> -> memref<512xi32, #tpu.memory_space<hbm>>
      %dma_wait3A_335 = tpu.memref_slice %arg5[%mul3A_6] : memref<1605632xi32, #tpu.memory_space<hbm>> -> memref<512xi32, #tpu.memory_space<hbm>>
      tpu.wait_dma2 semaphore(%arg26 : memref<!tpu.dma_semaphore, #tpu.memory_space<semaphore_mem>>) src(%dma_wait3A_335 : memref<512xi32, #tpu.memory_space<hbm>>) dst(%arg12 : memref<512xi32, #tpu.memory_space<vmem>>)
      %dma_start3A_336 = arith.constant 0 : i32
      %dma_start3A_337 = arith.constant 0 : i32
      %dma_start3A_338 = tpu.memref_slice %arg3[%dma_start3A_336, %dma_start3A_337] : memref<100352x16xf32, #tpu.memory_space<hbm>> -> memref<100352x16xf32, #tpu.memory_space<hbm>>
      tpu.enqueue_indirect_dma source(%dma_start3A_338 : memref<100352x16xf32, #tpu.memory_space<hbm>>) target(%arg16 : memref<512x16xf32, #tpu.memory_space<vmem>>) offsets(%arg11 : memref<512xi32, #tpu.memory_space<vmem>>) semaphore(%arg20 : memref<!tpu.dma_semaphore, #tpu.memory_space<semaphore_mem>>)
      %dma_wait3A_339 = arith.constant 0 : i32
      %dma_wait3A_340 = arith.constant 0 : i32
      %dma_wait3A_341 = tpu.memref_slice %arg3[%dma_wait3A_339, %dma_wait3A_340] : memref<100352x16xf32, #tpu.memory_space<hbm>> -> memref<100352x16xf32, #tpu.memory_space<hbm>>
      tpu.wait_indirect_dma semaphore(%arg19 : memref<!tpu.dma_semaphore, #tpu.memory_space<semaphore_mem>>) src(%dma_wait3A_341 : memref<100352x16xf32, #tpu.memory_space<hbm>>) dst(%arg15 : memref<512x16xf32, #tpu.memory_space<vmem>>)
      %dma_start3A_342 = arith.constant 0 : i32
      %dma_start3A_343 = arith.constant 0 : i32
      %dma_start3A_344 = tpu.memref_slice %arg18[%dma_start3A_342, %dma_start3A_343] : memref<100352x16xf32, #tpu.memory_space<vmem_shared>> -> memref<100352x16xf32, #tpu.memory_space<vmem_shared>>
      tpu.enqueue_indirect_dma source(%arg15 : memref<512x16xf32, #tpu.memory_space<vmem>>) target(%dma_start3A_344 : memref<100352x16xf32, #tpu.memory_space<vmem_shared>>) offsets(%arg10 : memref<512xi32, #tpu.memory_space<vmem>>) semaphore(%arg22 : memref<!tpu.dma_semaphore, #tpu.memory_space<semaphore_mem>>) {add = true}
      %mul3A_345 = arith.constant 3 : i32
      %mul3A_346 = arith.muli %mul3A_345, %scan3A_276 : i32
      %add3A_347 = arith.constant 2 : i32
      %add3A_348 = arith.addi %mul3A_346, %add3A_347 : i32
      %add3A_349 = arith.constant 2 : i32
      %add3A_350 = arith.addi %add3A_348, %add3A_349 : i32
      %dma_wait3A_351 = arith.constant 0 : i32
      %dma_wait3A_352 = arith.constant 0 : i32
      %dma_wait3A_353 = tpu.memref_slice %arg18[%dma_wait3A_351, %dma_wait3A_352] : memref<100352x16xf32, #tpu.memory_space<vmem_shared>> -> memref<100352x16xf32, #tpu.memory_space<vmem_shared>>
      tpu.wait_indirect_dma semaphore(%arg22 : memref<!tpu.dma_semaphore, #tpu.memory_space<semaphore_mem>>) src(%arg15 : memref<512x16xf32, #tpu.memory_space<vmem>>) dst(%dma_wait3A_353 : memref<100352x16xf32, #tpu.memory_space<vmem_shared>>)
      %add3A_354 = arith.constant 2 : i32
      %add3A_355 = arith.addi %add3A_350, %add3A_354 : i32
      %mul3A_356 = arith.constant 512 : i32
      %mul3A_357 = arith.muli %add3A_355, %mul3A_356 : i32
      %add3A_358 = arith.addi %mul3A_6, %mul3A_357 : i32
      %dma_start3A_359 = tpu.memref_slice %arg4[%add3A_358] : memref<1605632xi32, #tpu.memory_space<hbm>> -> memref<512xi32, #tpu.memory_space<hbm>>
      %dma_start3A_360 = tpu.memref_slice %arg4[%add3A_358] : memref<1605632xi32, #tpu.memory_space<hbm>> -> memref<512xi32, #tpu.memory_space<hbm>>
      tpu.enqueue_dma source(%dma_start3A_360 : memref<512xi32, #tpu.memory_space<hbm>>) target(%arg9 : memref<512xi32, #tpu.memory_space<vmem>>) target_semaphore(%arg25 : memref<!tpu.dma_semaphore, #tpu.memory_space<semaphore_mem>>)
      %mul3A_361 = arith.constant 512 : i32
      %mul3A_362 = arith.muli %add3A_355, %mul3A_361 : i32
      %add3A_363 = arith.addi %mul3A_6, %mul3A_362 : i32
      %dma_start3A_364 = tpu.memref_slice %arg5[%add3A_363] : memref<1605632xi32, #tpu.memory_space<hbm>> -> memref<512xi32, #tpu.memory_space<hbm>>
      %dma_start3A_365 = tpu.memref_slice %arg5[%add3A_363] : memref<1605632xi32, #tpu.memory_space<hbm>> -> memref<512xi32, #tpu.memory_space<hbm>>
      tpu.enqueue_dma source(%dma_start3A_365 : memref<512xi32, #tpu.memory_space<hbm>>) target(%arg10 : memref<512xi32, #tpu.memory_space<vmem>>) target_semaphore(%arg25 : memref<!tpu.dma_semaphore, #tpu.memory_space<semaphore_mem>>)
      %dma_wait3A_366 = tpu.memref_slice %arg4[%mul3A_6] : memref<1605632xi32, #tpu.memory_space<hbm>> -> memref<512xi32, #tpu.memory_space<hbm>>
      %dma_wait3A_367 = tpu.memref_slice %arg4[%mul3A_6] : memref<1605632xi32, #tpu.memory_space<hbm>> -> memref<512xi32, #tpu.memory_space<hbm>>
      tpu.wait_dma2 semaphore(%arg27 : memref<!tpu.dma_semaphore, #tpu.memory_space<semaphore_mem>>) src(%dma_wait3A_367 : memref<512xi32, #tpu.memory_space<hbm>>) dst(%arg13 : memref<512xi32, #tpu.memory_space<vmem>>)
      %dma_wait3A_368 = tpu.memref_slice %arg5[%mul3A_6] : memref<1605632xi32, #tpu.memory_space<hbm>> -> memref<512xi32, #tpu.memory_space<hbm>>
      %dma_wait3A_369 = tpu.memref_slice %arg5[%mul3A_6] : memref<1605632xi32, #tpu.memory_space<hbm>> -> memref<512xi32, #tpu.memory_space<hbm>>
      tpu.wait_dma2 semaphore(%arg27 : memref<!tpu.dma_semaphore, #tpu.memory_space<semaphore_mem>>) src(%dma_wait3A_369 : memref<512xi32, #tpu.memory_space<hbm>>) dst(%arg14 : memref<512xi32, #tpu.memory_space<vmem>>)
      %dma_start3A_370 = arith.constant 0 : i32
      %dma_start3A_371 = arith.constant 0 : i32
      %dma_start3A_372 = tpu.memref_slice %arg3[%dma_start3A_370, %dma_start3A_371] : memref<100352x16xf32, #tpu.memory_space<hbm>> -> memref<100352x16xf32, #tpu.memory_space<hbm>>
      tpu.enqueue_indirect_dma source(%dma_start3A_372 : memref<100352x16xf32, #tpu.memory_space<hbm>>) target(%arg17 : memref<512x16xf32, #tpu.memory_space<vmem>>) offsets(%arg13 : memref<512xi32, #tpu.memory_space<vmem>>) semaphore(%arg21 : memref<!tpu.dma_semaphore, #tpu.memory_space<semaphore_mem>>)
      %dma_wait3A_373 = arith.constant 0 : i32
      %dma_wait3A_374 = arith.constant 0 : i32
      %dma_wait3A_375 = tpu.memref_slice %arg3[%dma_wait3A_373, %dma_wait3A_374] : memref<100352x16xf32, #tpu.memory_space<hbm>> -> memref<100352x16xf32, #tpu.memory_space<hbm>>
      tpu.wait_indirect_dma semaphore(%arg20 : memref<!tpu.dma_semaphore, #tpu.memory_space<semaphore_mem>>) src(%dma_wait3A_375 : memref<100352x16xf32, #tpu.memory_space<hbm>>) dst(%arg16 : memref<512x16xf32, #tpu.memory_space<vmem>>)
      %dma_start3A_376 = arith.constant 0 : i32
      %dma_start3A_377 = arith.constant 0 : i32
      %dma_start3A_378 = tpu.memref_slice %arg18[%dma_start3A_376, %dma_start3A_377] : memref<100352x16xf32, #tpu.memory_space<vmem_shared>> -> memref<100352x16xf32, #tpu.memory_space<vmem_shared>>
      tpu.enqueue_indirect_dma source(%arg16 : memref<512x16xf32, #tpu.memory_space<vmem>>) target(%dma_start3A_378 : memref<100352x16xf32, #tpu.memory_space<vmem_shared>>) offsets(%arg12 : memref<512xi32, #tpu.memory_space<vmem>>) semaphore(%arg23 : memref<!tpu.dma_semaphore, #tpu.memory_space<semaphore_mem>>) {add = true}
    }
    %scan3A_222 = arith.constant 31 : i32
    %dma_wait3A_223 = arith.constant 0 : i32
    %dma_wait3A_224 = arith.constant 0 : i32
    %dma_wait3A_225 = tpu.memref_slice %arg18[%dma_wait3A_223, %dma_wait3A_224] : memref<100352x16xf32, #tpu.memory_space<vmem_shared>> -> memref<100352x16xf32, #tpu.memory_space<vmem_shared>>
    tpu.wait_indirect_dma semaphore(%arg23 : memref<!tpu.dma_semaphore, #tpu.memory_space<semaphore_mem>>) src(%arg16 : memref<512x16xf32, #tpu.memory_space<vmem>>) dst(%dma_wait3A_225 : memref<100352x16xf32, #tpu.memory_space<vmem_shared>>)
    %add3A_226 = arith.constant 49664 : i32
    %add3A_227 = arith.addi %mul3A_6, %add3A_226 : i32
    %dma_start3A_228 = tpu.memref_slice %arg4[%add3A_227] : memref<1605632xi32, #tpu.memory_space<hbm>> -> memref<512xi32, #tpu.memory_space<hbm>>
    %dma_start3A_229 = tpu.memref_slice %arg4[%add3A_227] : memref<1605632xi32, #tpu.memory_space<hbm>> -> memref<512xi32, #tpu.memory_space<hbm>>
    tpu.enqueue_dma source(%dma_start3A_229 : memref<512xi32, #tpu.memory_space<hbm>>) target(%arg11 : memref<512xi32, #tpu.memory_space<vmem>>) target_semaphore(%arg26 : memref<!tpu.dma_semaphore, #tpu.memory_space<semaphore_mem>>)
    %add3A_230 = arith.constant 49664 : i32
    %add3A_231 = arith.addi %mul3A_6, %add3A_230 : i32
    %dma_start3A_232 = tpu.memref_slice %arg5[%add3A_231] : memref<1605632xi32, #tpu.memory_space<hbm>> -> memref<512xi32, #tpu.memory_space<hbm>>
    %dma_start3A_233 = tpu.memref_slice %arg5[%add3A_231] : memref<1605632xi32, #tpu.memory_space<hbm>> -> memref<512xi32, #tpu.memory_space<hbm>>
    tpu.enqueue_dma source(%dma_start3A_233 : memref<512xi32, #tpu.memory_space<hbm>>) target(%arg12 : memref<512xi32, #tpu.memory_space<vmem>>) target_semaphore(%arg26 : memref<!tpu.dma_semaphore, #tpu.memory_space<semaphore_mem>>)
    %dma_wait3A_234 = tpu.memref_slice %arg4[%mul3A_6] : memref<1605632xi32, #tpu.memory_space<hbm>> -> memref<512xi32, #tpu.memory_space<hbm>>
    %dma_wait3A_235 = tpu.memref_slice %arg4[%mul3A_6] : memref<1605632xi32, #tpu.memory_space<hbm>> -> memref<512xi32, #tpu.memory_space<hbm>>
    tpu.wait_dma2 semaphore(%arg25 : memref<!tpu.dma_semaphore, #tpu.memory_space<semaphore_mem>>) src(%dma_wait3A_235 : memref<512xi32, #tpu.memory_space<hbm>>) dst(%arg9 : memref<512xi32, #tpu.memory_space<vmem>>)
    %dma_wait3A_236 = tpu.memref_slice %arg5[%mul3A_6] : memref<1605632xi32, #tpu.memory_space<hbm>> -> memref<512xi32, #tpu.memory_space<hbm>>
    %dma_wait3A_237 = tpu.memref_slice %arg5[%mul3A_6] : memref<1605632xi32, #tpu.memory_space<hbm>> -> memref<512xi32, #tpu.memory_space<hbm>>
    tpu.wait_dma2 semaphore(%arg25 : memref<!tpu.dma_semaphore, #tpu.memory_space<semaphore_mem>>) src(%dma_wait3A_237 : memref<512xi32, #tpu.memory_space<hbm>>) dst(%arg10 : memref<512xi32, #tpu.memory_space<vmem>>)
    %dma_start3A_238 = arith.constant 0 : i32
    %dma_start3A_239 = arith.constant 0 : i32
    %dma_start3A_240 = tpu.memref_slice %arg3[%dma_start3A_238, %dma_start3A_239] : memref<100352x16xf32, #tpu.memory_space<hbm>> -> memref<100352x16xf32, #tpu.memory_space<hbm>>
    tpu.enqueue_indirect_dma source(%dma_start3A_240 : memref<100352x16xf32, #tpu.memory_space<hbm>>) target(%arg15 : memref<512x16xf32, #tpu.memory_space<vmem>>) offsets(%arg9 : memref<512xi32, #tpu.memory_space<vmem>>) semaphore(%arg19 : memref<!tpu.dma_semaphore, #tpu.memory_space<semaphore_mem>>)
    %dma_wait3A_241 = arith.constant 0 : i32
    %dma_wait3A_242 = arith.constant 0 : i32
    %dma_wait3A_243 = tpu.memref_slice %arg3[%dma_wait3A_241, %dma_wait3A_242] : memref<100352x16xf32, #tpu.memory_space<hbm>> -> memref<100352x16xf32, #tpu.memory_space<hbm>>
    tpu.wait_indirect_dma semaphore(%arg21 : memref<!tpu.dma_semaphore, #tpu.memory_space<semaphore_mem>>) src(%dma_wait3A_243 : memref<100352x16xf32, #tpu.memory_space<hbm>>) dst(%arg17 : memref<512x16xf32, #tpu.memory_space<vmem>>)
    %dma_start3A_244 = arith.constant 0 : i32
    %dma_start3A_245 = arith.constant 0 : i32
    %dma_start3A_246 = tpu.memref_slice %arg18[%dma_start3A_244, %dma_start3A_245] : memref<100352x16xf32, #tpu.memory_space<vmem_shared>> -> memref<100352x16xf32, #tpu.memory_space<vmem_shared>>
    tpu.enqueue_indirect_dma source(%arg17 : memref<512x16xf32, #tpu.memory_space<vmem>>) target(%dma_start3A_246 : memref<100352x16xf32, #tpu.memory_space<vmem_shared>>) offsets(%arg14 : memref<512xi32, #tpu.memory_space<vmem>>) semaphore(%arg24 : memref<!tpu.dma_semaphore, #tpu.memory_space<semaphore_mem>>) {add = true}
    %dma_wait3A_247 = tpu.memref_slice %arg4[%mul3A_6] : memref<1605632xi32, #tpu.memory_space<hbm>> -> memref<512xi32, #tpu.memory_space<hbm>>
    %dma_wait3A_248 = tpu.memref_slice %arg4[%mul3A_6] : memref<1605632xi32, #tpu.memory_space<hbm>> -> memref<512xi32, #tpu.memory_space<hbm>>
    tpu.wait_dma2 semaphore(%arg26 : memref<!tpu.dma_semaphore, #tpu.memory_space<semaphore_mem>>) src(%dma_wait3A_248 : memref<512xi32, #tpu.memory_space<hbm>>) dst(%arg11 : memref<512xi32, #tpu.memory_space<vmem>>)
    %dma_wait3A_249 = tpu.memref_slice %arg5[%mul3A_6] : memref<1605632xi32, #tpu.memory_space<hbm>> -> memref<512xi32, #tpu.memory_space<hbm>>
    %dma_wait3A_250 = tpu.memref_slice %arg5[%mul3A_6] : memref<1605632xi32, #tpu.memory_space<hbm>> -> memref<512xi32, #tpu.memory_space<hbm>>
    tpu.wait_dma2 semaphore(%arg26 : memref<!tpu.dma_semaphore, #tpu.memory_space<semaphore_mem>>) src(%dma_wait3A_250 : memref<512xi32, #tpu.memory_space<hbm>>) dst(%arg12 : memref<512xi32, #tpu.memory_space<vmem>>)
    %dma_start3A_251 = arith.constant 0 : i32
    %dma_start3A_252 = arith.constant 0 : i32
    %dma_start3A_253 = tpu.memref_slice %arg3[%dma_start3A_251, %dma_start3A_252] : memref<100352x16xf32, #tpu.memory_space<hbm>> -> memref<100352x16xf32, #tpu.memory_space<hbm>>
    tpu.enqueue_indirect_dma source(%dma_start3A_253 : memref<100352x16xf32, #tpu.memory_space<hbm>>) target(%arg16 : memref<512x16xf32, #tpu.memory_space<vmem>>) offsets(%arg11 : memref<512xi32, #tpu.memory_space<vmem>>) semaphore(%arg20 : memref<!tpu.dma_semaphore, #tpu.memory_space<semaphore_mem>>)
    %dma_wait3A_254 = arith.constant 0 : i32
    %dma_wait3A_255 = arith.constant 0 : i32
    %dma_wait3A_256 = tpu.memref_slice %arg3[%dma_wait3A_254, %dma_wait3A_255] : memref<100352x16xf32, #tpu.memory_space<hbm>> -> memref<100352x16xf32, #tpu.memory_space<hbm>>
    tpu.wait_indirect_dma semaphore(%arg19 : memref<!tpu.dma_semaphore, #tpu.memory_space<semaphore_mem>>) src(%dma_wait3A_256 : memref<100352x16xf32, #tpu.memory_space<hbm>>) dst(%arg15 : memref<512x16xf32, #tpu.memory_space<vmem>>)
    %dma_start3A_257 = arith.constant 0 : i32
    %dma_start3A_258 = arith.constant 0 : i32
    %dma_start3A_259 = tpu.memref_slice %arg18[%dma_start3A_257, %dma_start3A_258] : memref<100352x16xf32, #tpu.memory_space<vmem_shared>> -> memref<100352x16xf32, #tpu.memory_space<vmem_shared>>
    tpu.enqueue_indirect_dma source(%arg15 : memref<512x16xf32, #tpu.memory_space<vmem>>) target(%dma_start3A_259 : memref<100352x16xf32, #tpu.memory_space<vmem_shared>>) offsets(%arg10 : memref<512xi32, #tpu.memory_space<vmem>>) semaphore(%arg22 : memref<!tpu.dma_semaphore, #tpu.memory_space<semaphore_mem>>) {add = true}
    %dma_wait3A_260 = arith.constant 0 : i32
    %dma_wait3A_261 = arith.constant 0 : i32
    %dma_wait3A_262 = tpu.memref_slice %arg3[%dma_wait3A_260, %dma_wait3A_261] : memref<100352x16xf32, #tpu.memory_space<hbm>> -> memref<100352x16xf32, #tpu.memory_space<hbm>>
    tpu.wait_indirect_dma semaphore(%arg20 : memref<!tpu.dma_semaphore, #tpu.memory_space<semaphore_mem>>) src(%dma_wait3A_262 : memref<100352x16xf32, #tpu.memory_space<hbm>>) dst(%arg16 : memref<512x16xf32, #tpu.memory_space<vmem>>)
    %dma_start3A_263 = arith.constant 0 : i32
    %dma_start3A_264 = arith.constant 0 : i32
    %dma_start3A_265 = tpu.memref_slice %arg18[%dma_start3A_263, %dma_start3A_264] : memref<100352x16xf32, #tpu.memory_space<vmem_shared>> -> memref<100352x16xf32, #tpu.memory_space<vmem_shared>>
    tpu.enqueue_indirect_dma source(%arg16 : memref<512x16xf32, #tpu.memory_space<vmem>>) target(%dma_start3A_265 : memref<100352x16xf32, #tpu.memory_space<vmem_shared>>) offsets(%arg12 : memref<512xi32, #tpu.memory_space<vmem>>) semaphore(%arg23 : memref<!tpu.dma_semaphore, #tpu.memory_space<semaphore_mem>>) {add = true}
    %dma_wait3A_266 = arith.constant 0 : i32
    %dma_wait3A_267 = arith.constant 0 : i32
    %dma_wait3A_268 = tpu.memref_slice %arg18[%dma_wait3A_266, %dma_wait3A_267] : memref<100352x16xf32, #tpu.memory_space<vmem_shared>> -> memref<100352x16xf32, #tpu.memory_space<vmem_shared>>
    tpu.wait_indirect_dma semaphore(%arg24 : memref<!tpu.dma_semaphore, #tpu.memory_space<semaphore_mem>>) src(%arg17 : memref<512x16xf32, #tpu.memory_space<vmem>>) dst(%dma_wait3A_268 : memref<100352x16xf32, #tpu.memory_space<vmem_shared>>)
    %dma_wait3A_269 = arith.constant 0 : i32
    %dma_wait3A_270 = arith.constant 0 : i32
    %dma_wait3A_271 = tpu.memref_slice %arg18[%dma_wait3A_269, %dma_wait3A_270] : memref<100352x16xf32, #tpu.memory_space<vmem_shared>> -> memref<100352x16xf32, #tpu.memory_space<vmem_shared>>
    tpu.wait_indirect_dma semaphore(%arg22 : memref<!tpu.dma_semaphore, #tpu.memory_space<semaphore_mem>>) src(%arg15 : memref<512x16xf32, #tpu.memory_space<vmem>>) dst(%dma_wait3A_271 : memref<100352x16xf32, #tpu.memory_space<vmem_shared>>)
    %dma_wait3A_272 = arith.constant 0 : i32
    %dma_wait3A_273 = arith.constant 0 : i32
    %dma_wait3A_274 = tpu.memref_slice %arg18[%dma_wait3A_272, %dma_wait3A_273] : memref<100352x16xf32, #tpu.memory_space<vmem_shared>> -> memref<100352x16xf32, #tpu.memory_space<vmem_shared>>
    tpu.wait_indirect_dma semaphore(%arg23 : memref<!tpu.dma_semaphore, #tpu.memory_space<semaphore_mem>>) src(%arg16 : memref<512x16xf32, #tpu.memory_space<vmem>>) dst(%dma_wait3A_274 : memref<100352x16xf32, #tpu.memory_space<vmem_shared>>)
    %barrier3A_275 = arith.constant 0 : index
    tpu.barrier barrier_id(%barrier3A_275)
    "tpu.region"() ({
      %run_scoped3A = tpu.sem_alloc : memref<!tpu.dma_semaphore, #tpu.memory_space<semaphore_mem>>
      %dma_start3A_276 = arith.constant 0 : i32
      %dma_start3A_277 = tpu.memref_slice %arg8[%arg0, %mul3A_2, %dma_start3A_276] : memref<2x100352x16xf32, #tpu.memory_space<hbm>> -> memref<1x6272x16xf32, #tpu.memory_space<hbm>>
      %dma_start3A_278 = tpu.memref_squeeze %dma_start3A_277 : memref<1x6272x16xf32, #tpu.memory_space<hbm>> -> memref<6272x16xf32, #tpu.memory_space<hbm>>
      %dma_start3A_279 = arith.constant 0 : i32
      %dma_start3A_280 = tpu.memref_slice %arg18[%mul3A_2, %dma_start3A_279] : memref<100352x16xf32, #tpu.memory_space<vmem_shared>> -> memref<6272x16xf32, #tpu.memory_space<vmem_shared>>
      tpu.enqueue_dma source(%dma_start3A_280 : memref<6272x16xf32, #tpu.memory_space<vmem_shared>>) target(%dma_start3A_278 : memref<6272x16xf32, #tpu.memory_space<hbm>>) target_semaphore(%run_scoped3A : memref<!tpu.dma_semaphore, #tpu.memory_space<semaphore_mem>>)
      %dma_wait3A_281 = arith.constant 0 : i32
      %dma_wait3A_282 = tpu.memref_slice %arg8[%arg0, %mul3A_2, %dma_wait3A_281] : memref<2x100352x16xf32, #tpu.memory_space<hbm>> -> memref<1x6272x16xf32, #tpu.memory_space<hbm>>
      %dma_wait3A_283 = tpu.memref_squeeze %dma_wait3A_282 : memref<1x6272x16xf32, #tpu.memory_space<hbm>> -> memref<6272x16xf32, #tpu.memory_space<hbm>>
      %dma_wait3A_284 = arith.constant 0 : i32
      %dma_wait3A_285 = tpu.memref_slice %arg18[%mul3A_2, %dma_wait3A_284] : memref<100352x16xf32, #tpu.memory_space<vmem_shared>> -> memref<6272x16xf32, #tpu.memory_space<vmem_shared>>
      tpu.wait_dma2 semaphore(%run_scoped3A : memref<!tpu.dma_semaphore, #tpu.memory_space<semaphore_mem>>) src(%dma_wait3A_285 : memref<6272x16xf32, #tpu.memory_space<vmem_shared>>) dst(%dma_wait3A_283 : memref<6272x16xf32, #tpu.memory_space<hbm>>)
      tpu.yield
    }) : () -> ()
    return
  }
}

#map = affine_map<(d0, d1) -> (0, 0)>
#map1 = affine_map<(d0, d1) -> (0)>
module attributes {stable_mosaic.version = 14 : i64} {
  func.func @_deg_body(%arg0: i32, %arg1: i32, %arg2: memref<12544x128xi32, #tpu.memory_space<hbm>>, %arg3: memref<100352xf32, #tpu.memory_space<hbm>>, %arg4: memref<200704xf32, #tpu.memory_space<hbm>>, %arg5: memref<8x128xi32, #tpu.memory_space<vmem>>, %arg6: memref<128xf32, #tpu.memory_space<vmem>>, %arg7: memref<100352xf32, #tpu.memory_space<vmem_shared>>) attributes {dimension_semantics = [#tpu.dimension_semantics<core_parallel>, #tpu.dimension_semantics<subcore_parallel>], iteration_bounds = array<i64: 2, 16>, scalar_prefetch = 0 : i64, scratch_operands = 3 : i64, tpu.core_type = #tpu.core_type<sc_vector_subcore>, window_params = [{transform_indices = #map}, {transform_indices = #map1}, {transform_indices = #map1}]} {
    %mul3A = arith.constant 2 : i32
    %mul3A_0 = arith.muli %arg1, %mul3A : i32
    %add3A = arith.addi %mul3A_0, %arg0 : i32
    %broadcast_in_dim3A = arith.constant 1.000000e+00 : f32
    %broadcast_in_dim3A_1 = vector.broadcast %broadcast_in_dim3A : f32 to vector<16xf32>
    %swap3A = arith.constant 0 : index
    %swap3A_2 = tpu.vector_load %arg6[%swap3A] {strides = array<i32>} : memref<128xf32, #tpu.memory_space<vmem>>, vector<16xf32>,
    %swap3A_3 = vector.shape_cast %swap3A_2 : vector<16xf32> to vector<16xf32>
    %swap3A_4 = vector.shape_cast %broadcast_in_dim3A_1 : vector<16xf32> to vector<16xf32>
    tpu.vector_store %arg6[%swap3A], %swap3A_4 {strides = array<i32>} : memref<128xf32, #tpu.memory_space<vmem>>, vector<16xf32>,
    %broadcast_in_dim3A_5 = arith.constant 1.000000e+00 : f32
    %broadcast_in_dim3A_6 = vector.broadcast %broadcast_in_dim3A_5 : f32 to vector<16xf32>
    %swap3A_7 = arith.constant 16 : index
    %swap3A_8 = tpu.vector_load %arg6[%swap3A_7] {strides = array<i32>} : memref<128xf32, #tpu.memory_space<vmem>>, vector<16xf32>,
    %swap3A_9 = vector.shape_cast %swap3A_8 : vector<16xf32> to vector<16xf32>
    %swap3A_10 = vector.shape_cast %broadcast_in_dim3A_6 : vector<16xf32> to vector<16xf32>
    tpu.vector_store %arg6[%swap3A_7], %swap3A_10 {strides = array<i32>} : memref<128xf32, #tpu.memory_space<vmem>>, vector<16xf32>,
    %broadcast_in_dim3A_11 = arith.constant 1.000000e+00 : f32
    %broadcast_in_dim3A_12 = vector.broadcast %broadcast_in_dim3A_11 : f32 to vector<16xf32>
    %swap3A_13 = arith.constant 32 : index
    %swap3A_14 = tpu.vector_load %arg6[%swap3A_13] {strides = array<i32>} : memref<128xf32, #tpu.memory_space<vmem>>, vector<16xf32>,
    %swap3A_15 = vector.shape_cast %swap3A_14 : vector<16xf32> to vector<16xf32>
    %swap3A_16 = vector.shape_cast %broadcast_in_dim3A_12 : vector<16xf32> to vector<16xf32>
    tpu.vector_store %arg6[%swap3A_13], %swap3A_16 {strides = array<i32>} : memref<128xf32, #tpu.memory_space<vmem>>, vector<16xf32>,
    %broadcast_in_dim3A_17 = arith.constant 1.000000e+00 : f32
    %broadcast_in_dim3A_18 = vector.broadcast %broadcast_in_dim3A_17 : f32 to vector<16xf32>
    %swap3A_19 = arith.constant 48 : index
    %swap3A_20 = tpu.vector_load %arg6[%swap3A_19] {strides = array<i32>} : memref<128xf32, #tpu.memory_space<vmem>>, vector<16xf32>,
    %swap3A_21 = vector.shape_cast %swap3A_20 : vector<16xf32> to vector<16xf32>
    %swap3A_22 = vector.shape_cast %broadcast_in_dim3A_18 : vector<16xf32> to vector<16xf32>
    tpu.vector_store %arg6[%swap3A_19], %swap3A_22 {strides = array<i32>} : memref<128xf32, #tpu.memory_space<vmem>>, vector<16xf32>,
    %broadcast_in_dim3A_23 = arith.constant 1.000000e+00 : f32
    %broadcast_in_dim3A_24 = vector.broadcast %broadcast_in_dim3A_23 : f32 to vector<16xf32>
    %swap3A_25 = arith.constant 64 : index
    %swap3A_26 = tpu.vector_load %arg6[%swap3A_25] {strides = array<i32>} : memref<128xf32, #tpu.memory_space<vmem>>, vector<16xf32>,
    %swap3A_27 = vector.shape_cast %swap3A_26 : vector<16xf32> to vector<16xf32>
    %swap3A_28 = vector.shape_cast %broadcast_in_dim3A_24 : vector<16xf32> to vector<16xf32>
    tpu.vector_store %arg6[%swap3A_25], %swap3A_28 {strides = array<i32>} : memref<128xf32, #tpu.memory_space<vmem>>, vector<16xf32>,
    %broadcast_in_dim3A_29 = arith.constant 1.000000e+00 : f32
    %broadcast_in_dim3A_30 = vector.broadcast %broadcast_in_dim3A_29 : f32 to vector<16xf32>
    %swap3A_31 = arith.constant 80 : index
    %swap3A_32 = tpu.vector_load %arg6[%swap3A_31] {strides = array<i32>} : memref<128xf32, #tpu.memory_space<vmem>>, vector<16xf32>,
    %swap3A_33 = vector.shape_cast %swap3A_32 : vector<16xf32> to vector<16xf32>
    %swap3A_34 = vector.shape_cast %broadcast_in_dim3A_30 : vector<16xf32> to vector<16xf32>
    tpu.vector_store %arg6[%swap3A_31], %swap3A_34 {strides = array<i32>} : memref<128xf32, #tpu.memory_space<vmem>>, vector<16xf32>,
    %broadcast_in_dim3A_35 = arith.constant 1.000000e+00 : f32
    %broadcast_in_dim3A_36 = vector.broadcast %broadcast_in_dim3A_35 : f32 to vector<16xf32>
    %swap3A_37 = arith.constant 96 : index
    %swap3A_38 = tpu.vector_load %arg6[%swap3A_37] {strides = array<i32>} : memref<128xf32, #tpu.memory_space<vmem>>, vector<16xf32>,
    %swap3A_39 = vector.shape_cast %swap3A_38 : vector<16xf32> to vector<16xf32>
    %swap3A_40 = vector.shape_cast %broadcast_in_dim3A_36 : vector<16xf32> to vector<16xf32>
    tpu.vector_store %arg6[%swap3A_37], %swap3A_40 {strides = array<i32>} : memref<128xf32, #tpu.memory_space<vmem>>, vector<16xf32>,
    %broadcast_in_dim3A_41 = arith.constant 1.000000e+00 : f32
    %broadcast_in_dim3A_42 = vector.broadcast %broadcast_in_dim3A_41 : f32 to vector<16xf32>
    %swap3A_43 = arith.constant 112 : index
    %swap3A_44 = tpu.vector_load %arg6[%swap3A_43] {strides = array<i32>} : memref<128xf32, #tpu.memory_space<vmem>>, vector<16xf32>,
    %swap3A_45 = vector.shape_cast %swap3A_44 : vector<16xf32> to vector<16xf32>
    %swap3A_46 = vector.shape_cast %broadcast_in_dim3A_42 : vector<16xf32> to vector<16xf32>
    tpu.vector_store %arg6[%swap3A_43], %swap3A_46 {strides = array<i32>} : memref<128xf32, #tpu.memory_space<vmem>>, vector<16xf32>,
    %mul3A_47 = arith.constant 6272 : i32
    %mul3A_48 = arith.muli %arg1, %mul3A_47 : i32
    "tpu.region"() ({
      %run_scoped3A = tpu.sem_alloc : memref<!tpu.dma_semaphore, #tpu.memory_space<semaphore_mem>>
      %dma_start3A = tpu.memref_slice %arg7[%mul3A_48] : memref<100352xf32, #tpu.memory_space<vmem_shared>> -> memref<6272xf32, #tpu.memory_space<vmem_shared>>
      %dma_start3A_60 = tpu.memref_slice %arg3[%mul3A_48] : memref<100352xf32, #tpu.memory_space<hbm>> -> memref<6272xf32, #tpu.memory_space<hbm>>
      tpu.enqueue_dma source(%dma_start3A_60 : memref<6272xf32, #tpu.memory_space<hbm>>) target(%dma_start3A : memref<6272xf32, #tpu.memory_space<vmem_shared>>) target_semaphore(%run_scoped3A : memref<!tpu.dma_semaphore, #tpu.memory_space<semaphore_mem>>)
      %dma_wait3A = tpu.memref_slice %arg7[%mul3A_48] : memref<100352xf32, #tpu.memory_space<vmem_shared>> -> memref<6272xf32, #tpu.memory_space<vmem_shared>>
      %dma_wait3A_61 = tpu.memref_slice %arg3[%mul3A_48] : memref<100352xf32, #tpu.memory_space<hbm>> -> memref<6272xf32, #tpu.memory_space<hbm>>
      tpu.wait_dma2 semaphore(%run_scoped3A : memref<!tpu.dma_semaphore, #tpu.memory_space<semaphore_mem>>) src(%dma_wait3A_61 : memref<6272xf32, #tpu.memory_space<hbm>>) dst(%dma_wait3A : memref<6272xf32, #tpu.memory_space<vmem_shared>>)
      tpu.yield
    }) : () -> ()
    %barrier3A = arith.constant 0 : index
    tpu.barrier barrier_id(%barrier3A)
    %mul3A_49 = arith.constant 392 : i32
    %mul3A_50 = arith.muli %add3A, %mul3A_49 : i32
    %scan3A = arith.constant 0 : i32
    %scan3A_51 = arith.constant 0 : i32
    %scan3A_52 = arith.constant 49 : i32
    %scan3A_53 = arith.addi %scan3A_51, %scan3A_52 : i32
    %scan3A_54 = arith.constant 1 : i32
    scf.for %scan3A_60 = %scan3A_51 to %scan3A_53 step %scan3A_54  : i32 {
      %mul3A_61 = arith.constant 8 : i32
      %mul3A_62 = arith.muli %scan3A_60, %mul3A_61 : i32
      %add3A_63 = arith.addi %mul3A_50, %mul3A_62 : i32
      "tpu.region"() ({
        %run_scoped3A_71 = tpu.sem_alloc : memref<!tpu.dma_semaphore, #tpu.memory_space<semaphore_mem>>
        %dma_start3A = arith.constant 0 : i32
        %dma_start3A_72 = tpu.memref_slice %arg2[%add3A_63, %dma_start3A] : memref<12544x128xi32, #tpu.memory_space<hbm>> -> memref<8x128xi32, #tpu.memory_space<hbm>>
        %dma_start3A_73 = arith.constant 0 : i32
        %dma_start3A_74 = tpu.memref_slice %arg2[%add3A_63, %dma_start3A_73] : memref<12544x128xi32, #tpu.memory_space<hbm>> -> memref<8x128xi32, #tpu.memory_space<hbm>>
        tpu.enqueue_dma source(%dma_start3A_74 : memref<8x128xi32, #tpu.memory_space<hbm>>) target(%arg5 : memref<8x128xi32, #tpu.memory_space<vmem>>) target_semaphore(%run_scoped3A_71 : memref<!tpu.dma_semaphore, #tpu.memory_space<semaphore_mem>>)
        %dma_wait3A = arith.constant 0 : i32
        %dma_wait3A_75 = tpu.memref_slice %arg2[%add3A_63, %dma_wait3A] : memref<12544x128xi32, #tpu.memory_space<hbm>> -> memref<8x128xi32, #tpu.memory_space<hbm>>
        %dma_wait3A_76 = arith.constant 0 : i32
        %dma_wait3A_77 = tpu.memref_slice %arg2[%add3A_63, %dma_wait3A_76] : memref<12544x128xi32, #tpu.memory_space<hbm>> -> memref<8x128xi32, #tpu.memory_space<hbm>>
        tpu.wait_dma2 semaphore(%run_scoped3A_71 : memref<!tpu.dma_semaphore, #tpu.memory_space<semaphore_mem>>) src(%dma_wait3A_77 : memref<8x128xi32, #tpu.memory_space<hbm>>) dst(%arg5 : memref<8x128xi32, #tpu.memory_space<vmem>>)
        tpu.yield
      }) : () -> ()
      %run_scoped3A = arith.constant 0 : i32
      "tpu.region"() ({
        %run_scoped3A_71 = tpu.sem_alloc : memref<!tpu.dma_semaphore, #tpu.memory_space<semaphore_mem>>
        %dma_start3A = arith.constant 0 : i32
        %dma_start3A_72 = tpu.memref_slice %arg5[%run_scoped3A, %dma_start3A] : memref<8x128xi32, #tpu.memory_space<vmem>> -> memref<1x128xi32, #tpu.memory_space<vmem>>
        %dma_start3A_73 = tpu.memref_squeeze %dma_start3A_72 : memref<1x128xi32, #tpu.memory_space<vmem>> -> memref<128xi32, #tpu.memory_space<vmem>>
        %dma_start3A_74 = arith.constant 0 : i32
        %dma_start3A_75 = tpu.memref_slice %arg7[%dma_start3A_74] : memref<100352xf32, #tpu.memory_space<vmem_shared>> -> memref<100352xf32, #tpu.memory_space<vmem_shared>>
        tpu.enqueue_indirect_dma source(%arg6 : memref<128xf32, #tpu.memory_space<vmem>>) target(%dma_start3A_75 : memref<100352xf32, #tpu.memory_space<vmem_shared>>) offsets(%dma_start3A_73 : memref<128xi32, #tpu.memory_space<vmem>>) semaphore(%run_scoped3A_71 : memref<!tpu.dma_semaphore, #tpu.memory_space<semaphore_mem>>) {add = true}
        %dma_wait3A = arith.constant 0 : i32
        %dma_wait3A_76 = tpu.memref_slice %arg5[%run_scoped3A, %dma_wait3A] : memref<8x128xi32, #tpu.memory_space<vmem>> -> memref<1x128xi32, #tpu.memory_space<vmem>>
        %dma_wait3A_77 = tpu.memref_squeeze %dma_wait3A_76 : memref<1x128xi32, #tpu.memory_space<vmem>> -> memref<128xi32, #tpu.memory_space<vmem>>
        %dma_wait3A_78 = arith.constant 0 : i32
        %dma_wait3A_79 = tpu.memref_slice %arg7[%dma_wait3A_78] : memref<100352xf32, #tpu.memory_space<vmem_shared>> -> memref<100352xf32, #tpu.memory_space<vmem_shared>>
        tpu.wait_indirect_dma semaphore(%run_scoped3A_71 : memref<!tpu.dma_semaphore, #tpu.memory_space<semaphore_mem>>) src(%arg6 : memref<128xf32, #tpu.memory_space<vmem>>) dst(%dma_wait3A_79 : memref<100352xf32, #tpu.memory_space<vmem_shared>>)
        tpu.yield
      }) : () -> ()
      %run_scoped3A_64 = arith.constant 1 : i32
      "tpu.region"() ({
        %run_scoped3A_71 = tpu.sem_alloc : memref<!tpu.dma_semaphore, #tpu.memory_space<semaphore_mem>>
        %dma_start3A = arith.constant 0 : i32
        %dma_start3A_72 = tpu.memref_slice %arg5[%run_scoped3A_64, %dma_start3A] : memref<8x128xi32, #tpu.memory_space<vmem>> -> memref<1x128xi32, #tpu.memory_space<vmem>>
        %dma_start3A_73 = tpu.memref_squeeze %dma_start3A_72 : memref<1x128xi32, #tpu.memory_space<vmem>> -> memref<128xi32, #tpu.memory_space<vmem>>
        %dma_start3A_74 = arith.constant 0 : i32
        %dma_start3A_75 = tpu.memref_slice %arg7[%dma_start3A_74] : memref<100352xf32, #tpu.memory_space<vmem_shared>> -> memref<100352xf32, #tpu.memory_space<vmem_shared>>
        tpu.enqueue_indirect_dma source(%arg6 : memref<128xf32, #tpu.memory_space<vmem>>) target(%dma_start3A_75 : memref<100352xf32, #tpu.memory_space<vmem_shared>>) offsets(%dma_start3A_73 : memref<128xi32, #tpu.memory_space<vmem>>) semaphore(%run_scoped3A_71 : memref<!tpu.dma_semaphore, #tpu.memory_space<semaphore_mem>>) {add = true}
        %dma_wait3A = arith.constant 0 : i32
        %dma_wait3A_76 = tpu.memref_slice %arg5[%run_scoped3A_64, %dma_wait3A] : memref<8x128xi32, #tpu.memory_space<vmem>> -> memref<1x128xi32, #tpu.memory_space<vmem>>
        %dma_wait3A_77 = tpu.memref_squeeze %dma_wait3A_76 : memref<1x128xi32, #tpu.memory_space<vmem>> -> memref<128xi32, #tpu.memory_space<vmem>>
        %dma_wait3A_78 = arith.constant 0 : i32
        %dma_wait3A_79 = tpu.memref_slice %arg7[%dma_wait3A_78] : memref<100352xf32, #tpu.memory_space<vmem_shared>> -> memref<100352xf32, #tpu.memory_space<vmem_shared>>
        tpu.wait_indirect_dma semaphore(%run_scoped3A_71 : memref<!tpu.dma_semaphore, #tpu.memory_space<semaphore_mem>>) src(%arg6 : memref<128xf32, #tpu.memory_space<vmem>>) dst(%dma_wait3A_79 : memref<100352xf32, #tpu.memory_space<vmem_shared>>)
        tpu.yield
      }) : () -> ()
      %run_scoped3A_65 = arith.constant 2 : i32
      "tpu.region"() ({
        %run_scoped3A_71 = tpu.sem_alloc : memref<!tpu.dma_semaphore, #tpu.memory_space<semaphore_mem>>
        %dma_start3A = arith.constant 0 : i32
        %dma_start3A_72 = tpu.memref_slice %arg5[%run_scoped3A_65, %dma_start3A] : memref<8x128xi32, #tpu.memory_space<vmem>> -> memref<1x128xi32, #tpu.memory_space<vmem>>
        %dma_start3A_73 = tpu.memref_squeeze %dma_start3A_72 : memref<1x128xi32, #tpu.memory_space<vmem>> -> memref<128xi32, #tpu.memory_space<vmem>>
        %dma_start3A_74 = arith.constant 0 : i32
        %dma_start3A_75 = tpu.memref_slice %arg7[%dma_start3A_74] : memref<100352xf32, #tpu.memory_space<vmem_shared>> -> memref<100352xf32, #tpu.memory_space<vmem_shared>>
        tpu.enqueue_indirect_dma source(%arg6 : memref<128xf32, #tpu.memory_space<vmem>>) target(%dma_start3A_75 : memref<100352xf32, #tpu.memory_space<vmem_shared>>) offsets(%dma_start3A_73 : memref<128xi32, #tpu.memory_space<vmem>>) semaphore(%run_scoped3A_71 : memref<!tpu.dma_semaphore, #tpu.memory_space<semaphore_mem>>) {add = true}
        %dma_wait3A = arith.constant 0 : i32
        %dma_wait3A_76 = tpu.memref_slice %arg5[%run_scoped3A_65, %dma_wait3A] : memref<8x128xi32, #tpu.memory_space<vmem>> -> memref<1x128xi32, #tpu.memory_space<vmem>>
        %dma_wait3A_77 = tpu.memref_squeeze %dma_wait3A_76 : memref<1x128xi32, #tpu.memory_space<vmem>> -> memref<128xi32, #tpu.memory_space<vmem>>
        %dma_wait3A_78 = arith.constant 0 : i32
        %dma_wait3A_79 = tpu.memref_slice %arg7[%dma_wait3A_78] : memref<100352xf32, #tpu.memory_space<vmem_shared>> -> memref<100352xf32, #tpu.memory_space<vmem_shared>>
        tpu.wait_indirect_dma semaphore(%run_scoped3A_71 : memref<!tpu.dma_semaphore, #tpu.memory_space<semaphore_mem>>) src(%arg6 : memref<128xf32, #tpu.memory_space<vmem>>) dst(%dma_wait3A_79 : memref<100352xf32, #tpu.memory_space<vmem_shared>>)
        tpu.yield
      }) : () -> ()
      %run_scoped3A_66 = arith.constant 3 : i32
      "tpu.region"() ({
        %run_scoped3A_71 = tpu.sem_alloc : memref<!tpu.dma_semaphore, #tpu.memory_space<semaphore_mem>>
        %dma_start3A = arith.constant 0 : i32
        %dma_start3A_72 = tpu.memref_slice %arg5[%run_scoped3A_66, %dma_start3A] : memref<8x128xi32, #tpu.memory_space<vmem>> -> memref<1x128xi32, #tpu.memory_space<vmem>>
        %dma_start3A_73 = tpu.memref_squeeze %dma_start3A_72 : memref<1x128xi32, #tpu.memory_space<vmem>> -> memref<128xi32, #tpu.memory_space<vmem>>
        %dma_start3A_74 = arith.constant 0 : i32
        %dma_start3A_75 = tpu.memref_slice %arg7[%dma_start3A_74] : memref<100352xf32, #tpu.memory_space<vmem_shared>> -> memref<100352xf32, #tpu.memory_space<vmem_shared>>
        tpu.enqueue_indirect_dma source(%arg6 : memref<128xf32, #tpu.memory_space<vmem>>) target(%dma_start3A_75 : memref<100352xf32, #tpu.memory_space<vmem_shared>>) offsets(%dma_start3A_73 : memref<128xi32, #tpu.memory_space<vmem>>) semaphore(%run_scoped3A_71 : memref<!tpu.dma_semaphore, #tpu.memory_space<semaphore_mem>>) {add = true}
        %dma_wait3A = arith.constant 0 : i32
        %dma_wait3A_76 = tpu.memref_slice %arg5[%run_scoped3A_66, %dma_wait3A] : memref<8x128xi32, #tpu.memory_space<vmem>> -> memref<1x128xi32, #tpu.memory_space<vmem>>
        %dma_wait3A_77 = tpu.memref_squeeze %dma_wait3A_76 : memref<1x128xi32, #tpu.memory_space<vmem>> -> memref<128xi32, #tpu.memory_space<vmem>>
        %dma_wait3A_78 = arith.constant 0 : i32
        %dma_wait3A_79 = tpu.memref_slice %arg7[%dma_wait3A_78] : memref<100352xf32, #tpu.memory_space<vmem_shared>> -> memref<100352xf32, #tpu.memory_space<vmem_shared>>
        tpu.wait_indirect_dma semaphore(%run_scoped3A_71 : memref<!tpu.dma_semaphore, #tpu.memory_space<semaphore_mem>>) src(%arg6 : memref<128xf32, #tpu.memory_space<vmem>>) dst(%dma_wait3A_79 : memref<100352xf32, #tpu.memory_space<vmem_shared>>)
        tpu.yield
      }) : () -> ()
      %run_scoped3A_67 = arith.constant 4 : i32
      "tpu.region"() ({
        %run_scoped3A_71 = tpu.sem_alloc : memref<!tpu.dma_semaphore, #tpu.memory_space<semaphore_mem>>
        %dma_start3A = arith.constant 0 : i32
        %dma_start3A_72 = tpu.memref_slice %arg5[%run_scoped3A_67, %dma_start3A] : memref<8x128xi32, #tpu.memory_space<vmem>> -> memref<1x128xi32, #tpu.memory_space<vmem>>
        %dma_start3A_73 = tpu.memref_squeeze %dma_start3A_72 : memref<1x128xi32, #tpu.memory_space<vmem>> -> memref<128xi32, #tpu.memory_space<vmem>>
        %dma_start3A_74 = arith.constant 0 : i32
        %dma_start3A_75 = tpu.memref_slice %arg7[%dma_start3A_74] : memref<100352xf32, #tpu.memory_space<vmem_shared>> -> memref<100352xf32, #tpu.memory_space<vmem_shared>>
        tpu.enqueue_indirect_dma source(%arg6 : memref<128xf32, #tpu.memory_space<vmem>>) target(%dma_start3A_75 : memref<100352xf32, #tpu.memory_space<vmem_shared>>) offsets(%dma_start3A_73 : memref<128xi32, #tpu.memory_space<vmem>>) semaphore(%run_scoped3A_71 : memref<!tpu.dma_semaphore, #tpu.memory_space<semaphore_mem>>) {add = true}
        %dma_wait3A = arith.constant 0 : i32
        %dma_wait3A_76 = tpu.memref_slice %arg5[%run_scoped3A_67, %dma_wait3A] : memref<8x128xi32, #tpu.memory_space<vmem>> -> memref<1x128xi32, #tpu.memory_space<vmem>>
        %dma_wait3A_77 = tpu.memref_squeeze %dma_wait3A_76 : memref<1x128xi32, #tpu.memory_space<vmem>> -> memref<128xi32, #tpu.memory_space<vmem>>
        %dma_wait3A_78 = arith.constant 0 : i32
        %dma_wait3A_79 = tpu.memref_slice %arg7[%dma_wait3A_78] : memref<100352xf32, #tpu.memory_space<vmem_shared>> -> memref<100352xf32, #tpu.memory_space<vmem_shared>>
        tpu.wait_indirect_dma semaphore(%run_scoped3A_71 : memref<!tpu.dma_semaphore, #tpu.memory_space<semaphore_mem>>) src(%arg6 : memref<128xf32, #tpu.memory_space<vmem>>) dst(%dma_wait3A_79 : memref<100352xf32, #tpu.memory_space<vmem_shared>>)
        tpu.yield
      }) : () -> ()
      %run_scoped3A_68 = arith.constant 5 : i32
      "tpu.region"() ({
        %run_scoped3A_71 = tpu.sem_alloc : memref<!tpu.dma_semaphore, #tpu.memory_space<semaphore_mem>>
        %dma_start3A = arith.constant 0 : i32
        %dma_start3A_72 = tpu.memref_slice %arg5[%run_scoped3A_68, %dma_start3A] : memref<8x128xi32, #tpu.memory_space<vmem>> -> memref<1x128xi32, #tpu.memory_space<vmem>>
        %dma_start3A_73 = tpu.memref_squeeze %dma_start3A_72 : memref<1x128xi32, #tpu.memory_space<vmem>> -> memref<128xi32, #tpu.memory_space<vmem>>
        %dma_start3A_74 = arith.constant 0 : i32
        %dma_start3A_75 = tpu.memref_slice %arg7[%dma_start3A_74] : memref<100352xf32, #tpu.memory_space<vmem_shared>> -> memref<100352xf32, #tpu.memory_space<vmem_shared>>
        tpu.enqueue_indirect_dma source(%arg6 : memref<128xf32, #tpu.memory_space<vmem>>) target(%dma_start3A_75 : memref<100352xf32, #tpu.memory_space<vmem_shared>>) offsets(%dma_start3A_73 : memref<128xi32, #tpu.memory_space<vmem>>) semaphore(%run_scoped3A_71 : memref<!tpu.dma_semaphore, #tpu.memory_space<semaphore_mem>>) {add = true}
        %dma_wait3A = arith.constant 0 : i32
        %dma_wait3A_76 = tpu.memref_slice %arg5[%run_scoped3A_68, %dma_wait3A] : memref<8x128xi32, #tpu.memory_space<vmem>> -> memref<1x128xi32, #tpu.memory_space<vmem>>
        %dma_wait3A_77 = tpu.memref_squeeze %dma_wait3A_76 : memref<1x128xi32, #tpu.memory_space<vmem>> -> memref<128xi32, #tpu.memory_space<vmem>>
        %dma_wait3A_78 = arith.constant 0 : i32
        %dma_wait3A_79 = tpu.memref_slice %arg7[%dma_wait3A_78] : memref<100352xf32, #tpu.memory_space<vmem_shared>> -> memref<100352xf32, #tpu.memory_space<vmem_shared>>
        tpu.wait_indirect_dma semaphore(%run_scoped3A_71 : memref<!tpu.dma_semaphore, #tpu.memory_space<semaphore_mem>>) src(%arg6 : memref<128xf32, #tpu.memory_space<vmem>>) dst(%dma_wait3A_79 : memref<100352xf32, #tpu.memory_space<vmem_shared>>)
        tpu.yield
      }) : () -> ()
      %run_scoped3A_69 = arith.constant 6 : i32
      "tpu.region"() ({
        %run_scoped3A_71 = tpu.sem_alloc : memref<!tpu.dma_semaphore, #tpu.memory_space<semaphore_mem>>
        %dma_start3A = arith.constant 0 : i32
        %dma_start3A_72 = tpu.memref_slice %arg5[%run_scoped3A_69, %dma_start3A] : memref<8x128xi32, #tpu.memory_space<vmem>> -> memref<1x128xi32, #tpu.memory_space<vmem>>
        %dma_start3A_73 = tpu.memref_squeeze %dma_start3A_72 : memref<1x128xi32, #tpu.memory_space<vmem>> -> memref<128xi32, #tpu.memory_space<vmem>>
        %dma_start3A_74 = arith.constant 0 : i32
        %dma_start3A_75 = tpu.memref_slice %arg7[%dma_start3A_74] : memref<100352xf32, #tpu.memory_space<vmem_shared>> -> memref<100352xf32, #tpu.memory_space<vmem_shared>>
        tpu.enqueue_indirect_dma source(%arg6 : memref<128xf32, #tpu.memory_space<vmem>>) target(%dma_start3A_75 : memref<100352xf32, #tpu.memory_space<vmem_shared>>) offsets(%dma_start3A_73 : memref<128xi32, #tpu.memory_space<vmem>>) semaphore(%run_scoped3A_71 : memref<!tpu.dma_semaphore, #tpu.memory_space<semaphore_mem>>) {add = true}
        %dma_wait3A = arith.constant 0 : i32
        %dma_wait3A_76 = tpu.memref_slice %arg5[%run_scoped3A_69, %dma_wait3A] : memref<8x128xi32, #tpu.memory_space<vmem>> -> memref<1x128xi32, #tpu.memory_space<vmem>>
        %dma_wait3A_77 = tpu.memref_squeeze %dma_wait3A_76 : memref<1x128xi32, #tpu.memory_space<vmem>> -> memref<128xi32, #tpu.memory_space<vmem>>
        %dma_wait3A_78 = arith.constant 0 : i32
        %dma_wait3A_79 = tpu.memref_slice %arg7[%dma_wait3A_78] : memref<100352xf32, #tpu.memory_space<vmem_shared>> -> memref<100352xf32, #tpu.memory_space<vmem_shared>>
        tpu.wait_indirect_dma semaphore(%run_scoped3A_71 : memref<!tpu.dma_semaphore, #tpu.memory_space<semaphore_mem>>) src(%arg6 : memref<128xf32, #tpu.memory_space<vmem>>) dst(%dma_wait3A_79 : memref<100352xf32, #tpu.memory_space<vmem_shared>>)
        tpu.yield
      }) : () -> ()
      %run_scoped3A_70 = arith.constant 7 : i32
      "tpu.region"() ({
        %run_scoped3A_71 = tpu.sem_alloc : memref<!tpu.dma_semaphore, #tpu.memory_space<semaphore_mem>>
        %dma_start3A = arith.constant 0 : i32
        %dma_start3A_72 = tpu.memref_slice %arg5[%run_scoped3A_70, %dma_start3A] : memref<8x128xi32, #tpu.memory_space<vmem>> -> memref<1x128xi32, #tpu.memory_space<vmem>>
        %dma_start3A_73 = tpu.memref_squeeze %dma_start3A_72 : memref<1x128xi32, #tpu.memory_space<vmem>> -> memref<128xi32, #tpu.memory_space<vmem>>
        %dma_start3A_74 = arith.constant 0 : i32
        %dma_start3A_75 = tpu.memref_slice %arg7[%dma_start3A_74] : memref<100352xf32, #tpu.memory_space<vmem_shared>> -> memref<100352xf32, #tpu.memory_space<vmem_shared>>
        tpu.enqueue_indirect_dma source(%arg6 : memref<128xf32, #tpu.memory_space<vmem>>) target(%dma_start3A_75 : memref<100352xf32, #tpu.memory_space<vmem_shared>>) offsets(%dma_start3A_73 : memref<128xi32, #tpu.memory_space<vmem>>) semaphore(%run_scoped3A_71 : memref<!tpu.dma_semaphore, #tpu.memory_space<semaphore_mem>>) {add = true}
        %dma_wait3A = arith.constant 0 : i32
        %dma_wait3A_76 = tpu.memref_slice %arg5[%run_scoped3A_70, %dma_wait3A] : memref<8x128xi32, #tpu.memory_space<vmem>> -> memref<1x128xi32, #tpu.memory_space<vmem>>
        %dma_wait3A_77 = tpu.memref_squeeze %dma_wait3A_76 : memref<1x128xi32, #tpu.memory_space<vmem>> -> memref<128xi32, #tpu.memory_space<vmem>>
        %dma_wait3A_78 = arith.constant 0 : i32
        %dma_wait3A_79 = tpu.memref_slice %arg7[%dma_wait3A_78] : memref<100352xf32, #tpu.memory_space<vmem_shared>> -> memref<100352xf32, #tpu.memory_space<vmem_shared>>
        tpu.wait_indirect_dma semaphore(%run_scoped3A_71 : memref<!tpu.dma_semaphore, #tpu.memory_space<semaphore_mem>>) src(%arg6 : memref<128xf32, #tpu.memory_space<vmem>>) dst(%dma_wait3A_79 : memref<100352xf32, #tpu.memory_space<vmem_shared>>)
        tpu.yield
      }) : () -> ()
    }
    %scan3A_55 = arith.constant 49 : i32
    %barrier3A_56 = arith.constant 0 : index
    tpu.barrier barrier_id(%barrier3A_56)
    %mul3A_57 = arith.constant 100352 : i32
    %mul3A_58 = arith.muli %arg0, %mul3A_57 : i32
    %add3A_59 = arith.addi %mul3A_58, %mul3A_48 : i32
    "tpu.region"() ({
      %run_scoped3A = tpu.sem_alloc : memref<!tpu.dma_semaphore, #tpu.memory_space<semaphore_mem>>
      %dma_start3A = tpu.memref_slice %arg4[%add3A_59] : memref<200704xf32, #tpu.memory_space<hbm>> -> memref<6272xf32, #tpu.memory_space<hbm>>
      %dma_start3A_60 = tpu.memref_slice %arg7[%mul3A_48] : memref<100352xf32, #tpu.memory_space<vmem_shared>> -> memref<6272xf32, #tpu.memory_space<vmem_shared>>
      tpu.enqueue_dma source(%dma_start3A_60 : memref<6272xf32, #tpu.memory_space<vmem_shared>>) target(%dma_start3A : memref<6272xf32, #tpu.memory_space<hbm>>) target_semaphore(%run_scoped3A : memref<!tpu.dma_semaphore, #tpu.memory_space<semaphore_mem>>)
      %dma_wait3A = tpu.memref_slice %arg4[%add3A_59] : memref<200704xf32, #tpu.memory_space<hbm>> -> memref<6272xf32, #tpu.memory_space<hbm>>
      %dma_wait3A_61 = tpu.memref_slice %arg7[%mul3A_48] : memref<100352xf32, #tpu.memory_space<vmem_shared>> -> memref<6272xf32, #tpu.memory_space<vmem_shared>>
      tpu.wait_dma2 semaphore(%run_scoped3A : memref<!tpu.dma_semaphore, #tpu.memory_space<semaphore_mem>>) src(%dma_wait3A_61 : memref<6272xf32, #tpu.memory_space<vmem_shared>>) dst(%dma_wait3A : memref<6272xf32, #tpu.memory_space<hbm>>)
      tpu.yield
    }) : () -> ()
    return
  }
}

#map = affine_map<(d0, d1) -> (0, 0)>
#map1 = affine_map<(d0, d1) -> (0)>
#map2 = affine_map<(d0, d1) -> (0, 0, 0)>
module attributes {stable_mosaic.version = 14 : i64} {
  func.func @_agg_body(%arg0: i32, %arg1: i32, %arg2: memref<100352x16xf32, #tpu.memory_space<hbm>>, %arg3: memref<100352x16xf32, #tpu.memory_space<hbm>>, %arg4: memref<1605632xi32, #tpu.memory_space<hbm>>, %arg5: memref<1605632xi32, #tpu.memory_space<hbm>>, %arg6: memref<100352x16xf32, #tpu.memory_space<hbm>>, %arg7: memref<2x100352x16xf32, #tpu.memory_space<hbm>>, %arg8: memref<2x100352x16xf32, #tpu.memory_space<hbm>>, %arg9: memref<512xi32, #tpu.memory_space<vmem>>, %arg10: memref<512xi32, #tpu.memory_space<vmem>>, %arg11: memref<512xi32, #tpu.memory_space<vmem>>, %arg12: memref<512xi32, #tpu.memory_space<vmem>>, %arg13: memref<512xi32, #tpu.memory_space<vmem>>, %arg14: memref<512xi32, #tpu.memory_space<vmem>>, %arg15: memref<512x16xf32, #tpu.memory_space<vmem>>, %arg16: memref<512x16xf32, #tpu.memory_space<vmem>>, %arg17: memref<512x16xf32, #tpu.memory_space<vmem>>, %arg18: memref<100352x16xf32, #tpu.memory_space<vmem_shared>>, %arg19: memref<!tpu.dma_semaphore, #tpu.memory_space<semaphore_mem>>, %arg20: memref<!tpu.dma_semaphore, #tpu.memory_space<semaphore_mem>>, %arg21: memref<!tpu.dma_semaphore, #tpu.memory_space<semaphore_mem>>, %arg22: memref<!tpu.dma_semaphore, #tpu.memory_space<semaphore_mem>>, %arg23: memref<!tpu.dma_semaphore, #tpu.memory_space<semaphore_mem>>, %arg24: memref<!tpu.dma_semaphore, #tpu.memory_space<semaphore_mem>>, %arg25: memref<!tpu.dma_semaphore, #tpu.memory_space<semaphore_mem>>, %arg26: memref<!tpu.dma_semaphore, #tpu.memory_space<semaphore_mem>>, %arg27: memref<!tpu.dma_semaphore, #tpu.memory_space<semaphore_mem>>) attributes {dimension_semantics = [#tpu.dimension_semantics<core_parallel>, #tpu.dimension_semantics<subcore_parallel>], iteration_bounds = array<i64: 2, 16>, scalar_prefetch = 0 : i64, scratch_operands = 19 : i64, tpu.core_type = #tpu.core_type<sc_vector_subcore>, window_params = [{transform_indices = #map}, {transform_indices = #map}, {transform_indices = #map1}, {transform_indices = #map1}, {transform_indices = #map}, {transform_indices = #map2}, {transform_indices = #map2}]} {
    %mul3A = arith.constant 2 : i32
    %mul3A_0 = arith.muli %arg1, %mul3A : i32
    %add3A = arith.addi %mul3A_0, %arg0 : i32
    %mul3A_1 = arith.constant 6272 : i32
    %mul3A_2 = arith.muli %arg1, %mul3A_1 : i32
    %mul3A_3 = arith.constant 392 : i32
    %mul3A_4 = arith.muli %add3A, %mul3A_3 : i32
    %mul3A_5 = arith.constant 128 : i32
    %mul3A_6 = arith.muli %mul3A_4, %mul3A_5 : i32
    %eq3A = arith.constant 0 : i32
    %eq3A_7 = arith.cmpi eq, %arg0, %eq3A : i32
    %convert_element_type3A = arith.extui %eq3A_7 : i1 to i32
    %cond3A = arith.constant 0 : i32
    %cond3A_8 = arith.cmpi ne, %convert_element_type3A, %cond3A : i32
    scf.if %cond3A_8 {
      "tpu.region"() ({
        %run_scoped3A = tpu.sem_alloc : memref<!tpu.dma_semaphore, #tpu.memory_space<semaphore_mem>>
        %dma_start3A_276 = arith.constant 0 : i32
        %dma_start3A_277 = tpu.memref_slice %arg18[%mul3A_2, %dma_start3A_276] : memref<100352x16xf32, #tpu.memory_space<vmem_shared>> -> memref<6272x16xf32, #tpu.memory_space<vmem_shared>>
        %dma_start3A_278 = arith.constant 0 : i32
        %dma_start3A_279 = tpu.memref_slice %arg2[%mul3A_2, %dma_start3A_278] : memref<100352x16xf32, #tpu.memory_space<hbm>> -> memref<6272x16xf32, #tpu.memory_space<hbm>>
        tpu.enqueue_dma source(%dma_start3A_279 : memref<6272x16xf32, #tpu.memory_space<hbm>>) target(%dma_start3A_277 : memref<6272x16xf32, #tpu.memory_space<vmem_shared>>) target_semaphore(%run_scoped3A : memref<!tpu.dma_semaphore, #tpu.memory_space<semaphore_mem>>)
        %dma_wait3A_280 = arith.constant 0 : i32
        %dma_wait3A_281 = tpu.memref_slice %arg18[%mul3A_2, %dma_wait3A_280] : memref<100352x16xf32, #tpu.memory_space<vmem_shared>> -> memref<6272x16xf32, #tpu.memory_space<vmem_shared>>
        %dma_wait3A_282 = arith.constant 0 : i32
        %dma_wait3A_283 = tpu.memref_slice %arg2[%mul3A_2, %dma_wait3A_282] : memref<100352x16xf32, #tpu.memory_space<hbm>> -> memref<6272x16xf32, #tpu.memory_space<hbm>>
        tpu.wait_dma2 semaphore(%run_scoped3A : memref<!tpu.dma_semaphore, #tpu.memory_space<semaphore_mem>>) src(%dma_wait3A_283 : memref<6272x16xf32, #tpu.memory_space<hbm>>) dst(%dma_wait3A_281 : memref<6272x16xf32, #tpu.memory_space<vmem_shared>>)
        tpu.yield
      }) : () -> ()
    } else {
    }
    %ne3A = arith.constant 0 : i32
    %ne3A_9 = arith.cmpi ne, %arg0, %ne3A : i32
    %convert_element_type3A_10 = arith.extui %ne3A_9 : i1 to i32
    %cond3A_11 = arith.constant 0 : i32
    %cond3A_12 = arith.cmpi ne, %convert_element_type3A_10, %cond3A_11 : i32
    scf.if %cond3A_12 {
      "tpu.region"() ({
        %run_scoped3A = tpu.sem_alloc : memref<!tpu.dma_semaphore, #tpu.memory_space<semaphore_mem>>
        %dma_start3A_276 = arith.constant 0 : i32
        %dma_start3A_277 = tpu.memref_slice %arg18[%mul3A_2, %dma_start3A_276] : memref<100352x16xf32, #tpu.memory_space<vmem_shared>> -> memref<6272x16xf32, #tpu.memory_space<vmem_shared>>
        %dma_start3A_278 = arith.constant 0 : i32
        %dma_start3A_279 = tpu.memref_slice %arg6[%mul3A_2, %dma_start3A_278] : memref<100352x16xf32, #tpu.memory_space<hbm>> -> memref<6272x16xf32, #tpu.memory_space<hbm>>
        tpu.enqueue_dma source(%dma_start3A_279 : memref<6272x16xf32, #tpu.memory_space<hbm>>) target(%dma_start3A_277 : memref<6272x16xf32, #tpu.memory_space<vmem_shared>>) target_semaphore(%run_scoped3A : memref<!tpu.dma_semaphore, #tpu.memory_space<semaphore_mem>>)
        %dma_wait3A_280 = arith.constant 0 : i32
        %dma_wait3A_281 = tpu.memref_slice %arg18[%mul3A_2, %dma_wait3A_280] : memref<100352x16xf32, #tpu.memory_space<vmem_shared>> -> memref<6272x16xf32, #tpu.memory_space<vmem_shared>>
        %dma_wait3A_282 = arith.constant 0 : i32
        %dma_wait3A_283 = tpu.memref_slice %arg6[%mul3A_2, %dma_wait3A_282] : memref<100352x16xf32, #tpu.memory_space<hbm>> -> memref<6272x16xf32, #tpu.memory_space<hbm>>
        tpu.wait_dma2 semaphore(%run_scoped3A : memref<!tpu.dma_semaphore, #tpu.memory_space<semaphore_mem>>) src(%dma_wait3A_283 : memref<6272x16xf32, #tpu.memory_space<hbm>>) dst(%dma_wait3A_281 : memref<6272x16xf32, #tpu.memory_space<vmem_shared>>)
        tpu.yield
      }) : () -> ()
    } else {
    }
    %barrier3A = arith.constant 0 : index
    tpu.barrier barrier_id(%barrier3A)
    %add3A_13 = arith.constant 0 : i32
    %add3A_14 = arith.addi %mul3A_6, %add3A_13 : i32
    %dma_start3A = tpu.memref_slice %arg4[%add3A_14] : memref<1605632xi32, #tpu.memory_space<hbm>> -> memref<512xi32, #tpu.memory_space<hbm>>
    %dma_start3A_15 = tpu.memref_slice %arg4[%add3A_14] : memref<1605632xi32, #tpu.memory_space<hbm>> -> memref<512xi32, #tpu.memory_space<hbm>>
    tpu.enqueue_dma source(%dma_start3A_15 : memref<512xi32, #tpu.memory_space<hbm>>) target(%arg9 : memref<512xi32, #tpu.memory_space<vmem>>) target_semaphore(%arg25 : memref<!tpu.dma_semaphore, #tpu.memory_space<semaphore_mem>>)
    %add3A_16 = arith.constant 0 : i32
    %add3A_17 = arith.addi %mul3A_6, %add3A_16 : i32
    %dma_start3A_18 = tpu.memref_slice %arg5[%add3A_17] : memref<1605632xi32, #tpu.memory_space<hbm>> -> memref<512xi32, #tpu.memory_space<hbm>>
    %dma_start3A_19 = tpu.memref_slice %arg5[%add3A_17] : memref<1605632xi32, #tpu.memory_space<hbm>> -> memref<512xi32, #tpu.memory_space<hbm>>
    tpu.enqueue_dma source(%dma_start3A_19 : memref<512xi32, #tpu.memory_space<hbm>>) target(%arg10 : memref<512xi32, #tpu.memory_space<vmem>>) target_semaphore(%arg25 : memref<!tpu.dma_semaphore, #tpu.memory_space<semaphore_mem>>)
    %add3A_20 = arith.constant 512 : i32
    %add3A_21 = arith.addi %mul3A_6, %add3A_20 : i32
    %dma_start3A_22 = tpu.memref_slice %arg4[%add3A_21] : memref<1605632xi32, #tpu.memory_space<hbm>> -> memref<512xi32, #tpu.memory_space<hbm>>
    %dma_start3A_23 = tpu.memref_slice %arg4[%add3A_21] : memref<1605632xi32, #tpu.memory_space<hbm>> -> memref<512xi32, #tpu.memory_space<hbm>>
    tpu.enqueue_dma source(%dma_start3A_23 : memref<512xi32, #tpu.memory_space<hbm>>) target(%arg11 : memref<512xi32, #tpu.memory_space<vmem>>) target_semaphore(%arg26 : memref<!tpu.dma_semaphore, #tpu.memory_space<semaphore_mem>>)
    %add3A_24 = arith.constant 512 : i32
    %add3A_25 = arith.addi %mul3A_6, %add3A_24 : i32
    %dma_start3A_26 = tpu.memref_slice %arg5[%add3A_25] : memref<1605632xi32, #tpu.memory_space<hbm>> -> memref<512xi32, #tpu.memory_space<hbm>>
    %dma_start3A_27 = tpu.memref_slice %arg5[%add3A_25] : memref<1605632xi32, #tpu.memory_space<hbm>> -> memref<512xi32, #tpu.memory_space<hbm>>
    tpu.enqueue_dma source(%dma_start3A_27 : memref<512xi32, #tpu.memory_space<hbm>>) target(%arg12 : memref<512xi32, #tpu.memory_space<vmem>>) target_semaphore(%arg26 : memref<!tpu.dma_semaphore, #tpu.memory_space<semaphore_mem>>)
    %add3A_28 = arith.constant 1024 : i32
    %add3A_29 = arith.addi %mul3A_6, %add3A_28 : i32
    %dma_start3A_30 = tpu.memref_slice %arg4[%add3A_29] : memref<1605632xi32, #tpu.memory_space<hbm>> -> memref<512xi32, #tpu.memory_space<hbm>>
    %dma_start3A_31 = tpu.memref_slice %arg4[%add3A_29] : memref<1605632xi32, #tpu.memory_space<hbm>> -> memref<512xi32, #tpu.memory_space<hbm>>
    tpu.enqueue_dma source(%dma_start3A_31 : memref<512xi32, #tpu.memory_space<hbm>>) target(%arg13 : memref<512xi32, #tpu.memory_space<vmem>>) target_semaphore(%arg27 : memref<!tpu.dma_semaphore, #tpu.memory_space<semaphore_mem>>)
    %add3A_32 = arith.constant 1024 : i32
    %add3A_33 = arith.addi %mul3A_6, %add3A_32 : i32
    %dma_start3A_34 = tpu.memref_slice %arg5[%add3A_33] : memref<1605632xi32, #tpu.memory_space<hbm>> -> memref<512xi32, #tpu.memory_space<hbm>>
    %dma_start3A_35 = tpu.memref_slice %arg5[%add3A_33] : memref<1605632xi32, #tpu.memory_space<hbm>> -> memref<512xi32, #tpu.memory_space<hbm>>
    tpu.enqueue_dma source(%dma_start3A_35 : memref<512xi32, #tpu.memory_space<hbm>>) target(%arg14 : memref<512xi32, #tpu.memory_space<vmem>>) target_semaphore(%arg27 : memref<!tpu.dma_semaphore, #tpu.memory_space<semaphore_mem>>)
    %dma_wait3A = tpu.memref_slice %arg4[%mul3A_6] : memref<1605632xi32, #tpu.memory_space<hbm>> -> memref<512xi32, #tpu.memory_space<hbm>>
    %dma_wait3A_36 = tpu.memref_slice %arg4[%mul3A_6] : memref<1605632xi32, #tpu.memory_space<hbm>> -> memref<512xi32, #tpu.memory_space<hbm>>
    tpu.wait_dma2 semaphore(%arg25 : memref<!tpu.dma_semaphore, #tpu.memory_space<semaphore_mem>>) src(%dma_wait3A_36 : memref<512xi32, #tpu.memory_space<hbm>>) dst(%arg9 : memref<512xi32, #tpu.memory_space<vmem>>)
    %dma_wait3A_37 = tpu.memref_slice %arg5[%mul3A_6] : memref<1605632xi32, #tpu.memory_space<hbm>> -> memref<512xi32, #tpu.memory_space<hbm>>
    %dma_wait3A_38 = tpu.memref_slice %arg5[%mul3A_6] : memref<1605632xi32, #tpu.memory_space<hbm>> -> memref<512xi32, #tpu.memory_space<hbm>>
    tpu.wait_dma2 semaphore(%arg25 : memref<!tpu.dma_semaphore, #tpu.memory_space<semaphore_mem>>) src(%dma_wait3A_38 : memref<512xi32, #tpu.memory_space<hbm>>) dst(%arg10 : memref<512xi32, #tpu.memory_space<vmem>>)
    %dma_start3A_39 = arith.constant 0 : i32
    %dma_start3A_40 = arith.constant 0 : i32
    %dma_start3A_41 = tpu.memref_slice %arg2[%dma_start3A_39, %dma_start3A_40] : memref<100352x16xf32, #tpu.memory_space<hbm>> -> memref<100352x16xf32, #tpu.memory_space<hbm>>
    tpu.enqueue_indirect_dma source(%dma_start3A_41 : memref<100352x16xf32, #tpu.memory_space<hbm>>) target(%arg15 : memref<512x16xf32, #tpu.memory_space<vmem>>) offsets(%arg9 : memref<512xi32, #tpu.memory_space<vmem>>) semaphore(%arg19 : memref<!tpu.dma_semaphore, #tpu.memory_space<semaphore_mem>>)
    %dma_wait3A_42 = tpu.memref_slice %arg4[%mul3A_6] : memref<1605632xi32, #tpu.memory_space<hbm>> -> memref<512xi32, #tpu.memory_space<hbm>>
    %dma_wait3A_43 = tpu.memref_slice %arg4[%mul3A_6] : memref<1605632xi32, #tpu.memory_space<hbm>> -> memref<512xi32, #tpu.memory_space<hbm>>
    tpu.wait_dma2 semaphore(%arg26 : memref<!tpu.dma_semaphore, #tpu.memory_space<semaphore_mem>>) src(%dma_wait3A_43 : memref<512xi32, #tpu.memory_space<hbm>>) dst(%arg11 : memref<512xi32, #tpu.memory_space<vmem>>)
    %dma_wait3A_44 = tpu.memref_slice %arg5[%mul3A_6] : memref<1605632xi32, #tpu.memory_space<hbm>> -> memref<512xi32, #tpu.memory_space<hbm>>
    %dma_wait3A_45 = tpu.memref_slice %arg5[%mul3A_6] : memref<1605632xi32, #tpu.memory_space<hbm>> -> memref<512xi32, #tpu.memory_space<hbm>>
    tpu.wait_dma2 semaphore(%arg26 : memref<!tpu.dma_semaphore, #tpu.memory_space<semaphore_mem>>) src(%dma_wait3A_45 : memref<512xi32, #tpu.memory_space<hbm>>) dst(%arg12 : memref<512xi32, #tpu.memory_space<vmem>>)
    %dma_start3A_46 = arith.constant 0 : i32
    %dma_start3A_47 = arith.constant 0 : i32
    %dma_start3A_48 = tpu.memref_slice %arg2[%dma_start3A_46, %dma_start3A_47] : memref<100352x16xf32, #tpu.memory_space<hbm>> -> memref<100352x16xf32, #tpu.memory_space<hbm>>
    tpu.enqueue_indirect_dma source(%dma_start3A_48 : memref<100352x16xf32, #tpu.memory_space<hbm>>) target(%arg16 : memref<512x16xf32, #tpu.memory_space<vmem>>) offsets(%arg11 : memref<512xi32, #tpu.memory_space<vmem>>) semaphore(%arg20 : memref<!tpu.dma_semaphore, #tpu.memory_space<semaphore_mem>>)
    %dma_wait3A_49 = arith.constant 0 : i32
    %dma_wait3A_50 = arith.constant 0 : i32
    %dma_wait3A_51 = tpu.memref_slice %arg2[%dma_wait3A_49, %dma_wait3A_50] : memref<100352x16xf32, #tpu.memory_space<hbm>> -> memref<100352x16xf32, #tpu.memory_space<hbm>>
    tpu.wait_indirect_dma semaphore(%arg19 : memref<!tpu.dma_semaphore, #tpu.memory_space<semaphore_mem>>) src(%dma_wait3A_51 : memref<100352x16xf32, #tpu.memory_space<hbm>>) dst(%arg15 : memref<512x16xf32, #tpu.memory_space<vmem>>)
    %dma_start3A_52 = arith.constant 0 : i32
    %dma_start3A_53 = arith.constant 0 : i32
    %dma_start3A_54 = tpu.memref_slice %arg18[%dma_start3A_52, %dma_start3A_53] : memref<100352x16xf32, #tpu.memory_space<vmem_shared>> -> memref<100352x16xf32, #tpu.memory_space<vmem_shared>>
    tpu.enqueue_indirect_dma source(%arg15 : memref<512x16xf32, #tpu.memory_space<vmem>>) target(%dma_start3A_54 : memref<100352x16xf32, #tpu.memory_space<vmem_shared>>) offsets(%arg10 : memref<512xi32, #tpu.memory_space<vmem>>) semaphore(%arg22 : memref<!tpu.dma_semaphore, #tpu.memory_space<semaphore_mem>>) {add = true}
    %dma_wait3A_55 = arith.constant 0 : i32
    %dma_wait3A_56 = arith.constant 0 : i32
    %dma_wait3A_57 = tpu.memref_slice %arg18[%dma_wait3A_55, %dma_wait3A_56] : memref<100352x16xf32, #tpu.memory_space<vmem_shared>> -> memref<100352x16xf32, #tpu.memory_space<vmem_shared>>
    tpu.wait_indirect_dma semaphore(%arg22 : memref<!tpu.dma_semaphore, #tpu.memory_space<semaphore_mem>>) src(%arg15 : memref<512x16xf32, #tpu.memory_space<vmem>>) dst(%dma_wait3A_57 : memref<100352x16xf32, #tpu.memory_space<vmem_shared>>)
    %add3A_58 = arith.constant 1536 : i32
    %add3A_59 = arith.addi %mul3A_6, %add3A_58 : i32
    %dma_start3A_60 = tpu.memref_slice %arg4[%add3A_59] : memref<1605632xi32, #tpu.memory_space<hbm>> -> memref<512xi32, #tpu.memory_space<hbm>>
    %dma_start3A_61 = tpu.memref_slice %arg4[%add3A_59] : memref<1605632xi32, #tpu.memory_space<hbm>> -> memref<512xi32, #tpu.memory_space<hbm>>
    tpu.enqueue_dma source(%dma_start3A_61 : memref<512xi32, #tpu.memory_space<hbm>>) target(%arg9 : memref<512xi32, #tpu.memory_space<vmem>>) target_semaphore(%arg25 : memref<!tpu.dma_semaphore, #tpu.memory_space<semaphore_mem>>)
    %add3A_62 = arith.constant 1536 : i32
    %add3A_63 = arith.addi %mul3A_6, %add3A_62 : i32
    %dma_start3A_64 = tpu.memref_slice %arg5[%add3A_63] : memref<1605632xi32, #tpu.memory_space<hbm>> -> memref<512xi32, #tpu.memory_space<hbm>>
    %dma_start3A_65 = tpu.memref_slice %arg5[%add3A_63] : memref<1605632xi32, #tpu.memory_space<hbm>> -> memref<512xi32, #tpu.memory_space<hbm>>
    tpu.enqueue_dma source(%dma_start3A_65 : memref<512xi32, #tpu.memory_space<hbm>>) target(%arg10 : memref<512xi32, #tpu.memory_space<vmem>>) target_semaphore(%arg25 : memref<!tpu.dma_semaphore, #tpu.memory_space<semaphore_mem>>)
    %dma_wait3A_66 = tpu.memref_slice %arg4[%mul3A_6] : memref<1605632xi32, #tpu.memory_space<hbm>> -> memref<512xi32, #tpu.memory_space<hbm>>
    %dma_wait3A_67 = tpu.memref_slice %arg4[%mul3A_6] : memref<1605632xi32, #tpu.memory_space<hbm>> -> memref<512xi32, #tpu.memory_space<hbm>>
    tpu.wait_dma2 semaphore(%arg27 : memref<!tpu.dma_semaphore, #tpu.memory_space<semaphore_mem>>) src(%dma_wait3A_67 : memref<512xi32, #tpu.memory_space<hbm>>) dst(%arg13 : memref<512xi32, #tpu.memory_space<vmem>>)
    %dma_wait3A_68 = tpu.memref_slice %arg5[%mul3A_6] : memref<1605632xi32, #tpu.memory_space<hbm>> -> memref<512xi32, #tpu.memory_space<hbm>>
    %dma_wait3A_69 = tpu.memref_slice %arg5[%mul3A_6] : memref<1605632xi32, #tpu.memory_space<hbm>> -> memref<512xi32, #tpu.memory_space<hbm>>
    tpu.wait_dma2 semaphore(%arg27 : memref<!tpu.dma_semaphore, #tpu.memory_space<semaphore_mem>>) src(%dma_wait3A_69 : memref<512xi32, #tpu.memory_space<hbm>>) dst(%arg14 : memref<512xi32, #tpu.memory_space<vmem>>)
    %dma_start3A_70 = arith.constant 0 : i32
    %dma_start3A_71 = arith.constant 0 : i32
    %dma_start3A_72 = tpu.memref_slice %arg2[%dma_start3A_70, %dma_start3A_71] : memref<100352x16xf32, #tpu.memory_space<hbm>> -> memref<100352x16xf32, #tpu.memory_space<hbm>>
    tpu.enqueue_indirect_dma source(%dma_start3A_72 : memref<100352x16xf32, #tpu.memory_space<hbm>>) target(%arg17 : memref<512x16xf32, #tpu.memory_space<vmem>>) offsets(%arg13 : memref<512xi32, #tpu.memory_space<vmem>>) semaphore(%arg21 : memref<!tpu.dma_semaphore, #tpu.memory_space<semaphore_mem>>)
    %dma_wait3A_73 = arith.constant 0 : i32
    %dma_wait3A_74 = arith.constant 0 : i32
    %dma_wait3A_75 = tpu.memref_slice %arg2[%dma_wait3A_73, %dma_wait3A_74] : memref<100352x16xf32, #tpu.memory_space<hbm>> -> memref<100352x16xf32, #tpu.memory_space<hbm>>
    tpu.wait_indirect_dma semaphore(%arg20 : memref<!tpu.dma_semaphore, #tpu.memory_space<semaphore_mem>>) src(%dma_wait3A_75 : memref<100352x16xf32, #tpu.memory_space<hbm>>) dst(%arg16 : memref<512x16xf32, #tpu.memory_space<vmem>>)
    %dma_start3A_76 = arith.constant 0 : i32
    %dma_start3A_77 = arith.constant 0 : i32
    %dma_start3A_78 = tpu.memref_slice %arg18[%dma_start3A_76, %dma_start3A_77] : memref<100352x16xf32, #tpu.memory_space<vmem_shared>> -> memref<100352x16xf32, #tpu.memory_space<vmem_shared>>
    tpu.enqueue_indirect_dma source(%arg16 : memref<512x16xf32, #tpu.memory_space<vmem>>) target(%dma_start3A_78 : memref<100352x16xf32, #tpu.memory_space<vmem_shared>>) offsets(%arg12 : memref<512xi32, #tpu.memory_space<vmem>>) semaphore(%arg23 : memref<!tpu.dma_semaphore, #tpu.memory_space<semaphore_mem>>) {add = true}
    %scan3A = arith.constant 0 : i32
    %scan3A_79 = arith.constant 0 : i32
    %scan3A_80 = arith.constant 31 : i32
    %scan3A_81 = arith.addi %scan3A_79, %scan3A_80 : i32
    %scan3A_82 = arith.constant 1 : i32
    scf.for %scan3A_276 = %scan3A_79 to %scan3A_81 step %scan3A_82  : i32 {
      %mul3A_277 = arith.constant 3 : i32
      %mul3A_278 = arith.muli %mul3A_277, %scan3A_276 : i32
      %add3A_279 = arith.constant 2 : i32
      %add3A_280 = arith.addi %mul3A_278, %add3A_279 : i32
      %add3A_281 = arith.constant 0 : i32
      %add3A_282 = arith.addi %add3A_280, %add3A_281 : i32
      %dma_wait3A_283 = arith.constant 0 : i32
      %dma_wait3A_284 = arith.constant 0 : i32
      %dma_wait3A_285 = tpu.memref_slice %arg18[%dma_wait3A_283, %dma_wait3A_284] : memref<100352x16xf32, #tpu.memory_space<vmem_shared>> -> memref<100352x16xf32, #tpu.memory_space<vmem_shared>>
      tpu.wait_indirect_dma semaphore(%arg23 : memref<!tpu.dma_semaphore, #tpu.memory_space<semaphore_mem>>) src(%arg16 : memref<512x16xf32, #tpu.memory_space<vmem>>) dst(%dma_wait3A_285 : memref<100352x16xf32, #tpu.memory_space<vmem_shared>>)
      %add3A_286 = arith.constant 2 : i32
      %add3A_287 = arith.addi %add3A_282, %add3A_286 : i32
      %mul3A_288 = arith.constant 512 : i32
      %mul3A_289 = arith.muli %add3A_287, %mul3A_288 : i32
      %add3A_290 = arith.addi %mul3A_6, %mul3A_289 : i32
      %dma_start3A_291 = tpu.memref_slice %arg4[%add3A_290] : memref<1605632xi32, #tpu.memory_space<hbm>> -> memref<512xi32, #tpu.memory_space<hbm>>
      %dma_start3A_292 = tpu.memref_slice %arg4[%add3A_290] : memref<1605632xi32, #tpu.memory_space<hbm>> -> memref<512xi32, #tpu.memory_space<hbm>>
      tpu.enqueue_dma source(%dma_start3A_292 : memref<512xi32, #tpu.memory_space<hbm>>) target(%arg11 : memref<512xi32, #tpu.memory_space<vmem>>) target_semaphore(%arg26 : memref<!tpu.dma_semaphore, #tpu.memory_space<semaphore_mem>>)
      %mul3A_293 = arith.constant 512 : i32
      %mul3A_294 = arith.muli %add3A_287, %mul3A_293 : i32
      %add3A_295 = arith.addi %mul3A_6, %mul3A_294 : i32
      %dma_start3A_296 = tpu.memref_slice %arg5[%add3A_295] : memref<1605632xi32, #tpu.memory_space<hbm>> -> memref<512xi32, #tpu.memory_space<hbm>>
      %dma_start3A_297 = tpu.memref_slice %arg5[%add3A_295] : memref<1605632xi32, #tpu.memory_space<hbm>> -> memref<512xi32, #tpu.memory_space<hbm>>
      tpu.enqueue_dma source(%dma_start3A_297 : memref<512xi32, #tpu.memory_space<hbm>>) target(%arg12 : memref<512xi32, #tpu.memory_space<vmem>>) target_semaphore(%arg26 : memref<!tpu.dma_semaphore, #tpu.memory_space<semaphore_mem>>)
      %dma_wait3A_298 = tpu.memref_slice %arg4[%mul3A_6] : memref<1605632xi32, #tpu.memory_space<hbm>> -> memref<512xi32, #tpu.memory_space<hbm>>
      %dma_wait3A_299 = tpu.memref_slice %arg4[%mul3A_6] : memref<1605632xi32, #tpu.memory_space<hbm>> -> memref<512xi32, #tpu.memory_space<hbm>>
      tpu.wait_dma2 semaphore(%arg25 : memref<!tpu.dma_semaphore, #tpu.memory_space<semaphore_mem>>) src(%dma_wait3A_299 : memref<512xi32, #tpu.memory_space<hbm>>) dst(%arg9 : memref<512xi32, #tpu.memory_space<vmem>>)
      %dma_wait3A_300 = tpu.memref_slice %arg5[%mul3A_6] : memref<1605632xi32, #tpu.memory_space<hbm>> -> memref<512xi32, #tpu.memory_space<hbm>>
      %dma_wait3A_301 = tpu.memref_slice %arg5[%mul3A_6] : memref<1605632xi32, #tpu.memory_space<hbm>> -> memref<512xi32, #tpu.memory_space<hbm>>
      tpu.wait_dma2 semaphore(%arg25 : memref<!tpu.dma_semaphore, #tpu.memory_space<semaphore_mem>>) src(%dma_wait3A_301 : memref<512xi32, #tpu.memory_space<hbm>>) dst(%arg10 : memref<512xi32, #tpu.memory_space<vmem>>)
      %dma_start3A_302 = arith.constant 0 : i32
      %dma_start3A_303 = arith.constant 0 : i32
      %dma_start3A_304 = tpu.memref_slice %arg2[%dma_start3A_302, %dma_start3A_303] : memref<100352x16xf32, #tpu.memory_space<hbm>> -> memref<100352x16xf32, #tpu.memory_space<hbm>>
      tpu.enqueue_indirect_dma source(%dma_start3A_304 : memref<100352x16xf32, #tpu.memory_space<hbm>>) target(%arg15 : memref<512x16xf32, #tpu.memory_space<vmem>>) offsets(%arg9 : memref<512xi32, #tpu.memory_space<vmem>>) semaphore(%arg19 : memref<!tpu.dma_semaphore, #tpu.memory_space<semaphore_mem>>)
      %dma_wait3A_305 = arith.constant 0 : i32
      %dma_wait3A_306 = arith.constant 0 : i32
      %dma_wait3A_307 = tpu.memref_slice %arg2[%dma_wait3A_305, %dma_wait3A_306] : memref<100352x16xf32, #tpu.memory_space<hbm>> -> memref<100352x16xf32, #tpu.memory_space<hbm>>
      tpu.wait_indirect_dma semaphore(%arg21 : memref<!tpu.dma_semaphore, #tpu.memory_space<semaphore_mem>>) src(%dma_wait3A_307 : memref<100352x16xf32, #tpu.memory_space<hbm>>) dst(%arg17 : memref<512x16xf32, #tpu.memory_space<vmem>>)
      %dma_start3A_308 = arith.constant 0 : i32
      %dma_start3A_309 = arith.constant 0 : i32
      %dma_start3A_310 = tpu.memref_slice %arg18[%dma_start3A_308, %dma_start3A_309] : memref<100352x16xf32, #tpu.memory_space<vmem_shared>> -> memref<100352x16xf32, #tpu.memory_space<vmem_shared>>
      tpu.enqueue_indirect_dma source(%arg17 : memref<512x16xf32, #tpu.memory_space<vmem>>) target(%dma_start3A_310 : memref<100352x16xf32, #tpu.memory_space<vmem_shared>>) offsets(%arg14 : memref<512xi32, #tpu.memory_space<vmem>>) semaphore(%arg24 : memref<!tpu.dma_semaphore, #tpu.memory_space<semaphore_mem>>) {add = true}
      %mul3A_311 = arith.constant 3 : i32
      %mul3A_312 = arith.muli %mul3A_311, %scan3A_276 : i32
      %add3A_313 = arith.constant 2 : i32
      %add3A_314 = arith.addi %mul3A_312, %add3A_313 : i32
      %add3A_315 = arith.constant 1 : i32
      %add3A_316 = arith.addi %add3A_314, %add3A_315 : i32
      %dma_wait3A_317 = arith.constant 0 : i32
      %dma_wait3A_318 = arith.constant 0 : i32
      %dma_wait3A_319 = tpu.memref_slice %arg18[%dma_wait3A_317, %dma_wait3A_318] : memref<100352x16xf32, #tpu.memory_space<vmem_shared>> -> memref<100352x16xf32, #tpu.memory_space<vmem_shared>>
      tpu.wait_indirect_dma semaphore(%arg24 : memref<!tpu.dma_semaphore, #tpu.memory_space<semaphore_mem>>) src(%arg17 : memref<512x16xf32, #tpu.memory_space<vmem>>) dst(%dma_wait3A_319 : memref<100352x16xf32, #tpu.memory_space<vmem_shared>>)
      %add3A_320 = arith.constant 2 : i32
      %add3A_321 = arith.addi %add3A_316, %add3A_320 : i32
      %mul3A_322 = arith.constant 512 : i32
      %mul3A_323 = arith.muli %add3A_321, %mul3A_322 : i32
      %add3A_324 = arith.addi %mul3A_6, %mul3A_323 : i32
      %dma_start3A_325 = tpu.memref_slice %arg4[%add3A_324] : memref<1605632xi32, #tpu.memory_space<hbm>> -> memref<512xi32, #tpu.memory_space<hbm>>
      %dma_start3A_326 = tpu.memref_slice %arg4[%add3A_324] : memref<1605632xi32, #tpu.memory_space<hbm>> -> memref<512xi32, #tpu.memory_space<hbm>>
      tpu.enqueue_dma source(%dma_start3A_326 : memref<512xi32, #tpu.memory_space<hbm>>) target(%arg13 : memref<512xi32, #tpu.memory_space<vmem>>) target_semaphore(%arg27 : memref<!tpu.dma_semaphore, #tpu.memory_space<semaphore_mem>>)
      %mul3A_327 = arith.constant 512 : i32
      %mul3A_328 = arith.muli %add3A_321, %mul3A_327 : i32
      %add3A_329 = arith.addi %mul3A_6, %mul3A_328 : i32
      %dma_start3A_330 = tpu.memref_slice %arg5[%add3A_329] : memref<1605632xi32, #tpu.memory_space<hbm>> -> memref<512xi32, #tpu.memory_space<hbm>>
      %dma_start3A_331 = tpu.memref_slice %arg5[%add3A_329] : memref<1605632xi32, #tpu.memory_space<hbm>> -> memref<512xi32, #tpu.memory_space<hbm>>
      tpu.enqueue_dma source(%dma_start3A_331 : memref<512xi32, #tpu.memory_space<hbm>>) target(%arg14 : memref<512xi32, #tpu.memory_space<vmem>>) target_semaphore(%arg27 : memref<!tpu.dma_semaphore, #tpu.memory_space<semaphore_mem>>)
      %dma_wait3A_332 = tpu.memref_slice %arg4[%mul3A_6] : memref<1605632xi32, #tpu.memory_space<hbm>> -> memref<512xi32, #tpu.memory_space<hbm>>
      %dma_wait3A_333 = tpu.memref_slice %arg4[%mul3A_6] : memref<1605632xi32, #tpu.memory_space<hbm>> -> memref<512xi32, #tpu.memory_space<hbm>>
      tpu.wait_dma2 semaphore(%arg26 : memref<!tpu.dma_semaphore, #tpu.memory_space<semaphore_mem>>) src(%dma_wait3A_333 : memref<512xi32, #tpu.memory_space<hbm>>) dst(%arg11 : memref<512xi32, #tpu.memory_space<vmem>>)
      %dma_wait3A_334 = tpu.memref_slice %arg5[%mul3A_6] : memref<1605632xi32, #tpu.memory_space<hbm>> -> memref<512xi32, #tpu.memory_space<hbm>>
      %dma_wait3A_335 = tpu.memref_slice %arg5[%mul3A_6] : memref<1605632xi32, #tpu.memory_space<hbm>> -> memref<512xi32, #tpu.memory_space<hbm>>
      tpu.wait_dma2 semaphore(%arg26 : memref<!tpu.dma_semaphore, #tpu.memory_space<semaphore_mem>>) src(%dma_wait3A_335 : memref<512xi32, #tpu.memory_space<hbm>>) dst(%arg12 : memref<512xi32, #tpu.memory_space<vmem>>)
      %dma_start3A_336 = arith.constant 0 : i32
      %dma_start3A_337 = arith.constant 0 : i32
      %dma_start3A_338 = tpu.memref_slice %arg2[%dma_start3A_336, %dma_start3A_337] : memref<100352x16xf32, #tpu.memory_space<hbm>> -> memref<100352x16xf32, #tpu.memory_space<hbm>>
      tpu.enqueue_indirect_dma source(%dma_start3A_338 : memref<100352x16xf32, #tpu.memory_space<hbm>>) target(%arg16 : memref<512x16xf32, #tpu.memory_space<vmem>>) offsets(%arg11 : memref<512xi32, #tpu.memory_space<vmem>>) semaphore(%arg20 : memref<!tpu.dma_semaphore, #tpu.memory_space<semaphore_mem>>)
      %dma_wait3A_339 = arith.constant 0 : i32
      %dma_wait3A_340 = arith.constant 0 : i32
      %dma_wait3A_341 = tpu.memref_slice %arg2[%dma_wait3A_339, %dma_wait3A_340] : memref<100352x16xf32, #tpu.memory_space<hbm>> -> memref<100352x16xf32, #tpu.memory_space<hbm>>
      tpu.wait_indirect_dma semaphore(%arg19 : memref<!tpu.dma_semaphore, #tpu.memory_space<semaphore_mem>>) src(%dma_wait3A_341 : memref<100352x16xf32, #tpu.memory_space<hbm>>) dst(%arg15 : memref<512x16xf32, #tpu.memory_space<vmem>>)
      %dma_start3A_342 = arith.constant 0 : i32
      %dma_start3A_343 = arith.constant 0 : i32
      %dma_start3A_344 = tpu.memref_slice %arg18[%dma_start3A_342, %dma_start3A_343] : memref<100352x16xf32, #tpu.memory_space<vmem_shared>> -> memref<100352x16xf32, #tpu.memory_space<vmem_shared>>
      tpu.enqueue_indirect_dma source(%arg15 : memref<512x16xf32, #tpu.memory_space<vmem>>) target(%dma_start3A_344 : memref<100352x16xf32, #tpu.memory_space<vmem_shared>>) offsets(%arg10 : memref<512xi32, #tpu.memory_space<vmem>>) semaphore(%arg22 : memref<!tpu.dma_semaphore, #tpu.memory_space<semaphore_mem>>) {add = true}
      %mul3A_345 = arith.constant 3 : i32
      %mul3A_346 = arith.muli %mul3A_345, %scan3A_276 : i32
      %add3A_347 = arith.constant 2 : i32
      %add3A_348 = arith.addi %mul3A_346, %add3A_347 : i32
      %add3A_349 = arith.constant 2 : i32
      %add3A_350 = arith.addi %add3A_348, %add3A_349 : i32
      %dma_wait3A_351 = arith.constant 0 : i32
      %dma_wait3A_352 = arith.constant 0 : i32
      %dma_wait3A_353 = tpu.memref_slice %arg18[%dma_wait3A_351, %dma_wait3A_352] : memref<100352x16xf32, #tpu.memory_space<vmem_shared>> -> memref<100352x16xf32, #tpu.memory_space<vmem_shared>>
      tpu.wait_indirect_dma semaphore(%arg22 : memref<!tpu.dma_semaphore, #tpu.memory_space<semaphore_mem>>) src(%arg15 : memref<512x16xf32, #tpu.memory_space<vmem>>) dst(%dma_wait3A_353 : memref<100352x16xf32, #tpu.memory_space<vmem_shared>>)
      %add3A_354 = arith.constant 2 : i32
      %add3A_355 = arith.addi %add3A_350, %add3A_354 : i32
      %mul3A_356 = arith.constant 512 : i32
      %mul3A_357 = arith.muli %add3A_355, %mul3A_356 : i32
      %add3A_358 = arith.addi %mul3A_6, %mul3A_357 : i32
      %dma_start3A_359 = tpu.memref_slice %arg4[%add3A_358] : memref<1605632xi32, #tpu.memory_space<hbm>> -> memref<512xi32, #tpu.memory_space<hbm>>
      %dma_start3A_360 = tpu.memref_slice %arg4[%add3A_358] : memref<1605632xi32, #tpu.memory_space<hbm>> -> memref<512xi32, #tpu.memory_space<hbm>>
      tpu.enqueue_dma source(%dma_start3A_360 : memref<512xi32, #tpu.memory_space<hbm>>) target(%arg9 : memref<512xi32, #tpu.memory_space<vmem>>) target_semaphore(%arg25 : memref<!tpu.dma_semaphore, #tpu.memory_space<semaphore_mem>>)
      %mul3A_361 = arith.constant 512 : i32
      %mul3A_362 = arith.muli %add3A_355, %mul3A_361 : i32
      %add3A_363 = arith.addi %mul3A_6, %mul3A_362 : i32
      %dma_start3A_364 = tpu.memref_slice %arg5[%add3A_363] : memref<1605632xi32, #tpu.memory_space<hbm>> -> memref<512xi32, #tpu.memory_space<hbm>>
      %dma_start3A_365 = tpu.memref_slice %arg5[%add3A_363] : memref<1605632xi32, #tpu.memory_space<hbm>> -> memref<512xi32, #tpu.memory_space<hbm>>
      tpu.enqueue_dma source(%dma_start3A_365 : memref<512xi32, #tpu.memory_space<hbm>>) target(%arg10 : memref<512xi32, #tpu.memory_space<vmem>>) target_semaphore(%arg25 : memref<!tpu.dma_semaphore, #tpu.memory_space<semaphore_mem>>)
      %dma_wait3A_366 = tpu.memref_slice %arg4[%mul3A_6] : memref<1605632xi32, #tpu.memory_space<hbm>> -> memref<512xi32, #tpu.memory_space<hbm>>
      %dma_wait3A_367 = tpu.memref_slice %arg4[%mul3A_6] : memref<1605632xi32, #tpu.memory_space<hbm>> -> memref<512xi32, #tpu.memory_space<hbm>>
      tpu.wait_dma2 semaphore(%arg27 : memref<!tpu.dma_semaphore, #tpu.memory_space<semaphore_mem>>) src(%dma_wait3A_367 : memref<512xi32, #tpu.memory_space<hbm>>) dst(%arg13 : memref<512xi32, #tpu.memory_space<vmem>>)
      %dma_wait3A_368 = tpu.memref_slice %arg5[%mul3A_6] : memref<1605632xi32, #tpu.memory_space<hbm>> -> memref<512xi32, #tpu.memory_space<hbm>>
      %dma_wait3A_369 = tpu.memref_slice %arg5[%mul3A_6] : memref<1605632xi32, #tpu.memory_space<hbm>> -> memref<512xi32, #tpu.memory_space<hbm>>
      tpu.wait_dma2 semaphore(%arg27 : memref<!tpu.dma_semaphore, #tpu.memory_space<semaphore_mem>>) src(%dma_wait3A_369 : memref<512xi32, #tpu.memory_space<hbm>>) dst(%arg14 : memref<512xi32, #tpu.memory_space<vmem>>)
      %dma_start3A_370 = arith.constant 0 : i32
      %dma_start3A_371 = arith.constant 0 : i32
      %dma_start3A_372 = tpu.memref_slice %arg2[%dma_start3A_370, %dma_start3A_371] : memref<100352x16xf32, #tpu.memory_space<hbm>> -> memref<100352x16xf32, #tpu.memory_space<hbm>>
      tpu.enqueue_indirect_dma source(%dma_start3A_372 : memref<100352x16xf32, #tpu.memory_space<hbm>>) target(%arg17 : memref<512x16xf32, #tpu.memory_space<vmem>>) offsets(%arg13 : memref<512xi32, #tpu.memory_space<vmem>>) semaphore(%arg21 : memref<!tpu.dma_semaphore, #tpu.memory_space<semaphore_mem>>)
      %dma_wait3A_373 = arith.constant 0 : i32
      %dma_wait3A_374 = arith.constant 0 : i32
      %dma_wait3A_375 = tpu.memref_slice %arg2[%dma_wait3A_373, %dma_wait3A_374] : memref<100352x16xf32, #tpu.memory_space<hbm>> -> memref<100352x16xf32, #tpu.memory_space<hbm>>
      tpu.wait_indirect_dma semaphore(%arg20 : memref<!tpu.dma_semaphore, #tpu.memory_space<semaphore_mem>>) src(%dma_wait3A_375 : memref<100352x16xf32, #tpu.memory_space<hbm>>) dst(%arg16 : memref<512x16xf32, #tpu.memory_space<vmem>>)
      %dma_start3A_376 = arith.constant 0 : i32
      %dma_start3A_377 = arith.constant 0 : i32
      %dma_start3A_378 = tpu.memref_slice %arg18[%dma_start3A_376, %dma_start3A_377] : memref<100352x16xf32, #tpu.memory_space<vmem_shared>> -> memref<100352x16xf32, #tpu.memory_space<vmem_shared>>
      tpu.enqueue_indirect_dma source(%arg16 : memref<512x16xf32, #tpu.memory_space<vmem>>) target(%dma_start3A_378 : memref<100352x16xf32, #tpu.memory_space<vmem_shared>>) offsets(%arg12 : memref<512xi32, #tpu.memory_space<vmem>>) semaphore(%arg23 : memref<!tpu.dma_semaphore, #tpu.memory_space<semaphore_mem>>) {add = true}
    }
    %scan3A_83 = arith.constant 31 : i32
    %dma_wait3A_84 = arith.constant 0 : i32
    %dma_wait3A_85 = arith.constant 0 : i32
    %dma_wait3A_86 = tpu.memref_slice %arg18[%dma_wait3A_84, %dma_wait3A_85] : memref<100352x16xf32, #tpu.memory_space<vmem_shared>> -> memref<100352x16xf32, #tpu.memory_space<vmem_shared>>
    tpu.wait_indirect_dma semaphore(%arg23 : memref<!tpu.dma_semaphore, #tpu.memory_space<semaphore_mem>>) src(%arg16 : memref<512x16xf32, #tpu.memory_space<vmem>>) dst(%dma_wait3A_86 : memref<100352x16xf32, #tpu.memory_space<vmem_shared>>)
    %add3A_87 = arith.constant 49664 : i32
    %add3A_88 = arith.addi %mul3A_6, %add3A_87 : i32
    %dma_start3A_89 = tpu.memref_slice %arg4[%add3A_88] : memref<1605632xi32, #tpu.memory_space<hbm>> -> memref<512xi32, #tpu.memory_space<hbm>>
    %dma_start3A_90 = tpu.memref_slice %arg4[%add3A_88] : memref<1605632xi32, #tpu.memory_space<hbm>> -> memref<512xi32, #tpu.memory_space<hbm>>
    tpu.enqueue_dma source(%dma_start3A_90 : memref<512xi32, #tpu.memory_space<hbm>>) target(%arg11 : memref<512xi32, #tpu.memory_space<vmem>>) target_semaphore(%arg26 : memref<!tpu.dma_semaphore, #tpu.memory_space<semaphore_mem>>)
    %add3A_91 = arith.constant 49664 : i32
    %add3A_92 = arith.addi %mul3A_6, %add3A_91 : i32
    %dma_start3A_93 = tpu.memref_slice %arg5[%add3A_92] : memref<1605632xi32, #tpu.memory_space<hbm>> -> memref<512xi32, #tpu.memory_space<hbm>>
    %dma_start3A_94 = tpu.memref_slice %arg5[%add3A_92] : memref<1605632xi32, #tpu.memory_space<hbm>> -> memref<512xi32, #tpu.memory_space<hbm>>
    tpu.enqueue_dma source(%dma_start3A_94 : memref<512xi32, #tpu.memory_space<hbm>>) target(%arg12 : memref<512xi32, #tpu.memory_space<vmem>>) target_semaphore(%arg26 : memref<!tpu.dma_semaphore, #tpu.memory_space<semaphore_mem>>)
    %dma_wait3A_95 = tpu.memref_slice %arg4[%mul3A_6] : memref<1605632xi32, #tpu.memory_space<hbm>> -> memref<512xi32, #tpu.memory_space<hbm>>
    %dma_wait3A_96 = tpu.memref_slice %arg4[%mul3A_6] : memref<1605632xi32, #tpu.memory_space<hbm>> -> memref<512xi32, #tpu.memory_space<hbm>>
    tpu.wait_dma2 semaphore(%arg25 : memref<!tpu.dma_semaphore, #tpu.memory_space<semaphore_mem>>) src(%dma_wait3A_96 : memref<512xi32, #tpu.memory_space<hbm>>) dst(%arg9 : memref<512xi32, #tpu.memory_space<vmem>>)
    %dma_wait3A_97 = tpu.memref_slice %arg5[%mul3A_6] : memref<1605632xi32, #tpu.memory_space<hbm>> -> memref<512xi32, #tpu.memory_space<hbm>>
    %dma_wait3A_98 = tpu.memref_slice %arg5[%mul3A_6] : memref<1605632xi32, #tpu.memory_space<hbm>> -> memref<512xi32, #tpu.memory_space<hbm>>
    tpu.wait_dma2 semaphore(%arg25 : memref<!tpu.dma_semaphore, #tpu.memory_space<semaphore_mem>>) src(%dma_wait3A_98 : memref<512xi32, #tpu.memory_space<hbm>>) dst(%arg10 : memref<512xi32, #tpu.memory_space<vmem>>)
    %dma_start3A_99 = arith.constant 0 : i32
    %dma_start3A_100 = arith.constant 0 : i32
    %dma_start3A_101 = tpu.memref_slice %arg2[%dma_start3A_99, %dma_start3A_100] : memref<100352x16xf32, #tpu.memory_space<hbm>> -> memref<100352x16xf32, #tpu.memory_space<hbm>>
    tpu.enqueue_indirect_dma source(%dma_start3A_101 : memref<100352x16xf32, #tpu.memory_space<hbm>>) target(%arg15 : memref<512x16xf32, #tpu.memory_space<vmem>>) offsets(%arg9 : memref<512xi32, #tpu.memory_space<vmem>>) semaphore(%arg19 : memref<!tpu.dma_semaphore, #tpu.memory_space<semaphore_mem>>)
    %dma_wait3A_102 = arith.constant 0 : i32
    %dma_wait3A_103 = arith.constant 0 : i32
    %dma_wait3A_104 = tpu.memref_slice %arg2[%dma_wait3A_102, %dma_wait3A_103] : memref<100352x16xf32, #tpu.memory_space<hbm>> -> memref<100352x16xf32, #tpu.memory_space<hbm>>
    tpu.wait_indirect_dma semaphore(%arg21 : memref<!tpu.dma_semaphore, #tpu.memory_space<semaphore_mem>>) src(%dma_wait3A_104 : memref<100352x16xf32, #tpu.memory_space<hbm>>) dst(%arg17 : memref<512x16xf32, #tpu.memory_space<vmem>>)
    %dma_start3A_105 = arith.constant 0 : i32
    %dma_start3A_106 = arith.constant 0 : i32
    %dma_start3A_107 = tpu.memref_slice %arg18[%dma_start3A_105, %dma_start3A_106] : memref<100352x16xf32, #tpu.memory_space<vmem_shared>> -> memref<100352x16xf32, #tpu.memory_space<vmem_shared>>
    tpu.enqueue_indirect_dma source(%arg17 : memref<512x16xf32, #tpu.memory_space<vmem>>) target(%dma_start3A_107 : memref<100352x16xf32, #tpu.memory_space<vmem_shared>>) offsets(%arg14 : memref<512xi32, #tpu.memory_space<vmem>>) semaphore(%arg24 : memref<!tpu.dma_semaphore, #tpu.memory_space<semaphore_mem>>) {add = true}
    %dma_wait3A_108 = tpu.memref_slice %arg4[%mul3A_6] : memref<1605632xi32, #tpu.memory_space<hbm>> -> memref<512xi32, #tpu.memory_space<hbm>>
    %dma_wait3A_109 = tpu.memref_slice %arg4[%mul3A_6] : memref<1605632xi32, #tpu.memory_space<hbm>> -> memref<512xi32, #tpu.memory_space<hbm>>
    tpu.wait_dma2 semaphore(%arg26 : memref<!tpu.dma_semaphore, #tpu.memory_space<semaphore_mem>>) src(%dma_wait3A_109 : memref<512xi32, #tpu.memory_space<hbm>>) dst(%arg11 : memref<512xi32, #tpu.memory_space<vmem>>)
    %dma_wait3A_110 = tpu.memref_slice %arg5[%mul3A_6] : memref<1605632xi32, #tpu.memory_space<hbm>> -> memref<512xi32, #tpu.memory_space<hbm>>
    %dma_wait3A_111 = tpu.memref_slice %arg5[%mul3A_6] : memref<1605632xi32, #tpu.memory_space<hbm>> -> memref<512xi32, #tpu.memory_space<hbm>>
    tpu.wait_dma2 semaphore(%arg26 : memref<!tpu.dma_semaphore, #tpu.memory_space<semaphore_mem>>) src(%dma_wait3A_111 : memref<512xi32, #tpu.memory_space<hbm>>) dst(%arg12 : memref<512xi32, #tpu.memory_space<vmem>>)
    %dma_start3A_112 = arith.constant 0 : i32
    %dma_start3A_113 = arith.constant 0 : i32
    %dma_start3A_114 = tpu.memref_slice %arg2[%dma_start3A_112, %dma_start3A_113] : memref<100352x16xf32, #tpu.memory_space<hbm>> -> memref<100352x16xf32, #tpu.memory_space<hbm>>
    tpu.enqueue_indirect_dma source(%dma_start3A_114 : memref<100352x16xf32, #tpu.memory_space<hbm>>) target(%arg16 : memref<512x16xf32, #tpu.memory_space<vmem>>) offsets(%arg11 : memref<512xi32, #tpu.memory_space<vmem>>) semaphore(%arg20 : memref<!tpu.dma_semaphore, #tpu.memory_space<semaphore_mem>>)
    %dma_wait3A_115 = arith.constant 0 : i32
    %dma_wait3A_116 = arith.constant 0 : i32
    %dma_wait3A_117 = tpu.memref_slice %arg2[%dma_wait3A_115, %dma_wait3A_116] : memref<100352x16xf32, #tpu.memory_space<hbm>> -> memref<100352x16xf32, #tpu.memory_space<hbm>>
    tpu.wait_indirect_dma semaphore(%arg19 : memref<!tpu.dma_semaphore, #tpu.memory_space<semaphore_mem>>) src(%dma_wait3A_117 : memref<100352x16xf32, #tpu.memory_space<hbm>>) dst(%arg15 : memref<512x16xf32, #tpu.memory_space<vmem>>)
    %dma_start3A_118 = arith.constant 0 : i32
    %dma_start3A_119 = arith.constant 0 : i32
    %dma_start3A_120 = tpu.memref_slice %arg18[%dma_start3A_118, %dma_start3A_119] : memref<100352x16xf32, #tpu.memory_space<vmem_shared>> -> memref<100352x16xf32, #tpu.memory_space<vmem_shared>>
    tpu.enqueue_indirect_dma source(%arg15 : memref<512x16xf32, #tpu.memory_space<vmem>>) target(%dma_start3A_120 : memref<100352x16xf32, #tpu.memory_space<vmem_shared>>) offsets(%arg10 : memref<512xi32, #tpu.memory_space<vmem>>) semaphore(%arg22 : memref<!tpu.dma_semaphore, #tpu.memory_space<semaphore_mem>>) {add = true}
    %dma_wait3A_121 = arith.constant 0 : i32
    %dma_wait3A_122 = arith.constant 0 : i32
    %dma_wait3A_123 = tpu.memref_slice %arg2[%dma_wait3A_121, %dma_wait3A_122] : memref<100352x16xf32, #tpu.memory_space<hbm>> -> memref<100352x16xf32, #tpu.memory_space<hbm>>
    tpu.wait_indirect_dma semaphore(%arg20 : memref<!tpu.dma_semaphore, #tpu.memory_space<semaphore_mem>>) src(%dma_wait3A_123 : memref<100352x16xf32, #tpu.memory_space<hbm>>) dst(%arg16 : memref<512x16xf32, #tpu.memory_space<vmem>>)
    %dma_start3A_124 = arith.constant 0 : i32
    %dma_start3A_125 = arith.constant 0 : i32
    %dma_start3A_126 = tpu.memref_slice %arg18[%dma_start3A_124, %dma_start3A_125] : memref<100352x16xf32, #tpu.memory_space<vmem_shared>> -> memref<100352x16xf32, #tpu.memory_space<vmem_shared>>
    tpu.enqueue_indirect_dma source(%arg16 : memref<512x16xf32, #tpu.memory_space<vmem>>) target(%dma_start3A_126 : memref<100352x16xf32, #tpu.memory_space<vmem_shared>>) offsets(%arg12 : memref<512xi32, #tpu.memory_space<vmem>>) semaphore(%arg23 : memref<!tpu.dma_semaphore, #tpu.memory_space<semaphore_mem>>) {add = true}
    %dma_wait3A_127 = arith.constant 0 : i32
    %dma_wait3A_128 = arith.constant 0 : i32
    %dma_wait3A_129 = tpu.memref_slice %arg18[%dma_wait3A_127, %dma_wait3A_128] : memref<100352x16xf32, #tpu.memory_space<vmem_shared>> -> memref<100352x16xf32, #tpu.memory_space<vmem_shared>>
    tpu.wait_indirect_dma semaphore(%arg24 : memref<!tpu.dma_semaphore, #tpu.memory_space<semaphore_mem>>) src(%arg17 : memref<512x16xf32, #tpu.memory_space<vmem>>) dst(%dma_wait3A_129 : memref<100352x16xf32, #tpu.memory_space<vmem_shared>>)
    %dma_wait3A_130 = arith.constant 0 : i32
    %dma_wait3A_131 = arith.constant 0 : i32
    %dma_wait3A_132 = tpu.memref_slice %arg18[%dma_wait3A_130, %dma_wait3A_131] : memref<100352x16xf32, #tpu.memory_space<vmem_shared>> -> memref<100352x16xf32, #tpu.memory_space<vmem_shared>>
    tpu.wait_indirect_dma semaphore(%arg22 : memref<!tpu.dma_semaphore, #tpu.memory_space<semaphore_mem>>) src(%arg15 : memref<512x16xf32, #tpu.memory_space<vmem>>) dst(%dma_wait3A_132 : memref<100352x16xf32, #tpu.memory_space<vmem_shared>>)
    %dma_wait3A_133 = arith.constant 0 : i32
    %dma_wait3A_134 = arith.constant 0 : i32
    %dma_wait3A_135 = tpu.memref_slice %arg18[%dma_wait3A_133, %dma_wait3A_134] : memref<100352x16xf32, #tpu.memory_space<vmem_shared>> -> memref<100352x16xf32, #tpu.memory_space<vmem_shared>>
    tpu.wait_indirect_dma semaphore(%arg23 : memref<!tpu.dma_semaphore, #tpu.memory_space<semaphore_mem>>) src(%arg16 : memref<512x16xf32, #tpu.memory_space<vmem>>) dst(%dma_wait3A_135 : memref<100352x16xf32, #tpu.memory_space<vmem_shared>>)
    %barrier3A_136 = arith.constant 0 : index
    tpu.barrier barrier_id(%barrier3A_136)
    "tpu.region"() ({
      %run_scoped3A = tpu.sem_alloc : memref<!tpu.dma_semaphore, #tpu.memory_space<semaphore_mem>>
      %dma_start3A_276 = arith.constant 0 : i32
      %dma_start3A_277 = tpu.memref_slice %arg7[%arg0, %mul3A_2, %dma_start3A_276] : memref<2x100352x16xf32, #tpu.memory_space<hbm>> -> memref<1x6272x16xf32, #tpu.memory_space<hbm>>
      %dma_start3A_278 = tpu.memref_squeeze %dma_start3A_277 : memref<1x6272x16xf32, #tpu.memory_space<hbm>> -> memref<6272x16xf32, #tpu.memory_space<hbm>>
      %dma_start3A_279 = arith.constant 0 : i32
      %dma_start3A_280 = tpu.memref_slice %arg18[%mul3A_2, %dma_start3A_279] : memref<100352x16xf32, #tpu.memory_space<vmem_shared>> -> memref<6272x16xf32, #tpu.memory_space<vmem_shared>>
      tpu.enqueue_dma source(%dma_start3A_280 : memref<6272x16xf32, #tpu.memory_space<vmem_shared>>) target(%dma_start3A_278 : memref<6272x16xf32, #tpu.memory_space<hbm>>) target_semaphore(%run_scoped3A : memref<!tpu.dma_semaphore, #tpu.memory_space<semaphore_mem>>)
      %dma_wait3A_281 = arith.constant 0 : i32
      %dma_wait3A_282 = tpu.memref_slice %arg7[%arg0, %mul3A_2, %dma_wait3A_281] : memref<2x100352x16xf32, #tpu.memory_space<hbm>> -> memref<1x6272x16xf32, #tpu.memory_space<hbm>>
      %dma_wait3A_283 = tpu.memref_squeeze %dma_wait3A_282 : memref<1x6272x16xf32, #tpu.memory_space<hbm>> -> memref<6272x16xf32, #tpu.memory_space<hbm>>
      %dma_wait3A_284 = arith.constant 0 : i32
      %dma_wait3A_285 = tpu.memref_slice %arg18[%mul3A_2, %dma_wait3A_284] : memref<100352x16xf32, #tpu.memory_space<vmem_shared>> -> memref<6272x16xf32, #tpu.memory_space<vmem_shared>>
      tpu.wait_dma2 semaphore(%run_scoped3A : memref<!tpu.dma_semaphore, #tpu.memory_space<semaphore_mem>>) src(%dma_wait3A_285 : memref<6272x16xf32, #tpu.memory_space<vmem_shared>>) dst(%dma_wait3A_283 : memref<6272x16xf32, #tpu.memory_space<hbm>>)
      tpu.yield
    }) : () -> ()
    %barrier3A_137 = arith.constant 0 : index
    tpu.barrier barrier_id(%barrier3A_137)
    %eq3A_138 = arith.constant 0 : i32
    %eq3A_139 = arith.cmpi eq, %arg0, %eq3A_138 : i32
    %convert_element_type3A_140 = arith.extui %eq3A_139 : i1 to i32
    %cond3A_141 = arith.constant 0 : i32
    %cond3A_142 = arith.cmpi ne, %convert_element_type3A_140, %cond3A_141 : i32
    scf.if %cond3A_142 {
      "tpu.region"() ({
        %run_scoped3A = tpu.sem_alloc : memref<!tpu.dma_semaphore, #tpu.memory_space<semaphore_mem>>
        %dma_start3A_276 = arith.constant 0 : i32
        %dma_start3A_277 = tpu.memref_slice %arg18[%mul3A_2, %dma_start3A_276] : memref<100352x16xf32, #tpu.memory_space<vmem_shared>> -> memref<6272x16xf32, #tpu.memory_space<vmem_shared>>
        %dma_start3A_278 = arith.constant 0 : i32
        %dma_start3A_279 = tpu.memref_slice %arg3[%mul3A_2, %dma_start3A_278] : memref<100352x16xf32, #tpu.memory_space<hbm>> -> memref<6272x16xf32, #tpu.memory_space<hbm>>
        tpu.enqueue_dma source(%dma_start3A_279 : memref<6272x16xf32, #tpu.memory_space<hbm>>) target(%dma_start3A_277 : memref<6272x16xf32, #tpu.memory_space<vmem_shared>>) target_semaphore(%run_scoped3A : memref<!tpu.dma_semaphore, #tpu.memory_space<semaphore_mem>>)
        %dma_wait3A_280 = arith.constant 0 : i32
        %dma_wait3A_281 = tpu.memref_slice %arg18[%mul3A_2, %dma_wait3A_280] : memref<100352x16xf32, #tpu.memory_space<vmem_shared>> -> memref<6272x16xf32, #tpu.memory_space<vmem_shared>>
        %dma_wait3A_282 = arith.constant 0 : i32
        %dma_wait3A_283 = tpu.memref_slice %arg3[%mul3A_2, %dma_wait3A_282] : memref<100352x16xf32, #tpu.memory_space<hbm>> -> memref<6272x16xf32, #tpu.memory_space<hbm>>
        tpu.wait_dma2 semaphore(%run_scoped3A : memref<!tpu.dma_semaphore, #tpu.memory_space<semaphore_mem>>) src(%dma_wait3A_283 : memref<6272x16xf32, #tpu.memory_space<hbm>>) dst(%dma_wait3A_281 : memref<6272x16xf32, #tpu.memory_space<vmem_shared>>)
        tpu.yield
      }) : () -> ()
    } else {
    }
    %ne3A_143 = arith.constant 0 : i32
    %ne3A_144 = arith.cmpi ne, %arg0, %ne3A_143 : i32
    %convert_element_type3A_145 = arith.extui %ne3A_144 : i1 to i32
    %cond3A_146 = arith.constant 0 : i32
    %cond3A_147 = arith.cmpi ne, %convert_element_type3A_145, %cond3A_146 : i32
    scf.if %cond3A_147 {
      "tpu.region"() ({
        %run_scoped3A = tpu.sem_alloc : memref<!tpu.dma_semaphore, #tpu.memory_space<semaphore_mem>>
        %dma_start3A_276 = arith.constant 0 : i32
        %dma_start3A_277 = tpu.memref_slice %arg18[%mul3A_2, %dma_start3A_276] : memref<100352x16xf32, #tpu.memory_space<vmem_shared>> -> memref<6272x16xf32, #tpu.memory_space<vmem_shared>>
        %dma_start3A_278 = arith.constant 0 : i32
        %dma_start3A_279 = tpu.memref_slice %arg6[%mul3A_2, %dma_start3A_278] : memref<100352x16xf32, #tpu.memory_space<hbm>> -> memref<6272x16xf32, #tpu.memory_space<hbm>>
        tpu.enqueue_dma source(%dma_start3A_279 : memref<6272x16xf32, #tpu.memory_space<hbm>>) target(%dma_start3A_277 : memref<6272x16xf32, #tpu.memory_space<vmem_shared>>) target_semaphore(%run_scoped3A : memref<!tpu.dma_semaphore, #tpu.memory_space<semaphore_mem>>)
        %dma_wait3A_280 = arith.constant 0 : i32
        %dma_wait3A_281 = tpu.memref_slice %arg18[%mul3A_2, %dma_wait3A_280] : memref<100352x16xf32, #tpu.memory_space<vmem_shared>> -> memref<6272x16xf32, #tpu.memory_space<vmem_shared>>
        %dma_wait3A_282 = arith.constant 0 : i32
        %dma_wait3A_283 = tpu.memref_slice %arg6[%mul3A_2, %dma_wait3A_282] : memref<100352x16xf32, #tpu.memory_space<hbm>> -> memref<6272x16xf32, #tpu.memory_space<hbm>>
        tpu.wait_dma2 semaphore(%run_scoped3A : memref<!tpu.dma_semaphore, #tpu.memory_space<semaphore_mem>>) src(%dma_wait3A_283 : memref<6272x16xf32, #tpu.memory_space<hbm>>) dst(%dma_wait3A_281 : memref<6272x16xf32, #tpu.memory_space<vmem_shared>>)
        tpu.yield
      }) : () -> ()
    } else {
    }
    %barrier3A_148 = arith.constant 0 : index
    tpu.barrier barrier_id(%barrier3A_148)
    %add3A_149 = arith.constant 0 : i32
    %add3A_150 = arith.addi %mul3A_6, %add3A_149 : i32
    %dma_start3A_151 = tpu.memref_slice %arg4[%add3A_150] : memref<1605632xi32, #tpu.memory_space<hbm>> -> memref<512xi32, #tpu.memory_space<hbm>>
    %dma_start3A_152 = tpu.memref_slice %arg4[%add3A_150] : memref<1605632xi32, #tpu.memory_space<hbm>> -> memref<512xi32, #tpu.memory_space<hbm>>
    tpu.enqueue_dma source(%dma_start3A_152 : memref<512xi32, #tpu.memory_space<hbm>>) target(%arg9 : memref<512xi32, #tpu.memory_space<vmem>>) target_semaphore(%arg25 : memref<!tpu.dma_semaphore, #tpu.memory_space<semaphore_mem>>)
    %add3A_153 = arith.constant 0 : i32
    %add3A_154 = arith.addi %mul3A_6, %add3A_153 : i32
    %dma_start3A_155 = tpu.memref_slice %arg5[%add3A_154] : memref<1605632xi32, #tpu.memory_space<hbm>> -> memref<512xi32, #tpu.memory_space<hbm>>
    %dma_start3A_156 = tpu.memref_slice %arg5[%add3A_154] : memref<1605632xi32, #tpu.memory_space<hbm>> -> memref<512xi32, #tpu.memory_space<hbm>>
    tpu.enqueue_dma source(%dma_start3A_156 : memref<512xi32, #tpu.memory_space<hbm>>) target(%arg10 : memref<512xi32, #tpu.memory_space<vmem>>) target_semaphore(%arg25 : memref<!tpu.dma_semaphore, #tpu.memory_space<semaphore_mem>>)
    %add3A_157 = arith.constant 512 : i32
    %add3A_158 = arith.addi %mul3A_6, %add3A_157 : i32
    %dma_start3A_159 = tpu.memref_slice %arg4[%add3A_158] : memref<1605632xi32, #tpu.memory_space<hbm>> -> memref<512xi32, #tpu.memory_space<hbm>>
    %dma_start3A_160 = tpu.memref_slice %arg4[%add3A_158] : memref<1605632xi32, #tpu.memory_space<hbm>> -> memref<512xi32, #tpu.memory_space<hbm>>
    tpu.enqueue_dma source(%dma_start3A_160 : memref<512xi32, #tpu.memory_space<hbm>>) target(%arg11 : memref<512xi32, #tpu.memory_space<vmem>>) target_semaphore(%arg26 : memref<!tpu.dma_semaphore, #tpu.memory_space<semaphore_mem>>)
    %add3A_161 = arith.constant 512 : i32
    %add3A_162 = arith.addi %mul3A_6, %add3A_161 : i32
    %dma_start3A_163 = tpu.memref_slice %arg5[%add3A_162] : memref<1605632xi32, #tpu.memory_space<hbm>> -> memref<512xi32, #tpu.memory_space<hbm>>
    %dma_start3A_164 = tpu.memref_slice %arg5[%add3A_162] : memref<1605632xi32, #tpu.memory_space<hbm>> -> memref<512xi32, #tpu.memory_space<hbm>>
    tpu.enqueue_dma source(%dma_start3A_164 : memref<512xi32, #tpu.memory_space<hbm>>) target(%arg12 : memref<512xi32, #tpu.memory_space<vmem>>) target_semaphore(%arg26 : memref<!tpu.dma_semaphore, #tpu.memory_space<semaphore_mem>>)
    %add3A_165 = arith.constant 1024 : i32
    %add3A_166 = arith.addi %mul3A_6, %add3A_165 : i32
    %dma_start3A_167 = tpu.memref_slice %arg4[%add3A_166] : memref<1605632xi32, #tpu.memory_space<hbm>> -> memref<512xi32, #tpu.memory_space<hbm>>
    %dma_start3A_168 = tpu.memref_slice %arg4[%add3A_166] : memref<1605632xi32, #tpu.memory_space<hbm>> -> memref<512xi32, #tpu.memory_space<hbm>>
    tpu.enqueue_dma source(%dma_start3A_168 : memref<512xi32, #tpu.memory_space<hbm>>) target(%arg13 : memref<512xi32, #tpu.memory_space<vmem>>) target_semaphore(%arg27 : memref<!tpu.dma_semaphore, #tpu.memory_space<semaphore_mem>>)
    %add3A_169 = arith.constant 1024 : i32
    %add3A_170 = arith.addi %mul3A_6, %add3A_169 : i32
    %dma_start3A_171 = tpu.memref_slice %arg5[%add3A_170] : memref<1605632xi32, #tpu.memory_space<hbm>> -> memref<512xi32, #tpu.memory_space<hbm>>
    %dma_start3A_172 = tpu.memref_slice %arg5[%add3A_170] : memref<1605632xi32, #tpu.memory_space<hbm>> -> memref<512xi32, #tpu.memory_space<hbm>>
    tpu.enqueue_dma source(%dma_start3A_172 : memref<512xi32, #tpu.memory_space<hbm>>) target(%arg14 : memref<512xi32, #tpu.memory_space<vmem>>) target_semaphore(%arg27 : memref<!tpu.dma_semaphore, #tpu.memory_space<semaphore_mem>>)
    %dma_wait3A_173 = tpu.memref_slice %arg4[%mul3A_6] : memref<1605632xi32, #tpu.memory_space<hbm>> -> memref<512xi32, #tpu.memory_space<hbm>>
    %dma_wait3A_174 = tpu.memref_slice %arg4[%mul3A_6] : memref<1605632xi32, #tpu.memory_space<hbm>> -> memref<512xi32, #tpu.memory_space<hbm>>
    tpu.wait_dma2 semaphore(%arg25 : memref<!tpu.dma_semaphore, #tpu.memory_space<semaphore_mem>>) src(%dma_wait3A_174 : memref<512xi32, #tpu.memory_space<hbm>>) dst(%arg9 : memref<512xi32, #tpu.memory_space<vmem>>)
    %dma_wait3A_175 = tpu.memref_slice %arg5[%mul3A_6] : memref<1605632xi32, #tpu.memory_space<hbm>> -> memref<512xi32, #tpu.memory_space<hbm>>
    %dma_wait3A_176 = tpu.memref_slice %arg5[%mul3A_6] : memref<1605632xi32, #tpu.memory_space<hbm>> -> memref<512xi32, #tpu.memory_space<hbm>>
    tpu.wait_dma2 semaphore(%arg25 : memref<!tpu.dma_semaphore, #tpu.memory_space<semaphore_mem>>) src(%dma_wait3A_176 : memref<512xi32, #tpu.memory_space<hbm>>) dst(%arg10 : memref<512xi32, #tpu.memory_space<vmem>>)
    %dma_start3A_177 = arith.constant 0 : i32
    %dma_start3A_178 = arith.constant 0 : i32
    %dma_start3A_179 = tpu.memref_slice %arg3[%dma_start3A_177, %dma_start3A_178] : memref<100352x16xf32, #tpu.memory_space<hbm>> -> memref<100352x16xf32, #tpu.memory_space<hbm>>
    tpu.enqueue_indirect_dma source(%dma_start3A_179 : memref<100352x16xf32, #tpu.memory_space<hbm>>) target(%arg15 : memref<512x16xf32, #tpu.memory_space<vmem>>) offsets(%arg9 : memref<512xi32, #tpu.memory_space<vmem>>) semaphore(%arg19 : memref<!tpu.dma_semaphore, #tpu.memory_space<semaphore_mem>>)
    %dma_wait3A_180 = tpu.memref_slice %arg4[%mul3A_6] : memref<1605632xi32, #tpu.memory_space<hbm>> -> memref<512xi32, #tpu.memory_space<hbm>>
    %dma_wait3A_181 = tpu.memref_slice %arg4[%mul3A_6] : memref<1605632xi32, #tpu.memory_space<hbm>> -> memref<512xi32, #tpu.memory_space<hbm>>
    tpu.wait_dma2 semaphore(%arg26 : memref<!tpu.dma_semaphore, #tpu.memory_space<semaphore_mem>>) src(%dma_wait3A_181 : memref<512xi32, #tpu.memory_space<hbm>>) dst(%arg11 : memref<512xi32, #tpu.memory_space<vmem>>)
    %dma_wait3A_182 = tpu.memref_slice %arg5[%mul3A_6] : memref<1605632xi32, #tpu.memory_space<hbm>> -> memref<512xi32, #tpu.memory_space<hbm>>
    %dma_wait3A_183 = tpu.memref_slice %arg5[%mul3A_6] : memref<1605632xi32, #tpu.memory_space<hbm>> -> memref<512xi32, #tpu.memory_space<hbm>>
    tpu.wait_dma2 semaphore(%arg26 : memref<!tpu.dma_semaphore, #tpu.memory_space<semaphore_mem>>) src(%dma_wait3A_183 : memref<512xi32, #tpu.memory_space<hbm>>) dst(%arg12 : memref<512xi32, #tpu.memory_space<vmem>>)
    %dma_start3A_184 = arith.constant 0 : i32
    %dma_start3A_185 = arith.constant 0 : i32
    %dma_start3A_186 = tpu.memref_slice %arg3[%dma_start3A_184, %dma_start3A_185] : memref<100352x16xf32, #tpu.memory_space<hbm>> -> memref<100352x16xf32, #tpu.memory_space<hbm>>
    tpu.enqueue_indirect_dma source(%dma_start3A_186 : memref<100352x16xf32, #tpu.memory_space<hbm>>) target(%arg16 : memref<512x16xf32, #tpu.memory_space<vmem>>) offsets(%arg11 : memref<512xi32, #tpu.memory_space<vmem>>) semaphore(%arg20 : memref<!tpu.dma_semaphore, #tpu.memory_space<semaphore_mem>>)
    %dma_wait3A_187 = arith.constant 0 : i32
    %dma_wait3A_188 = arith.constant 0 : i32
    %dma_wait3A_189 = tpu.memref_slice %arg3[%dma_wait3A_187, %dma_wait3A_188] : memref<100352x16xf32, #tpu.memory_space<hbm>> -> memref<100352x16xf32, #tpu.memory_space<hbm>>
    tpu.wait_indirect_dma semaphore(%arg19 : memref<!tpu.dma_semaphore, #tpu.memory_space<semaphore_mem>>) src(%dma_wait3A_189 : memref<100352x16xf32, #tpu.memory_space<hbm>>) dst(%arg15 : memref<512x16xf32, #tpu.memory_space<vmem>>)
    %dma_start3A_190 = arith.constant 0 : i32
    %dma_start3A_191 = arith.constant 0 : i32
    %dma_start3A_192 = tpu.memref_slice %arg18[%dma_start3A_190, %dma_start3A_191] : memref<100352x16xf32, #tpu.memory_space<vmem_shared>> -> memref<100352x16xf32, #tpu.memory_space<vmem_shared>>
    tpu.enqueue_indirect_dma source(%arg15 : memref<512x16xf32, #tpu.memory_space<vmem>>) target(%dma_start3A_192 : memref<100352x16xf32, #tpu.memory_space<vmem_shared>>) offsets(%arg10 : memref<512xi32, #tpu.memory_space<vmem>>) semaphore(%arg22 : memref<!tpu.dma_semaphore, #tpu.memory_space<semaphore_mem>>) {add = true}
    %dma_wait3A_193 = arith.constant 0 : i32
    %dma_wait3A_194 = arith.constant 0 : i32
    %dma_wait3A_195 = tpu.memref_slice %arg18[%dma_wait3A_193, %dma_wait3A_194] : memref<100352x16xf32, #tpu.memory_space<vmem_shared>> -> memref<100352x16xf32, #tpu.memory_space<vmem_shared>>
    tpu.wait_indirect_dma semaphore(%arg22 : memref<!tpu.dma_semaphore, #tpu.memory_space<semaphore_mem>>) src(%arg15 : memref<512x16xf32, #tpu.memory_space<vmem>>) dst(%dma_wait3A_195 : memref<100352x16xf32, #tpu.memory_space<vmem_shared>>)
    %add3A_196 = arith.constant 1536 : i32
    %add3A_197 = arith.addi %mul3A_6, %add3A_196 : i32
    %dma_start3A_198 = tpu.memref_slice %arg4[%add3A_197] : memref<1605632xi32, #tpu.memory_space<hbm>> -> memref<512xi32, #tpu.memory_space<hbm>>
    %dma_start3A_199 = tpu.memref_slice %arg4[%add3A_197] : memref<1605632xi32, #tpu.memory_space<hbm>> -> memref<512xi32, #tpu.memory_space<hbm>>
    tpu.enqueue_dma source(%dma_start3A_199 : memref<512xi32, #tpu.memory_space<hbm>>) target(%arg9 : memref<512xi32, #tpu.memory_space<vmem>>) target_semaphore(%arg25 : memref<!tpu.dma_semaphore, #tpu.memory_space<semaphore_mem>>)
    %add3A_200 = arith.constant 1536 : i32
    %add3A_201 = arith.addi %mul3A_6, %add3A_200 : i32
    %dma_start3A_202 = tpu.memref_slice %arg5[%add3A_201] : memref<1605632xi32, #tpu.memory_space<hbm>> -> memref<512xi32, #tpu.memory_space<hbm>>
    %dma_start3A_203 = tpu.memref_slice %arg5[%add3A_201] : memref<1605632xi32, #tpu.memory_space<hbm>> -> memref<512xi32, #tpu.memory_space<hbm>>
    tpu.enqueue_dma source(%dma_start3A_203 : memref<512xi32, #tpu.memory_space<hbm>>) target(%arg10 : memref<512xi32, #tpu.memory_space<vmem>>) target_semaphore(%arg25 : memref<!tpu.dma_semaphore, #tpu.memory_space<semaphore_mem>>)
    %dma_wait3A_204 = tpu.memref_slice %arg4[%mul3A_6] : memref<1605632xi32, #tpu.memory_space<hbm>> -> memref<512xi32, #tpu.memory_space<hbm>>
    %dma_wait3A_205 = tpu.memref_slice %arg4[%mul3A_6] : memref<1605632xi32, #tpu.memory_space<hbm>> -> memref<512xi32, #tpu.memory_space<hbm>>
    tpu.wait_dma2 semaphore(%arg27 : memref<!tpu.dma_semaphore, #tpu.memory_space<semaphore_mem>>) src(%dma_wait3A_205 : memref<512xi32, #tpu.memory_space<hbm>>) dst(%arg13 : memref<512xi32, #tpu.memory_space<vmem>>)
    %dma_wait3A_206 = tpu.memref_slice %arg5[%mul3A_6] : memref<1605632xi32, #tpu.memory_space<hbm>> -> memref<512xi32, #tpu.memory_space<hbm>>
    %dma_wait3A_207 = tpu.memref_slice %arg5[%mul3A_6] : memref<1605632xi32, #tpu.memory_space<hbm>> -> memref<512xi32, #tpu.memory_space<hbm>>
    tpu.wait_dma2 semaphore(%arg27 : memref<!tpu.dma_semaphore, #tpu.memory_space<semaphore_mem>>) src(%dma_wait3A_207 : memref<512xi32, #tpu.memory_space<hbm>>) dst(%arg14 : memref<512xi32, #tpu.memory_space<vmem>>)
    %dma_start3A_208 = arith.constant 0 : i32
    %dma_start3A_209 = arith.constant 0 : i32
    %dma_start3A_210 = tpu.memref_slice %arg3[%dma_start3A_208, %dma_start3A_209] : memref<100352x16xf32, #tpu.memory_space<hbm>> -> memref<100352x16xf32, #tpu.memory_space<hbm>>
    tpu.enqueue_indirect_dma source(%dma_start3A_210 : memref<100352x16xf32, #tpu.memory_space<hbm>>) target(%arg17 : memref<512x16xf32, #tpu.memory_space<vmem>>) offsets(%arg13 : memref<512xi32, #tpu.memory_space<vmem>>) semaphore(%arg21 : memref<!tpu.dma_semaphore, #tpu.memory_space<semaphore_mem>>)
    %dma_wait3A_211 = arith.constant 0 : i32
    %dma_wait3A_212 = arith.constant 0 : i32
    %dma_wait3A_213 = tpu.memref_slice %arg3[%dma_wait3A_211, %dma_wait3A_212] : memref<100352x16xf32, #tpu.memory_space<hbm>> -> memref<100352x16xf32, #tpu.memory_space<hbm>>
    tpu.wait_indirect_dma semaphore(%arg20 : memref<!tpu.dma_semaphore, #tpu.memory_space<semaphore_mem>>) src(%dma_wait3A_213 : memref<100352x16xf32, #tpu.memory_space<hbm>>) dst(%arg16 : memref<512x16xf32, #tpu.memory_space<vmem>>)
    %dma_start3A_214 = arith.constant 0 : i32
    %dma_start3A_215 = arith.constant 0 : i32
    %dma_start3A_216 = tpu.memref_slice %arg18[%dma_start3A_214, %dma_start3A_215] : memref<100352x16xf32, #tpu.memory_space<vmem_shared>> -> memref<100352x16xf32, #tpu.memory_space<vmem_shared>>
    tpu.enqueue_indirect_dma source(%arg16 : memref<512x16xf32, #tpu.memory_space<vmem>>) target(%dma_start3A_216 : memref<100352x16xf32, #tpu.memory_space<vmem_shared>>) offsets(%arg12 : memref<512xi32, #tpu.memory_space<vmem>>) semaphore(%arg23 : memref<!tpu.dma_semaphore, #tpu.memory_space<semaphore_mem>>) {add = true}
    %scan3A_217 = arith.constant 0 : i32
    %scan3A_218 = arith.constant 0 : i32
    %scan3A_219 = arith.constant 31 : i32
    %scan3A_220 = arith.addi %scan3A_218, %scan3A_219 : i32
    %scan3A_221 = arith.constant 1 : i32
    scf.for %scan3A_276 = %scan3A_218 to %scan3A_220 step %scan3A_221  : i32 {
      %mul3A_277 = arith.constant 3 : i32
      %mul3A_278 = arith.muli %mul3A_277, %scan3A_276 : i32
      %add3A_279 = arith.constant 2 : i32
      %add3A_280 = arith.addi %mul3A_278, %add3A_279 : i32
      %add3A_281 = arith.constant 0 : i32
      %add3A_282 = arith.addi %add3A_280, %add3A_281 : i32
      %dma_wait3A_283 = arith.constant 0 : i32
      %dma_wait3A_284 = arith.constant 0 : i32
      %dma_wait3A_285 = tpu.memref_slice %arg18[%dma_wait3A_283, %dma_wait3A_284] : memref<100352x16xf32, #tpu.memory_space<vmem_shared>> -> memref<100352x16xf32, #tpu.memory_space<vmem_shared>>
      tpu.wait_indirect_dma semaphore(%arg23 : memref<!tpu.dma_semaphore, #tpu.memory_space<semaphore_mem>>) src(%arg16 : memref<512x16xf32, #tpu.memory_space<vmem>>) dst(%dma_wait3A_285 : memref<100352x16xf32, #tpu.memory_space<vmem_shared>>)
      %add3A_286 = arith.constant 2 : i32
      %add3A_287 = arith.addi %add3A_282, %add3A_286 : i32
      %mul3A_288 = arith.constant 512 : i32
      %mul3A_289 = arith.muli %add3A_287, %mul3A_288 : i32
      %add3A_290 = arith.addi %mul3A_6, %mul3A_289 : i32
      %dma_start3A_291 = tpu.memref_slice %arg4[%add3A_290] : memref<1605632xi32, #tpu.memory_space<hbm>> -> memref<512xi32, #tpu.memory_space<hbm>>
      %dma_start3A_292 = tpu.memref_slice %arg4[%add3A_290] : memref<1605632xi32, #tpu.memory_space<hbm>> -> memref<512xi32, #tpu.memory_space<hbm>>
      tpu.enqueue_dma source(%dma_start3A_292 : memref<512xi32, #tpu.memory_space<hbm>>) target(%arg11 : memref<512xi32, #tpu.memory_space<vmem>>) target_semaphore(%arg26 : memref<!tpu.dma_semaphore, #tpu.memory_space<semaphore_mem>>)
      %mul3A_293 = arith.constant 512 : i32
      %mul3A_294 = arith.muli %add3A_287, %mul3A_293 : i32
      %add3A_295 = arith.addi %mul3A_6, %mul3A_294 : i32
      %dma_start3A_296 = tpu.memref_slice %arg5[%add3A_295] : memref<1605632xi32, #tpu.memory_space<hbm>> -> memref<512xi32, #tpu.memory_space<hbm>>
      %dma_start3A_297 = tpu.memref_slice %arg5[%add3A_295] : memref<1605632xi32, #tpu.memory_space<hbm>> -> memref<512xi32, #tpu.memory_space<hbm>>
      tpu.enqueue_dma source(%dma_start3A_297 : memref<512xi32, #tpu.memory_space<hbm>>) target(%arg12 : memref<512xi32, #tpu.memory_space<vmem>>) target_semaphore(%arg26 : memref<!tpu.dma_semaphore, #tpu.memory_space<semaphore_mem>>)
      %dma_wait3A_298 = tpu.memref_slice %arg4[%mul3A_6] : memref<1605632xi32, #tpu.memory_space<hbm>> -> memref<512xi32, #tpu.memory_space<hbm>>
      %dma_wait3A_299 = tpu.memref_slice %arg4[%mul3A_6] : memref<1605632xi32, #tpu.memory_space<hbm>> -> memref<512xi32, #tpu.memory_space<hbm>>
      tpu.wait_dma2 semaphore(%arg25 : memref<!tpu.dma_semaphore, #tpu.memory_space<semaphore_mem>>) src(%dma_wait3A_299 : memref<512xi32, #tpu.memory_space<hbm>>) dst(%arg9 : memref<512xi32, #tpu.memory_space<vmem>>)
      %dma_wait3A_300 = tpu.memref_slice %arg5[%mul3A_6] : memref<1605632xi32, #tpu.memory_space<hbm>> -> memref<512xi32, #tpu.memory_space<hbm>>
      %dma_wait3A_301 = tpu.memref_slice %arg5[%mul3A_6] : memref<1605632xi32, #tpu.memory_space<hbm>> -> memref<512xi32, #tpu.memory_space<hbm>>
      tpu.wait_dma2 semaphore(%arg25 : memref<!tpu.dma_semaphore, #tpu.memory_space<semaphore_mem>>) src(%dma_wait3A_301 : memref<512xi32, #tpu.memory_space<hbm>>) dst(%arg10 : memref<512xi32, #tpu.memory_space<vmem>>)
      %dma_start3A_302 = arith.constant 0 : i32
      %dma_start3A_303 = arith.constant 0 : i32
      %dma_start3A_304 = tpu.memref_slice %arg3[%dma_start3A_302, %dma_start3A_303] : memref<100352x16xf32, #tpu.memory_space<hbm>> -> memref<100352x16xf32, #tpu.memory_space<hbm>>
      tpu.enqueue_indirect_dma source(%dma_start3A_304 : memref<100352x16xf32, #tpu.memory_space<hbm>>) target(%arg15 : memref<512x16xf32, #tpu.memory_space<vmem>>) offsets(%arg9 : memref<512xi32, #tpu.memory_space<vmem>>) semaphore(%arg19 : memref<!tpu.dma_semaphore, #tpu.memory_space<semaphore_mem>>)
      %dma_wait3A_305 = arith.constant 0 : i32
      %dma_wait3A_306 = arith.constant 0 : i32
      %dma_wait3A_307 = tpu.memref_slice %arg3[%dma_wait3A_305, %dma_wait3A_306] : memref<100352x16xf32, #tpu.memory_space<hbm>> -> memref<100352x16xf32, #tpu.memory_space<hbm>>
      tpu.wait_indirect_dma semaphore(%arg21 : memref<!tpu.dma_semaphore, #tpu.memory_space<semaphore_mem>>) src(%dma_wait3A_307 : memref<100352x16xf32, #tpu.memory_space<hbm>>) dst(%arg17 : memref<512x16xf32, #tpu.memory_space<vmem>>)
      %dma_start3A_308 = arith.constant 0 : i32
      %dma_start3A_309 = arith.constant 0 : i32
      %dma_start3A_310 = tpu.memref_slice %arg18[%dma_start3A_308, %dma_start3A_309] : memref<100352x16xf32, #tpu.memory_space<vmem_shared>> -> memref<100352x16xf32, #tpu.memory_space<vmem_shared>>
      tpu.enqueue_indirect_dma source(%arg17 : memref<512x16xf32, #tpu.memory_space<vmem>>) target(%dma_start3A_310 : memref<100352x16xf32, #tpu.memory_space<vmem_shared>>) offsets(%arg14 : memref<512xi32, #tpu.memory_space<vmem>>) semaphore(%arg24 : memref<!tpu.dma_semaphore, #tpu.memory_space<semaphore_mem>>) {add = true}
      %mul3A_311 = arith.constant 3 : i32
      %mul3A_312 = arith.muli %mul3A_311, %scan3A_276 : i32
      %add3A_313 = arith.constant 2 : i32
      %add3A_314 = arith.addi %mul3A_312, %add3A_313 : i32
      %add3A_315 = arith.constant 1 : i32
      %add3A_316 = arith.addi %add3A_314, %add3A_315 : i32
      %dma_wait3A_317 = arith.constant 0 : i32
      %dma_wait3A_318 = arith.constant 0 : i32
      %dma_wait3A_319 = tpu.memref_slice %arg18[%dma_wait3A_317, %dma_wait3A_318] : memref<100352x16xf32, #tpu.memory_space<vmem_shared>> -> memref<100352x16xf32, #tpu.memory_space<vmem_shared>>
      tpu.wait_indirect_dma semaphore(%arg24 : memref<!tpu.dma_semaphore, #tpu.memory_space<semaphore_mem>>) src(%arg17 : memref<512x16xf32, #tpu.memory_space<vmem>>) dst(%dma_wait3A_319 : memref<100352x16xf32, #tpu.memory_space<vmem_shared>>)
      %add3A_320 = arith.constant 2 : i32
      %add3A_321 = arith.addi %add3A_316, %add3A_320 : i32
      %mul3A_322 = arith.constant 512 : i32
      %mul3A_323 = arith.muli %add3A_321, %mul3A_322 : i32
      %add3A_324 = arith.addi %mul3A_6, %mul3A_323 : i32
      %dma_start3A_325 = tpu.memref_slice %arg4[%add3A_324] : memref<1605632xi32, #tpu.memory_space<hbm>> -> memref<512xi32, #tpu.memory_space<hbm>>
      %dma_start3A_326 = tpu.memref_slice %arg4[%add3A_324] : memref<1605632xi32, #tpu.memory_space<hbm>> -> memref<512xi32, #tpu.memory_space<hbm>>
      tpu.enqueue_dma source(%dma_start3A_326 : memref<512xi32, #tpu.memory_space<hbm>>) target(%arg13 : memref<512xi32, #tpu.memory_space<vmem>>) target_semaphore(%arg27 : memref<!tpu.dma_semaphore, #tpu.memory_space<semaphore_mem>>)
      %mul3A_327 = arith.constant 512 : i32
      %mul3A_328 = arith.muli %add3A_321, %mul3A_327 : i32
      %add3A_329 = arith.addi %mul3A_6, %mul3A_328 : i32
      %dma_start3A_330 = tpu.memref_slice %arg5[%add3A_329] : memref<1605632xi32, #tpu.memory_space<hbm>> -> memref<512xi32, #tpu.memory_space<hbm>>
      %dma_start3A_331 = tpu.memref_slice %arg5[%add3A_329] : memref<1605632xi32, #tpu.memory_space<hbm>> -> memref<512xi32, #tpu.memory_space<hbm>>
      tpu.enqueue_dma source(%dma_start3A_331 : memref<512xi32, #tpu.memory_space<hbm>>) target(%arg14 : memref<512xi32, #tpu.memory_space<vmem>>) target_semaphore(%arg27 : memref<!tpu.dma_semaphore, #tpu.memory_space<semaphore_mem>>)
      %dma_wait3A_332 = tpu.memref_slice %arg4[%mul3A_6] : memref<1605632xi32, #tpu.memory_space<hbm>> -> memref<512xi32, #tpu.memory_space<hbm>>
      %dma_wait3A_333 = tpu.memref_slice %arg4[%mul3A_6] : memref<1605632xi32, #tpu.memory_space<hbm>> -> memref<512xi32, #tpu.memory_space<hbm>>
      tpu.wait_dma2 semaphore(%arg26 : memref<!tpu.dma_semaphore, #tpu.memory_space<semaphore_mem>>) src(%dma_wait3A_333 : memref<512xi32, #tpu.memory_space<hbm>>) dst(%arg11 : memref<512xi32, #tpu.memory_space<vmem>>)
      %dma_wait3A_334 = tpu.memref_slice %arg5[%mul3A_6] : memref<1605632xi32, #tpu.memory_space<hbm>> -> memref<512xi32, #tpu.memory_space<hbm>>
      %dma_wait3A_335 = tpu.memref_slice %arg5[%mul3A_6] : memref<1605632xi32, #tpu.memory_space<hbm>> -> memref<512xi32, #tpu.memory_space<hbm>>
      tpu.wait_dma2 semaphore(%arg26 : memref<!tpu.dma_semaphore, #tpu.memory_space<semaphore_mem>>) src(%dma_wait3A_335 : memref<512xi32, #tpu.memory_space<hbm>>) dst(%arg12 : memref<512xi32, #tpu.memory_space<vmem>>)
      %dma_start3A_336 = arith.constant 0 : i32
      %dma_start3A_337 = arith.constant 0 : i32
      %dma_start3A_338 = tpu.memref_slice %arg3[%dma_start3A_336, %dma_start3A_337] : memref<100352x16xf32, #tpu.memory_space<hbm>> -> memref<100352x16xf32, #tpu.memory_space<hbm>>
      tpu.enqueue_indirect_dma source(%dma_start3A_338 : memref<100352x16xf32, #tpu.memory_space<hbm>>) target(%arg16 : memref<512x16xf32, #tpu.memory_space<vmem>>) offsets(%arg11 : memref<512xi32, #tpu.memory_space<vmem>>) semaphore(%arg20 : memref<!tpu.dma_semaphore, #tpu.memory_space<semaphore_mem>>)
      %dma_wait3A_339 = arith.constant 0 : i32
      %dma_wait3A_340 = arith.constant 0 : i32
      %dma_wait3A_341 = tpu.memref_slice %arg3[%dma_wait3A_339, %dma_wait3A_340] : memref<100352x16xf32, #tpu.memory_space<hbm>> -> memref<100352x16xf32, #tpu.memory_space<hbm>>
      tpu.wait_indirect_dma semaphore(%arg19 : memref<!tpu.dma_semaphore, #tpu.memory_space<semaphore_mem>>) src(%dma_wait3A_341 : memref<100352x16xf32, #tpu.memory_space<hbm>>) dst(%arg15 : memref<512x16xf32, #tpu.memory_space<vmem>>)
      %dma_start3A_342 = arith.constant 0 : i32
      %dma_start3A_343 = arith.constant 0 : i32
      %dma_start3A_344 = tpu.memref_slice %arg18[%dma_start3A_342, %dma_start3A_343] : memref<100352x16xf32, #tpu.memory_space<vmem_shared>> -> memref<100352x16xf32, #tpu.memory_space<vmem_shared>>
      tpu.enqueue_indirect_dma source(%arg15 : memref<512x16xf32, #tpu.memory_space<vmem>>) target(%dma_start3A_344 : memref<100352x16xf32, #tpu.memory_space<vmem_shared>>) offsets(%arg10 : memref<512xi32, #tpu.memory_space<vmem>>) semaphore(%arg22 : memref<!tpu.dma_semaphore, #tpu.memory_space<semaphore_mem>>) {add = true}
      %mul3A_345 = arith.constant 3 : i32
      %mul3A_346 = arith.muli %mul3A_345, %scan3A_276 : i32
      %add3A_347 = arith.constant 2 : i32
      %add3A_348 = arith.addi %mul3A_346, %add3A_347 : i32
      %add3A_349 = arith.constant 2 : i32
      %add3A_350 = arith.addi %add3A_348, %add3A_349 : i32
      %dma_wait3A_351 = arith.constant 0 : i32
      %dma_wait3A_352 = arith.constant 0 : i32
      %dma_wait3A_353 = tpu.memref_slice %arg18[%dma_wait3A_351, %dma_wait3A_352] : memref<100352x16xf32, #tpu.memory_space<vmem_shared>> -> memref<100352x16xf32, #tpu.memory_space<vmem_shared>>
      tpu.wait_indirect_dma semaphore(%arg22 : memref<!tpu.dma_semaphore, #tpu.memory_space<semaphore_mem>>) src(%arg15 : memref<512x16xf32, #tpu.memory_space<vmem>>) dst(%dma_wait3A_353 : memref<100352x16xf32, #tpu.memory_space<vmem_shared>>)
      %add3A_354 = arith.constant 2 : i32
      %add3A_355 = arith.addi %add3A_350, %add3A_354 : i32
      %mul3A_356 = arith.constant 512 : i32
      %mul3A_357 = arith.muli %add3A_355, %mul3A_356 : i32
      %add3A_358 = arith.addi %mul3A_6, %mul3A_357 : i32
      %dma_start3A_359 = tpu.memref_slice %arg4[%add3A_358] : memref<1605632xi32, #tpu.memory_space<hbm>> -> memref<512xi32, #tpu.memory_space<hbm>>
      %dma_start3A_360 = tpu.memref_slice %arg4[%add3A_358] : memref<1605632xi32, #tpu.memory_space<hbm>> -> memref<512xi32, #tpu.memory_space<hbm>>
      tpu.enqueue_dma source(%dma_start3A_360 : memref<512xi32, #tpu.memory_space<hbm>>) target(%arg9 : memref<512xi32, #tpu.memory_space<vmem>>) target_semaphore(%arg25 : memref<!tpu.dma_semaphore, #tpu.memory_space<semaphore_mem>>)
      %mul3A_361 = arith.constant 512 : i32
      %mul3A_362 = arith.muli %add3A_355, %mul3A_361 : i32
      %add3A_363 = arith.addi %mul3A_6, %mul3A_362 : i32
      %dma_start3A_364 = tpu.memref_slice %arg5[%add3A_363] : memref<1605632xi32, #tpu.memory_space<hbm>> -> memref<512xi32, #tpu.memory_space<hbm>>
      %dma_start3A_365 = tpu.memref_slice %arg5[%add3A_363] : memref<1605632xi32, #tpu.memory_space<hbm>> -> memref<512xi32, #tpu.memory_space<hbm>>
      tpu.enqueue_dma source(%dma_start3A_365 : memref<512xi32, #tpu.memory_space<hbm>>) target(%arg10 : memref<512xi32, #tpu.memory_space<vmem>>) target_semaphore(%arg25 : memref<!tpu.dma_semaphore, #tpu.memory_space<semaphore_mem>>)
      %dma_wait3A_366 = tpu.memref_slice %arg4[%mul3A_6] : memref<1605632xi32, #tpu.memory_space<hbm>> -> memref<512xi32, #tpu.memory_space<hbm>>
      %dma_wait3A_367 = tpu.memref_slice %arg4[%mul3A_6] : memref<1605632xi32, #tpu.memory_space<hbm>> -> memref<512xi32, #tpu.memory_space<hbm>>
      tpu.wait_dma2 semaphore(%arg27 : memref<!tpu.dma_semaphore, #tpu.memory_space<semaphore_mem>>) src(%dma_wait3A_367 : memref<512xi32, #tpu.memory_space<hbm>>) dst(%arg13 : memref<512xi32, #tpu.memory_space<vmem>>)
      %dma_wait3A_368 = tpu.memref_slice %arg5[%mul3A_6] : memref<1605632xi32, #tpu.memory_space<hbm>> -> memref<512xi32, #tpu.memory_space<hbm>>
      %dma_wait3A_369 = tpu.memref_slice %arg5[%mul3A_6] : memref<1605632xi32, #tpu.memory_space<hbm>> -> memref<512xi32, #tpu.memory_space<hbm>>
      tpu.wait_dma2 semaphore(%arg27 : memref<!tpu.dma_semaphore, #tpu.memory_space<semaphore_mem>>) src(%dma_wait3A_369 : memref<512xi32, #tpu.memory_space<hbm>>) dst(%arg14 : memref<512xi32, #tpu.memory_space<vmem>>)
      %dma_start3A_370 = arith.constant 0 : i32
      %dma_start3A_371 = arith.constant 0 : i32
      %dma_start3A_372 = tpu.memref_slice %arg3[%dma_start3A_370, %dma_start3A_371] : memref<100352x16xf32, #tpu.memory_space<hbm>> -> memref<100352x16xf32, #tpu.memory_space<hbm>>
      tpu.enqueue_indirect_dma source(%dma_start3A_372 : memref<100352x16xf32, #tpu.memory_space<hbm>>) target(%arg17 : memref<512x16xf32, #tpu.memory_space<vmem>>) offsets(%arg13 : memref<512xi32, #tpu.memory_space<vmem>>) semaphore(%arg21 : memref<!tpu.dma_semaphore, #tpu.memory_space<semaphore_mem>>)
      %dma_wait3A_373 = arith.constant 0 : i32
      %dma_wait3A_374 = arith.constant 0 : i32
      %dma_wait3A_375 = tpu.memref_slice %arg3[%dma_wait3A_373, %dma_wait3A_374] : memref<100352x16xf32, #tpu.memory_space<hbm>> -> memref<100352x16xf32, #tpu.memory_space<hbm>>
      tpu.wait_indirect_dma semaphore(%arg20 : memref<!tpu.dma_semaphore, #tpu.memory_space<semaphore_mem>>) src(%dma_wait3A_375 : memref<100352x16xf32, #tpu.memory_space<hbm>>) dst(%arg16 : memref<512x16xf32, #tpu.memory_space<vmem>>)
      %dma_start3A_376 = arith.constant 0 : i32
      %dma_start3A_377 = arith.constant 0 : i32
      %dma_start3A_378 = tpu.memref_slice %arg18[%dma_start3A_376, %dma_start3A_377] : memref<100352x16xf32, #tpu.memory_space<vmem_shared>> -> memref<100352x16xf32, #tpu.memory_space<vmem_shared>>
      tpu.enqueue_indirect_dma source(%arg16 : memref<512x16xf32, #tpu.memory_space<vmem>>) target(%dma_start3A_378 : memref<100352x16xf32, #tpu.memory_space<vmem_shared>>) offsets(%arg12 : memref<512xi32, #tpu.memory_space<vmem>>) semaphore(%arg23 : memref<!tpu.dma_semaphore, #tpu.memory_space<semaphore_mem>>) {add = true}
    }
    %scan3A_222 = arith.constant 31 : i32
    %dma_wait3A_223 = arith.constant 0 : i32
    %dma_wait3A_224 = arith.constant 0 : i32
    %dma_wait3A_225 = tpu.memref_slice %arg18[%dma_wait3A_223, %dma_wait3A_224] : memref<100352x16xf32, #tpu.memory_space<vmem_shared>> -> memref<100352x16xf32, #tpu.memory_space<vmem_shared>>
    tpu.wait_indirect_dma semaphore(%arg23 : memref<!tpu.dma_semaphore, #tpu.memory_space<semaphore_mem>>) src(%arg16 : memref<512x16xf32, #tpu.memory_space<vmem>>) dst(%dma_wait3A_225 : memref<100352x16xf32, #tpu.memory_space<vmem_shared>>)
    %add3A_226 = arith.constant 49664 : i32
    %add3A_227 = arith.addi %mul3A_6, %add3A_226 : i32
    %dma_start3A_228 = tpu.memref_slice %arg4[%add3A_227] : memref<1605632xi32, #tpu.memory_space<hbm>> -> memref<512xi32, #tpu.memory_space<hbm>>
    %dma_start3A_229 = tpu.memref_slice %arg4[%add3A_227] : memref<1605632xi32, #tpu.memory_space<hbm>> -> memref<512xi32, #tpu.memory_space<hbm>>
    tpu.enqueue_dma source(%dma_start3A_229 : memref<512xi32, #tpu.memory_space<hbm>>) target(%arg11 : memref<512xi32, #tpu.memory_space<vmem>>) target_semaphore(%arg26 : memref<!tpu.dma_semaphore, #tpu.memory_space<semaphore_mem>>)
    %add3A_230 = arith.constant 49664 : i32
    %add3A_231 = arith.addi %mul3A_6, %add3A_230 : i32
    %dma_start3A_232 = tpu.memref_slice %arg5[%add3A_231] : memref<1605632xi32, #tpu.memory_space<hbm>> -> memref<512xi32, #tpu.memory_space<hbm>>
    %dma_start3A_233 = tpu.memref_slice %arg5[%add3A_231] : memref<1605632xi32, #tpu.memory_space<hbm>> -> memref<512xi32, #tpu.memory_space<hbm>>
    tpu.enqueue_dma source(%dma_start3A_233 : memref<512xi32, #tpu.memory_space<hbm>>) target(%arg12 : memref<512xi32, #tpu.memory_space<vmem>>) target_semaphore(%arg26 : memref<!tpu.dma_semaphore, #tpu.memory_space<semaphore_mem>>)
    %dma_wait3A_234 = tpu.memref_slice %arg4[%mul3A_6] : memref<1605632xi32, #tpu.memory_space<hbm>> -> memref<512xi32, #tpu.memory_space<hbm>>
    %dma_wait3A_235 = tpu.memref_slice %arg4[%mul3A_6] : memref<1605632xi32, #tpu.memory_space<hbm>> -> memref<512xi32, #tpu.memory_space<hbm>>
    tpu.wait_dma2 semaphore(%arg25 : memref<!tpu.dma_semaphore, #tpu.memory_space<semaphore_mem>>) src(%dma_wait3A_235 : memref<512xi32, #tpu.memory_space<hbm>>) dst(%arg9 : memref<512xi32, #tpu.memory_space<vmem>>)
    %dma_wait3A_236 = tpu.memref_slice %arg5[%mul3A_6] : memref<1605632xi32, #tpu.memory_space<hbm>> -> memref<512xi32, #tpu.memory_space<hbm>>
    %dma_wait3A_237 = tpu.memref_slice %arg5[%mul3A_6] : memref<1605632xi32, #tpu.memory_space<hbm>> -> memref<512xi32, #tpu.memory_space<hbm>>
    tpu.wait_dma2 semaphore(%arg25 : memref<!tpu.dma_semaphore, #tpu.memory_space<semaphore_mem>>) src(%dma_wait3A_237 : memref<512xi32, #tpu.memory_space<hbm>>) dst(%arg10 : memref<512xi32, #tpu.memory_space<vmem>>)
    %dma_start3A_238 = arith.constant 0 : i32
    %dma_start3A_239 = arith.constant 0 : i32
    %dma_start3A_240 = tpu.memref_slice %arg3[%dma_start3A_238, %dma_start3A_239] : memref<100352x16xf32, #tpu.memory_space<hbm>> -> memref<100352x16xf32, #tpu.memory_space<hbm>>
    tpu.enqueue_indirect_dma source(%dma_start3A_240 : memref<100352x16xf32, #tpu.memory_space<hbm>>) target(%arg15 : memref<512x16xf32, #tpu.memory_space<vmem>>) offsets(%arg9 : memref<512xi32, #tpu.memory_space<vmem>>) semaphore(%arg19 : memref<!tpu.dma_semaphore, #tpu.memory_space<semaphore_mem>>)
    %dma_wait3A_241 = arith.constant 0 : i32
    %dma_wait3A_242 = arith.constant 0 : i32
    %dma_wait3A_243 = tpu.memref_slice %arg3[%dma_wait3A_241, %dma_wait3A_242] : memref<100352x16xf32, #tpu.memory_space<hbm>> -> memref<100352x16xf32, #tpu.memory_space<hbm>>
    tpu.wait_indirect_dma semaphore(%arg21 : memref<!tpu.dma_semaphore, #tpu.memory_space<semaphore_mem>>) src(%dma_wait3A_243 : memref<100352x16xf32, #tpu.memory_space<hbm>>) dst(%arg17 : memref<512x16xf32, #tpu.memory_space<vmem>>)
    %dma_start3A_244 = arith.constant 0 : i32
    %dma_start3A_245 = arith.constant 0 : i32
    %dma_start3A_246 = tpu.memref_slice %arg18[%dma_start3A_244, %dma_start3A_245] : memref<100352x16xf32, #tpu.memory_space<vmem_shared>> -> memref<100352x16xf32, #tpu.memory_space<vmem_shared>>
    tpu.enqueue_indirect_dma source(%arg17 : memref<512x16xf32, #tpu.memory_space<vmem>>) target(%dma_start3A_246 : memref<100352x16xf32, #tpu.memory_space<vmem_shared>>) offsets(%arg14 : memref<512xi32, #tpu.memory_space<vmem>>) semaphore(%arg24 : memref<!tpu.dma_semaphore, #tpu.memory_space<semaphore_mem>>) {add = true}
    %dma_wait3A_247 = tpu.memref_slice %arg4[%mul3A_6] : memref<1605632xi32, #tpu.memory_space<hbm>> -> memref<512xi32, #tpu.memory_space<hbm>>
    %dma_wait3A_248 = tpu.memref_slice %arg4[%mul3A_6] : memref<1605632xi32, #tpu.memory_space<hbm>> -> memref<512xi32, #tpu.memory_space<hbm>>
    tpu.wait_dma2 semaphore(%arg26 : memref<!tpu.dma_semaphore, #tpu.memory_space<semaphore_mem>>) src(%dma_wait3A_248 : memref<512xi32, #tpu.memory_space<hbm>>) dst(%arg11 : memref<512xi32, #tpu.memory_space<vmem>>)
    %dma_wait3A_249 = tpu.memref_slice %arg5[%mul3A_6] : memref<1605632xi32, #tpu.memory_space<hbm>> -> memref<512xi32, #tpu.memory_space<hbm>>
    %dma_wait3A_250 = tpu.memref_slice %arg5[%mul3A_6] : memref<1605632xi32, #tpu.memory_space<hbm>> -> memref<512xi32, #tpu.memory_space<hbm>>
    tpu.wait_dma2 semaphore(%arg26 : memref<!tpu.dma_semaphore, #tpu.memory_space<semaphore_mem>>) src(%dma_wait3A_250 : memref<512xi32, #tpu.memory_space<hbm>>) dst(%arg12 : memref<512xi32, #tpu.memory_space<vmem>>)
    %dma_start3A_251 = arith.constant 0 : i32
    %dma_start3A_252 = arith.constant 0 : i32
    %dma_start3A_253 = tpu.memref_slice %arg3[%dma_start3A_251, %dma_start3A_252] : memref<100352x16xf32, #tpu.memory_space<hbm>> -> memref<100352x16xf32, #tpu.memory_space<hbm>>
    tpu.enqueue_indirect_dma source(%dma_start3A_253 : memref<100352x16xf32, #tpu.memory_space<hbm>>) target(%arg16 : memref<512x16xf32, #tpu.memory_space<vmem>>) offsets(%arg11 : memref<512xi32, #tpu.memory_space<vmem>>) semaphore(%arg20 : memref<!tpu.dma_semaphore, #tpu.memory_space<semaphore_mem>>)
    %dma_wait3A_254 = arith.constant 0 : i32
    %dma_wait3A_255 = arith.constant 0 : i32
    %dma_wait3A_256 = tpu.memref_slice %arg3[%dma_wait3A_254, %dma_wait3A_255] : memref<100352x16xf32, #tpu.memory_space<hbm>> -> memref<100352x16xf32, #tpu.memory_space<hbm>>
    tpu.wait_indirect_dma semaphore(%arg19 : memref<!tpu.dma_semaphore, #tpu.memory_space<semaphore_mem>>) src(%dma_wait3A_256 : memref<100352x16xf32, #tpu.memory_space<hbm>>) dst(%arg15 : memref<512x16xf32, #tpu.memory_space<vmem>>)
    %dma_start3A_257 = arith.constant 0 : i32
    %dma_start3A_258 = arith.constant 0 : i32
    %dma_start3A_259 = tpu.memref_slice %arg18[%dma_start3A_257, %dma_start3A_258] : memref<100352x16xf32, #tpu.memory_space<vmem_shared>> -> memref<100352x16xf32, #tpu.memory_space<vmem_shared>>
    tpu.enqueue_indirect_dma source(%arg15 : memref<512x16xf32, #tpu.memory_space<vmem>>) target(%dma_start3A_259 : memref<100352x16xf32, #tpu.memory_space<vmem_shared>>) offsets(%arg10 : memref<512xi32, #tpu.memory_space<vmem>>) semaphore(%arg22 : memref<!tpu.dma_semaphore, #tpu.memory_space<semaphore_mem>>) {add = true}
    %dma_wait3A_260 = arith.constant 0 : i32
    %dma_wait3A_261 = arith.constant 0 : i32
    %dma_wait3A_262 = tpu.memref_slice %arg3[%dma_wait3A_260, %dma_wait3A_261] : memref<100352x16xf32, #tpu.memory_space<hbm>> -> memref<100352x16xf32, #tpu.memory_space<hbm>>
    tpu.wait_indirect_dma semaphore(%arg20 : memref<!tpu.dma_semaphore, #tpu.memory_space<semaphore_mem>>) src(%dma_wait3A_262 : memref<100352x16xf32, #tpu.memory_space<hbm>>) dst(%arg16 : memref<512x16xf32, #tpu.memory_space<vmem>>)
    %dma_start3A_263 = arith.constant 0 : i32
    %dma_start3A_264 = arith.constant 0 : i32
    %dma_start3A_265 = tpu.memref_slice %arg18[%dma_start3A_263, %dma_start3A_264] : memref<100352x16xf32, #tpu.memory_space<vmem_shared>> -> memref<100352x16xf32, #tpu.memory_space<vmem_shared>>
    tpu.enqueue_indirect_dma source(%arg16 : memref<512x16xf32, #tpu.memory_space<vmem>>) target(%dma_start3A_265 : memref<100352x16xf32, #tpu.memory_space<vmem_shared>>) offsets(%arg12 : memref<512xi32, #tpu.memory_space<vmem>>) semaphore(%arg23 : memref<!tpu.dma_semaphore, #tpu.memory_space<semaphore_mem>>) {add = true}
    %dma_wait3A_266 = arith.constant 0 : i32
    %dma_wait3A_267 = arith.constant 0 : i32
    %dma_wait3A_268 = tpu.memref_slice %arg18[%dma_wait3A_266, %dma_wait3A_267] : memref<100352x16xf32, #tpu.memory_space<vmem_shared>> -> memref<100352x16xf32, #tpu.memory_space<vmem_shared>>
    tpu.wait_indirect_dma semaphore(%arg24 : memref<!tpu.dma_semaphore, #tpu.memory_space<semaphore_mem>>) src(%arg17 : memref<512x16xf32, #tpu.memory_space<vmem>>) dst(%dma_wait3A_268 : memref<100352x16xf32, #tpu.memory_space<vmem_shared>>)
    %dma_wait3A_269 = arith.constant 0 : i32
    %dma_wait3A_270 = arith.constant 0 : i32
    %dma_wait3A_271 = tpu.memref_slice %arg18[%dma_wait3A_269, %dma_wait3A_270] : memref<100352x16xf32, #tpu.memory_space<vmem_shared>> -> memref<100352x16xf32, #tpu.memory_space<vmem_shared>>
    tpu.wait_indirect_dma semaphore(%arg22 : memref<!tpu.dma_semaphore, #tpu.memory_space<semaphore_mem>>) src(%arg15 : memref<512x16xf32, #tpu.memory_space<vmem>>) dst(%dma_wait3A_271 : memref<100352x16xf32, #tpu.memory_space<vmem_shared>>)
    %dma_wait3A_272 = arith.constant 0 : i32
    %dma_wait3A_273 = arith.constant 0 : i32
    %dma_wait3A_274 = tpu.memref_slice %arg18[%dma_wait3A_272, %dma_wait3A_273] : memref<100352x16xf32, #tpu.memory_space<vmem_shared>> -> memref<100352x16xf32, #tpu.memory_space<vmem_shared>>
    tpu.wait_indirect_dma semaphore(%arg23 : memref<!tpu.dma_semaphore, #tpu.memory_space<semaphore_mem>>) src(%arg16 : memref<512x16xf32, #tpu.memory_space<vmem>>) dst(%dma_wait3A_274 : memref<100352x16xf32, #tpu.memory_space<vmem_shared>>)
    %barrier3A_275 = arith.constant 0 : index
    tpu.barrier barrier_id(%barrier3A_275)
    "tpu.region"() ({
      %run_scoped3A = tpu.sem_alloc : memref<!tpu.dma_semaphore, #tpu.memory_space<semaphore_mem>>
      %dma_start3A_276 = arith.constant 0 : i32
      %dma_start3A_277 = tpu.memref_slice %arg8[%arg0, %mul3A_2, %dma_start3A_276] : memref<2x100352x16xf32, #tpu.memory_space<hbm>> -> memref<1x6272x16xf32, #tpu.memory_space<hbm>>
      %dma_start3A_278 = tpu.memref_squeeze %dma_start3A_277 : memref<1x6272x16xf32, #tpu.memory_space<hbm>> -> memref<6272x16xf32, #tpu.memory_space<hbm>>
      %dma_start3A_279 = arith.constant 0 : i32
      %dma_start3A_280 = tpu.memref_slice %arg18[%mul3A_2, %dma_start3A_279] : memref<100352x16xf32, #tpu.memory_space<vmem_shared>> -> memref<6272x16xf32, #tpu.memory_space<vmem_shared>>
      tpu.enqueue_dma source(%dma_start3A_280 : memref<6272x16xf32, #tpu.memory_space<vmem_shared>>) target(%dma_start3A_278 : memref<6272x16xf32, #tpu.memory_space<hbm>>) target_semaphore(%run_scoped3A : memref<!tpu.dma_semaphore, #tpu.memory_space<semaphore_mem>>)
      %dma_wait3A_281 = arith.constant 0 : i32
      %dma_wait3A_282 = tpu.memref_slice %arg8[%arg0, %mul3A_2, %dma_wait3A_281] : memref<2x100352x16xf32, #tpu.memory_space<hbm>> -> memref<1x6272x16xf32, #tpu.memory_space<hbm>>
      %dma_wait3A_283 = tpu.memref_squeeze %dma_wait3A_282 : memref<1x6272x16xf32, #tpu.memory_space<hbm>> -> memref<6272x16xf32, #tpu.memory_space<hbm>>
      %dma_wait3A_284 = arith.constant 0 : i32
      %dma_wait3A_285 = tpu.memref_slice %arg18[%mul3A_2, %dma_wait3A_284] : memref<100352x16xf32, #tpu.memory_space<vmem_shared>> -> memref<6272x16xf32, #tpu.memory_space<vmem_shared>>
      tpu.wait_dma2 semaphore(%run_scoped3A : memref<!tpu.dma_semaphore, #tpu.memory_space<semaphore_mem>>) src(%dma_wait3A_285 : memref<6272x16xf32, #tpu.memory_space<vmem_shared>>) dst(%dma_wait3A_283 : memref<6272x16xf32, #tpu.memory_space<hbm>>)
      tpu.yield
    }) : () -> ()
    return
  }
}

#map = affine_map<(d0, d1) -> (0, 0)>
#map1 = affine_map<(d0, d1) -> (0)>
#map2 = affine_map<(d0, d1) -> (0, 0, 0)>
module attributes {stable_mosaic.version = 14 : i64} {
  func.func @_agg_body(%arg0: i32, %arg1: i32, %arg2: memref<100352x16xf32, #tpu.memory_space<hbm>>, %arg3: memref<100352x16xf32, #tpu.memory_space<hbm>>, %arg4: memref<1605632xi32, #tpu.memory_space<hbm>>, %arg5: memref<1605632xi32, #tpu.memory_space<hbm>>, %arg6: memref<100352x16xf32, #tpu.memory_space<hbm>>, %arg7: memref<2x100352x16xf32, #tpu.memory_space<hbm>>, %arg8: memref<2x100352x16xf32, #tpu.memory_space<hbm>>, %arg9: memref<512xi32, #tpu.memory_space<vmem>>, %arg10: memref<512xi32, #tpu.memory_space<vmem>>, %arg11: memref<512xi32, #tpu.memory_space<vmem>>, %arg12: memref<512xi32, #tpu.memory_space<vmem>>, %arg13: memref<512xi32, #tpu.memory_space<vmem>>, %arg14: memref<512xi32, #tpu.memory_space<vmem>>, %arg15: memref<512x16xf32, #tpu.memory_space<vmem>>, %arg16: memref<512x16xf32, #tpu.memory_space<vmem>>, %arg17: memref<512x16xf32, #tpu.memory_space<vmem>>, %arg18: memref<100352x16xf32, #tpu.memory_space<vmem_shared>>, %arg19: memref<!tpu.dma_semaphore, #tpu.memory_space<semaphore_mem>>, %arg20: memref<!tpu.dma_semaphore, #tpu.memory_space<semaphore_mem>>, %arg21: memref<!tpu.dma_semaphore, #tpu.memory_space<semaphore_mem>>, %arg22: memref<!tpu.dma_semaphore, #tpu.memory_space<semaphore_mem>>, %arg23: memref<!tpu.dma_semaphore, #tpu.memory_space<semaphore_mem>>, %arg24: memref<!tpu.dma_semaphore, #tpu.memory_space<semaphore_mem>>, %arg25: memref<!tpu.dma_semaphore, #tpu.memory_space<semaphore_mem>>, %arg26: memref<!tpu.dma_semaphore, #tpu.memory_space<semaphore_mem>>, %arg27: memref<!tpu.dma_semaphore, #tpu.memory_space<semaphore_mem>>) attributes {dimension_semantics = [#tpu.dimension_semantics<core_parallel>, #tpu.dimension_semantics<subcore_parallel>], iteration_bounds = array<i64: 2, 16>, scalar_prefetch = 0 : i64, scratch_operands = 19 : i64, tpu.core_type = #tpu.core_type<sc_vector_subcore>, window_params = [{transform_indices = #map}, {transform_indices = #map}, {transform_indices = #map1}, {transform_indices = #map1}, {transform_indices = #map}, {transform_indices = #map2}, {transform_indices = #map2}]} {
    %mul3A = arith.constant 2 : i32
    %mul3A_0 = arith.muli %arg1, %mul3A : i32
    %add3A = arith.addi %mul3A_0, %arg0 : i32
    %mul3A_1 = arith.constant 6272 : i32
    %mul3A_2 = arith.muli %arg1, %mul3A_1 : i32
    %mul3A_3 = arith.constant 392 : i32
    %mul3A_4 = arith.muli %add3A, %mul3A_3 : i32
    %mul3A_5 = arith.constant 128 : i32
    %mul3A_6 = arith.muli %mul3A_4, %mul3A_5 : i32
    %eq3A = arith.constant 0 : i32
    %eq3A_7 = arith.cmpi eq, %arg0, %eq3A : i32
    %convert_element_type3A = arith.extui %eq3A_7 : i1 to i32
    %cond3A = arith.constant 0 : i32
    %cond3A_8 = arith.cmpi ne, %convert_element_type3A, %cond3A : i32
    scf.if %cond3A_8 {
      "tpu.region"() ({
        %run_scoped3A = tpu.sem_alloc : memref<!tpu.dma_semaphore, #tpu.memory_space<semaphore_mem>>
        %dma_start3A_276 = arith.constant 0 : i32
        %dma_start3A_277 = tpu.memref_slice %arg18[%mul3A_2, %dma_start3A_276] : memref<100352x16xf32, #tpu.memory_space<vmem_shared>> -> memref<6272x16xf32, #tpu.memory_space<vmem_shared>>
        %dma_start3A_278 = arith.constant 0 : i32
        %dma_start3A_279 = tpu.memref_slice %arg2[%mul3A_2, %dma_start3A_278] : memref<100352x16xf32, #tpu.memory_space<hbm>> -> memref<6272x16xf32, #tpu.memory_space<hbm>>
        tpu.enqueue_dma source(%dma_start3A_279 : memref<6272x16xf32, #tpu.memory_space<hbm>>) target(%dma_start3A_277 : memref<6272x16xf32, #tpu.memory_space<vmem_shared>>) target_semaphore(%run_scoped3A : memref<!tpu.dma_semaphore, #tpu.memory_space<semaphore_mem>>)
        %dma_wait3A_280 = arith.constant 0 : i32
        %dma_wait3A_281 = tpu.memref_slice %arg18[%mul3A_2, %dma_wait3A_280] : memref<100352x16xf32, #tpu.memory_space<vmem_shared>> -> memref<6272x16xf32, #tpu.memory_space<vmem_shared>>
        %dma_wait3A_282 = arith.constant 0 : i32
        %dma_wait3A_283 = tpu.memref_slice %arg2[%mul3A_2, %dma_wait3A_282] : memref<100352x16xf32, #tpu.memory_space<hbm>> -> memref<6272x16xf32, #tpu.memory_space<hbm>>
        tpu.wait_dma2 semaphore(%run_scoped3A : memref<!tpu.dma_semaphore, #tpu.memory_space<semaphore_mem>>) src(%dma_wait3A_283 : memref<6272x16xf32, #tpu.memory_space<hbm>>) dst(%dma_wait3A_281 : memref<6272x16xf32, #tpu.memory_space<vmem_shared>>)
        tpu.yield
      }) : () -> ()
    } else {
    }
    %ne3A = arith.constant 0 : i32
    %ne3A_9 = arith.cmpi ne, %arg0, %ne3A : i32
    %convert_element_type3A_10 = arith.extui %ne3A_9 : i1 to i32
    %cond3A_11 = arith.constant 0 : i32
    %cond3A_12 = arith.cmpi ne, %convert_element_type3A_10, %cond3A_11 : i32
    scf.if %cond3A_12 {
      "tpu.region"() ({
        %run_scoped3A = tpu.sem_alloc : memref<!tpu.dma_semaphore, #tpu.memory_space<semaphore_mem>>
        %dma_start3A_276 = arith.constant 0 : i32
        %dma_start3A_277 = tpu.memref_slice %arg18[%mul3A_2, %dma_start3A_276] : memref<100352x16xf32, #tpu.memory_space<vmem_shared>> -> memref<6272x16xf32, #tpu.memory_space<vmem_shared>>
        %dma_start3A_278 = arith.constant 0 : i32
        %dma_start3A_279 = tpu.memref_slice %arg6[%mul3A_2, %dma_start3A_278] : memref<100352x16xf32, #tpu.memory_space<hbm>> -> memref<6272x16xf32, #tpu.memory_space<hbm>>
        tpu.enqueue_dma source(%dma_start3A_279 : memref<6272x16xf32, #tpu.memory_space<hbm>>) target(%dma_start3A_277 : memref<6272x16xf32, #tpu.memory_space<vmem_shared>>) target_semaphore(%run_scoped3A : memref<!tpu.dma_semaphore, #tpu.memory_space<semaphore_mem>>)
        %dma_wait3A_280 = arith.constant 0 : i32
        %dma_wait3A_281 = tpu.memref_slice %arg18[%mul3A_2, %dma_wait3A_280] : memref<100352x16xf32, #tpu.memory_space<vmem_shared>> -> memref<6272x16xf32, #tpu.memory_space<vmem_shared>>
        %dma_wait3A_282 = arith.constant 0 : i32
        %dma_wait3A_283 = tpu.memref_slice %arg6[%mul3A_2, %dma_wait3A_282] : memref<100352x16xf32, #tpu.memory_space<hbm>> -> memref<6272x16xf32, #tpu.memory_space<hbm>>
        tpu.wait_dma2 semaphore(%run_scoped3A : memref<!tpu.dma_semaphore, #tpu.memory_space<semaphore_mem>>) src(%dma_wait3A_283 : memref<6272x16xf32, #tpu.memory_space<hbm>>) dst(%dma_wait3A_281 : memref<6272x16xf32, #tpu.memory_space<vmem_shared>>)
        tpu.yield
      }) : () -> ()
    } else {
    }
    %barrier3A = arith.constant 0 : index
    tpu.barrier barrier_id(%barrier3A)
    %add3A_13 = arith.constant 0 : i32
    %add3A_14 = arith.addi %mul3A_6, %add3A_13 : i32
    %dma_start3A = tpu.memref_slice %arg4[%add3A_14] : memref<1605632xi32, #tpu.memory_space<hbm>> -> memref<512xi32, #tpu.memory_space<hbm>>
    %dma_start3A_15 = tpu.memref_slice %arg4[%add3A_14] : memref<1605632xi32, #tpu.memory_space<hbm>> -> memref<512xi32, #tpu.memory_space<hbm>>
    tpu.enqueue_dma source(%dma_start3A_15 : memref<512xi32, #tpu.memory_space<hbm>>) target(%arg9 : memref<512xi32, #tpu.memory_space<vmem>>) target_semaphore(%arg25 : memref<!tpu.dma_semaphore, #tpu.memory_space<semaphore_mem>>)
    %add3A_16 = arith.constant 0 : i32
    %add3A_17 = arith.addi %mul3A_6, %add3A_16 : i32
    %dma_start3A_18 = tpu.memref_slice %arg5[%add3A_17] : memref<1605632xi32, #tpu.memory_space<hbm>> -> memref<512xi32, #tpu.memory_space<hbm>>
    %dma_start3A_19 = tpu.memref_slice %arg5[%add3A_17] : memref<1605632xi32, #tpu.memory_space<hbm>> -> memref<512xi32, #tpu.memory_space<hbm>>
    tpu.enqueue_dma source(%dma_start3A_19 : memref<512xi32, #tpu.memory_space<hbm>>) target(%arg10 : memref<512xi32, #tpu.memory_space<vmem>>) target_semaphore(%arg25 : memref<!tpu.dma_semaphore, #tpu.memory_space<semaphore_mem>>)
    %add3A_20 = arith.constant 512 : i32
    %add3A_21 = arith.addi %mul3A_6, %add3A_20 : i32
    %dma_start3A_22 = tpu.memref_slice %arg4[%add3A_21] : memref<1605632xi32, #tpu.memory_space<hbm>> -> memref<512xi32, #tpu.memory_space<hbm>>
    %dma_start3A_23 = tpu.memref_slice %arg4[%add3A_21] : memref<1605632xi32, #tpu.memory_space<hbm>> -> memref<512xi32, #tpu.memory_space<hbm>>
    tpu.enqueue_dma source(%dma_start3A_23 : memref<512xi32, #tpu.memory_space<hbm>>) target(%arg11 : memref<512xi32, #tpu.memory_space<vmem>>) target_semaphore(%arg26 : memref<!tpu.dma_semaphore, #tpu.memory_space<semaphore_mem>>)
    %add3A_24 = arith.constant 512 : i32
    %add3A_25 = arith.addi %mul3A_6, %add3A_24 : i32
    %dma_start3A_26 = tpu.memref_slice %arg5[%add3A_25] : memref<1605632xi32, #tpu.memory_space<hbm>> -> memref<512xi32, #tpu.memory_space<hbm>>
    %dma_start3A_27 = tpu.memref_slice %arg5[%add3A_25] : memref<1605632xi32, #tpu.memory_space<hbm>> -> memref<512xi32, #tpu.memory_space<hbm>>
    tpu.enqueue_dma source(%dma_start3A_27 : memref<512xi32, #tpu.memory_space<hbm>>) target(%arg12 : memref<512xi32, #tpu.memory_space<vmem>>) target_semaphore(%arg26 : memref<!tpu.dma_semaphore, #tpu.memory_space<semaphore_mem>>)
    %add3A_28 = arith.constant 1024 : i32
    %add3A_29 = arith.addi %mul3A_6, %add3A_28 : i32
    %dma_start3A_30 = tpu.memref_slice %arg4[%add3A_29] : memref<1605632xi32, #tpu.memory_space<hbm>> -> memref<512xi32, #tpu.memory_space<hbm>>
    %dma_start3A_31 = tpu.memref_slice %arg4[%add3A_29] : memref<1605632xi32, #tpu.memory_space<hbm>> -> memref<512xi32, #tpu.memory_space<hbm>>
    tpu.enqueue_dma source(%dma_start3A_31 : memref<512xi32, #tpu.memory_space<hbm>>) target(%arg13 : memref<512xi32, #tpu.memory_space<vmem>>) target_semaphore(%arg27 : memref<!tpu.dma_semaphore, #tpu.memory_space<semaphore_mem>>)
    %add3A_32 = arith.constant 1024 : i32
    %add3A_33 = arith.addi %mul3A_6, %add3A_32 : i32
    %dma_start3A_34 = tpu.memref_slice %arg5[%add3A_33] : memref<1605632xi32, #tpu.memory_space<hbm>> -> memref<512xi32, #tpu.memory_space<hbm>>
    %dma_start3A_35 = tpu.memref_slice %arg5[%add3A_33] : memref<1605632xi32, #tpu.memory_space<hbm>> -> memref<512xi32, #tpu.memory_space<hbm>>
    tpu.enqueue_dma source(%dma_start3A_35 : memref<512xi32, #tpu.memory_space<hbm>>) target(%arg14 : memref<512xi32, #tpu.memory_space<vmem>>) target_semaphore(%arg27 : memref<!tpu.dma_semaphore, #tpu.memory_space<semaphore_mem>>)
    %dma_wait3A = tpu.memref_slice %arg4[%mul3A_6] : memref<1605632xi32, #tpu.memory_space<hbm>> -> memref<512xi32, #tpu.memory_space<hbm>>
    %dma_wait3A_36 = tpu.memref_slice %arg4[%mul3A_6] : memref<1605632xi32, #tpu.memory_space<hbm>> -> memref<512xi32, #tpu.memory_space<hbm>>
    tpu.wait_dma2 semaphore(%arg25 : memref<!tpu.dma_semaphore, #tpu.memory_space<semaphore_mem>>) src(%dma_wait3A_36 : memref<512xi32, #tpu.memory_space<hbm>>) dst(%arg9 : memref<512xi32, #tpu.memory_space<vmem>>)
    %dma_wait3A_37 = tpu.memref_slice %arg5[%mul3A_6] : memref<1605632xi32, #tpu.memory_space<hbm>> -> memref<512xi32, #tpu.memory_space<hbm>>
    %dma_wait3A_38 = tpu.memref_slice %arg5[%mul3A_6] : memref<1605632xi32, #tpu.memory_space<hbm>> -> memref<512xi32, #tpu.memory_space<hbm>>
    tpu.wait_dma2 semaphore(%arg25 : memref<!tpu.dma_semaphore, #tpu.memory_space<semaphore_mem>>) src(%dma_wait3A_38 : memref<512xi32, #tpu.memory_space<hbm>>) dst(%arg10 : memref<512xi32, #tpu.memory_space<vmem>>)
    %dma_start3A_39 = arith.constant 0 : i32
    %dma_start3A_40 = arith.constant 0 : i32
    %dma_start3A_41 = tpu.memref_slice %arg2[%dma_start3A_39, %dma_start3A_40] : memref<100352x16xf32, #tpu.memory_space<hbm>> -> memref<100352x16xf32, #tpu.memory_space<hbm>>
    tpu.enqueue_indirect_dma source(%dma_start3A_41 : memref<100352x16xf32, #tpu.memory_space<hbm>>) target(%arg15 : memref<512x16xf32, #tpu.memory_space<vmem>>) offsets(%arg9 : memref<512xi32, #tpu.memory_space<vmem>>) semaphore(%arg19 : memref<!tpu.dma_semaphore, #tpu.memory_space<semaphore_mem>>)
    %dma_wait3A_42 = tpu.memref_slice %arg4[%mul3A_6] : memref<1605632xi32, #tpu.memory_space<hbm>> -> memref<512xi32, #tpu.memory_space<hbm>>
    %dma_wait3A_43 = tpu.memref_slice %arg4[%mul3A_6] : memref<1605632xi32, #tpu.memory_space<hbm>> -> memref<512xi32, #tpu.memory_space<hbm>>
    tpu.wait_dma2 semaphore(%arg26 : memref<!tpu.dma_semaphore, #tpu.memory_space<semaphore_mem>>) src(%dma_wait3A_43 : memref<512xi32, #tpu.memory_space<hbm>>) dst(%arg11 : memref<512xi32, #tpu.memory_space<vmem>>)
    %dma_wait3A_44 = tpu.memref_slice %arg5[%mul3A_6] : memref<1605632xi32, #tpu.memory_space<hbm>> -> memref<512xi32, #tpu.memory_space<hbm>>
    %dma_wait3A_45 = tpu.memref_slice %arg5[%mul3A_6] : memref<1605632xi32, #tpu.memory_space<hbm>> -> memref<512xi32, #tpu.memory_space<hbm>>
    tpu.wait_dma2 semaphore(%arg26 : memref<!tpu.dma_semaphore, #tpu.memory_space<semaphore_mem>>) src(%dma_wait3A_45 : memref<512xi32, #tpu.memory_space<hbm>>) dst(%arg12 : memref<512xi32, #tpu.memory_space<vmem>>)
    %dma_start3A_46 = arith.constant 0 : i32
    %dma_start3A_47 = arith.constant 0 : i32
    %dma_start3A_48 = tpu.memref_slice %arg2[%dma_start3A_46, %dma_start3A_47] : memref<100352x16xf32, #tpu.memory_space<hbm>> -> memref<100352x16xf32, #tpu.memory_space<hbm>>
    tpu.enqueue_indirect_dma source(%dma_start3A_48 : memref<100352x16xf32, #tpu.memory_space<hbm>>) target(%arg16 : memref<512x16xf32, #tpu.memory_space<vmem>>) offsets(%arg11 : memref<512xi32, #tpu.memory_space<vmem>>) semaphore(%arg20 : memref<!tpu.dma_semaphore, #tpu.memory_space<semaphore_mem>>)
    %dma_wait3A_49 = arith.constant 0 : i32
    %dma_wait3A_50 = arith.constant 0 : i32
    %dma_wait3A_51 = tpu.memref_slice %arg2[%dma_wait3A_49, %dma_wait3A_50] : memref<100352x16xf32, #tpu.memory_space<hbm>> -> memref<100352x16xf32, #tpu.memory_space<hbm>>
    tpu.wait_indirect_dma semaphore(%arg19 : memref<!tpu.dma_semaphore, #tpu.memory_space<semaphore_mem>>) src(%dma_wait3A_51 : memref<100352x16xf32, #tpu.memory_space<hbm>>) dst(%arg15 : memref<512x16xf32, #tpu.memory_space<vmem>>)
    %dma_start3A_52 = arith.constant 0 : i32
    %dma_start3A_53 = arith.constant 0 : i32
    %dma_start3A_54 = tpu.memref_slice %arg18[%dma_start3A_52, %dma_start3A_53] : memref<100352x16xf32, #tpu.memory_space<vmem_shared>> -> memref<100352x16xf32, #tpu.memory_space<vmem_shared>>
    tpu.enqueue_indirect_dma source(%arg15 : memref<512x16xf32, #tpu.memory_space<vmem>>) target(%dma_start3A_54 : memref<100352x16xf32, #tpu.memory_space<vmem_shared>>) offsets(%arg10 : memref<512xi32, #tpu.memory_space<vmem>>) semaphore(%arg22 : memref<!tpu.dma_semaphore, #tpu.memory_space<semaphore_mem>>) {add = true}
    %dma_wait3A_55 = arith.constant 0 : i32
    %dma_wait3A_56 = arith.constant 0 : i32
    %dma_wait3A_57 = tpu.memref_slice %arg18[%dma_wait3A_55, %dma_wait3A_56] : memref<100352x16xf32, #tpu.memory_space<vmem_shared>> -> memref<100352x16xf32, #tpu.memory_space<vmem_shared>>
    tpu.wait_indirect_dma semaphore(%arg22 : memref<!tpu.dma_semaphore, #tpu.memory_space<semaphore_mem>>) src(%arg15 : memref<512x16xf32, #tpu.memory_space<vmem>>) dst(%dma_wait3A_57 : memref<100352x16xf32, #tpu.memory_space<vmem_shared>>)
    %add3A_58 = arith.constant 1536 : i32
    %add3A_59 = arith.addi %mul3A_6, %add3A_58 : i32
    %dma_start3A_60 = tpu.memref_slice %arg4[%add3A_59] : memref<1605632xi32, #tpu.memory_space<hbm>> -> memref<512xi32, #tpu.memory_space<hbm>>
    %dma_start3A_61 = tpu.memref_slice %arg4[%add3A_59] : memref<1605632xi32, #tpu.memory_space<hbm>> -> memref<512xi32, #tpu.memory_space<hbm>>
    tpu.enqueue_dma source(%dma_start3A_61 : memref<512xi32, #tpu.memory_space<hbm>>) target(%arg9 : memref<512xi32, #tpu.memory_space<vmem>>) target_semaphore(%arg25 : memref<!tpu.dma_semaphore, #tpu.memory_space<semaphore_mem>>)
    %add3A_62 = arith.constant 1536 : i32
    %add3A_63 = arith.addi %mul3A_6, %add3A_62 : i32
    %dma_start3A_64 = tpu.memref_slice %arg5[%add3A_63] : memref<1605632xi32, #tpu.memory_space<hbm>> -> memref<512xi32, #tpu.memory_space<hbm>>
    %dma_start3A_65 = tpu.memref_slice %arg5[%add3A_63] : memref<1605632xi32, #tpu.memory_space<hbm>> -> memref<512xi32, #tpu.memory_space<hbm>>
    tpu.enqueue_dma source(%dma_start3A_65 : memref<512xi32, #tpu.memory_space<hbm>>) target(%arg10 : memref<512xi32, #tpu.memory_space<vmem>>) target_semaphore(%arg25 : memref<!tpu.dma_semaphore, #tpu.memory_space<semaphore_mem>>)
    %dma_wait3A_66 = tpu.memref_slice %arg4[%mul3A_6] : memref<1605632xi32, #tpu.memory_space<hbm>> -> memref<512xi32, #tpu.memory_space<hbm>>
    %dma_wait3A_67 = tpu.memref_slice %arg4[%mul3A_6] : memref<1605632xi32, #tpu.memory_space<hbm>> -> memref<512xi32, #tpu.memory_space<hbm>>
    tpu.wait_dma2 semaphore(%arg27 : memref<!tpu.dma_semaphore, #tpu.memory_space<semaphore_mem>>) src(%dma_wait3A_67 : memref<512xi32, #tpu.memory_space<hbm>>) dst(%arg13 : memref<512xi32, #tpu.memory_space<vmem>>)
    %dma_wait3A_68 = tpu.memref_slice %arg5[%mul3A_6] : memref<1605632xi32, #tpu.memory_space<hbm>> -> memref<512xi32, #tpu.memory_space<hbm>>
    %dma_wait3A_69 = tpu.memref_slice %arg5[%mul3A_6] : memref<1605632xi32, #tpu.memory_space<hbm>> -> memref<512xi32, #tpu.memory_space<hbm>>
    tpu.wait_dma2 semaphore(%arg27 : memref<!tpu.dma_semaphore, #tpu.memory_space<semaphore_mem>>) src(%dma_wait3A_69 : memref<512xi32, #tpu.memory_space<hbm>>) dst(%arg14 : memref<512xi32, #tpu.memory_space<vmem>>)
    %dma_start3A_70 = arith.constant 0 : i32
    %dma_start3A_71 = arith.constant 0 : i32
    %dma_start3A_72 = tpu.memref_slice %arg2[%dma_start3A_70, %dma_start3A_71] : memref<100352x16xf32, #tpu.memory_space<hbm>> -> memref<100352x16xf32, #tpu.memory_space<hbm>>
    tpu.enqueue_indirect_dma source(%dma_start3A_72 : memref<100352x16xf32, #tpu.memory_space<hbm>>) target(%arg17 : memref<512x16xf32, #tpu.memory_space<vmem>>) offsets(%arg13 : memref<512xi32, #tpu.memory_space<vmem>>) semaphore(%arg21 : memref<!tpu.dma_semaphore, #tpu.memory_space<semaphore_mem>>)
    %dma_wait3A_73 = arith.constant 0 : i32
    %dma_wait3A_74 = arith.constant 0 : i32
    %dma_wait3A_75 = tpu.memref_slice %arg2[%dma_wait3A_73, %dma_wait3A_74] : memref<100352x16xf32, #tpu.memory_space<hbm>> -> memref<100352x16xf32, #tpu.memory_space<hbm>>
    tpu.wait_indirect_dma semaphore(%arg20 : memref<!tpu.dma_semaphore, #tpu.memory_space<semaphore_mem>>) src(%dma_wait3A_75 : memref<100352x16xf32, #tpu.memory_space<hbm>>) dst(%arg16 : memref<512x16xf32, #tpu.memory_space<vmem>>)
    %dma_start3A_76 = arith.constant 0 : i32
    %dma_start3A_77 = arith.constant 0 : i32
    %dma_start3A_78 = tpu.memref_slice %arg18[%dma_start3A_76, %dma_start3A_77] : memref<100352x16xf32, #tpu.memory_space<vmem_shared>> -> memref<100352x16xf32, #tpu.memory_space<vmem_shared>>
    tpu.enqueue_indirect_dma source(%arg16 : memref<512x16xf32, #tpu.memory_space<vmem>>) target(%dma_start3A_78 : memref<100352x16xf32, #tpu.memory_space<vmem_shared>>) offsets(%arg12 : memref<512xi32, #tpu.memory_space<vmem>>) semaphore(%arg23 : memref<!tpu.dma_semaphore, #tpu.memory_space<semaphore_mem>>) {add = true}
    %scan3A = arith.constant 0 : i32
    %scan3A_79 = arith.constant 0 : i32
    %scan3A_80 = arith.constant 31 : i32
    %scan3A_81 = arith.addi %scan3A_79, %scan3A_80 : i32
    %scan3A_82 = arith.constant 1 : i32
    scf.for %scan3A_276 = %scan3A_79 to %scan3A_81 step %scan3A_82  : i32 {
      %mul3A_277 = arith.constant 3 : i32
      %mul3A_278 = arith.muli %mul3A_277, %scan3A_276 : i32
      %add3A_279 = arith.constant 2 : i32
      %add3A_280 = arith.addi %mul3A_278, %add3A_279 : i32
      %add3A_281 = arith.constant 0 : i32
      %add3A_282 = arith.addi %add3A_280, %add3A_281 : i32
      %dma_wait3A_283 = arith.constant 0 : i32
      %dma_wait3A_284 = arith.constant 0 : i32
      %dma_wait3A_285 = tpu.memref_slice %arg18[%dma_wait3A_283, %dma_wait3A_284] : memref<100352x16xf32, #tpu.memory_space<vmem_shared>> -> memref<100352x16xf32, #tpu.memory_space<vmem_shared>>
      tpu.wait_indirect_dma semaphore(%arg23 : memref<!tpu.dma_semaphore, #tpu.memory_space<semaphore_mem>>) src(%arg16 : memref<512x16xf32, #tpu.memory_space<vmem>>) dst(%dma_wait3A_285 : memref<100352x16xf32, #tpu.memory_space<vmem_shared>>)
      %add3A_286 = arith.constant 2 : i32
      %add3A_287 = arith.addi %add3A_282, %add3A_286 : i32
      %mul3A_288 = arith.constant 512 : i32
      %mul3A_289 = arith.muli %add3A_287, %mul3A_288 : i32
      %add3A_290 = arith.addi %mul3A_6, %mul3A_289 : i32
      %dma_start3A_291 = tpu.memref_slice %arg4[%add3A_290] : memref<1605632xi32, #tpu.memory_space<hbm>> -> memref<512xi32, #tpu.memory_space<hbm>>
      %dma_start3A_292 = tpu.memref_slice %arg4[%add3A_290] : memref<1605632xi32, #tpu.memory_space<hbm>> -> memref<512xi32, #tpu.memory_space<hbm>>
      tpu.enqueue_dma source(%dma_start3A_292 : memref<512xi32, #tpu.memory_space<hbm>>) target(%arg11 : memref<512xi32, #tpu.memory_space<vmem>>) target_semaphore(%arg26 : memref<!tpu.dma_semaphore, #tpu.memory_space<semaphore_mem>>)
      %mul3A_293 = arith.constant 512 : i32
      %mul3A_294 = arith.muli %add3A_287, %mul3A_293 : i32
      %add3A_295 = arith.addi %mul3A_6, %mul3A_294 : i32
      %dma_start3A_296 = tpu.memref_slice %arg5[%add3A_295] : memref<1605632xi32, #tpu.memory_space<hbm>> -> memref<512xi32, #tpu.memory_space<hbm>>
      %dma_start3A_297 = tpu.memref_slice %arg5[%add3A_295] : memref<1605632xi32, #tpu.memory_space<hbm>> -> memref<512xi32, #tpu.memory_space<hbm>>
      tpu.enqueue_dma source(%dma_start3A_297 : memref<512xi32, #tpu.memory_space<hbm>>) target(%arg12 : memref<512xi32, #tpu.memory_space<vmem>>) target_semaphore(%arg26 : memref<!tpu.dma_semaphore, #tpu.memory_space<semaphore_mem>>)
      %dma_wait3A_298 = tpu.memref_slice %arg4[%mul3A_6] : memref<1605632xi32, #tpu.memory_space<hbm>> -> memref<512xi32, #tpu.memory_space<hbm>>
      %dma_wait3A_299 = tpu.memref_slice %arg4[%mul3A_6] : memref<1605632xi32, #tpu.memory_space<hbm>> -> memref<512xi32, #tpu.memory_space<hbm>>
      tpu.wait_dma2 semaphore(%arg25 : memref<!tpu.dma_semaphore, #tpu.memory_space<semaphore_mem>>) src(%dma_wait3A_299 : memref<512xi32, #tpu.memory_space<hbm>>) dst(%arg9 : memref<512xi32, #tpu.memory_space<vmem>>)
      %dma_wait3A_300 = tpu.memref_slice %arg5[%mul3A_6] : memref<1605632xi32, #tpu.memory_space<hbm>> -> memref<512xi32, #tpu.memory_space<hbm>>
      %dma_wait3A_301 = tpu.memref_slice %arg5[%mul3A_6] : memref<1605632xi32, #tpu.memory_space<hbm>> -> memref<512xi32, #tpu.memory_space<hbm>>
      tpu.wait_dma2 semaphore(%arg25 : memref<!tpu.dma_semaphore, #tpu.memory_space<semaphore_mem>>) src(%dma_wait3A_301 : memref<512xi32, #tpu.memory_space<hbm>>) dst(%arg10 : memref<512xi32, #tpu.memory_space<vmem>>)
      %dma_start3A_302 = arith.constant 0 : i32
      %dma_start3A_303 = arith.constant 0 : i32
      %dma_start3A_304 = tpu.memref_slice %arg2[%dma_start3A_302, %dma_start3A_303] : memref<100352x16xf32, #tpu.memory_space<hbm>> -> memref<100352x16xf32, #tpu.memory_space<hbm>>
      tpu.enqueue_indirect_dma source(%dma_start3A_304 : memref<100352x16xf32, #tpu.memory_space<hbm>>) target(%arg15 : memref<512x16xf32, #tpu.memory_space<vmem>>) offsets(%arg9 : memref<512xi32, #tpu.memory_space<vmem>>) semaphore(%arg19 : memref<!tpu.dma_semaphore, #tpu.memory_space<semaphore_mem>>)
      %dma_wait3A_305 = arith.constant 0 : i32
      %dma_wait3A_306 = arith.constant 0 : i32
      %dma_wait3A_307 = tpu.memref_slice %arg2[%dma_wait3A_305, %dma_wait3A_306] : memref<100352x16xf32, #tpu.memory_space<hbm>> -> memref<100352x16xf32, #tpu.memory_space<hbm>>
      tpu.wait_indirect_dma semaphore(%arg21 : memref<!tpu.dma_semaphore, #tpu.memory_space<semaphore_mem>>) src(%dma_wait3A_307 : memref<100352x16xf32, #tpu.memory_space<hbm>>) dst(%arg17 : memref<512x16xf32, #tpu.memory_space<vmem>>)
      %dma_start3A_308 = arith.constant 0 : i32
      %dma_start3A_309 = arith.constant 0 : i32
      %dma_start3A_310 = tpu.memref_slice %arg18[%dma_start3A_308, %dma_start3A_309] : memref<100352x16xf32, #tpu.memory_space<vmem_shared>> -> memref<100352x16xf32, #tpu.memory_space<vmem_shared>>
      tpu.enqueue_indirect_dma source(%arg17 : memref<512x16xf32, #tpu.memory_space<vmem>>) target(%dma_start3A_310 : memref<100352x16xf32, #tpu.memory_space<vmem_shared>>) offsets(%arg14 : memref<512xi32, #tpu.memory_space<vmem>>) semaphore(%arg24 : memref<!tpu.dma_semaphore, #tpu.memory_space<semaphore_mem>>) {add = true}
      %mul3A_311 = arith.constant 3 : i32
      %mul3A_312 = arith.muli %mul3A_311, %scan3A_276 : i32
      %add3A_313 = arith.constant 2 : i32
      %add3A_314 = arith.addi %mul3A_312, %add3A_313 : i32
      %add3A_315 = arith.constant 1 : i32
      %add3A_316 = arith.addi %add3A_314, %add3A_315 : i32
      %dma_wait3A_317 = arith.constant 0 : i32
      %dma_wait3A_318 = arith.constant 0 : i32
      %dma_wait3A_319 = tpu.memref_slice %arg18[%dma_wait3A_317, %dma_wait3A_318] : memref<100352x16xf32, #tpu.memory_space<vmem_shared>> -> memref<100352x16xf32, #tpu.memory_space<vmem_shared>>
      tpu.wait_indirect_dma semaphore(%arg24 : memref<!tpu.dma_semaphore, #tpu.memory_space<semaphore_mem>>) src(%arg17 : memref<512x16xf32, #tpu.memory_space<vmem>>) dst(%dma_wait3A_319 : memref<100352x16xf32, #tpu.memory_space<vmem_shared>>)
      %add3A_320 = arith.constant 2 : i32
      %add3A_321 = arith.addi %add3A_316, %add3A_320 : i32
      %mul3A_322 = arith.constant 512 : i32
      %mul3A_323 = arith.muli %add3A_321, %mul3A_322 : i32
      %add3A_324 = arith.addi %mul3A_6, %mul3A_323 : i32
      %dma_start3A_325 = tpu.memref_slice %arg4[%add3A_324] : memref<1605632xi32, #tpu.memory_space<hbm>> -> memref<512xi32, #tpu.memory_space<hbm>>
      %dma_start3A_326 = tpu.memref_slice %arg4[%add3A_324] : memref<1605632xi32, #tpu.memory_space<hbm>> -> memref<512xi32, #tpu.memory_space<hbm>>
      tpu.enqueue_dma source(%dma_start3A_326 : memref<512xi32, #tpu.memory_space<hbm>>) target(%arg13 : memref<512xi32, #tpu.memory_space<vmem>>) target_semaphore(%arg27 : memref<!tpu.dma_semaphore, #tpu.memory_space<semaphore_mem>>)
      %mul3A_327 = arith.constant 512 : i32
      %mul3A_328 = arith.muli %add3A_321, %mul3A_327 : i32
      %add3A_329 = arith.addi %mul3A_6, %mul3A_328 : i32
      %dma_start3A_330 = tpu.memref_slice %arg5[%add3A_329] : memref<1605632xi32, #tpu.memory_space<hbm>> -> memref<512xi32, #tpu.memory_space<hbm>>
      %dma_start3A_331 = tpu.memref_slice %arg5[%add3A_329] : memref<1605632xi32, #tpu.memory_space<hbm>> -> memref<512xi32, #tpu.memory_space<hbm>>
      tpu.enqueue_dma source(%dma_start3A_331 : memref<512xi32, #tpu.memory_space<hbm>>) target(%arg14 : memref<512xi32, #tpu.memory_space<vmem>>) target_semaphore(%arg27 : memref<!tpu.dma_semaphore, #tpu.memory_space<semaphore_mem>>)
      %dma_wait3A_332 = tpu.memref_slice %arg4[%mul3A_6] : memref<1605632xi32, #tpu.memory_space<hbm>> -> memref<512xi32, #tpu.memory_space<hbm>>
      %dma_wait3A_333 = tpu.memref_slice %arg4[%mul3A_6] : memref<1605632xi32, #tpu.memory_space<hbm>> -> memref<512xi32, #tpu.memory_space<hbm>>
      tpu.wait_dma2 semaphore(%arg26 : memref<!tpu.dma_semaphore, #tpu.memory_space<semaphore_mem>>) src(%dma_wait3A_333 : memref<512xi32, #tpu.memory_space<hbm>>) dst(%arg11 : memref<512xi32, #tpu.memory_space<vmem>>)
      %dma_wait3A_334 = tpu.memref_slice %arg5[%mul3A_6] : memref<1605632xi32, #tpu.memory_space<hbm>> -> memref<512xi32, #tpu.memory_space<hbm>>
      %dma_wait3A_335 = tpu.memref_slice %arg5[%mul3A_6] : memref<1605632xi32, #tpu.memory_space<hbm>> -> memref<512xi32, #tpu.memory_space<hbm>>
      tpu.wait_dma2 semaphore(%arg26 : memref<!tpu.dma_semaphore, #tpu.memory_space<semaphore_mem>>) src(%dma_wait3A_335 : memref<512xi32, #tpu.memory_space<hbm>>) dst(%arg12 : memref<512xi32, #tpu.memory_space<vmem>>)
      %dma_start3A_336 = arith.constant 0 : i32
      %dma_start3A_337 = arith.constant 0 : i32
      %dma_start3A_338 = tpu.memref_slice %arg2[%dma_start3A_336, %dma_start3A_337] : memref<100352x16xf32, #tpu.memory_space<hbm>> -> memref<100352x16xf32, #tpu.memory_space<hbm>>
      tpu.enqueue_indirect_dma source(%dma_start3A_338 : memref<100352x16xf32, #tpu.memory_space<hbm>>) target(%arg16 : memref<512x16xf32, #tpu.memory_space<vmem>>) offsets(%arg11 : memref<512xi32, #tpu.memory_space<vmem>>) semaphore(%arg20 : memref<!tpu.dma_semaphore, #tpu.memory_space<semaphore_mem>>)
      %dma_wait3A_339 = arith.constant 0 : i32
      %dma_wait3A_340 = arith.constant 0 : i32
      %dma_wait3A_341 = tpu.memref_slice %arg2[%dma_wait3A_339, %dma_wait3A_340] : memref<100352x16xf32, #tpu.memory_space<hbm>> -> memref<100352x16xf32, #tpu.memory_space<hbm>>
      tpu.wait_indirect_dma semaphore(%arg19 : memref<!tpu.dma_semaphore, #tpu.memory_space<semaphore_mem>>) src(%dma_wait3A_341 : memref<100352x16xf32, #tpu.memory_space<hbm>>) dst(%arg15 : memref<512x16xf32, #tpu.memory_space<vmem>>)
      %dma_start3A_342 = arith.constant 0 : i32
      %dma_start3A_343 = arith.constant 0 : i32
      %dma_start3A_344 = tpu.memref_slice %arg18[%dma_start3A_342, %dma_start3A_343] : memref<100352x16xf32, #tpu.memory_space<vmem_shared>> -> memref<100352x16xf32, #tpu.memory_space<vmem_shared>>
      tpu.enqueue_indirect_dma source(%arg15 : memref<512x16xf32, #tpu.memory_space<vmem>>) target(%dma_start3A_344 : memref<100352x16xf32, #tpu.memory_space<vmem_shared>>) offsets(%arg10 : memref<512xi32, #tpu.memory_space<vmem>>) semaphore(%arg22 : memref<!tpu.dma_semaphore, #tpu.memory_space<semaphore_mem>>) {add = true}
      %mul3A_345 = arith.constant 3 : i32
      %mul3A_346 = arith.muli %mul3A_345, %scan3A_276 : i32
      %add3A_347 = arith.constant 2 : i32
      %add3A_348 = arith.addi %mul3A_346, %add3A_347 : i32
      %add3A_349 = arith.constant 2 : i32
      %add3A_350 = arith.addi %add3A_348, %add3A_349 : i32
      %dma_wait3A_351 = arith.constant 0 : i32
      %dma_wait3A_352 = arith.constant 0 : i32
      %dma_wait3A_353 = tpu.memref_slice %arg18[%dma_wait3A_351, %dma_wait3A_352] : memref<100352x16xf32, #tpu.memory_space<vmem_shared>> -> memref<100352x16xf32, #tpu.memory_space<vmem_shared>>
      tpu.wait_indirect_dma semaphore(%arg22 : memref<!tpu.dma_semaphore, #tpu.memory_space<semaphore_mem>>) src(%arg15 : memref<512x16xf32, #tpu.memory_space<vmem>>) dst(%dma_wait3A_353 : memref<100352x16xf32, #tpu.memory_space<vmem_shared>>)
      %add3A_354 = arith.constant 2 : i32
      %add3A_355 = arith.addi %add3A_350, %add3A_354 : i32
      %mul3A_356 = arith.constant 512 : i32
      %mul3A_357 = arith.muli %add3A_355, %mul3A_356 : i32
      %add3A_358 = arith.addi %mul3A_6, %mul3A_357 : i32
      %dma_start3A_359 = tpu.memref_slice %arg4[%add3A_358] : memref<1605632xi32, #tpu.memory_space<hbm>> -> memref<512xi32, #tpu.memory_space<hbm>>
      %dma_start3A_360 = tpu.memref_slice %arg4[%add3A_358] : memref<1605632xi32, #tpu.memory_space<hbm>> -> memref<512xi32, #tpu.memory_space<hbm>>
      tpu.enqueue_dma source(%dma_start3A_360 : memref<512xi32, #tpu.memory_space<hbm>>) target(%arg9 : memref<512xi32, #tpu.memory_space<vmem>>) target_semaphore(%arg25 : memref<!tpu.dma_semaphore, #tpu.memory_space<semaphore_mem>>)
      %mul3A_361 = arith.constant 512 : i32
      %mul3A_362 = arith.muli %add3A_355, %mul3A_361 : i32
      %add3A_363 = arith.addi %mul3A_6, %mul3A_362 : i32
      %dma_start3A_364 = tpu.memref_slice %arg5[%add3A_363] : memref<1605632xi32, #tpu.memory_space<hbm>> -> memref<512xi32, #tpu.memory_space<hbm>>
      %dma_start3A_365 = tpu.memref_slice %arg5[%add3A_363] : memref<1605632xi32, #tpu.memory_space<hbm>> -> memref<512xi32, #tpu.memory_space<hbm>>
      tpu.enqueue_dma source(%dma_start3A_365 : memref<512xi32, #tpu.memory_space<hbm>>) target(%arg10 : memref<512xi32, #tpu.memory_space<vmem>>) target_semaphore(%arg25 : memref<!tpu.dma_semaphore, #tpu.memory_space<semaphore_mem>>)
      %dma_wait3A_366 = tpu.memref_slice %arg4[%mul3A_6] : memref<1605632xi32, #tpu.memory_space<hbm>> -> memref<512xi32, #tpu.memory_space<hbm>>
      %dma_wait3A_367 = tpu.memref_slice %arg4[%mul3A_6] : memref<1605632xi32, #tpu.memory_space<hbm>> -> memref<512xi32, #tpu.memory_space<hbm>>
      tpu.wait_dma2 semaphore(%arg27 : memref<!tpu.dma_semaphore, #tpu.memory_space<semaphore_mem>>) src(%dma_wait3A_367 : memref<512xi32, #tpu.memory_space<hbm>>) dst(%arg13 : memref<512xi32, #tpu.memory_space<vmem>>)
      %dma_wait3A_368 = tpu.memref_slice %arg5[%mul3A_6] : memref<1605632xi32, #tpu.memory_space<hbm>> -> memref<512xi32, #tpu.memory_space<hbm>>
      %dma_wait3A_369 = tpu.memref_slice %arg5[%mul3A_6] : memref<1605632xi32, #tpu.memory_space<hbm>> -> memref<512xi32, #tpu.memory_space<hbm>>
      tpu.wait_dma2 semaphore(%arg27 : memref<!tpu.dma_semaphore, #tpu.memory_space<semaphore_mem>>) src(%dma_wait3A_369 : memref<512xi32, #tpu.memory_space<hbm>>) dst(%arg14 : memref<512xi32, #tpu.memory_space<vmem>>)
      %dma_start3A_370 = arith.constant 0 : i32
      %dma_start3A_371 = arith.constant 0 : i32
      %dma_start3A_372 = tpu.memref_slice %arg2[%dma_start3A_370, %dma_start3A_371] : memref<100352x16xf32, #tpu.memory_space<hbm>> -> memref<100352x16xf32, #tpu.memory_space<hbm>>
      tpu.enqueue_indirect_dma source(%dma_start3A_372 : memref<100352x16xf32, #tpu.memory_space<hbm>>) target(%arg17 : memref<512x16xf32, #tpu.memory_space<vmem>>) offsets(%arg13 : memref<512xi32, #tpu.memory_space<vmem>>) semaphore(%arg21 : memref<!tpu.dma_semaphore, #tpu.memory_space<semaphore_mem>>)
      %dma_wait3A_373 = arith.constant 0 : i32
      %dma_wait3A_374 = arith.constant 0 : i32
      %dma_wait3A_375 = tpu.memref_slice %arg2[%dma_wait3A_373, %dma_wait3A_374] : memref<100352x16xf32, #tpu.memory_space<hbm>> -> memref<100352x16xf32, #tpu.memory_space<hbm>>
      tpu.wait_indirect_dma semaphore(%arg20 : memref<!tpu.dma_semaphore, #tpu.memory_space<semaphore_mem>>) src(%dma_wait3A_375 : memref<100352x16xf32, #tpu.memory_space<hbm>>) dst(%arg16 : memref<512x16xf32, #tpu.memory_space<vmem>>)
      %dma_start3A_376 = arith.constant 0 : i32
      %dma_start3A_377 = arith.constant 0 : i32
      %dma_start3A_378 = tpu.memref_slice %arg18[%dma_start3A_376, %dma_start3A_377] : memref<100352x16xf32, #tpu.memory_space<vmem_shared>> -> memref<100352x16xf32, #tpu.memory_space<vmem_shared>>
      tpu.enqueue_indirect_dma source(%arg16 : memref<512x16xf32, #tpu.memory_space<vmem>>) target(%dma_start3A_378 : memref<100352x16xf32, #tpu.memory_space<vmem_shared>>) offsets(%arg12 : memref<512xi32, #tpu.memory_space<vmem>>) semaphore(%arg23 : memref<!tpu.dma_semaphore, #tpu.memory_space<semaphore_mem>>) {add = true}
    }
    %scan3A_83 = arith.constant 31 : i32
    %dma_wait3A_84 = arith.constant 0 : i32
    %dma_wait3A_85 = arith.constant 0 : i32
    %dma_wait3A_86 = tpu.memref_slice %arg18[%dma_wait3A_84, %dma_wait3A_85] : memref<100352x16xf32, #tpu.memory_space<vmem_shared>> -> memref<100352x16xf32, #tpu.memory_space<vmem_shared>>
    tpu.wait_indirect_dma semaphore(%arg23 : memref<!tpu.dma_semaphore, #tpu.memory_space<semaphore_mem>>) src(%arg16 : memref<512x16xf32, #tpu.memory_space<vmem>>) dst(%dma_wait3A_86 : memref<100352x16xf32, #tpu.memory_space<vmem_shared>>)
    %add3A_87 = arith.constant 49664 : i32
    %add3A_88 = arith.addi %mul3A_6, %add3A_87 : i32
    %dma_start3A_89 = tpu.memref_slice %arg4[%add3A_88] : memref<1605632xi32, #tpu.memory_space<hbm>> -> memref<512xi32, #tpu.memory_space<hbm>>
    %dma_start3A_90 = tpu.memref_slice %arg4[%add3A_88] : memref<1605632xi32, #tpu.memory_space<hbm>> -> memref<512xi32, #tpu.memory_space<hbm>>
    tpu.enqueue_dma source(%dma_start3A_90 : memref<512xi32, #tpu.memory_space<hbm>>) target(%arg11 : memref<512xi32, #tpu.memory_space<vmem>>) target_semaphore(%arg26 : memref<!tpu.dma_semaphore, #tpu.memory_space<semaphore_mem>>)
    %add3A_91 = arith.constant 49664 : i32
    %add3A_92 = arith.addi %mul3A_6, %add3A_91 : i32
    %dma_start3A_93 = tpu.memref_slice %arg5[%add3A_92] : memref<1605632xi32, #tpu.memory_space<hbm>> -> memref<512xi32, #tpu.memory_space<hbm>>
    %dma_start3A_94 = tpu.memref_slice %arg5[%add3A_92] : memref<1605632xi32, #tpu.memory_space<hbm>> -> memref<512xi32, #tpu.memory_space<hbm>>
    tpu.enqueue_dma source(%dma_start3A_94 : memref<512xi32, #tpu.memory_space<hbm>>) target(%arg12 : memref<512xi32, #tpu.memory_space<vmem>>) target_semaphore(%arg26 : memref<!tpu.dma_semaphore, #tpu.memory_space<semaphore_mem>>)
    %dma_wait3A_95 = tpu.memref_slice %arg4[%mul3A_6] : memref<1605632xi32, #tpu.memory_space<hbm>> -> memref<512xi32, #tpu.memory_space<hbm>>
    %dma_wait3A_96 = tpu.memref_slice %arg4[%mul3A_6] : memref<1605632xi32, #tpu.memory_space<hbm>> -> memref<512xi32, #tpu.memory_space<hbm>>
    tpu.wait_dma2 semaphore(%arg25 : memref<!tpu.dma_semaphore, #tpu.memory_space<semaphore_mem>>) src(%dma_wait3A_96 : memref<512xi32, #tpu.memory_space<hbm>>) dst(%arg9 : memref<512xi32, #tpu.memory_space<vmem>>)
    %dma_wait3A_97 = tpu.memref_slice %arg5[%mul3A_6] : memref<1605632xi32, #tpu.memory_space<hbm>> -> memref<512xi32, #tpu.memory_space<hbm>>
    %dma_wait3A_98 = tpu.memref_slice %arg5[%mul3A_6] : memref<1605632xi32, #tpu.memory_space<hbm>> -> memref<512xi32, #tpu.memory_space<hbm>>
    tpu.wait_dma2 semaphore(%arg25 : memref<!tpu.dma_semaphore, #tpu.memory_space<semaphore_mem>>) src(%dma_wait3A_98 : memref<512xi32, #tpu.memory_space<hbm>>) dst(%arg10 : memref<512xi32, #tpu.memory_space<vmem>>)
    %dma_start3A_99 = arith.constant 0 : i32
    %dma_start3A_100 = arith.constant 0 : i32
    %dma_start3A_101 = tpu.memref_slice %arg2[%dma_start3A_99, %dma_start3A_100] : memref<100352x16xf32, #tpu.memory_space<hbm>> -> memref<100352x16xf32, #tpu.memory_space<hbm>>
    tpu.enqueue_indirect_dma source(%dma_start3A_101 : memref<100352x16xf32, #tpu.memory_space<hbm>>) target(%arg15 : memref<512x16xf32, #tpu.memory_space<vmem>>) offsets(%arg9 : memref<512xi32, #tpu.memory_space<vmem>>) semaphore(%arg19 : memref<!tpu.dma_semaphore, #tpu.memory_space<semaphore_mem>>)
    %dma_wait3A_102 = arith.constant 0 : i32
    %dma_wait3A_103 = arith.constant 0 : i32
    %dma_wait3A_104 = tpu.memref_slice %arg2[%dma_wait3A_102, %dma_wait3A_103] : memref<100352x16xf32, #tpu.memory_space<hbm>> -> memref<100352x16xf32, #tpu.memory_space<hbm>>
    tpu.wait_indirect_dma semaphore(%arg21 : memref<!tpu.dma_semaphore, #tpu.memory_space<semaphore_mem>>) src(%dma_wait3A_104 : memref<100352x16xf32, #tpu.memory_space<hbm>>) dst(%arg17 : memref<512x16xf32, #tpu.memory_space<vmem>>)
    %dma_start3A_105 = arith.constant 0 : i32
    %dma_start3A_106 = arith.constant 0 : i32
    %dma_start3A_107 = tpu.memref_slice %arg18[%dma_start3A_105, %dma_start3A_106] : memref<100352x16xf32, #tpu.memory_space<vmem_shared>> -> memref<100352x16xf32, #tpu.memory_space<vmem_shared>>
    tpu.enqueue_indirect_dma source(%arg17 : memref<512x16xf32, #tpu.memory_space<vmem>>) target(%dma_start3A_107 : memref<100352x16xf32, #tpu.memory_space<vmem_shared>>) offsets(%arg14 : memref<512xi32, #tpu.memory_space<vmem>>) semaphore(%arg24 : memref<!tpu.dma_semaphore, #tpu.memory_space<semaphore_mem>>) {add = true}
    %dma_wait3A_108 = tpu.memref_slice %arg4[%mul3A_6] : memref<1605632xi32, #tpu.memory_space<hbm>> -> memref<512xi32, #tpu.memory_space<hbm>>
    %dma_wait3A_109 = tpu.memref_slice %arg4[%mul3A_6] : memref<1605632xi32, #tpu.memory_space<hbm>> -> memref<512xi32, #tpu.memory_space<hbm>>
    tpu.wait_dma2 semaphore(%arg26 : memref<!tpu.dma_semaphore, #tpu.memory_space<semaphore_mem>>) src(%dma_wait3A_109 : memref<512xi32, #tpu.memory_space<hbm>>) dst(%arg11 : memref<512xi32, #tpu.memory_space<vmem>>)
    %dma_wait3A_110 = tpu.memref_slice %arg5[%mul3A_6] : memref<1605632xi32, #tpu.memory_space<hbm>> -> memref<512xi32, #tpu.memory_space<hbm>>
    %dma_wait3A_111 = tpu.memref_slice %arg5[%mul3A_6] : memref<1605632xi32, #tpu.memory_space<hbm>> -> memref<512xi32, #tpu.memory_space<hbm>>
    tpu.wait_dma2 semaphore(%arg26 : memref<!tpu.dma_semaphore, #tpu.memory_space<semaphore_mem>>) src(%dma_wait3A_111 : memref<512xi32, #tpu.memory_space<hbm>>) dst(%arg12 : memref<512xi32, #tpu.memory_space<vmem>>)
    %dma_start3A_112 = arith.constant 0 : i32
    %dma_start3A_113 = arith.constant 0 : i32
    %dma_start3A_114 = tpu.memref_slice %arg2[%dma_start3A_112, %dma_start3A_113] : memref<100352x16xf32, #tpu.memory_space<hbm>> -> memref<100352x16xf32, #tpu.memory_space<hbm>>
    tpu.enqueue_indirect_dma source(%dma_start3A_114 : memref<100352x16xf32, #tpu.memory_space<hbm>>) target(%arg16 : memref<512x16xf32, #tpu.memory_space<vmem>>) offsets(%arg11 : memref<512xi32, #tpu.memory_space<vmem>>) semaphore(%arg20 : memref<!tpu.dma_semaphore, #tpu.memory_space<semaphore_mem>>)
    %dma_wait3A_115 = arith.constant 0 : i32
    %dma_wait3A_116 = arith.constant 0 : i32
    %dma_wait3A_117 = tpu.memref_slice %arg2[%dma_wait3A_115, %dma_wait3A_116] : memref<100352x16xf32, #tpu.memory_space<hbm>> -> memref<100352x16xf32, #tpu.memory_space<hbm>>
    tpu.wait_indirect_dma semaphore(%arg19 : memref<!tpu.dma_semaphore, #tpu.memory_space<semaphore_mem>>) src(%dma_wait3A_117 : memref<100352x16xf32, #tpu.memory_space<hbm>>) dst(%arg15 : memref<512x16xf32, #tpu.memory_space<vmem>>)
    %dma_start3A_118 = arith.constant 0 : i32
    %dma_start3A_119 = arith.constant 0 : i32
    %dma_start3A_120 = tpu.memref_slice %arg18[%dma_start3A_118, %dma_start3A_119] : memref<100352x16xf32, #tpu.memory_space<vmem_shared>> -> memref<100352x16xf32, #tpu.memory_space<vmem_shared>>
    tpu.enqueue_indirect_dma source(%arg15 : memref<512x16xf32, #tpu.memory_space<vmem>>) target(%dma_start3A_120 : memref<100352x16xf32, #tpu.memory_space<vmem_shared>>) offsets(%arg10 : memref<512xi32, #tpu.memory_space<vmem>>) semaphore(%arg22 : memref<!tpu.dma_semaphore, #tpu.memory_space<semaphore_mem>>) {add = true}
    %dma_wait3A_121 = arith.constant 0 : i32
    %dma_wait3A_122 = arith.constant 0 : i32
    %dma_wait3A_123 = tpu.memref_slice %arg2[%dma_wait3A_121, %dma_wait3A_122] : memref<100352x16xf32, #tpu.memory_space<hbm>> -> memref<100352x16xf32, #tpu.memory_space<hbm>>
    tpu.wait_indirect_dma semaphore(%arg20 : memref<!tpu.dma_semaphore, #tpu.memory_space<semaphore_mem>>) src(%dma_wait3A_123 : memref<100352x16xf32, #tpu.memory_space<hbm>>) dst(%arg16 : memref<512x16xf32, #tpu.memory_space<vmem>>)
    %dma_start3A_124 = arith.constant 0 : i32
    %dma_start3A_125 = arith.constant 0 : i32
    %dma_start3A_126 = tpu.memref_slice %arg18[%dma_start3A_124, %dma_start3A_125] : memref<100352x16xf32, #tpu.memory_space<vmem_shared>> -> memref<100352x16xf32, #tpu.memory_space<vmem_shared>>
    tpu.enqueue_indirect_dma source(%arg16 : memref<512x16xf32, #tpu.memory_space<vmem>>) target(%dma_start3A_126 : memref<100352x16xf32, #tpu.memory_space<vmem_shared>>) offsets(%arg12 : memref<512xi32, #tpu.memory_space<vmem>>) semaphore(%arg23 : memref<!tpu.dma_semaphore, #tpu.memory_space<semaphore_mem>>) {add = true}
    %dma_wait3A_127 = arith.constant 0 : i32
    %dma_wait3A_128 = arith.constant 0 : i32
    %dma_wait3A_129 = tpu.memref_slice %arg18[%dma_wait3A_127, %dma_wait3A_128] : memref<100352x16xf32, #tpu.memory_space<vmem_shared>> -> memref<100352x16xf32, #tpu.memory_space<vmem_shared>>
    tpu.wait_indirect_dma semaphore(%arg24 : memref<!tpu.dma_semaphore, #tpu.memory_space<semaphore_mem>>) src(%arg17 : memref<512x16xf32, #tpu.memory_space<vmem>>) dst(%dma_wait3A_129 : memref<100352x16xf32, #tpu.memory_space<vmem_shared>>)
    %dma_wait3A_130 = arith.constant 0 : i32
    %dma_wait3A_131 = arith.constant 0 : i32
    %dma_wait3A_132 = tpu.memref_slice %arg18[%dma_wait3A_130, %dma_wait3A_131] : memref<100352x16xf32, #tpu.memory_space<vmem_shared>> -> memref<100352x16xf32, #tpu.memory_space<vmem_shared>>
    tpu.wait_indirect_dma semaphore(%arg22 : memref<!tpu.dma_semaphore, #tpu.memory_space<semaphore_mem>>) src(%arg15 : memref<512x16xf32, #tpu.memory_space<vmem>>) dst(%dma_wait3A_132 : memref<100352x16xf32, #tpu.memory_space<vmem_shared>>)
    %dma_wait3A_133 = arith.constant 0 : i32
    %dma_wait3A_134 = arith.constant 0 : i32
    %dma_wait3A_135 = tpu.memref_slice %arg18[%dma_wait3A_133, %dma_wait3A_134] : memref<100352x16xf32, #tpu.memory_space<vmem_shared>> -> memref<100352x16xf32, #tpu.memory_space<vmem_shared>>
    tpu.wait_indirect_dma semaphore(%arg23 : memref<!tpu.dma_semaphore, #tpu.memory_space<semaphore_mem>>) src(%arg16 : memref<512x16xf32, #tpu.memory_space<vmem>>) dst(%dma_wait3A_135 : memref<100352x16xf32, #tpu.memory_space<vmem_shared>>)
    %barrier3A_136 = arith.constant 0 : index
    tpu.barrier barrier_id(%barrier3A_136)
    "tpu.region"() ({
      %run_scoped3A = tpu.sem_alloc : memref<!tpu.dma_semaphore, #tpu.memory_space<semaphore_mem>>
      %dma_start3A_276 = arith.constant 0 : i32
      %dma_start3A_277 = tpu.memref_slice %arg7[%arg0, %mul3A_2, %dma_start3A_276] : memref<2x100352x16xf32, #tpu.memory_space<hbm>> -> memref<1x6272x16xf32, #tpu.memory_space<hbm>>
      %dma_start3A_278 = tpu.memref_squeeze %dma_start3A_277 : memref<1x6272x16xf32, #tpu.memory_space<hbm>> -> memref<6272x16xf32, #tpu.memory_space<hbm>>
      %dma_start3A_279 = arith.constant 0 : i32
      %dma_start3A_280 = tpu.memref_slice %arg18[%mul3A_2, %dma_start3A_279] : memref<100352x16xf32, #tpu.memory_space<vmem_shared>> -> memref<6272x16xf32, #tpu.memory_space<vmem_shared>>
      tpu.enqueue_dma source(%dma_start3A_280 : memref<6272x16xf32, #tpu.memory_space<vmem_shared>>) target(%dma_start3A_278 : memref<6272x16xf32, #tpu.memory_space<hbm>>) target_semaphore(%run_scoped3A : memref<!tpu.dma_semaphore, #tpu.memory_space<semaphore_mem>>)
      %dma_wait3A_281 = arith.constant 0 : i32
      %dma_wait3A_282 = tpu.memref_slice %arg7[%arg0, %mul3A_2, %dma_wait3A_281] : memref<2x100352x16xf32, #tpu.memory_space<hbm>> -> memref<1x6272x16xf32, #tpu.memory_space<hbm>>
      %dma_wait3A_283 = tpu.memref_squeeze %dma_wait3A_282 : memref<1x6272x16xf32, #tpu.memory_space<hbm>> -> memref<6272x16xf32, #tpu.memory_space<hbm>>
      %dma_wait3A_284 = arith.constant 0 : i32
      %dma_wait3A_285 = tpu.memref_slice %arg18[%mul3A_2, %dma_wait3A_284] : memref<100352x16xf32, #tpu.memory_space<vmem_shared>> -> memref<6272x16xf32, #tpu.memory_space<vmem_shared>>
      tpu.wait_dma2 semaphore(%run_scoped3A : memref<!tpu.dma_semaphore, #tpu.memory_space<semaphore_mem>>) src(%dma_wait3A_285 : memref<6272x16xf32, #tpu.memory_space<vmem_shared>>) dst(%dma_wait3A_283 : memref<6272x16xf32, #tpu.memory_space<hbm>>)
      tpu.yield
    }) : () -> ()
    %barrier3A_137 = arith.constant 0 : index
    tpu.barrier barrier_id(%barrier3A_137)
    %eq3A_138 = arith.constant 0 : i32
    %eq3A_139 = arith.cmpi eq, %arg0, %eq3A_138 : i32
    %convert_element_type3A_140 = arith.extui %eq3A_139 : i1 to i32
    %cond3A_141 = arith.constant 0 : i32
    %cond3A_142 = arith.cmpi ne, %convert_element_type3A_140, %cond3A_141 : i32
    scf.if %cond3A_142 {
      "tpu.region"() ({
        %run_scoped3A = tpu.sem_alloc : memref<!tpu.dma_semaphore, #tpu.memory_space<semaphore_mem>>
        %dma_start3A_276 = arith.constant 0 : i32
        %dma_start3A_277 = tpu.memref_slice %arg18[%mul3A_2, %dma_start3A_276] : memref<100352x16xf32, #tpu.memory_space<vmem_shared>> -> memref<6272x16xf32, #tpu.memory_space<vmem_shared>>
        %dma_start3A_278 = arith.constant 0 : i32
        %dma_start3A_279 = tpu.memref_slice %arg3[%mul3A_2, %dma_start3A_278] : memref<100352x16xf32, #tpu.memory_space<hbm>> -> memref<6272x16xf32, #tpu.memory_space<hbm>>
        tpu.enqueue_dma source(%dma_start3A_279 : memref<6272x16xf32, #tpu.memory_space<hbm>>) target(%dma_start3A_277 : memref<6272x16xf32, #tpu.memory_space<vmem_shared>>) target_semaphore(%run_scoped3A : memref<!tpu.dma_semaphore, #tpu.memory_space<semaphore_mem>>)
        %dma_wait3A_280 = arith.constant 0 : i32
        %dma_wait3A_281 = tpu.memref_slice %arg18[%mul3A_2, %dma_wait3A_280] : memref<100352x16xf32, #tpu.memory_space<vmem_shared>> -> memref<6272x16xf32, #tpu.memory_space<vmem_shared>>
        %dma_wait3A_282 = arith.constant 0 : i32
        %dma_wait3A_283 = tpu.memref_slice %arg3[%mul3A_2, %dma_wait3A_282] : memref<100352x16xf32, #tpu.memory_space<hbm>> -> memref<6272x16xf32, #tpu.memory_space<hbm>>
        tpu.wait_dma2 semaphore(%run_scoped3A : memref<!tpu.dma_semaphore, #tpu.memory_space<semaphore_mem>>) src(%dma_wait3A_283 : memref<6272x16xf32, #tpu.memory_space<hbm>>) dst(%dma_wait3A_281 : memref<6272x16xf32, #tpu.memory_space<vmem_shared>>)
        tpu.yield
      }) : () -> ()
    } else {
    }
    %ne3A_143 = arith.constant 0 : i32
    %ne3A_144 = arith.cmpi ne, %arg0, %ne3A_143 : i32
    %convert_element_type3A_145 = arith.extui %ne3A_144 : i1 to i32
    %cond3A_146 = arith.constant 0 : i32
    %cond3A_147 = arith.cmpi ne, %convert_element_type3A_145, %cond3A_146 : i32
    scf.if %cond3A_147 {
      "tpu.region"() ({
        %run_scoped3A = tpu.sem_alloc : memref<!tpu.dma_semaphore, #tpu.memory_space<semaphore_mem>>
        %dma_start3A_276 = arith.constant 0 : i32
        %dma_start3A_277 = tpu.memref_slice %arg18[%mul3A_2, %dma_start3A_276] : memref<100352x16xf32, #tpu.memory_space<vmem_shared>> -> memref<6272x16xf32, #tpu.memory_space<vmem_shared>>
        %dma_start3A_278 = arith.constant 0 : i32
        %dma_start3A_279 = tpu.memref_slice %arg6[%mul3A_2, %dma_start3A_278] : memref<100352x16xf32, #tpu.memory_space<hbm>> -> memref<6272x16xf32, #tpu.memory_space<hbm>>
        tpu.enqueue_dma source(%dma_start3A_279 : memref<6272x16xf32, #tpu.memory_space<hbm>>) target(%dma_start3A_277 : memref<6272x16xf32, #tpu.memory_space<vmem_shared>>) target_semaphore(%run_scoped3A : memref<!tpu.dma_semaphore, #tpu.memory_space<semaphore_mem>>)
        %dma_wait3A_280 = arith.constant 0 : i32
        %dma_wait3A_281 = tpu.memref_slice %arg18[%mul3A_2, %dma_wait3A_280] : memref<100352x16xf32, #tpu.memory_space<vmem_shared>> -> memref<6272x16xf32, #tpu.memory_space<vmem_shared>>
        %dma_wait3A_282 = arith.constant 0 : i32
        %dma_wait3A_283 = tpu.memref_slice %arg6[%mul3A_2, %dma_wait3A_282] : memref<100352x16xf32, #tpu.memory_space<hbm>> -> memref<6272x16xf32, #tpu.memory_space<hbm>>
        tpu.wait_dma2 semaphore(%run_scoped3A : memref<!tpu.dma_semaphore, #tpu.memory_space<semaphore_mem>>) src(%dma_wait3A_283 : memref<6272x16xf32, #tpu.memory_space<hbm>>) dst(%dma_wait3A_281 : memref<6272x16xf32, #tpu.memory_space<vmem_shared>>)
        tpu.yield
      }) : () -> ()
    } else {
    }
    %barrier3A_148 = arith.constant 0 : index
    tpu.barrier barrier_id(%barrier3A_148)
    %add3A_149 = arith.constant 0 : i32
    %add3A_150 = arith.addi %mul3A_6, %add3A_149 : i32
    %dma_start3A_151 = tpu.memref_slice %arg4[%add3A_150] : memref<1605632xi32, #tpu.memory_space<hbm>> -> memref<512xi32, #tpu.memory_space<hbm>>
    %dma_start3A_152 = tpu.memref_slice %arg4[%add3A_150] : memref<1605632xi32, #tpu.memory_space<hbm>> -> memref<512xi32, #tpu.memory_space<hbm>>
    tpu.enqueue_dma source(%dma_start3A_152 : memref<512xi32, #tpu.memory_space<hbm>>) target(%arg9 : memref<512xi32, #tpu.memory_space<vmem>>) target_semaphore(%arg25 : memref<!tpu.dma_semaphore, #tpu.memory_space<semaphore_mem>>)
    %add3A_153 = arith.constant 0 : i32
    %add3A_154 = arith.addi %mul3A_6, %add3A_153 : i32
    %dma_start3A_155 = tpu.memref_slice %arg5[%add3A_154] : memref<1605632xi32, #tpu.memory_space<hbm>> -> memref<512xi32, #tpu.memory_space<hbm>>
    %dma_start3A_156 = tpu.memref_slice %arg5[%add3A_154] : memref<1605632xi32, #tpu.memory_space<hbm>> -> memref<512xi32, #tpu.memory_space<hbm>>
    tpu.enqueue_dma source(%dma_start3A_156 : memref<512xi32, #tpu.memory_space<hbm>>) target(%arg10 : memref<512xi32, #tpu.memory_space<vmem>>) target_semaphore(%arg25 : memref<!tpu.dma_semaphore, #tpu.memory_space<semaphore_mem>>)
    %add3A_157 = arith.constant 512 : i32
    %add3A_158 = arith.addi %mul3A_6, %add3A_157 : i32
    %dma_start3A_159 = tpu.memref_slice %arg4[%add3A_158] : memref<1605632xi32, #tpu.memory_space<hbm>> -> memref<512xi32, #tpu.memory_space<hbm>>
    %dma_start3A_160 = tpu.memref_slice %arg4[%add3A_158] : memref<1605632xi32, #tpu.memory_space<hbm>> -> memref<512xi32, #tpu.memory_space<hbm>>
    tpu.enqueue_dma source(%dma_start3A_160 : memref<512xi32, #tpu.memory_space<hbm>>) target(%arg11 : memref<512xi32, #tpu.memory_space<vmem>>) target_semaphore(%arg26 : memref<!tpu.dma_semaphore, #tpu.memory_space<semaphore_mem>>)
    %add3A_161 = arith.constant 512 : i32
    %add3A_162 = arith.addi %mul3A_6, %add3A_161 : i32
    %dma_start3A_163 = tpu.memref_slice %arg5[%add3A_162] : memref<1605632xi32, #tpu.memory_space<hbm>> -> memref<512xi32, #tpu.memory_space<hbm>>
    %dma_start3A_164 = tpu.memref_slice %arg5[%add3A_162] : memref<1605632xi32, #tpu.memory_space<hbm>> -> memref<512xi32, #tpu.memory_space<hbm>>
    tpu.enqueue_dma source(%dma_start3A_164 : memref<512xi32, #tpu.memory_space<hbm>>) target(%arg12 : memref<512xi32, #tpu.memory_space<vmem>>) target_semaphore(%arg26 : memref<!tpu.dma_semaphore, #tpu.memory_space<semaphore_mem>>)
    %add3A_165 = arith.constant 1024 : i32
    %add3A_166 = arith.addi %mul3A_6, %add3A_165 : i32
    %dma_start3A_167 = tpu.memref_slice %arg4[%add3A_166] : memref<1605632xi32, #tpu.memory_space<hbm>> -> memref<512xi32, #tpu.memory_space<hbm>>
    %dma_start3A_168 = tpu.memref_slice %arg4[%add3A_166] : memref<1605632xi32, #tpu.memory_space<hbm>> -> memref<512xi32, #tpu.memory_space<hbm>>
    tpu.enqueue_dma source(%dma_start3A_168 : memref<512xi32, #tpu.memory_space<hbm>>) target(%arg13 : memref<512xi32, #tpu.memory_space<vmem>>) target_semaphore(%arg27 : memref<!tpu.dma_semaphore, #tpu.memory_space<semaphore_mem>>)
    %add3A_169 = arith.constant 1024 : i32
    %add3A_170 = arith.addi %mul3A_6, %add3A_169 : i32
    %dma_start3A_171 = tpu.memref_slice %arg5[%add3A_170] : memref<1605632xi32, #tpu.memory_space<hbm>> -> memref<512xi32, #tpu.memory_space<hbm>>
    %dma_start3A_172 = tpu.memref_slice %arg5[%add3A_170] : memref<1605632xi32, #tpu.memory_space<hbm>> -> memref<512xi32, #tpu.memory_space<hbm>>
    tpu.enqueue_dma source(%dma_start3A_172 : memref<512xi32, #tpu.memory_space<hbm>>) target(%arg14 : memref<512xi32, #tpu.memory_space<vmem>>) target_semaphore(%arg27 : memref<!tpu.dma_semaphore, #tpu.memory_space<semaphore_mem>>)
    %dma_wait3A_173 = tpu.memref_slice %arg4[%mul3A_6] : memref<1605632xi32, #tpu.memory_space<hbm>> -> memref<512xi32, #tpu.memory_space<hbm>>
    %dma_wait3A_174 = tpu.memref_slice %arg4[%mul3A_6] : memref<1605632xi32, #tpu.memory_space<hbm>> -> memref<512xi32, #tpu.memory_space<hbm>>
    tpu.wait_dma2 semaphore(%arg25 : memref<!tpu.dma_semaphore, #tpu.memory_space<semaphore_mem>>) src(%dma_wait3A_174 : memref<512xi32, #tpu.memory_space<hbm>>) dst(%arg9 : memref<512xi32, #tpu.memory_space<vmem>>)
    %dma_wait3A_175 = tpu.memref_slice %arg5[%mul3A_6] : memref<1605632xi32, #tpu.memory_space<hbm>> -> memref<512xi32, #tpu.memory_space<hbm>>
    %dma_wait3A_176 = tpu.memref_slice %arg5[%mul3A_6] : memref<1605632xi32, #tpu.memory_space<hbm>> -> memref<512xi32, #tpu.memory_space<hbm>>
    tpu.wait_dma2 semaphore(%arg25 : memref<!tpu.dma_semaphore, #tpu.memory_space<semaphore_mem>>) src(%dma_wait3A_176 : memref<512xi32, #tpu.memory_space<hbm>>) dst(%arg10 : memref<512xi32, #tpu.memory_space<vmem>>)
    %dma_start3A_177 = arith.constant 0 : i32
    %dma_start3A_178 = arith.constant 0 : i32
    %dma_start3A_179 = tpu.memref_slice %arg3[%dma_start3A_177, %dma_start3A_178] : memref<100352x16xf32, #tpu.memory_space<hbm>> -> memref<100352x16xf32, #tpu.memory_space<hbm>>
    tpu.enqueue_indirect_dma source(%dma_start3A_179 : memref<100352x16xf32, #tpu.memory_space<hbm>>) target(%arg15 : memref<512x16xf32, #tpu.memory_space<vmem>>) offsets(%arg9 : memref<512xi32, #tpu.memory_space<vmem>>) semaphore(%arg19 : memref<!tpu.dma_semaphore, #tpu.memory_space<semaphore_mem>>)
    %dma_wait3A_180 = tpu.memref_slice %arg4[%mul3A_6] : memref<1605632xi32, #tpu.memory_space<hbm>> -> memref<512xi32, #tpu.memory_space<hbm>>
    %dma_wait3A_181 = tpu.memref_slice %arg4[%mul3A_6] : memref<1605632xi32, #tpu.memory_space<hbm>> -> memref<512xi32, #tpu.memory_space<hbm>>
    tpu.wait_dma2 semaphore(%arg26 : memref<!tpu.dma_semaphore, #tpu.memory_space<semaphore_mem>>) src(%dma_wait3A_181 : memref<512xi32, #tpu.memory_space<hbm>>) dst(%arg11 : memref<512xi32, #tpu.memory_space<vmem>>)
    %dma_wait3A_182 = tpu.memref_slice %arg5[%mul3A_6] : memref<1605632xi32, #tpu.memory_space<hbm>> -> memref<512xi32, #tpu.memory_space<hbm>>
    %dma_wait3A_183 = tpu.memref_slice %arg5[%mul3A_6] : memref<1605632xi32, #tpu.memory_space<hbm>> -> memref<512xi32, #tpu.memory_space<hbm>>
    tpu.wait_dma2 semaphore(%arg26 : memref<!tpu.dma_semaphore, #tpu.memory_space<semaphore_mem>>) src(%dma_wait3A_183 : memref<512xi32, #tpu.memory_space<hbm>>) dst(%arg12 : memref<512xi32, #tpu.memory_space<vmem>>)
    %dma_start3A_184 = arith.constant 0 : i32
    %dma_start3A_185 = arith.constant 0 : i32
    %dma_start3A_186 = tpu.memref_slice %arg3[%dma_start3A_184, %dma_start3A_185] : memref<100352x16xf32, #tpu.memory_space<hbm>> -> memref<100352x16xf32, #tpu.memory_space<hbm>>
    tpu.enqueue_indirect_dma source(%dma_start3A_186 : memref<100352x16xf32, #tpu.memory_space<hbm>>) target(%arg16 : memref<512x16xf32, #tpu.memory_space<vmem>>) offsets(%arg11 : memref<512xi32, #tpu.memory_space<vmem>>) semaphore(%arg20 : memref<!tpu.dma_semaphore, #tpu.memory_space<semaphore_mem>>)
    %dma_wait3A_187 = arith.constant 0 : i32
    %dma_wait3A_188 = arith.constant 0 : i32
    %dma_wait3A_189 = tpu.memref_slice %arg3[%dma_wait3A_187, %dma_wait3A_188] : memref<100352x16xf32, #tpu.memory_space<hbm>> -> memref<100352x16xf32, #tpu.memory_space<hbm>>
    tpu.wait_indirect_dma semaphore(%arg19 : memref<!tpu.dma_semaphore, #tpu.memory_space<semaphore_mem>>) src(%dma_wait3A_189 : memref<100352x16xf32, #tpu.memory_space<hbm>>) dst(%arg15 : memref<512x16xf32, #tpu.memory_space<vmem>>)
    %dma_start3A_190 = arith.constant 0 : i32
    %dma_start3A_191 = arith.constant 0 : i32
    %dma_start3A_192 = tpu.memref_slice %arg18[%dma_start3A_190, %dma_start3A_191] : memref<100352x16xf32, #tpu.memory_space<vmem_shared>> -> memref<100352x16xf32, #tpu.memory_space<vmem_shared>>
    tpu.enqueue_indirect_dma source(%arg15 : memref<512x16xf32, #tpu.memory_space<vmem>>) target(%dma_start3A_192 : memref<100352x16xf32, #tpu.memory_space<vmem_shared>>) offsets(%arg10 : memref<512xi32, #tpu.memory_space<vmem>>) semaphore(%arg22 : memref<!tpu.dma_semaphore, #tpu.memory_space<semaphore_mem>>) {add = true}
    %dma_wait3A_193 = arith.constant 0 : i32
    %dma_wait3A_194 = arith.constant 0 : i32
    %dma_wait3A_195 = tpu.memref_slice %arg18[%dma_wait3A_193, %dma_wait3A_194] : memref<100352x16xf32, #tpu.memory_space<vmem_shared>> -> memref<100352x16xf32, #tpu.memory_space<vmem_shared>>
    tpu.wait_indirect_dma semaphore(%arg22 : memref<!tpu.dma_semaphore, #tpu.memory_space<semaphore_mem>>) src(%arg15 : memref<512x16xf32, #tpu.memory_space<vmem>>) dst(%dma_wait3A_195 : memref<100352x16xf32, #tpu.memory_space<vmem_shared>>)
    %add3A_196 = arith.constant 1536 : i32
    %add3A_197 = arith.addi %mul3A_6, %add3A_196 : i32
    %dma_start3A_198 = tpu.memref_slice %arg4[%add3A_197] : memref<1605632xi32, #tpu.memory_space<hbm>> -> memref<512xi32, #tpu.memory_space<hbm>>
    %dma_start3A_199 = tpu.memref_slice %arg4[%add3A_197] : memref<1605632xi32, #tpu.memory_space<hbm>> -> memref<512xi32, #tpu.memory_space<hbm>>
    tpu.enqueue_dma source(%dma_start3A_199 : memref<512xi32, #tpu.memory_space<hbm>>) target(%arg9 : memref<512xi32, #tpu.memory_space<vmem>>) target_semaphore(%arg25 : memref<!tpu.dma_semaphore, #tpu.memory_space<semaphore_mem>>)
    %add3A_200 = arith.constant 1536 : i32
    %add3A_201 = arith.addi %mul3A_6, %add3A_200 : i32
    %dma_start3A_202 = tpu.memref_slice %arg5[%add3A_201] : memref<1605632xi32, #tpu.memory_space<hbm>> -> memref<512xi32, #tpu.memory_space<hbm>>
    %dma_start3A_203 = tpu.memref_slice %arg5[%add3A_201] : memref<1605632xi32, #tpu.memory_space<hbm>> -> memref<512xi32, #tpu.memory_space<hbm>>
    tpu.enqueue_dma source(%dma_start3A_203 : memref<512xi32, #tpu.memory_space<hbm>>) target(%arg10 : memref<512xi32, #tpu.memory_space<vmem>>) target_semaphore(%arg25 : memref<!tpu.dma_semaphore, #tpu.memory_space<semaphore_mem>>)
    %dma_wait3A_204 = tpu.memref_slice %arg4[%mul3A_6] : memref<1605632xi32, #tpu.memory_space<hbm>> -> memref<512xi32, #tpu.memory_space<hbm>>
    %dma_wait3A_205 = tpu.memref_slice %arg4[%mul3A_6] : memref<1605632xi32, #tpu.memory_space<hbm>> -> memref<512xi32, #tpu.memory_space<hbm>>
    tpu.wait_dma2 semaphore(%arg27 : memref<!tpu.dma_semaphore, #tpu.memory_space<semaphore_mem>>) src(%dma_wait3A_205 : memref<512xi32, #tpu.memory_space<hbm>>) dst(%arg13 : memref<512xi32, #tpu.memory_space<vmem>>)
    %dma_wait3A_206 = tpu.memref_slice %arg5[%mul3A_6] : memref<1605632xi32, #tpu.memory_space<hbm>> -> memref<512xi32, #tpu.memory_space<hbm>>
    %dma_wait3A_207 = tpu.memref_slice %arg5[%mul3A_6] : memref<1605632xi32, #tpu.memory_space<hbm>> -> memref<512xi32, #tpu.memory_space<hbm>>
    tpu.wait_dma2 semaphore(%arg27 : memref<!tpu.dma_semaphore, #tpu.memory_space<semaphore_mem>>) src(%dma_wait3A_207 : memref<512xi32, #tpu.memory_space<hbm>>) dst(%arg14 : memref<512xi32, #tpu.memory_space<vmem>>)
    %dma_start3A_208 = arith.constant 0 : i32
    %dma_start3A_209 = arith.constant 0 : i32
    %dma_start3A_210 = tpu.memref_slice %arg3[%dma_start3A_208, %dma_start3A_209] : memref<100352x16xf32, #tpu.memory_space<hbm>> -> memref<100352x16xf32, #tpu.memory_space<hbm>>
    tpu.enqueue_indirect_dma source(%dma_start3A_210 : memref<100352x16xf32, #tpu.memory_space<hbm>>) target(%arg17 : memref<512x16xf32, #tpu.memory_space<vmem>>) offsets(%arg13 : memref<512xi32, #tpu.memory_space<vmem>>) semaphore(%arg21 : memref<!tpu.dma_semaphore, #tpu.memory_space<semaphore_mem>>)
    %dma_wait3A_211 = arith.constant 0 : i32
    %dma_wait3A_212 = arith.constant 0 : i32
    %dma_wait3A_213 = tpu.memref_slice %arg3[%dma_wait3A_211, %dma_wait3A_212] : memref<100352x16xf32, #tpu.memory_space<hbm>> -> memref<100352x16xf32, #tpu.memory_space<hbm>>
    tpu.wait_indirect_dma semaphore(%arg20 : memref<!tpu.dma_semaphore, #tpu.memory_space<semaphore_mem>>) src(%dma_wait3A_213 : memref<100352x16xf32, #tpu.memory_space<hbm>>) dst(%arg16 : memref<512x16xf32, #tpu.memory_space<vmem>>)
    %dma_start3A_214 = arith.constant 0 : i32
    %dma_start3A_215 = arith.constant 0 : i32
    %dma_start3A_216 = tpu.memref_slice %arg18[%dma_start3A_214, %dma_start3A_215] : memref<100352x16xf32, #tpu.memory_space<vmem_shared>> -> memref<100352x16xf32, #tpu.memory_space<vmem_shared>>
    tpu.enqueue_indirect_dma source(%arg16 : memref<512x16xf32, #tpu.memory_space<vmem>>) target(%dma_start3A_216 : memref<100352x16xf32, #tpu.memory_space<vmem_shared>>) offsets(%arg12 : memref<512xi32, #tpu.memory_space<vmem>>) semaphore(%arg23 : memref<!tpu.dma_semaphore, #tpu.memory_space<semaphore_mem>>) {add = true}
    %scan3A_217 = arith.constant 0 : i32
    %scan3A_218 = arith.constant 0 : i32
    %scan3A_219 = arith.constant 31 : i32
    %scan3A_220 = arith.addi %scan3A_218, %scan3A_219 : i32
    %scan3A_221 = arith.constant 1 : i32
    scf.for %scan3A_276 = %scan3A_218 to %scan3A_220 step %scan3A_221  : i32 {
      %mul3A_277 = arith.constant 3 : i32
      %mul3A_278 = arith.muli %mul3A_277, %scan3A_276 : i32
      %add3A_279 = arith.constant 2 : i32
      %add3A_280 = arith.addi %mul3A_278, %add3A_279 : i32
      %add3A_281 = arith.constant 0 : i32
      %add3A_282 = arith.addi %add3A_280, %add3A_281 : i32
      %dma_wait3A_283 = arith.constant 0 : i32
      %dma_wait3A_284 = arith.constant 0 : i32
      %dma_wait3A_285 = tpu.memref_slice %arg18[%dma_wait3A_283, %dma_wait3A_284] : memref<100352x16xf32, #tpu.memory_space<vmem_shared>> -> memref<100352x16xf32, #tpu.memory_space<vmem_shared>>
      tpu.wait_indirect_dma semaphore(%arg23 : memref<!tpu.dma_semaphore, #tpu.memory_space<semaphore_mem>>) src(%arg16 : memref<512x16xf32, #tpu.memory_space<vmem>>) dst(%dma_wait3A_285 : memref<100352x16xf32, #tpu.memory_space<vmem_shared>>)
      %add3A_286 = arith.constant 2 : i32
      %add3A_287 = arith.addi %add3A_282, %add3A_286 : i32
      %mul3A_288 = arith.constant 512 : i32
      %mul3A_289 = arith.muli %add3A_287, %mul3A_288 : i32
      %add3A_290 = arith.addi %mul3A_6, %mul3A_289 : i32
      %dma_start3A_291 = tpu.memref_slice %arg4[%add3A_290] : memref<1605632xi32, #tpu.memory_space<hbm>> -> memref<512xi32, #tpu.memory_space<hbm>>
      %dma_start3A_292 = tpu.memref_slice %arg4[%add3A_290] : memref<1605632xi32, #tpu.memory_space<hbm>> -> memref<512xi32, #tpu.memory_space<hbm>>
      tpu.enqueue_dma source(%dma_start3A_292 : memref<512xi32, #tpu.memory_space<hbm>>) target(%arg11 : memref<512xi32, #tpu.memory_space<vmem>>) target_semaphore(%arg26 : memref<!tpu.dma_semaphore, #tpu.memory_space<semaphore_mem>>)
      %mul3A_293 = arith.constant 512 : i32
      %mul3A_294 = arith.muli %add3A_287, %mul3A_293 : i32
      %add3A_295 = arith.addi %mul3A_6, %mul3A_294 : i32
      %dma_start3A_296 = tpu.memref_slice %arg5[%add3A_295] : memref<1605632xi32, #tpu.memory_space<hbm>> -> memref<512xi32, #tpu.memory_space<hbm>>
      %dma_start3A_297 = tpu.memref_slice %arg5[%add3A_295] : memref<1605632xi32, #tpu.memory_space<hbm>> -> memref<512xi32, #tpu.memory_space<hbm>>
      tpu.enqueue_dma source(%dma_start3A_297 : memref<512xi32, #tpu.memory_space<hbm>>) target(%arg12 : memref<512xi32, #tpu.memory_space<vmem>>) target_semaphore(%arg26 : memref<!tpu.dma_semaphore, #tpu.memory_space<semaphore_mem>>)
      %dma_wait3A_298 = tpu.memref_slice %arg4[%mul3A_6] : memref<1605632xi32, #tpu.memory_space<hbm>> -> memref<512xi32, #tpu.memory_space<hbm>>
      %dma_wait3A_299 = tpu.memref_slice %arg4[%mul3A_6] : memref<1605632xi32, #tpu.memory_space<hbm>> -> memref<512xi32, #tpu.memory_space<hbm>>
      tpu.wait_dma2 semaphore(%arg25 : memref<!tpu.dma_semaphore, #tpu.memory_space<semaphore_mem>>) src(%dma_wait3A_299 : memref<512xi32, #tpu.memory_space<hbm>>) dst(%arg9 : memref<512xi32, #tpu.memory_space<vmem>>)
      %dma_wait3A_300 = tpu.memref_slice %arg5[%mul3A_6] : memref<1605632xi32, #tpu.memory_space<hbm>> -> memref<512xi32, #tpu.memory_space<hbm>>
      %dma_wait3A_301 = tpu.memref_slice %arg5[%mul3A_6] : memref<1605632xi32, #tpu.memory_space<hbm>> -> memref<512xi32, #tpu.memory_space<hbm>>
      tpu.wait_dma2 semaphore(%arg25 : memref<!tpu.dma_semaphore, #tpu.memory_space<semaphore_mem>>) src(%dma_wait3A_301 : memref<512xi32, #tpu.memory_space<hbm>>) dst(%arg10 : memref<512xi32, #tpu.memory_space<vmem>>)
      %dma_start3A_302 = arith.constant 0 : i32
      %dma_start3A_303 = arith.constant 0 : i32
      %dma_start3A_304 = tpu.memref_slice %arg3[%dma_start3A_302, %dma_start3A_303] : memref<100352x16xf32, #tpu.memory_space<hbm>> -> memref<100352x16xf32, #tpu.memory_space<hbm>>
      tpu.enqueue_indirect_dma source(%dma_start3A_304 : memref<100352x16xf32, #tpu.memory_space<hbm>>) target(%arg15 : memref<512x16xf32, #tpu.memory_space<vmem>>) offsets(%arg9 : memref<512xi32, #tpu.memory_space<vmem>>) semaphore(%arg19 : memref<!tpu.dma_semaphore, #tpu.memory_space<semaphore_mem>>)
      %dma_wait3A_305 = arith.constant 0 : i32
      %dma_wait3A_306 = arith.constant 0 : i32
      %dma_wait3A_307 = tpu.memref_slice %arg3[%dma_wait3A_305, %dma_wait3A_306] : memref<100352x16xf32, #tpu.memory_space<hbm>> -> memref<100352x16xf32, #tpu.memory_space<hbm>>
      tpu.wait_indirect_dma semaphore(%arg21 : memref<!tpu.dma_semaphore, #tpu.memory_space<semaphore_mem>>) src(%dma_wait3A_307 : memref<100352x16xf32, #tpu.memory_space<hbm>>) dst(%arg17 : memref<512x16xf32, #tpu.memory_space<vmem>>)
      %dma_start3A_308 = arith.constant 0 : i32
      %dma_start3A_309 = arith.constant 0 : i32
      %dma_start3A_310 = tpu.memref_slice %arg18[%dma_start3A_308, %dma_start3A_309] : memref<100352x16xf32, #tpu.memory_space<vmem_shared>> -> memref<100352x16xf32, #tpu.memory_space<vmem_shared>>
      tpu.enqueue_indirect_dma source(%arg17 : memref<512x16xf32, #tpu.memory_space<vmem>>) target(%dma_start3A_310 : memref<100352x16xf32, #tpu.memory_space<vmem_shared>>) offsets(%arg14 : memref<512xi32, #tpu.memory_space<vmem>>) semaphore(%arg24 : memref<!tpu.dma_semaphore, #tpu.memory_space<semaphore_mem>>) {add = true}
      %mul3A_311 = arith.constant 3 : i32
      %mul3A_312 = arith.muli %mul3A_311, %scan3A_276 : i32
      %add3A_313 = arith.constant 2 : i32
      %add3A_314 = arith.addi %mul3A_312, %add3A_313 : i32
      %add3A_315 = arith.constant 1 : i32
      %add3A_316 = arith.addi %add3A_314, %add3A_315 : i32
      %dma_wait3A_317 = arith.constant 0 : i32
      %dma_wait3A_318 = arith.constant 0 : i32
      %dma_wait3A_319 = tpu.memref_slice %arg18[%dma_wait3A_317, %dma_wait3A_318] : memref<100352x16xf32, #tpu.memory_space<vmem_shared>> -> memref<100352x16xf32, #tpu.memory_space<vmem_shared>>
      tpu.wait_indirect_dma semaphore(%arg24 : memref<!tpu.dma_semaphore, #tpu.memory_space<semaphore_mem>>) src(%arg17 : memref<512x16xf32, #tpu.memory_space<vmem>>) dst(%dma_wait3A_319 : memref<100352x16xf32, #tpu.memory_space<vmem_shared>>)
      %add3A_320 = arith.constant 2 : i32
      %add3A_321 = arith.addi %add3A_316, %add3A_320 : i32
      %mul3A_322 = arith.constant 512 : i32
      %mul3A_323 = arith.muli %add3A_321, %mul3A_322 : i32
      %add3A_324 = arith.addi %mul3A_6, %mul3A_323 : i32
      %dma_start3A_325 = tpu.memref_slice %arg4[%add3A_324] : memref<1605632xi32, #tpu.memory_space<hbm>> -> memref<512xi32, #tpu.memory_space<hbm>>
      %dma_start3A_326 = tpu.memref_slice %arg4[%add3A_324] : memref<1605632xi32, #tpu.memory_space<hbm>> -> memref<512xi32, #tpu.memory_space<hbm>>
      tpu.enqueue_dma source(%dma_start3A_326 : memref<512xi32, #tpu.memory_space<hbm>>) target(%arg13 : memref<512xi32, #tpu.memory_space<vmem>>) target_semaphore(%arg27 : memref<!tpu.dma_semaphore, #tpu.memory_space<semaphore_mem>>)
      %mul3A_327 = arith.constant 512 : i32
      %mul3A_328 = arith.muli %add3A_321, %mul3A_327 : i32
      %add3A_329 = arith.addi %mul3A_6, %mul3A_328 : i32
      %dma_start3A_330 = tpu.memref_slice %arg5[%add3A_329] : memref<1605632xi32, #tpu.memory_space<hbm>> -> memref<512xi32, #tpu.memory_space<hbm>>
      %dma_start3A_331 = tpu.memref_slice %arg5[%add3A_329] : memref<1605632xi32, #tpu.memory_space<hbm>> -> memref<512xi32, #tpu.memory_space<hbm>>
      tpu.enqueue_dma source(%dma_start3A_331 : memref<512xi32, #tpu.memory_space<hbm>>) target(%arg14 : memref<512xi32, #tpu.memory_space<vmem>>) target_semaphore(%arg27 : memref<!tpu.dma_semaphore, #tpu.memory_space<semaphore_mem>>)
      %dma_wait3A_332 = tpu.memref_slice %arg4[%mul3A_6] : memref<1605632xi32, #tpu.memory_space<hbm>> -> memref<512xi32, #tpu.memory_space<hbm>>
      %dma_wait3A_333 = tpu.memref_slice %arg4[%mul3A_6] : memref<1605632xi32, #tpu.memory_space<hbm>> -> memref<512xi32, #tpu.memory_space<hbm>>
      tpu.wait_dma2 semaphore(%arg26 : memref<!tpu.dma_semaphore, #tpu.memory_space<semaphore_mem>>) src(%dma_wait3A_333 : memref<512xi32, #tpu.memory_space<hbm>>) dst(%arg11 : memref<512xi32, #tpu.memory_space<vmem>>)
      %dma_wait3A_334 = tpu.memref_slice %arg5[%mul3A_6] : memref<1605632xi32, #tpu.memory_space<hbm>> -> memref<512xi32, #tpu.memory_space<hbm>>
      %dma_wait3A_335 = tpu.memref_slice %arg5[%mul3A_6] : memref<1605632xi32, #tpu.memory_space<hbm>> -> memref<512xi32, #tpu.memory_space<hbm>>
      tpu.wait_dma2 semaphore(%arg26 : memref<!tpu.dma_semaphore, #tpu.memory_space<semaphore_mem>>) src(%dma_wait3A_335 : memref<512xi32, #tpu.memory_space<hbm>>) dst(%arg12 : memref<512xi32, #tpu.memory_space<vmem>>)
      %dma_start3A_336 = arith.constant 0 : i32
      %dma_start3A_337 = arith.constant 0 : i32
      %dma_start3A_338 = tpu.memref_slice %arg3[%dma_start3A_336, %dma_start3A_337] : memref<100352x16xf32, #tpu.memory_space<hbm>> -> memref<100352x16xf32, #tpu.memory_space<hbm>>
      tpu.enqueue_indirect_dma source(%dma_start3A_338 : memref<100352x16xf32, #tpu.memory_space<hbm>>) target(%arg16 : memref<512x16xf32, #tpu.memory_space<vmem>>) offsets(%arg11 : memref<512xi32, #tpu.memory_space<vmem>>) semaphore(%arg20 : memref<!tpu.dma_semaphore, #tpu.memory_space<semaphore_mem>>)
      %dma_wait3A_339 = arith.constant 0 : i32
      %dma_wait3A_340 = arith.constant 0 : i32
      %dma_wait3A_341 = tpu.memref_slice %arg3[%dma_wait3A_339, %dma_wait3A_340] : memref<100352x16xf32, #tpu.memory_space<hbm>> -> memref<100352x16xf32, #tpu.memory_space<hbm>>
      tpu.wait_indirect_dma semaphore(%arg19 : memref<!tpu.dma_semaphore, #tpu.memory_space<semaphore_mem>>) src(%dma_wait3A_341 : memref<100352x16xf32, #tpu.memory_space<hbm>>) dst(%arg15 : memref<512x16xf32, #tpu.memory_space<vmem>>)
      %dma_start3A_342 = arith.constant 0 : i32
      %dma_start3A_343 = arith.constant 0 : i32
      %dma_start3A_344 = tpu.memref_slice %arg18[%dma_start3A_342, %dma_start3A_343] : memref<100352x16xf32, #tpu.memory_space<vmem_shared>> -> memref<100352x16xf32, #tpu.memory_space<vmem_shared>>
      tpu.enqueue_indirect_dma source(%arg15 : memref<512x16xf32, #tpu.memory_space<vmem>>) target(%dma_start3A_344 : memref<100352x16xf32, #tpu.memory_space<vmem_shared>>) offsets(%arg10 : memref<512xi32, #tpu.memory_space<vmem>>) semaphore(%arg22 : memref<!tpu.dma_semaphore, #tpu.memory_space<semaphore_mem>>) {add = true}
      %mul3A_345 = arith.constant 3 : i32
      %mul3A_346 = arith.muli %mul3A_345, %scan3A_276 : i32
      %add3A_347 = arith.constant 2 : i32
      %add3A_348 = arith.addi %mul3A_346, %add3A_347 : i32
      %add3A_349 = arith.constant 2 : i32
      %add3A_350 = arith.addi %add3A_348, %add3A_349 : i32
      %dma_wait3A_351 = arith.constant 0 : i32
      %dma_wait3A_352 = arith.constant 0 : i32
      %dma_wait3A_353 = tpu.memref_slice %arg18[%dma_wait3A_351, %dma_wait3A_352] : memref<100352x16xf32, #tpu.memory_space<vmem_shared>> -> memref<100352x16xf32, #tpu.memory_space<vmem_shared>>
      tpu.wait_indirect_dma semaphore(%arg22 : memref<!tpu.dma_semaphore, #tpu.memory_space<semaphore_mem>>) src(%arg15 : memref<512x16xf32, #tpu.memory_space<vmem>>) dst(%dma_wait3A_353 : memref<100352x16xf32, #tpu.memory_space<vmem_shared>>)
      %add3A_354 = arith.constant 2 : i32
      %add3A_355 = arith.addi %add3A_350, %add3A_354 : i32
      %mul3A_356 = arith.constant 512 : i32
      %mul3A_357 = arith.muli %add3A_355, %mul3A_356 : i32
      %add3A_358 = arith.addi %mul3A_6, %mul3A_357 : i32
      %dma_start3A_359 = tpu.memref_slice %arg4[%add3A_358] : memref<1605632xi32, #tpu.memory_space<hbm>> -> memref<512xi32, #tpu.memory_space<hbm>>
      %dma_start3A_360 = tpu.memref_slice %arg4[%add3A_358] : memref<1605632xi32, #tpu.memory_space<hbm>> -> memref<512xi32, #tpu.memory_space<hbm>>
      tpu.enqueue_dma source(%dma_start3A_360 : memref<512xi32, #tpu.memory_space<hbm>>) target(%arg9 : memref<512xi32, #tpu.memory_space<vmem>>) target_semaphore(%arg25 : memref<!tpu.dma_semaphore, #tpu.memory_space<semaphore_mem>>)
      %mul3A_361 = arith.constant 512 : i32
      %mul3A_362 = arith.muli %add3A_355, %mul3A_361 : i32
      %add3A_363 = arith.addi %mul3A_6, %mul3A_362 : i32
      %dma_start3A_364 = tpu.memref_slice %arg5[%add3A_363] : memref<1605632xi32, #tpu.memory_space<hbm>> -> memref<512xi32, #tpu.memory_space<hbm>>
      %dma_start3A_365 = tpu.memref_slice %arg5[%add3A_363] : memref<1605632xi32, #tpu.memory_space<hbm>> -> memref<512xi32, #tpu.memory_space<hbm>>
      tpu.enqueue_dma source(%dma_start3A_365 : memref<512xi32, #tpu.memory_space<hbm>>) target(%arg10 : memref<512xi32, #tpu.memory_space<vmem>>) target_semaphore(%arg25 : memref<!tpu.dma_semaphore, #tpu.memory_space<semaphore_mem>>)
      %dma_wait3A_366 = tpu.memref_slice %arg4[%mul3A_6] : memref<1605632xi32, #tpu.memory_space<hbm>> -> memref<512xi32, #tpu.memory_space<hbm>>
      %dma_wait3A_367 = tpu.memref_slice %arg4[%mul3A_6] : memref<1605632xi32, #tpu.memory_space<hbm>> -> memref<512xi32, #tpu.memory_space<hbm>>
      tpu.wait_dma2 semaphore(%arg27 : memref<!tpu.dma_semaphore, #tpu.memory_space<semaphore_mem>>) src(%dma_wait3A_367 : memref<512xi32, #tpu.memory_space<hbm>>) dst(%arg13 : memref<512xi32, #tpu.memory_space<vmem>>)
      %dma_wait3A_368 = tpu.memref_slice %arg5[%mul3A_6] : memref<1605632xi32, #tpu.memory_space<hbm>> -> memref<512xi32, #tpu.memory_space<hbm>>
      %dma_wait3A_369 = tpu.memref_slice %arg5[%mul3A_6] : memref<1605632xi32, #tpu.memory_space<hbm>> -> memref<512xi32, #tpu.memory_space<hbm>>
      tpu.wait_dma2 semaphore(%arg27 : memref<!tpu.dma_semaphore, #tpu.memory_space<semaphore_mem>>) src(%dma_wait3A_369 : memref<512xi32, #tpu.memory_space<hbm>>) dst(%arg14 : memref<512xi32, #tpu.memory_space<vmem>>)
      %dma_start3A_370 = arith.constant 0 : i32
      %dma_start3A_371 = arith.constant 0 : i32
      %dma_start3A_372 = tpu.memref_slice %arg3[%dma_start3A_370, %dma_start3A_371] : memref<100352x16xf32, #tpu.memory_space<hbm>> -> memref<100352x16xf32, #tpu.memory_space<hbm>>
      tpu.enqueue_indirect_dma source(%dma_start3A_372 : memref<100352x16xf32, #tpu.memory_space<hbm>>) target(%arg17 : memref<512x16xf32, #tpu.memory_space<vmem>>) offsets(%arg13 : memref<512xi32, #tpu.memory_space<vmem>>) semaphore(%arg21 : memref<!tpu.dma_semaphore, #tpu.memory_space<semaphore_mem>>)
      %dma_wait3A_373 = arith.constant 0 : i32
      %dma_wait3A_374 = arith.constant 0 : i32
      %dma_wait3A_375 = tpu.memref_slice %arg3[%dma_wait3A_373, %dma_wait3A_374] : memref<100352x16xf32, #tpu.memory_space<hbm>> -> memref<100352x16xf32, #tpu.memory_space<hbm>>
      tpu.wait_indirect_dma semaphore(%arg20 : memref<!tpu.dma_semaphore, #tpu.memory_space<semaphore_mem>>) src(%dma_wait3A_375 : memref<100352x16xf32, #tpu.memory_space<hbm>>) dst(%arg16 : memref<512x16xf32, #tpu.memory_space<vmem>>)
      %dma_start3A_376 = arith.constant 0 : i32
      %dma_start3A_377 = arith.constant 0 : i32
      %dma_start3A_378 = tpu.memref_slice %arg18[%dma_start3A_376, %dma_start3A_377] : memref<100352x16xf32, #tpu.memory_space<vmem_shared>> -> memref<100352x16xf32, #tpu.memory_space<vmem_shared>>
      tpu.enqueue_indirect_dma source(%arg16 : memref<512x16xf32, #tpu.memory_space<vmem>>) target(%dma_start3A_378 : memref<100352x16xf32, #tpu.memory_space<vmem_shared>>) offsets(%arg12 : memref<512xi32, #tpu.memory_space<vmem>>) semaphore(%arg23 : memref<!tpu.dma_semaphore, #tpu.memory_space<semaphore_mem>>) {add = true}
    }
    %scan3A_222 = arith.constant 31 : i32
    %dma_wait3A_223 = arith.constant 0 : i32
    %dma_wait3A_224 = arith.constant 0 : i32
    %dma_wait3A_225 = tpu.memref_slice %arg18[%dma_wait3A_223, %dma_wait3A_224] : memref<100352x16xf32, #tpu.memory_space<vmem_shared>> -> memref<100352x16xf32, #tpu.memory_space<vmem_shared>>
    tpu.wait_indirect_dma semaphore(%arg23 : memref<!tpu.dma_semaphore, #tpu.memory_space<semaphore_mem>>) src(%arg16 : memref<512x16xf32, #tpu.memory_space<vmem>>) dst(%dma_wait3A_225 : memref<100352x16xf32, #tpu.memory_space<vmem_shared>>)
    %add3A_226 = arith.constant 49664 : i32
    %add3A_227 = arith.addi %mul3A_6, %add3A_226 : i32
    %dma_start3A_228 = tpu.memref_slice %arg4[%add3A_227] : memref<1605632xi32, #tpu.memory_space<hbm>> -> memref<512xi32, #tpu.memory_space<hbm>>
    %dma_start3A_229 = tpu.memref_slice %arg4[%add3A_227] : memref<1605632xi32, #tpu.memory_space<hbm>> -> memref<512xi32, #tpu.memory_space<hbm>>
    tpu.enqueue_dma source(%dma_start3A_229 : memref<512xi32, #tpu.memory_space<hbm>>) target(%arg11 : memref<512xi32, #tpu.memory_space<vmem>>) target_semaphore(%arg26 : memref<!tpu.dma_semaphore, #tpu.memory_space<semaphore_mem>>)
    %add3A_230 = arith.constant 49664 : i32
    %add3A_231 = arith.addi %mul3A_6, %add3A_230 : i32
    %dma_start3A_232 = tpu.memref_slice %arg5[%add3A_231] : memref<1605632xi32, #tpu.memory_space<hbm>> -> memref<512xi32, #tpu.memory_space<hbm>>
    %dma_start3A_233 = tpu.memref_slice %arg5[%add3A_231] : memref<1605632xi32, #tpu.memory_space<hbm>> -> memref<512xi32, #tpu.memory_space<hbm>>
    tpu.enqueue_dma source(%dma_start3A_233 : memref<512xi32, #tpu.memory_space<hbm>>) target(%arg12 : memref<512xi32, #tpu.memory_space<vmem>>) target_semaphore(%arg26 : memref<!tpu.dma_semaphore, #tpu.memory_space<semaphore_mem>>)
    %dma_wait3A_234 = tpu.memref_slice %arg4[%mul3A_6] : memref<1605632xi32, #tpu.memory_space<hbm>> -> memref<512xi32, #tpu.memory_space<hbm>>
    %dma_wait3A_235 = tpu.memref_slice %arg4[%mul3A_6] : memref<1605632xi32, #tpu.memory_space<hbm>> -> memref<512xi32, #tpu.memory_space<hbm>>
    tpu.wait_dma2 semaphore(%arg25 : memref<!tpu.dma_semaphore, #tpu.memory_space<semaphore_mem>>) src(%dma_wait3A_235 : memref<512xi32, #tpu.memory_space<hbm>>) dst(%arg9 : memref<512xi32, #tpu.memory_space<vmem>>)
    %dma_wait3A_236 = tpu.memref_slice %arg5[%mul3A_6] : memref<1605632xi32, #tpu.memory_space<hbm>> -> memref<512xi32, #tpu.memory_space<hbm>>
    %dma_wait3A_237 = tpu.memref_slice %arg5[%mul3A_6] : memref<1605632xi32, #tpu.memory_space<hbm>> -> memref<512xi32, #tpu.memory_space<hbm>>
    tpu.wait_dma2 semaphore(%arg25 : memref<!tpu.dma_semaphore, #tpu.memory_space<semaphore_mem>>) src(%dma_wait3A_237 : memref<512xi32, #tpu.memory_space<hbm>>) dst(%arg10 : memref<512xi32, #tpu.memory_space<vmem>>)
    %dma_start3A_238 = arith.constant 0 : i32
    %dma_start3A_239 = arith.constant 0 : i32
    %dma_start3A_240 = tpu.memref_slice %arg3[%dma_start3A_238, %dma_start3A_239] : memref<100352x16xf32, #tpu.memory_space<hbm>> -> memref<100352x16xf32, #tpu.memory_space<hbm>>
    tpu.enqueue_indirect_dma source(%dma_start3A_240 : memref<100352x16xf32, #tpu.memory_space<hbm>>) target(%arg15 : memref<512x16xf32, #tpu.memory_space<vmem>>) offsets(%arg9 : memref<512xi32, #tpu.memory_space<vmem>>) semaphore(%arg19 : memref<!tpu.dma_semaphore, #tpu.memory_space<semaphore_mem>>)
    %dma_wait3A_241 = arith.constant 0 : i32
    %dma_wait3A_242 = arith.constant 0 : i32
    %dma_wait3A_243 = tpu.memref_slice %arg3[%dma_wait3A_241, %dma_wait3A_242] : memref<100352x16xf32, #tpu.memory_space<hbm>> -> memref<100352x16xf32, #tpu.memory_space<hbm>>
    tpu.wait_indirect_dma semaphore(%arg21 : memref<!tpu.dma_semaphore, #tpu.memory_space<semaphore_mem>>) src(%dma_wait3A_243 : memref<100352x16xf32, #tpu.memory_space<hbm>>) dst(%arg17 : memref<512x16xf32, #tpu.memory_space<vmem>>)
    %dma_start3A_244 = arith.constant 0 : i32
    %dma_start3A_245 = arith.constant 0 : i32
    %dma_start3A_246 = tpu.memref_slice %arg18[%dma_start3A_244, %dma_start3A_245] : memref<100352x16xf32, #tpu.memory_space<vmem_shared>> -> memref<100352x16xf32, #tpu.memory_space<vmem_shared>>
    tpu.enqueue_indirect_dma source(%arg17 : memref<512x16xf32, #tpu.memory_space<vmem>>) target(%dma_start3A_246 : memref<100352x16xf32, #tpu.memory_space<vmem_shared>>) offsets(%arg14 : memref<512xi32, #tpu.memory_space<vmem>>) semaphore(%arg24 : memref<!tpu.dma_semaphore, #tpu.memory_space<semaphore_mem>>) {add = true}
    %dma_wait3A_247 = tpu.memref_slice %arg4[%mul3A_6] : memref<1605632xi32, #tpu.memory_space<hbm>> -> memref<512xi32, #tpu.memory_space<hbm>>
    %dma_wait3A_248 = tpu.memref_slice %arg4[%mul3A_6] : memref<1605632xi32, #tpu.memory_space<hbm>> -> memref<512xi32, #tpu.memory_space<hbm>>
    tpu.wait_dma2 semaphore(%arg26 : memref<!tpu.dma_semaphore, #tpu.memory_space<semaphore_mem>>) src(%dma_wait3A_248 : memref<512xi32, #tpu.memory_space<hbm>>) dst(%arg11 : memref<512xi32, #tpu.memory_space<vmem>>)
    %dma_wait3A_249 = tpu.memref_slice %arg5[%mul3A_6] : memref<1605632xi32, #tpu.memory_space<hbm>> -> memref<512xi32, #tpu.memory_space<hbm>>
    %dma_wait3A_250 = tpu.memref_slice %arg5[%mul3A_6] : memref<1605632xi32, #tpu.memory_space<hbm>> -> memref<512xi32, #tpu.memory_space<hbm>>
    tpu.wait_dma2 semaphore(%arg26 : memref<!tpu.dma_semaphore, #tpu.memory_space<semaphore_mem>>) src(%dma_wait3A_250 : memref<512xi32, #tpu.memory_space<hbm>>) dst(%arg12 : memref<512xi32, #tpu.memory_space<vmem>>)
    %dma_start3A_251 = arith.constant 0 : i32
    %dma_start3A_252 = arith.constant 0 : i32
    %dma_start3A_253 = tpu.memref_slice %arg3[%dma_start3A_251, %dma_start3A_252] : memref<100352x16xf32, #tpu.memory_space<hbm>> -> memref<100352x16xf32, #tpu.memory_space<hbm>>
    tpu.enqueue_indirect_dma source(%dma_start3A_253 : memref<100352x16xf32, #tpu.memory_space<hbm>>) target(%arg16 : memref<512x16xf32, #tpu.memory_space<vmem>>) offsets(%arg11 : memref<512xi32, #tpu.memory_space<vmem>>) semaphore(%arg20 : memref<!tpu.dma_semaphore, #tpu.memory_space<semaphore_mem>>)
    %dma_wait3A_254 = arith.constant 0 : i32
    %dma_wait3A_255 = arith.constant 0 : i32
    %dma_wait3A_256 = tpu.memref_slice %arg3[%dma_wait3A_254, %dma_wait3A_255] : memref<100352x16xf32, #tpu.memory_space<hbm>> -> memref<100352x16xf32, #tpu.memory_space<hbm>>
    tpu.wait_indirect_dma semaphore(%arg19 : memref<!tpu.dma_semaphore, #tpu.memory_space<semaphore_mem>>) src(%dma_wait3A_256 : memref<100352x16xf32, #tpu.memory_space<hbm>>) dst(%arg15 : memref<512x16xf32, #tpu.memory_space<vmem>>)
    %dma_start3A_257 = arith.constant 0 : i32
    %dma_start3A_258 = arith.constant 0 : i32
    %dma_start3A_259 = tpu.memref_slice %arg18[%dma_start3A_257, %dma_start3A_258] : memref<100352x16xf32, #tpu.memory_space<vmem_shared>> -> memref<100352x16xf32, #tpu.memory_space<vmem_shared>>
    tpu.enqueue_indirect_dma source(%arg15 : memref<512x16xf32, #tpu.memory_space<vmem>>) target(%dma_start3A_259 : memref<100352x16xf32, #tpu.memory_space<vmem_shared>>) offsets(%arg10 : memref<512xi32, #tpu.memory_space<vmem>>) semaphore(%arg22 : memref<!tpu.dma_semaphore, #tpu.memory_space<semaphore_mem>>) {add = true}
    %dma_wait3A_260 = arith.constant 0 : i32
    %dma_wait3A_261 = arith.constant 0 : i32
    %dma_wait3A_262 = tpu.memref_slice %arg3[%dma_wait3A_260, %dma_wait3A_261] : memref<100352x16xf32, #tpu.memory_space<hbm>> -> memref<100352x16xf32, #tpu.memory_space<hbm>>
    tpu.wait_indirect_dma semaphore(%arg20 : memref<!tpu.dma_semaphore, #tpu.memory_space<semaphore_mem>>) src(%dma_wait3A_262 : memref<100352x16xf32, #tpu.memory_space<hbm>>) dst(%arg16 : memref<512x16xf32, #tpu.memory_space<vmem>>)
    %dma_start3A_263 = arith.constant 0 : i32
    %dma_start3A_264 = arith.constant 0 : i32
    %dma_start3A_265 = tpu.memref_slice %arg18[%dma_start3A_263, %dma_start3A_264] : memref<100352x16xf32, #tpu.memory_space<vmem_shared>> -> memref<100352x16xf32, #tpu.memory_space<vmem_shared>>
    tpu.enqueue_indirect_dma source(%arg16 : memref<512x16xf32, #tpu.memory_space<vmem>>) target(%dma_start3A_265 : memref<100352x16xf32, #tpu.memory_space<vmem_shared>>) offsets(%arg12 : memref<512xi32, #tpu.memory_space<vmem>>) semaphore(%arg23 : memref<!tpu.dma_semaphore, #tpu.memory_space<semaphore_mem>>) {add = true}
    %dma_wait3A_266 = arith.constant 0 : i32
    %dma_wait3A_267 = arith.constant 0 : i32
    %dma_wait3A_268 = tpu.memref_slice %arg18[%dma_wait3A_266, %dma_wait3A_267] : memref<100352x16xf32, #tpu.memory_space<vmem_shared>> -> memref<100352x16xf32, #tpu.memory_space<vmem_shared>>
    tpu.wait_indirect_dma semaphore(%arg24 : memref<!tpu.dma_semaphore, #tpu.memory_space<semaphore_mem>>) src(%arg17 : memref<512x16xf32, #tpu.memory_space<vmem>>) dst(%dma_wait3A_268 : memref<100352x16xf32, #tpu.memory_space<vmem_shared>>)
    %dma_wait3A_269 = arith.constant 0 : i32
    %dma_wait3A_270 = arith.constant 0 : i32
    %dma_wait3A_271 = tpu.memref_slice %arg18[%dma_wait3A_269, %dma_wait3A_270] : memref<100352x16xf32, #tpu.memory_space<vmem_shared>> -> memref<100352x16xf32, #tpu.memory_space<vmem_shared>>
    tpu.wait_indirect_dma semaphore(%arg22 : memref<!tpu.dma_semaphore, #tpu.memory_space<semaphore_mem>>) src(%arg15 : memref<512x16xf32, #tpu.memory_space<vmem>>) dst(%dma_wait3A_271 : memref<100352x16xf32, #tpu.memory_space<vmem_shared>>)
    %dma_wait3A_272 = arith.constant 0 : i32
    %dma_wait3A_273 = arith.constant 0 : i32
    %dma_wait3A_274 = tpu.memref_slice %arg18[%dma_wait3A_272, %dma_wait3A_273] : memref<100352x16xf32, #tpu.memory_space<vmem_shared>> -> memref<100352x16xf32, #tpu.memory_space<vmem_shared>>
    tpu.wait_indirect_dma semaphore(%arg23 : memref<!tpu.dma_semaphore, #tpu.memory_space<semaphore_mem>>) src(%arg16 : memref<512x16xf32, #tpu.memory_space<vmem>>) dst(%dma_wait3A_274 : memref<100352x16xf32, #tpu.memory_space<vmem_shared>>)
    %barrier3A_275 = arith.constant 0 : index
    tpu.barrier barrier_id(%barrier3A_275)
    "tpu.region"() ({
      %run_scoped3A = tpu.sem_alloc : memref<!tpu.dma_semaphore, #tpu.memory_space<semaphore_mem>>
      %dma_start3A_276 = arith.constant 0 : i32
      %dma_start3A_277 = tpu.memref_slice %arg8[%arg0, %mul3A_2, %dma_start3A_276] : memref<2x100352x16xf32, #tpu.memory_space<hbm>> -> memref<1x6272x16xf32, #tpu.memory_space<hbm>>
      %dma_start3A_278 = tpu.memref_squeeze %dma_start3A_277 : memref<1x6272x16xf32, #tpu.memory_space<hbm>> -> memref<6272x16xf32, #tpu.memory_space<hbm>>
      %dma_start3A_279 = arith.constant 0 : i32
      %dma_start3A_280 = tpu.memref_slice %arg18[%mul3A_2, %dma_start3A_279] : memref<100352x16xf32, #tpu.memory_space<vmem_shared>> -> memref<6272x16xf32, #tpu.memory_space<vmem_shared>>
      tpu.enqueue_dma source(%dma_start3A_280 : memref<6272x16xf32, #tpu.memory_space<vmem_shared>>) target(%dma_start3A_278 : memref<6272x16xf32, #tpu.memory_space<hbm>>) target_semaphore(%run_scoped3A : memref<!tpu.dma_semaphore, #tpu.memory_space<semaphore_mem>>)
      %dma_wait3A_281 = arith.constant 0 : i32
      %dma_wait3A_282 = tpu.memref_slice %arg8[%arg0, %mul3A_2, %dma_wait3A_281] : memref<2x100352x16xf32, #tpu.memory_space<hbm>> -> memref<1x6272x16xf32, #tpu.memory_space<hbm>>
      %dma_wait3A_283 = tpu.memref_squeeze %dma_wait3A_282 : memref<1x6272x16xf32, #tpu.memory_space<hbm>> -> memref<6272x16xf32, #tpu.memory_space<hbm>>
      %dma_wait3A_284 = arith.constant 0 : i32
      %dma_wait3A_285 = tpu.memref_slice %arg18[%mul3A_2, %dma_wait3A_284] : memref<100352x16xf32, #tpu.memory_space<vmem_shared>> -> memref<6272x16xf32, #tpu.memory_space<vmem_shared>>
      tpu.wait_dma2 semaphore(%run_scoped3A : memref<!tpu.dma_semaphore, #tpu.memory_space<semaphore_mem>>) src(%dma_wait3A_285 : memref<6272x16xf32, #tpu.memory_space<vmem_shared>>) dst(%dma_wait3A_283 : memref<6272x16xf32, #tpu.memory_space<hbm>>)
      tpu.yield
    }) : () -> ()
    return
  }
}

module attributes {stable_mosaic.version = 14 : i64} {
  func.func @_init_body(%arg0: i32, %arg1: memref<2048x1xi32, #tpu.memory_space<vmem>>, %arg2: memref<128x32xf32, #tpu.memory_space<vmem>>, %arg3: memref<2048x2xf32, #tpu.memory_space<vmem>>, %arg4: memref<2048x16xf32, #tpu.memory_space<vmem>>, %arg5: memref<2048x16xf32, #tpu.memory_space<vmem>>, %arg6: memref<2048x1xf32, #tpu.memory_space<vmem>>) attributes {dimension_semantics = [#tpu.dimension_semantics<arbitrary>], iteration_bounds = array<i64: 49>, scalar_prefetch = 0 : i64, scratch_operands = 0 : i64, tpu.core_type = #tpu.core_type<tc>, window_params = [{transform_indices = @transform_0, window_bounds = array<i64: 2048, 1>}, {pipeline_mode = #tpu.pipeline_mode<synchronous>, transform_indices = @transform_1, window_bounds = array<i64: 128, 32>}, {transform_indices = @transform_2, window_bounds = array<i64: 2048, 2>}, {transform_indices = @transform_3, window_bounds = array<i64: 2048, 16>}, {transform_indices = @transform_4, window_bounds = array<i64: 2048, 16>}, {transform_indices = @transform_5, window_bounds = array<i64: 2048, 1>}]} {
    %get3A = arith.constant 0 : index
    %get3A_0 = arith.constant 0 : index
    %get3A_1 = vector.load %arg1[%get3A, %get3A_0] : memref<2048x1xi32, #tpu.memory_space<vmem>>, vector<2048x1xi32>
    %iota3A = tpu.iota {dimensions = array<i32: 1>} : vector<2048x128xi32>
    %eq3A = vector.broadcast %get3A_1 : vector<2048x1xi32> to vector<2048x128xi32>
    %eq3A_2 = arith.cmpi eq, %eq3A, %iota3A : vector<2048x128xi32>
    %convert_element_type3A = arith.extui %eq3A_2 : vector<2048x128xi1> to vector<2048x128xi32>
    %convert_element_type3A_3 = arith.sitofp %convert_element_type3A : vector<2048x128xi32> to vector<2048x128xf32>
    %get3A_4 = arith.constant 0 : index
    %get3A_5 = arith.constant 0 : index
    %get3A_6 = vector.load %arg2[%get3A_4, %get3A_5] : memref<128x32xf32, #tpu.memory_space<vmem>>, vector<128x32xf32>
    %dot_general3A = arith.constant dense<0.000000e+00> : vector<2048x32xf32>
    %dot_general3A_7 = tpu.matmul %convert_element_type3A_3, %get3A_6, %dot_general3A {dimension_numbers = #tpu.dot_dimension_numbers<[1], [0], [0], [1], [0, 0, 1, 1], [], []>, transpose_lhs_hint = false} : vector<2048x128xf32>, vector<128x32xf32>, vector<2048x32xf32> -> vector<2048x32xf32>
    %get3A_8 = arith.constant 0 : index
    %get3A_9 = arith.constant 0 : index
    %get3A_10 = vector.load %arg3[%get3A_8, %get3A_9] : memref<2048x2xf32, #tpu.memory_space<vmem>>, vector<2048x1xf32>
    %get3A_11 = arith.constant 0 : index
    %get3A_12 = arith.constant 1 : index
    %get3A_13 = vector.load %arg3[%get3A_11, %get3A_12] : memref<2048x2xf32, #tpu.memory_space<vmem>>, vector<2048x1xf32>
    %add3A = arith.addf %get3A_10, %get3A_13 : vector<2048x1xf32>
    %add3A_14 = arith.constant 1.000000e+00 : f32
    %add3A_15 = vector.broadcast %add3A_14 : f32 to vector<2048x1xf32>
    %add3A_16 = arith.addf %add3A, %add3A_15 : vector<2048x1xf32>
    %mul3A = arith.constant 2048 : i32
    %mul3A_17 = arith.muli %arg0, %mul3A : i32
    %iota3A_18 = tpu.iota {dimensions = array<i32: 0>} : vector<2048x1xi32>
    %add3A_19 = vector.broadcast %mul3A_17 : i32 to vector<2048x1xi32>
    %add3A_20 = arith.addi %add3A_19, %iota3A_18 : vector<2048x1xi32>
    %lt3A = arith.constant 100000 : i32
    %lt3A_21 = vector.broadcast %lt3A : i32 to vector<2048x1xi32>
    %lt3A_22 = arith.cmpi slt, %add3A_20, %lt3A_21 : vector<2048x1xi32>
    %div3A = arith.constant 1.000000e+00 : f32
    %div3A_23 = vector.broadcast %div3A : f32 to vector<2048x1xf32>
    %div3A_24 = arith.divf %div3A_23, %add3A_16 : vector<2048x1xf32>
    %jit3A = arith.constant 0.000000e+00 : f32
    %broadcast_in_dim3A = vector.broadcast %jit3A : f32 to vector<2048x1xf32>
    %select_n3A = arith.select %lt3A_22, %div3A_24, %broadcast_in_dim3A : vector<2048x1xi1>, vector<2048x1xf32>
    %mul3A_25 = vector.broadcast %select_n3A : vector<2048x1xf32> to vector<2048x32xf32>
    %mul3A_26 = arith.mulf %dot_general3A_7, %mul3A_25 : vector<2048x32xf32>
    %slice3A = vector.extract_strided_slice %mul3A_26 {offsets = [0, 0], sizes = [2048, 16], strides = [1, 1]} : vector<2048x32xf32> to vector<2048x16xf32>
    %swap3A = arith.constant 0 : index
    %swap3A_27 = arith.constant 0 : index
    %swap3A_28 = vector.load %arg4[%swap3A, %swap3A_27] : memref<2048x16xf32, #tpu.memory_space<vmem>>, vector<2048x16xf32>
    tpu.vector_store %arg4[%swap3A, %swap3A_27], %slice3A {strides = array<i32>} : memref<2048x16xf32, #tpu.memory_space<vmem>>, vector<2048x16xf32>,
    %slice3A_29 = vector.extract_strided_slice %mul3A_26 {offsets = [0, 16], sizes = [2048, 16], strides = [1, 1]} : vector<2048x32xf32> to vector<2048x16xf32>
    %swap3A_30 = arith.constant 0 : index
    %swap3A_31 = arith.constant 0 : index
    %swap3A_32 = vector.load %arg5[%swap3A_30, %swap3A_31] : memref<2048x16xf32, #tpu.memory_space<vmem>>, vector<2048x16xf32>
    tpu.vector_store %arg5[%swap3A_30, %swap3A_31], %slice3A_29 {strides = array<i32>} : memref<2048x16xf32, #tpu.memory_space<vmem>>, vector<2048x16xf32>,
    %swap3A_33 = arith.constant 0 : index
    %swap3A_34 = arith.constant 0 : index
    %swap3A_35 = vector.load %arg6[%swap3A_33, %swap3A_34] : memref<2048x1xf32, #tpu.memory_space<vmem>>, vector<2048x1xf32>
    tpu.vector_store %arg6[%swap3A_33, %swap3A_34], %select_n3A {strides = array<i32>} : memref<2048x1xf32, #tpu.memory_space<vmem>>, vector<2048x1xf32>,
    return
  }
  func.func @transform_0(%arg0: i32) -> (i32, i32) {
    %c0_i32 = arith.constant 0 : i32
    %c0_i32_0 = arith.constant 0 : i32
    return %arg0, %c0_i32 : i32, i32
  }
  func.func @transform_1(%arg0: i32) -> (i32, i32) {
    %c0_i32 = arith.constant 0 : i32
    %c0_i32_0 = arith.constant 0 : i32
    %c0_i32_1 = arith.constant 0 : i32
    return %c0_i32, %c0_i32_0 : i32, i32
  }
  func.func @transform_2(%arg0: i32) -> (i32, i32) {
    %c0_i32 = arith.constant 0 : i32
    %c0_i32_0 = arith.constant 0 : i32
    return %arg0, %c0_i32 : i32, i32
  }
  func.func @transform_3(%arg0: i32) -> (i32, i32) {
    %c0_i32 = arith.constant 0 : i32
    %c0_i32_0 = arith.constant 0 : i32
    return %arg0, %c0_i32 : i32, i32
  }
  func.func @transform_4(%arg0: i32) -> (i32, i32) {
    %c0_i32 = arith.constant 0 : i32
    %c0_i32_0 = arith.constant 0 : i32
    return %arg0, %c0_i32 : i32, i32
  }
  func.func @transform_5(%arg0: i32) -> (i32, i32) {
    %c0_i32 = arith.constant 0 : i32
    %c0_i32_0 = arith.constant 0 : i32
    return %arg0, %c0_i32 : i32, i32
  }
}

module attributes {stable_mosaic.version = 14 : i64} {
  func.func @_mid_body(%arg0: i32, %arg1: memref<2x256x128xf32, #tpu.memory_space<vmem>>, %arg2: memref<2x256x128xf32, #tpu.memory_space<vmem>>, %arg3: memref<256x128xf32, #tpu.memory_space<vmem>>, %arg4: memref<128x256xf32, #tpu.memory_space<vmem>>, %arg5: memref<128x256xf32, #tpu.memory_space<vmem>>, %arg6: memref<1x256xf32, #tpu.memory_space<vmem>>, %arg7: memref<256x128xf32, #tpu.memory_space<vmem>>, %arg8: memref<256x128xf32, #tpu.memory_space<vmem>>, %arg9: memref<256x128xf32, #tpu.memory_space<vmem>>, %arg10: memref<256x128xf32, #tpu.memory_space<vmem>>) attributes {dimension_semantics = [#tpu.dimension_semantics<arbitrary>], iteration_bounds = array<i64: 49>, scalar_prefetch = 0 : i64, scratch_operands = 0 : i64, tpu.core_type = #tpu.core_type<tc>, window_params = [{transform_indices = @transform_0, window_bounds = array<i64: 2, 256, 128>}, {transform_indices = @transform_1, window_bounds = array<i64: 2, 256, 128>}, {transform_indices = @transform_2, window_bounds = array<i64: 256, 128>}, {pipeline_mode = #tpu.pipeline_mode<synchronous>, transform_indices = @transform_3, window_bounds = array<i64: 128, 256>}, {pipeline_mode = #tpu.pipeline_mode<synchronous>, transform_indices = @transform_4, window_bounds = array<i64: 128, 256>}, {pipeline_mode = #tpu.pipeline_mode<synchronous>, transform_indices = @transform_5, window_bounds = array<i64: 1, 256>}, {pipeline_mode = #tpu.pipeline_mode<synchronous>, transform_indices = @transform_6, window_bounds = array<i64: 256, 128>}, {pipeline_mode = #tpu.pipeline_mode<synchronous>, transform_indices = @transform_7, window_bounds = array<i64: 256, 128>}, {transform_indices = @transform_8, window_bounds = array<i64: 256, 128>}, {transform_indices = @transform_9, window_bounds = array<i64: 256, 128>}]} {
    %get3A = arith.constant 0 : index
    %get3A_0 = arith.constant 0 : index
    %get3A_1 = arith.constant 0 : index
    %get3A_2 = vector.load %arg1[%get3A, %get3A_0, %get3A_1] : memref<2x256x128xf32, #tpu.memory_space<vmem>>, vector<1x256x128xf32>
    %get3A_3 = vector.shape_cast %get3A_2 : vector<1x256x128xf32> to vector<256x128xf32>
    %get3A_4 = arith.constant 1 : index
    %get3A_5 = arith.constant 0 : index
    %get3A_6 = arith.constant 0 : index
    %get3A_7 = vector.load %arg1[%get3A_4, %get3A_5, %get3A_6] : memref<2x256x128xf32, #tpu.memory_space<vmem>>, vector<1x256x128xf32>
    %get3A_8 = vector.shape_cast %get3A_7 : vector<1x256x128xf32> to vector<256x128xf32>
    %add3A = arith.addf %get3A_3, %get3A_8 : vector<256x128xf32>
    %get3A_9 = arith.constant 0 : index
    %get3A_10 = arith.constant 0 : index
    %get3A_11 = vector.load %arg4[%get3A_9, %get3A_10] : memref<128x256xf32, #tpu.memory_space<vmem>>, vector<128x256xf32>
    %dot_general3A = arith.constant dense<0.000000e+00> : vector<256x256xf32>
    %dot_general3A_12 = tpu.matmul %add3A, %get3A_11, %dot_general3A {dimension_numbers = #tpu.dot_dimension_numbers<[1], [0], [0], [1], [0, 0, 1, 1], [], []>, transpose_lhs_hint = false} : vector<256x128xf32>, vector<128x256xf32>, vector<256x256xf32> -> vector<256x256xf32>
    %get3A_13 = arith.constant 0 : index
    %get3A_14 = arith.constant 0 : index
    %get3A_15 = arith.constant 0 : index
    %get3A_16 = vector.load %arg2[%get3A_13, %get3A_14, %get3A_15] : memref<2x256x128xf32, #tpu.memory_space<vmem>>, vector<1x256x128xf32>
    %get3A_17 = vector.shape_cast %get3A_16 : vector<1x256x128xf32> to vector<256x128xf32>
    %get3A_18 = arith.constant 1 : index
    %get3A_19 = arith.constant 0 : index
    %get3A_20 = arith.constant 0 : index
    %get3A_21 = vector.load %arg2[%get3A_18, %get3A_19, %get3A_20] : memref<2x256x128xf32, #tpu.memory_space<vmem>>, vector<1x256x128xf32>
    %get3A_22 = vector.shape_cast %get3A_21 : vector<1x256x128xf32> to vector<256x128xf32>
    %add3A_23 = arith.addf %get3A_17, %get3A_22 : vector<256x128xf32>
    %get3A_24 = arith.constant 0 : index
    %get3A_25 = arith.constant 0 : index
    %get3A_26 = vector.load %arg5[%get3A_24, %get3A_25] : memref<128x256xf32, #tpu.memory_space<vmem>>, vector<128x256xf32>
    %dot_general3A_27 = arith.constant dense<0.000000e+00> : vector<256x256xf32>
    %dot_general3A_28 = tpu.matmul %add3A_23, %get3A_26, %dot_general3A_27 {dimension_numbers = #tpu.dot_dimension_numbers<[1], [0], [0], [1], [0, 0, 1, 1], [], []>, transpose_lhs_hint = false} : vector<256x128xf32>, vector<128x256xf32>, vector<256x256xf32> -> vector<256x256xf32>
    %add3A_29 = arith.addf %dot_general3A_12, %dot_general3A_28 : vector<256x256xf32>
    %get3A_30 = arith.constant 0 : index
    %get3A_31 = arith.constant 0 : index
    %get3A_32 = vector.load %arg6[%get3A_30, %get3A_31] : memref<1x256xf32, #tpu.memory_space<vmem>>, vector<1x256xf32>
    %add3A_33 = vector.broadcast %get3A_32 : vector<1x256xf32> to vector<256x256xf32>
    %add3A_34 = arith.addf %add3A_29, %add3A_33 : vector<256x256xf32>
    %max3A = arith.constant 0.000000e+00 : f32
    %max3A_35 = vector.broadcast %max3A : f32 to vector<256x256xf32>
    %max3A_36 = arith.maximumf %add3A_34, %max3A_35 : vector<256x256xf32>
    %get3A_37 = arith.constant 0 : index
    %get3A_38 = arith.constant 0 : index
    %get3A_39 = vector.load %arg3[%get3A_37, %get3A_38] : memref<256x128xf32, #tpu.memory_space<vmem>>, vector<256x128xf32>
    %get3A_40 = arith.constant 0 : index
    %get3A_41 = arith.constant 0 : index
    %get3A_42 = vector.load %arg7[%get3A_40, %get3A_41] : memref<256x128xf32, #tpu.memory_space<vmem>>, vector<256x128xf32>
    %dot_general3A_43 = arith.constant dense<0.000000e+00> : vector<256x128xf32>
    %dot_general3A_44 = tpu.matmul %max3A_36, %get3A_42, %dot_general3A_43 {dimension_numbers = #tpu.dot_dimension_numbers<[1], [0], [0], [1], [0, 0, 1, 1], [], []>, transpose_lhs_hint = false} : vector<256x256xf32>, vector<256x128xf32>, vector<256x128xf32> -> vector<256x128xf32>
    %mul3A = arith.mulf %dot_general3A_44, %get3A_39 : vector<256x128xf32>
    %swap3A = arith.constant 0 : index
    %swap3A_45 = arith.constant 0 : index
    %swap3A_46 = vector.load %arg9[%swap3A, %swap3A_45] : memref<256x128xf32, #tpu.memory_space<vmem>>, vector<256x128xf32>
    tpu.vector_store %arg9[%swap3A, %swap3A_45], %mul3A {strides = array<i32>} : memref<256x128xf32, #tpu.memory_space<vmem>>, vector<256x128xf32>,
    %get3A_47 = arith.constant 0 : index
    %get3A_48 = arith.constant 0 : index
    %get3A_49 = vector.load %arg8[%get3A_47, %get3A_48] : memref<256x128xf32, #tpu.memory_space<vmem>>, vector<256x128xf32>
    %dot_general3A_50 = arith.constant dense<0.000000e+00> : vector<256x128xf32>
    %dot_general3A_51 = tpu.matmul %max3A_36, %get3A_49, %dot_general3A_50 {dimension_numbers = #tpu.dot_dimension_numbers<[1], [0], [0], [1], [0, 0, 1, 1], [], []>, transpose_lhs_hint = false} : vector<256x256xf32>, vector<256x128xf32>, vector<256x128xf32> -> vector<256x128xf32>
    %mul3A_52 = arith.mulf %dot_general3A_51, %get3A_39 : vector<256x128xf32>
    %swap3A_53 = arith.constant 0 : index
    %swap3A_54 = arith.constant 0 : index
    %swap3A_55 = vector.load %arg10[%swap3A_53, %swap3A_54] : memref<256x128xf32, #tpu.memory_space<vmem>>, vector<256x128xf32>
    tpu.vector_store %arg10[%swap3A_53, %swap3A_54], %mul3A_52 {strides = array<i32>} : memref<256x128xf32, #tpu.memory_space<vmem>>, vector<256x128xf32>,
    return
  }
  func.func @transform_0(%arg0: i32) -> (i32, i32, i32) {
    %c0_i32 = arith.constant 0 : i32
    %c0_i32_0 = arith.constant 0 : i32
    %c0_i32_1 = arith.constant 0 : i32
    return %c0_i32, %arg0, %c0_i32_0 : i32, i32, i32
  }
  func.func @transform_1(%arg0: i32) -> (i32, i32, i32) {
    %c0_i32 = arith.constant 0 : i32
    %c0_i32_0 = arith.constant 0 : i32
    %c0_i32_1 = arith.constant 0 : i32
    return %c0_i32, %arg0, %c0_i32_0 : i32, i32, i32
  }
  func.func @transform_2(%arg0: i32) -> (i32, i32) {
    %c0_i32 = arith.constant 0 : i32
    %c0_i32_0 = arith.constant 0 : i32
    return %arg0, %c0_i32 : i32, i32
  }
  func.func @transform_3(%arg0: i32) -> (i32, i32) {
    %c0_i32 = arith.constant 0 : i32
    %c0_i32_0 = arith.constant 0 : i32
    %c0_i32_1 = arith.constant 0 : i32
    return %c0_i32, %c0_i32_0 : i32, i32
  }
  func.func @transform_4(%arg0: i32) -> (i32, i32) {
    %c0_i32 = arith.constant 0 : i32
    %c0_i32_0 = arith.constant 0 : i32
    %c0_i32_1 = arith.constant 0 : i32
    return %c0_i32, %c0_i32_0 : i32, i32
  }
  func.func @transform_5(%arg0: i32) -> (i32, i32) {
    %c0_i32 = arith.constant 0 : i32
    %c0_i32_0 = arith.constant 0 : i32
    %c0_i32_1 = arith.constant 0 : i32
    return %c0_i32, %c0_i32_0 : i32, i32
  }
  func.func @transform_6(%arg0: i32) -> (i32, i32) {
    %c0_i32 = arith.constant 0 : i32
    %c0_i32_0 = arith.constant 0 : i32
    %c0_i32_1 = arith.constant 0 : i32
    return %c0_i32, %c0_i32_0 : i32, i32
  }
  func.func @transform_7(%arg0: i32) -> (i32, i32) {
    %c0_i32 = arith.constant 0 : i32
    %c0_i32_0 = arith.constant 0 : i32
    %c0_i32_1 = arith.constant 0 : i32
    return %c0_i32, %c0_i32_0 : i32, i32
  }
  func.func @transform_8(%arg0: i32) -> (i32, i32) {
    %c0_i32 = arith.constant 0 : i32
    %c0_i32_0 = arith.constant 0 : i32
    return %arg0, %c0_i32 : i32, i32
  }
  func.func @transform_9(%arg0: i32) -> (i32, i32) {
    %c0_i32 = arith.constant 0 : i32
    %c0_i32_0 = arith.constant 0 : i32
    return %arg0, %c0_i32 : i32, i32
  }
}

module attributes {stable_mosaic.version = 14 : i64} {
  func.func @_fin_body(%arg0: i32, %arg1: memref<2x256x128xf32, #tpu.memory_space<vmem>>, %arg2: memref<2x256x128xf32, #tpu.memory_space<vmem>>, %arg3: memref<128x256xf32, #tpu.memory_space<vmem>>, %arg4: memref<128x256xf32, #tpu.memory_space<vmem>>, %arg5: memref<1x256xf32, #tpu.memory_space<vmem>>, %arg6: memref<256x64xf32, #tpu.memory_space<vmem>>, %arg7: memref<1x64xf32, #tpu.memory_space<vmem>>, %arg8: memref<256x64xf32, #tpu.memory_space<vmem>>) attributes {dimension_semantics = [#tpu.dimension_semantics<arbitrary>], iteration_bounds = array<i64: 49>, scalar_prefetch = 0 : i64, scratch_operands = 0 : i64, tpu.core_type = #tpu.core_type<tc>, window_params = [{transform_indices = @transform_0, window_bounds = array<i64: 2, 256, 128>}, {transform_indices = @transform_1, window_bounds = array<i64: 2, 256, 128>}, {pipeline_mode = #tpu.pipeline_mode<synchronous>, transform_indices = @transform_2, window_bounds = array<i64: 128, 256>}, {pipeline_mode = #tpu.pipeline_mode<synchronous>, transform_indices = @transform_3, window_bounds = array<i64: 128, 256>}, {pipeline_mode = #tpu.pipeline_mode<synchronous>, transform_indices = @transform_4, window_bounds = array<i64: 1, 256>}, {pipeline_mode = #tpu.pipeline_mode<synchronous>, transform_indices = @transform_5, window_bounds = array<i64: 256, 64>}, {pipeline_mode = #tpu.pipeline_mode<synchronous>, transform_indices = @transform_6, window_bounds = array<i64: 1, 64>}, {transform_indices = @transform_7, window_bounds = array<i64: 256, 64>}]} {
    %get3A = arith.constant 0 : index
    %get3A_0 = arith.constant 0 : index
    %get3A_1 = arith.constant 0 : index
    %get3A_2 = vector.load %arg1[%get3A, %get3A_0, %get3A_1] : memref<2x256x128xf32, #tpu.memory_space<vmem>>, vector<1x256x128xf32>
    %get3A_3 = vector.shape_cast %get3A_2 : vector<1x256x128xf32> to vector<256x128xf32>
    %get3A_4 = arith.constant 1 : index
    %get3A_5 = arith.constant 0 : index
    %get3A_6 = arith.constant 0 : index
    %get3A_7 = vector.load %arg1[%get3A_4, %get3A_5, %get3A_6] : memref<2x256x128xf32, #tpu.memory_space<vmem>>, vector<1x256x128xf32>
    %get3A_8 = vector.shape_cast %get3A_7 : vector<1x256x128xf32> to vector<256x128xf32>
    %add3A = arith.addf %get3A_3, %get3A_8 : vector<256x128xf32>
    %get3A_9 = arith.constant 0 : index
    %get3A_10 = arith.constant 0 : index
    %get3A_11 = vector.load %arg3[%get3A_9, %get3A_10] : memref<128x256xf32, #tpu.memory_space<vmem>>, vector<128x256xf32>
    %dot_general3A = arith.constant dense<0.000000e+00> : vector<256x256xf32>
    %dot_general3A_12 = tpu.matmul %add3A, %get3A_11, %dot_general3A {dimension_numbers = #tpu.dot_dimension_numbers<[1], [0], [0], [1], [0, 0, 1, 1], [], []>, transpose_lhs_hint = false} : vector<256x128xf32>, vector<128x256xf32>, vector<256x256xf32> -> vector<256x256xf32>
    %get3A_13 = arith.constant 0 : index
    %get3A_14 = arith.constant 0 : index
    %get3A_15 = arith.constant 0 : index
    %get3A_16 = vector.load %arg2[%get3A_13, %get3A_14, %get3A_15] : memref<2x256x128xf32, #tpu.memory_space<vmem>>, vector<1x256x128xf32>
    %get3A_17 = vector.shape_cast %get3A_16 : vector<1x256x128xf32> to vector<256x128xf32>
    %get3A_18 = arith.constant 1 : index
    %get3A_19 = arith.constant 0 : index
    %get3A_20 = arith.constant 0 : index
    %get3A_21 = vector.load %arg2[%get3A_18, %get3A_19, %get3A_20] : memref<2x256x128xf32, #tpu.memory_space<vmem>>, vector<1x256x128xf32>
    %get3A_22 = vector.shape_cast %get3A_21 : vector<1x256x128xf32> to vector<256x128xf32>
    %add3A_23 = arith.addf %get3A_17, %get3A_22 : vector<256x128xf32>
    %get3A_24 = arith.constant 0 : index
    %get3A_25 = arith.constant 0 : index
    %get3A_26 = vector.load %arg4[%get3A_24, %get3A_25] : memref<128x256xf32, #tpu.memory_space<vmem>>, vector<128x256xf32>
    %dot_general3A_27 = arith.constant dense<0.000000e+00> : vector<256x256xf32>
    %dot_general3A_28 = tpu.matmul %add3A_23, %get3A_26, %dot_general3A_27 {dimension_numbers = #tpu.dot_dimension_numbers<[1], [0], [0], [1], [0, 0, 1, 1], [], []>, transpose_lhs_hint = false} : vector<256x128xf32>, vector<128x256xf32>, vector<256x256xf32> -> vector<256x256xf32>
    %add3A_29 = arith.addf %dot_general3A_12, %dot_general3A_28 : vector<256x256xf32>
    %get3A_30 = arith.constant 0 : index
    %get3A_31 = arith.constant 0 : index
    %get3A_32 = vector.load %arg5[%get3A_30, %get3A_31] : memref<1x256xf32, #tpu.memory_space<vmem>>, vector<1x256xf32>
    %add3A_33 = vector.broadcast %get3A_32 : vector<1x256xf32> to vector<256x256xf32>
    %add3A_34 = arith.addf %add3A_29, %add3A_33 : vector<256x256xf32>
    %max3A = arith.constant 0.000000e+00 : f32
    %max3A_35 = vector.broadcast %max3A : f32 to vector<256x256xf32>
    %max3A_36 = arith.maximumf %add3A_34, %max3A_35 : vector<256x256xf32>
    %get3A_37 = arith.constant 0 : index
    %get3A_38 = arith.constant 0 : index
    %get3A_39 = vector.load %arg6[%get3A_37, %get3A_38] : memref<256x64xf32, #tpu.memory_space<vmem>>, vector<256x64xf32>
    %dot_general3A_40 = arith.constant dense<0.000000e+00> : vector<256x64xf32>
    %dot_general3A_41 = tpu.matmul %max3A_36, %get3A_39, %dot_general3A_40 {dimension_numbers = #tpu.dot_dimension_numbers<[1], [0], [0], [1], [0, 0, 1, 1], [], []>, transpose_lhs_hint = false} : vector<256x256xf32>, vector<256x64xf32>, vector<256x64xf32> -> vector<256x64xf32>
    %get3A_42 = arith.constant 0 : index
    %get3A_43 = arith.constant 0 : index
    %get3A_44 = vector.load %arg7[%get3A_42, %get3A_43] : memref<1x64xf32, #tpu.memory_space<vmem>>, vector<1x64xf32>
    %add3A_45 = vector.broadcast %get3A_44 : vector<1x64xf32> to vector<256x64xf32>
    %add3A_46 = arith.addf %dot_general3A_41, %add3A_45 : vector<256x64xf32>
    %swap3A = arith.constant 0 : index
    %swap3A_47 = arith.constant 0 : index
    %swap3A_48 = vector.load %arg8[%swap3A, %swap3A_47] : memref<256x64xf32, #tpu.memory_space<vmem>>, vector<256x64xf32>
    tpu.vector_store %arg8[%swap3A, %swap3A_47], %add3A_46 {strides = array<i32>} : memref<256x64xf32, #tpu.memory_space<vmem>>, vector<256x64xf32>,
    return
  }
  func.func @transform_0(%arg0: i32) -> (i32, i32, i32) {
    %c0_i32 = arith.constant 0 : i32
    %c0_i32_0 = arith.constant 0 : i32
    %c0_i32_1 = arith.constant 0 : i32
    return %c0_i32, %arg0, %c0_i32_0 : i32, i32, i32
  }
  func.func @transform_1(%arg0: i32) -> (i32, i32, i32) {
    %c0_i32 = arith.constant 0 : i32
    %c0_i32_0 = arith.constant 0 : i32
    %c0_i32_1 = arith.constant 0 : i32
    return %c0_i32, %arg0, %c0_i32_0 : i32, i32, i32
  }
  func.func @transform_2(%arg0: i32) -> (i32, i32) {
    %c0_i32 = arith.constant 0 : i32
    %c0_i32_0 = arith.constant 0 : i32
    %c0_i32_1 = arith.constant 0 : i32
    return %c0_i32, %c0_i32_0 : i32, i32
  }
  func.func @transform_3(%arg0: i32) -> (i32, i32) {
    %c0_i32 = arith.constant 0 : i32
    %c0_i32_0 = arith.constant 0 : i32
    %c0_i32_1 = arith.constant 0 : i32
    return %c0_i32, %c0_i32_0 : i32, i32
  }
  func.func @transform_4(%arg0: i32) -> (i32, i32) {
    %c0_i32 = arith.constant 0 : i32
    %c0_i32_0 = arith.constant 0 : i32
    %c0_i32_1 = arith.constant 0 : i32
    return %c0_i32, %c0_i32_0 : i32, i32
  }
  func.func @transform_5(%arg0: i32) -> (i32, i32) {
    %c0_i32 = arith.constant 0 : i32
    %c0_i32_0 = arith.constant 0 : i32
    %c0_i32_1 = arith.constant 0 : i32
    return %c0_i32, %c0_i32_0 : i32, i32
  }
  func.func @transform_6(%arg0: i32) -> (i32, i32) {
    %c0_i32 = arith.constant 0 : i32
    %c0_i32_0 = arith.constant 0 : i32
    %c0_i32_1 = arith.constant 0 : i32
    return %c0_i32, %c0_i32_0 : i32, i32
  }
  func.func @transform_7(%arg0: i32) -> (i32, i32) {
    %c0_i32 = arith.constant 0 : i32
    %c0_i32_0 = arith.constant 0 : i32
    return %arg0, %c0_i32 : i32, i32
  }
}

</mosaic_0001>

<sc_bundles>
// kernel: kernel.10.cloned.1.call-start
scs
__scs_entry_jumppad:
0x0: {  	(pc) =	sbr.rel $0x88, $3  }
0x1: {  	(tag) =	ssettag $0x0;
	lr =	simm.s32 $0x1  }
0x2: {  	[smem:$0x3F96] =	sst lr;
	_ =	strace $0xD0000000  }
0x3: {  	_ = 	snop  }
0x4: {  	_ = 	snop  }
0x5: {  	_ = 	snop  }
0x6: {  	_ = 	snop  }
0x7: {  	_ = 	snop  }
__scs_overlays_trampoline_lowered:
0x8: {  	[smem:$0x3FA5] =	sst s0  }
0x9: {  	[smem:$0x3FA6] =	sst s1  }
0xa: {  	[smem:$0x3FA7] =	sst s2  }
0xb: {  	[smem:$0x3FA8] =	sst s3  }
0xc: {  	[smem:$0x3FA9] =	sst s4  }
0xd: {  	[smem:$0x3FAA] =	sst s5  }
0xe: {  	[smem:$0x3FAB] =	sst s6  }
0xf: {  	[smem:$0x3FAC] =	sst s7  }
0x10: {  	[smem:$0x3FAD] =	sst s8  }
0x11: {  	[smem:$0x3FAE] =	sst s9;
	s0 =	simm.s32 @!p0 $0x0  }
0x12: {  	s1 =	sld [smem:$0x3F94];
	s0 =	simm.s32 @p0 $0x1  }
0x13: {  	[smem:$0x3FAF] =	sst s0;
	s0 =	simm.s32 @!p1 $0x0  }
0x14: {  	s2 =	sld [smem:$0x3F93];
	s0 =	simm.s32 @p1 $0x1  }
0x15: {  	[smem:$0x3FB0] =	sst s0;
	s0 =	simm.s32 @!p2 $0x0  }
0x16: {  	s3 =	sld [smem:$0x3FDB];
	s0 =	simm.s32 @p2 $0x1  }
0x17: {  	s4 =	simm.s32 $0x1BF5;
	[smem:$0x3FB2] =	sst s0  }
0x18: {  	s0 =	sld [smem:$0x3F95];
	_ =	swait.ge [sflag:s4], $0x0  }
0x19: {  	s7 =	sld [smem:$0x3F96]  }
0x1a: {  	s8 =	sadd.s32 $0xFFFFE003, lr  }
0x1b: {  	s9 =	sadd.s32 $0xFFFFFEF7, lr;
	s5 =	simm.s32 $0xFFFFFFFF;
	p2 =	slt.u32 s8, $0xFFFFF086  }
0x1c: {  	p1 =	slt.u32 s9, $0xF7A;
	s5 =	simm.s32 @!p2 $0x0  }
0x1d: {  	s5 =	simm.s32 @p1 $0x1;
	p0 =	seq.s32 s7, s2  }
0x1e: {  	s7 =	smul.u32 @!p0 $0xF7A, s2;
	p2 =	seq.s32 @!p0 s5, $0x0  }
0x1f: {  	s9 =	smul.u32 $0xF7A, s1;
	s8 =	simm.s32 @!p0 $0x1BF5;
	p2 =	por !p2, p0  }
0x20: {  	[sflag:s8] =	ssyncset.s32 @!p0 $0xFFFFF086;
	s6 =	sadd.s32 @!p0 s3, s7;
	s7 =	simm.s32 @!p0 $0x108  }
0x21: {  	s3 =	sadd.s32 s3, s9;
	s6 =	sadd.s32 @!p0 $0x88, s6;
	s7 =	simm.s32 @p2 $0x1082  }
0x22: {  	[simem:s7], [sflag:s8] =	dma.local @!p0 [hbm:s6], $0xF7A  }
0x23: {  	s9 =	sor.u32 $0xD0000000, s2;
	s6 =	simm.s32 $0x108;
	_ =	swait.ge @!p0 [sflag:s8], $0x0  }
0x24: {  	s3 =	sadd.s32 $0x88, s3;
	s6 =	simm.s32 @!p1 $0x1082;
	[sflag:s4] =	ssyncset.s32 $0xFFFFF086  }
0x25: {  	[simem:s6], [sflag:s4] =	dma.local [hbm:s3], $0xF7A  }
0x26: {  	[smem:$0x3F96] =	sst s1;
	(tag) =	ssettag s2;
	_ =	strace s9  }
0x27: {  	s1 =	sld [smem:$0x3FA6]  }
0x28: {  	s2 =	sld [smem:$0x3FA7]  }
0x29: {  	s4 =	sld [smem:$0x3FA9]  }
0x2a: {  	p0 =	seq.s32 s5, $0x0;
	s5 =	sld [smem:$0x3FAA]  }
0x2b: {  	s6 =	sld [smem:$0x3FAB]  }
0x2c: {  	s7 =	sld [smem:$0x3FAC]  }
0x2d: {  	s3 =	simm.s32 $0x108;
	s8 =	sld [smem:$0x3FAD]  }
0x2e: {  	s3 =	simm.s32 @!p0 $0x1082;
	s9 =	sld [smem:$0x3FAE]  }
0x2f: {  	lr =	sadd.s32 s0, s3;
	s0 =	sld [smem:$0x3FA5]  }
0x30: {  	s3 =	sld [smem:$0x3FA8]  }
0x31: {  	[smem:$0x3FB1] =	sst s10  }
0x32: {  	s10 =	sld [smem:$0x3FAF];
	_ =	sdelay $0x3  }
0x33: {  	p0 =	seq.s32 s10, $0x1;
	s10 =	sld [smem:$0x3FB1];
	_ =	sdelay $0x3  }
0x34: {  	[smem:$0x3FB1] =	sst s10  }
0x35: {  	s10 =	sld [smem:$0x3FB0];
	_ =	sdelay $0x3  }
0x36: {  	p1 =	seq.s32 s10, $0x1;
	s10 =	sld [smem:$0x3FB1];
	_ =	sdelay $0x3  }
0x37: {  	[smem:$0x3FB1] =	sst s10  }
0x38: {  	s10 =	sld [smem:$0x3FB2]  }
0x39: {  	_ = 	snop;
	(pc) =	sbr.ind lr, $3  }
0x3a: {  	_ = 	snop  }
0x3b: {  	_ = 	snop  }
0x3c: {  	p2 =	seq.s32 s10, $0x1;
	s10 =	sld [smem:$0x3FB1]  }
0x3d: {  	_ =	shalt  }
0x3e: {  	_ =	shalt  }
0x3f: {  	_ =	shalt  }
0x40: {  	_ =	shalt  }
0x41: {  	_ =	shalt  }
0x42: {  	_ =	shalt  }
0x43: {  	_ =	shalt  }
0x44: {  	_ =	shalt  }
0x45: {  	_ =	shalt  }
0x46: {  	_ =	shalt  }
0x47: {  	_ =	shalt  }
0x48: {  	_ =	shalt  }
0x49: {  	_ =	shalt  }
0x4a: {  	_ =	shalt  }
0x4b: {  	_ =	shalt  }
0x4c: {  	_ =	shalt  }
0x4d: {  	_ =	shalt  }
0x4e: {  	_ =	shalt  }
0x4f: {  	_ =	shalt  }
0x50: {  	_ =	shalt  }
0x51: {  	_ =	shalt  }
0x52: {  	_ =	shalt  }
0x53: {  	_ =	shalt  }
0x54: {  	_ =	shalt  }
0x55: {  	_ =	shalt  }
0x56: {  	_ =	shalt  }
0x57: {  	_ =	shalt  }
0x58: {  	_ =	shalt  }
0x59: {  	_ =	shalt  }
0x5a: {  	_ =	shalt  }
0x5b: {  	_ =	shalt  }
0x5c: {  	_ =	shalt  }
0x5d: {  	_ =	shalt  }
0x5e: {  	_ =	shalt  }
0x5f: {  	_ =	shalt  }
0x60: {  	_ =	shalt  }
0x61: {  	_ =	shalt  }
0x62: {  	_ =	shalt  }
0x63: {  	_ =	shalt  }
0x64: {  	_ =	shalt  }
0x65: {  	_ =	shalt  }
0x66: {  	_ =	shalt  }
0x67: {  	_ =	shalt  }
0x68: {  	_ =	shalt  }
0x69: {  	_ =	shalt  }
0x6a: {  	_ =	shalt  }
0x6b: {  	_ =	shalt  }
0x6c: {  	_ =	shalt  }
0x6d: {  	_ =	shalt  }
0x6e: {  	_ =	shalt  }
0x6f: {  	_ =	shalt  }
0x70: {  	_ =	shalt  }
0x71: {  	_ =	shalt  }
0x72: {  	_ =	shalt  }
0x73: {  	_ =	shalt  }
0x74: {  	_ =	shalt  }
0x75: {  	_ =	shalt  }
0x76: {  	_ =	shalt  }
0x77: {  	_ =	shalt  }
0x78: {  	_ =	shalt  }
0x79: {  	_ =	shalt  }
0x7a: {  	_ =	shalt  }
0x7b: {  	_ =	shalt  }
0x7c: {  	_ =	shalt  }
0x7d: {  	_ =	shalt  }
0x7e: {  	_ =	shalt  }
0x7f: {  	_ =	shalt  }
0x80: {  	_ =	shalt  }
0x81: {  	_ =	shalt  }
0x82: {  	_ =	shalt  }
0x83: {  	_ =	shalt  }
0x84: {  	_ =	shalt  }
0x85: {  	_ =	shalt  }
0x86: {  	_ =	shalt  }
0x87: {  	_ =	shalt  }
.Lfunc_end0:
.L_simem_size_0:
called_computation_lowered:
.L_overlay_start_0:
0x88: {  	s2 =	sld [smem:$0x3FD9]  }
0x89: {  	s3 =	sld [smem:$0x3FFE];
	_ =	sdelay $0x1  }
0x8a: {  	s1 =	srdreg.scid  }
0x8b: {  	s0 =	sand.u32 $0x1, s1  }
0x8c: {  	s17 =	sshll.u32 s0, $0xA;
	s2 =	sadd.s32 s3, s2  }
0x8d: {  	s2 =	sadd.s32 s2, s17  }
0x8e: {  	[smem:$0x3FBD] =	sst s2  }
0x8f: {  	_ = 	snop  }
0x90: {  	s2 =	sld [smem:$0x3FD0];
	(tm) =	ssettm $0x1  }
0x91: {  	s18 =	sld [smem:$0x3FFB];
	_ =	sdelay $0x3  }
0x92: {  	_ =	strace s18  }
0x93: {  	s3 =	sld [smem:$0x3FFC];
	_ =	sdelay $0x3  }
0x94: {  	_ =	strace s3  }
0x95: {  	s3 =	sld [smem:$0x3FFD];
	_ =	sdelay $0x3  }
0x96: {  	_ =	strace s3  }
0x97: {  	_ =	strace $0x8FFFFFFF  }
0x98: {  	s19 =	sld [smem:$0x3FDB];
	_ =	sdelay $0x1  }
0x99: {  	s4 =	simm.s32 $_scs_section_size  }
0x9a: {  	s5 =	simm.s32 $_size__tile_overlayer_lowered;
	s6 =	simm.s32 $_tile_overlayer_lowered  }
0x9b: {  	s22 =	simm.s32 $0x1BFF;
	s21 =	sshll.u32 s6, $0x1;
	s3 =	sadd.s32 s4, s19  }
0x9c: {  	s7 =	simm.s32 $0x0;
	s20 =	sshll.u32 s5, $0x1;
	s5 =	sadd.s32 s21, s3  }
0x9d: {  	[timem:s7], [sflag:s22] =	dma.local [hbm:s5], s20  }
0x9e: {  	_ =	swait.ge [sflag:s22], s20  }
0x9f: {  	s4 =	ssub.s32 $0x0, s20;
	[sflag:s22] =	ssyncset.done $0x0  }
0xa0: {  	[sflag:s22] =	ssyncadd.s32 s4;
	_ =	sdelay $0x1  }
0xa1: {  	s23 =	simm.s32 $0x1B8B  }
0xa2: {  	_ =	swait.ge [sflag:s23], $0x1  }
0xa3: {  	[sflag:s23] =	ssyncset.done $0x0  }
0xa4: {  	s25 =	simm.s32 $0x1B8E;
	s24 =	sld [smem:$0x3FFE];
	[sflag:s23] =	ssyncadd.s32 $0xFFFFFFFF  }
0xa5: {  	s26 =	simm.s32 $execute0_lowered;
	[smem:$0x3FD2] =	sst s25  }
0xa6: {  	s5 =	sshll.u32 s26, $0x1;
	_ =	strace $0x80000046;
	[dreg:$0x1] =	wrdreg $0xFFFFFFFF  }
0xa7: {  	s28 =	simm.s32 $_size_execute0_lowered;
	s3 =	sadd.s32 s3, s5;
	[dreg:$0x0] =	wrdreg $0x0  }
0xa8: {  	s5 =	sshll.u32 s28, $0x1;
	[dreg:$0x2] =	wrdreg s3  }
0xa9: {  	[dreg:$0x3] =	wrdreg s5  }
0xaa: {  	[dreg:$0x4] =	wrdreg $0xC0  }
0xab: {  	_ =	task [dreg:s7], $0x5FFFF  }
0xac: {  	[dreg:$0x1] =	wrdreg $0xFFFFFFFF  }
0xad: {  	[dreg:$0x0] =	wrdreg $0x60  }
0xae: {  	[dreg:$0x2] =	wrdreg s24  }
0xaf: {  	[dreg:$0x3] =	wrdreg s2  }
0xb0: {  	[dreg:$0x4] =	wrdreg $0x4800  }
0xb1: {  	[dreg:$0x5] =	wrdreg $0x9  }
0xb2: {  	_ =	task.clear_ibuf [dreg:s7], $0x6FFFF;
	_ =	strace $0x90000046  }
0xb3: {  	s29 =	simm.s32 $0x9;
	_ =	strace $0x80000048  }
0xb4: {  	_ =	swait.ge [sflag:s29], $0x1  }
0xb5: {  	[sflag:s29] =	ssyncadd.s32 $0xFFFFFFFF  }
0xb6: {  	_ =	strace $0x90000048  }
0xb7: {  	_ =	sfence  }
0xb8: {  	s30 =	sld [smem:$0x0];
	_ =	sdelay $0x2  }
0xb9: {  	s31 =	sshll.u32 s1, $0xD;
	s1 =	sshrl.u32 s1, $0x2  }
0xba: {  	s3 =	sand.u32 $0x4000, s31;
	s1 =	sadd.s32 s1, s30  }
0xbb: {  	s0 =	sor.u32 s3, s0;
	s1 =	sshll.u32 s1, $0x11  }
0xbc: {  	s0 =	sor.u32 s1, s0  }
0xbd: {  	s0 =	sadd.s32 $0x8F2B, s0  }
0xbe: {  	[sflag:s0] =	ssyncadd.remote.s32 $0x1  }
0xbf: {  	_ =	sfence.sel $0xFFFF  }
0xc0: {  	[dreg:$0x0] =	wrdreg $0xFFFFFFFF;
	(pc) =	sbr.abs _section_cstart, $3  }
0xc1: {  	[dreg:$0x1] =	wrdreg $0xFFFFFFFF  }
0xc2: {  	_ =	task.clear_ibuf [dreg:s7], $0x2FFFF;
	_ =	strace $0x9FFFFFFF  }
0xc3: {  	(tm) =	ssettm $0x7FFFFFFF  }
tec
execute0_lowered:
.L_overlay_start_1:
0x0: {  	(tag) =	ssettag $0x1  }
0x1: {  	s4 =	rddreg [dreg:$0x0]  }
0x2: {  	s1 =	srdreg.scid;
	s6 =	rddreg [dreg:$0x1]  }
0x3: {  	s0 =	stileid.u32;
	s2 =	rddreg [dreg:$0x2];
	s3 =	simm.s32 $0x0  }
0x4: {  	s12 =	simm.s32 $0x400;
	s13 =	simm.s32 $0x100;
	s14 =	simm.s32 $0x180  }
0x5: {  	s15 =	simm.s32 $0x200;
	s16 =	simm.s32 $0x280;
	s17 =	simm.s32 $0x300  }
0x6: {  	s18 =	simm.s32 $0x380;
	s19 =	simm.s32 $0x0;
	s7 =	smul.u32 $0x18800, s0  }
0x7: {  	s5 =	sand.u32 $0x1, s1;
	s1 =	rddreg [dreg:$0x3];
	s26 =	smul.u32 $0x1880, s0  }
0x8: {  	[smem:$0x7FF] =	sst s3;
	s30 =	sshll.u32 s0, $0x6;
	s8 =	smul.u32 $0xC400, s5  }
0x9: {  	_ =	strace $0x80000047;
	s10 =	ssub.s32 $0x2, s5;
	s5 =	smul.u32 $0x18800, s5  }
0xa: {  	s9 =	sshrl.u32 s26, $0x3;
	s28 =	sshrl.u32 s10, $0x1;
	s7 =	sadd.s32 s8, s7  }
0xb: {  	s29 =	sadd.s32 s26, s2;
	s5 =	sadd.s32 s26, s5;
	s7 =	sshrl.u32 s7, $0x3  }
0xc: {  	s31 =	sshrl.u32 s5, $0x3;
	s5 =	sor.u32 $0x1C01, s30;
	s11 =	sadd.s32 s7, s4  }
0xd: {  	s4 =	sadd.s32 s9, s4;
	s7 =	ssub.s32 s10, s28;
	s6 =	sadd.s32 s6, s31  }
0xe: {  	s9 =	sshrl.u32 s29, $0x3;
	s10 =	simm.s32 $0x1;
	s4 =	sadd.s32 $0x65600, s4  }
0xf: {  	v0 =	vimm.f32 $1.000000000e+00;
	s7 =	smax.u32 s7, $0x1;
	s8 =	sadd.s32 $0x3600, s11;
	s11 =	simm.s32 $0x80  }
.LBB2_1:
0x10: {  	[tilespmem:$0x400] =	vst v0  }
0x11: {  	[tilespmem:$0x410] =	vst v0  }
0x12: {  	[tilespmem:$0x420] =	vst v0  }
0x13: {  	[tilespmem:$0x430] =	vst v0  }
0x14: {  	[tilespmem:$0x440] =	vst v0  }
0x15: {  	[tilespmem:$0x450] =	vst v0  }
0x16: {  	[tilespmem:$0x460] =	vst v0  }
0x17: {  	[tilespmem:$0x470] =	vst v0  }
0x18: {  	[spmem:s9], [sflag:s5] =	dma.local [hbm:s4], $0x310  }
0x19: {  	_ =	swait.ge [sflag:s10], $0x310  }
0x1a: {  	[sflag:s10] =	ssyncset.done $0x0  }
0x1b: {  	[sflag:s10] =	ssyncadd.s32 $0xFFFFFCF0  }
0x1c: {  	s20 =	sadd.s32 $0x0, s8;
	[bflag:$0x0] =	sbarrier.arrive $0xFFFF  }
0x1d: {  	[tilespmem:s3], [sflag:$0x1] =	stream.linear.gather [hbm4b:s20+s3], $0x400, $0x38;
	[tilespmem:$0x1D00] =	vst v63  }
0x1e: {  	_ =	swait.ge [sflag:s10], $0x400  }
0x1f: {  	[sflag:s10] =	ssyncset.done $0x0  }
0x20: {  	[sflag:s10] =	ssyncadd.s32 $0xFFFFFC00  }
0x21: {  	[spmem:s2] =	stream.indirect.scatter.add.f32 [tilespmem:s12], [sflag:$0x1], $0x1, s3, s11, $0xb8;
	[tilespmem:$0x1D00] =	vst v63  }
0x22: {  	_ =	swait.ge [sflag:s10], $0x80  }
0x23: {  	[sflag:s10] =	ssyncset.done $0x0  }
0x24: {  	[sflag:s10] =	ssyncadd.s32 $0xFFFFFF80  }
0x25: {  	[spmem:s2] =	stream.indirect.scatter.add.f32 [tilespmem:s12], [sflag:$0x1], $0x1, s11, s11, $0xb8;
	[tilespmem:$0x1D00] =	vst v63  }
0x26: {  	_ =	swait.ge [sflag:s10], $0x80  }
0x27: {  	[sflag:s10] =	ssyncset.done $0x0  }
0x28: {  	[sflag:s10] =	ssyncadd.s32 $0xFFFFFF80  }
0x29: {  	[spmem:s2] =	stream.indirect.scatter.add.f32 [tilespmem:s12], [sflag:$0x1], $0x1, s13, s11, $0xb8;
	[tilespmem:$0x1D00] =	vst v63  }
0x2a: {  	_ =	swait.ge [sflag:s10], $0x80  }
0x2b: {  	[sflag:s10] =	ssyncset.done $0x0  }
0x2c: {  	[sflag:s10] =	ssyncadd.s32 $0xFFFFFF80  }
0x2d: {  	[spmem:s2] =	stream.indirect.scatter.add.f32 [tilespmem:s12], [sflag:$0x1], $0x1, s14, s11, $0xb8;
	[tilespmem:$0x1D00] =	vst v63  }
0x2e: {  	_ =	swait.ge [sflag:s10], $0x80  }
0x2f: {  	[sflag:s10] =	ssyncset.done $0x0  }
0x30: {  	[sflag:s10] =	ssyncadd.s32 $0xFFFFFF80  }
0x31: {  	[spmem:s2] =	stream.indirect.scatter.add.f32 [tilespmem:s12], [sflag:$0x1], $0x1, s15, s11, $0xb8;
	[tilespmem:$0x1D00] =	vst v63  }
0x32: {  	_ =	swait.ge [sflag:s10], $0x80  }
0x33: {  	[sflag:s10] =	ssyncset.done $0x0  }
0x34: {  	[sflag:s10] =	ssyncadd.s32 $0xFFFFFF80  }
0x35: {  	[spmem:s2] =	stream.indirect.scatter.add.f32 [tilespmem:s12], [sflag:$0x1], $0x1, s16, s11, $0xb8;
	[tilespmem:$0x1D00] =	vst v63  }
0x36: {  	_ =	swait.ge [sflag:s10], $0x80  }
0x37: {  	[sflag:s10] =	ssyncset.done $0x0  }
0x38: {  	[sflag:s10] =	ssyncadd.s32 $0xFFFFFF80  }
0x39: {  	[spmem:s2] =	stream.indirect.scatter.add.f32 [tilespmem:s12], [sflag:$0x1], $0x1, s17, s11, $0xb8;
	[tilespmem:$0x1D00] =	vst v63  }
0x3a: {  	_ =	swait.ge [sflag:s10], $0x80  }
0x3b: {  	[sflag:s10] =	ssyncset.done $0x0  }
0x3c: {  	[sflag:s10] =	ssyncadd.s32 $0xFFFFFF80  }
0x3d: {  	[spmem:s2] =	stream.indirect.scatter.add.f32 [tilespmem:s12], [sflag:$0x1], $0x1, s18, s11, $0xb8;
	[tilespmem:$0x1D00] =	vst v63  }
0x3e: {  	_ =	swait.ge [sflag:s10], $0x80  }
0x3f: {  	s22 =	simm.s32 $0x100;
	s20 =	simm.s32 $0x80;
	[sflag:s10] =	ssyncset.done $0x0  }
.LBB2_2:
0x40: {  	s23 =	sadd.s32 s20, s8  }
0x41: {  	[sflag:s10] =	ssyncadd.s32 $0xFFFFFF80;
	s20 =	smov.u32 s22;
	s21 =	sadd.s32 $0x80, s22  }
0x42: {  	[tilespmem:s3], [sflag:$0x1] =	stream.linear.gather [hbm4b:s23+s3], $0x400, $0x38;
	[tilespmem:$0x1D00] =	vst v63  }
0x43: {  	p0 =	sne.s32 s22, $0x1800;
	_ =	swait.ge [sflag:s10], $0x400  }
0x44: {  	[sflag:s10] =	ssyncset.done $0x0  }
0x45: {  	[sflag:s10] =	ssyncadd.s32 $0xFFFFFC00  }
0x46: {  	[spmem:s2] =	stream.indirect.scatter.add.f32 [tilespmem:s12], [sflag:$0x1], $0x1, s3, s11, $0xb8;
	[tilespmem:$0x1D00] =	vst v63  }
0x47: {  	_ =	swait.ge [sflag:s10], $0x80  }
0x48: {  	[sflag:s10] =	ssyncset.done $0x0  }
0x49: {  	[sflag:s10] =	ssyncadd.s32 $0xFFFFFF80  }
0x4a: {  	[spmem:s2] =	stream.indirect.scatter.add.f32 [tilespmem:s12], [sflag:$0x1], $0x1, s11, s11, $0xb8;
	[tilespmem:$0x1D00] =	vst v63  }
0x4b: {  	_ =	swait.ge [sflag:s10], $0x80  }
0x4c: {  	[sflag:s10] =	ssyncset.done $0x0  }
0x4d: {  	[sflag:s10] =	ssyncadd.s32 $0xFFFFFF80  }
0x4e: {  	[spmem:s2] =	stream.indirect.scatter.add.f32 [tilespmem:s12], [sflag:$0x1], $0x1, s13, s11, $0xb8;
	[tilespmem:$0x1D00] =	vst v63  }
0x4f: {  	_ =	swait.ge [sflag:s10], $0x80  }
0x50: {  	[sflag:s10] =	ssyncset.done $0x0  }
0x51: {  	[sflag:s10] =	ssyncadd.s32 $0xFFFFFF80  }
0x52: {  	[spmem:s2] =	stream.indirect.scatter.add.f32 [tilespmem:s12], [sflag:$0x1], $0x1, s14, s11, $0xb8;
	[tilespmem:$0x1D00] =	vst v63  }
0x53: {  	_ =	swait.ge [sflag:s10], $0x80  }
0x54: {  	[sflag:s10] =	ssyncset.done $0x0  }
0x55: {  	[sflag:s10] =	ssyncadd.s32 $0xFFFFFF80  }
0x56: {  	[spmem:s2] =	stream.indirect.scatter.add.f32 [tilespmem:s12], [sflag:$0x1], $0x1, s15, s11, $0xb8;
	[tilespmem:$0x1D00] =	vst v63  }
0x57: {  	_ =	swait.ge [sflag:s10], $0x80  }
0x58: {  	[sflag:s10] =	ssyncset.done $0x0  }
0x59: {  	[sflag:s10] =	ssyncadd.s32 $0xFFFFFF80  }
0x5a: {  	[spmem:s2] =	stream.indirect.scatter.add.f32 [tilespmem:s12], [sflag:$0x1], $0x1, s16, s11, $0xb8;
	[tilespmem:$0x1D00] =	vst v63  }
0x5b: {  	_ =	swait.ge [sflag:s10], $0x80  }
0x5c: {  	[sflag:s10] =	ssyncset.done $0x0  }
0x5d: {  	[sflag:s10] =	ssyncadd.s32 $0xFFFFFF80  }
0x5e: {  	[spmem:s2] =	stream.indirect.scatter.add.f32 [tilespmem:s12], [sflag:$0x1], $0x1, s17, s11, $0xb8;
	[tilespmem:$0x1D00] =	vst v63  }
0x5f: {  	_ =	swait.ge [sflag:s10], $0x80  }
.Ltmp0:
0x60: {  	[sflag:s10] =	ssyncset.done $0x0;
	(pc) =	sbr.rel @p0 .LBB2_2-.Ltmp0, $4  }
0x61: {  	[sflag:s10] =	ssyncadd.s32 $0xFFFFFF80  }
0x62: {  	[spmem:s2] =	stream.indirect.scatter.add.f32 [tilespmem:s12], [sflag:$0x1], $0x1, s18, s11, $0xb8;
	[tilespmem:$0x1D00] =	vst v63  }
0x63: {  	_ =	swait.ge [sflag:s10], $0x80  }
0x64: {  	s22 =	smov.u32 s21;
	[sflag:s10] =	ssyncset.done $0x0  }
0x65: {  	s20 =	sadd.s32 s20, s8;
	[sflag:s10] =	ssyncadd.s32 $0xFFFFFF80  }
0x66: {  	[tilespmem:s3], [sflag:$0x1] =	stream.linear.gather [hbm4b:s20+s3], $0x400, $0x38;
	[tilespmem:$0x1D00] =	vst v63  }
0x67: {  	_ =	swait.ge [sflag:s10], $0x400  }
0x68: {  	[sflag:s10] =	ssyncset.done $0x0  }
0x69: {  	[sflag:s10] =	ssyncadd.s32 $0xFFFFFC00  }
0x6a: {  	[spmem:s2] =	stream.indirect.scatter.add.f32 [tilespmem:s12], [sflag:$0x1], $0x1, s3, s11, $0xb8;
	[tilespmem:$0x1D00] =	vst v63  }
0x6b: {  	_ =	swait.ge [sflag:s10], $0x80  }
0x6c: {  	[sflag:s10] =	ssyncset.done $0x0  }
0x6d: {  	[sflag:s10] =	ssyncadd.s32 $0xFFFFFF80  }
0x6e: {  	[spmem:s2] =	stream.indirect.scatter.add.f32 [tilespmem:s12], [sflag:$0x1], $0x1, s11, s11, $0xb8;
	[tilespmem:$0x1D00] =	vst v63  }
0x6f: {  	_ =	swait.ge [sflag:s10], $0x80  }
0x70: {  	[sflag:s10] =	ssyncset.done $0x0  }
0x71: {  	[sflag:s10] =	ssyncadd.s32 $0xFFFFFF80  }
0x72: {  	[spmem:s2] =	stream.indirect.scatter.add.f32 [tilespmem:s12], [sflag:$0x1], $0x1, s13, s11, $0xb8;
	[tilespmem:$0x1D00] =	vst v63  }
0x73: {  	_ =	swait.ge [sflag:s10], $0x80  }
0x74: {  	[sflag:s10] =	ssyncset.done $0x0  }
0x75: {  	[sflag:s10] =	ssyncadd.s32 $0xFFFFFF80  }
0x76: {  	[spmem:s2] =	stream.indirect.scatter.add.f32 [tilespmem:s12], [sflag:$0x1], $0x1, s14, s11, $0xb8;
	[tilespmem:$0x1D00] =	vst v63  }
0x77: {  	_ =	swait.ge [sflag:s10], $0x80  }
0x78: {  	[sflag:s10] =	ssyncset.done $0x0  }
0x79: {  	[sflag:s10] =	ssyncadd.s32 $0xFFFFFF80  }
0x7a: {  	[spmem:s2] =	stream.indirect.scatter.add.f32 [tilespmem:s12], [sflag:$0x1], $0x1, s15, s11, $0xb8;
	[tilespmem:$0x1D00] =	vst v63  }
0x7b: {  	_ =	swait.ge [sflag:s10], $0x80  }
0x7c: {  	[sflag:s10] =	ssyncset.done $0x0  }
0x7d: {  	[sflag:s10] =	ssyncadd.s32 $0xFFFFFF80  }
0x7e: {  	[spmem:s2] =	stream.indirect.scatter.add.f32 [tilespmem:s12], [sflag:$0x1], $0x1, s16, s11, $0xb8;
	[tilespmem:$0x1D00] =	vst v63  }
0x7f: {  	_ =	swait.ge [sflag:s10], $0x80  }
0x80: {  	[sflag:s10] =	ssyncset.done $0x0  }
0x81: {  	[sflag:s10] =	ssyncadd.s32 $0xFFFFFF80  }
0x82: {  	[spmem:s2] =	stream.indirect.scatter.add.f32 [tilespmem:s12], [sflag:$0x1], $0x1, s17, s11, $0xb8;
	[tilespmem:$0x1D00] =	vst v63  }
0x83: {  	_ =	swait.ge [sflag:s10], $0x80  }
0x84: {  	[sflag:s10] =	ssyncset.done $0x0  }
0x85: {  	[sflag:s10] =	ssyncadd.s32 $0xFFFFFF80  }
0x86: {  	[spmem:s2] =	stream.indirect.scatter.add.f32 [tilespmem:s12], [sflag:$0x1], $0x1, s18, s11, $0xb8;
	[tilespmem:$0x1D00] =	vst v63  }
0x87: {  	_ =	swait.ge [sflag:s10], $0x80  }
0x88: {  	s19 =	sadd.s32 $0x1, s19;
	[sflag:s10] =	ssyncset.done $0x0  }
0x89: {  	p0 =	sne.s32 s19, s7;
	[sflag:s10] =	ssyncadd.s32 $0xFFFFFF80  }
.Ltmp1:
0x8a: {  	[bflag:$0x0] =	sbarrier.arrive $0xFFFF;
	(pc) =	sbr.rel @p0 .LBB2_1-.Ltmp1, $4  }
0x8b: {  	[hbm:s6], [sflag:s5] =	dma.local [spmem:s9], $0x310  }
0x8c: {  	_ =	swait.ge [sflag:s10], $0x310  }
0x8d: {  	[sflag:s10] =	ssyncset.done $0x0  }
0x8e: {  	[sflag:s10] =	ssyncadd.s32 $0xFFFFFCF0  }
0x8f: {  	_ =	sfence.sel $0x180000  }
0x90: {  	[bflag:$0x0] =	sbarrier.arrive $0xFFFF  }
0x91: {  	p0 =	sne.s32 s0, $0x0;
	_ =	strace $0x90000047  }
0x92: {  	s0 =	sadd.s32 @!p0 $0x100000, s1;
	[bflag:$0x2] =	sbarrier.arrive $0xFFFF  }
0x93: {  	[sflag:s0] =	ssyncadd.tile.s32 @!p0 $0x1;
	_ =	shalt  }
.Lfunc_end2:
_tile_overlayer_lowered:
.L_overlay_start_2:
0x94: {  	(tag) =	ssettag $0x2  }
0x95: {  	s0 =	rddreg [dreg:$0x0];
	s2 =	stileid.u32  }
0x96: {  	s1 =	rddreg [dreg:$0x1];
	p0 =	sne.s32 s2, $0x0  }
0x97: {  	s3 =	rddreg [dreg:$0x2];
	[bflag:$0x3] =	sbarrier.arrive $0xFFFF;
	s2 =	simm.s32 @!p0 $0x1C01  }
0x98: {  	[timem:s3], [sflag:s2] =	dma.local @!p0 [hbm:s0], s1  }
0x99: {  	s0 =	simm.s32 @!p0 $0x1  }
0x9a: {  	_ =	swait.ge @!p0 [sflag:s0], s1  }
0x9b: {  	s1 =	ssub.s32 @!p0 $0x0, s1;
	[sflag:s0] =	ssyncset.done @!p0 $0x0  }
0x9c: {  	[sflag:s0] =	ssyncadd.s32 @!p0 s1  }
0x9d: {  	[bflag:$0x3] =	sbarrier.arrive $0xFFFF  }
0x9e: {  	_ =	shalt  }

// kernel: kernel.13.cloned.1.call-start
scs
__scs_entry_jumppad:
0x0: {  	(pc) =	sbr.rel $0x88, $3  }
0x1: {  	(tag) =	ssettag $0x0;
	lr =	simm.s32 $0x1  }
0x2: {  	[smem:$0x3F96] =	sst lr;
	_ =	strace $0xD0000000  }
0x3: {  	_ = 	snop  }
0x4: {  	_ = 	snop  }
0x5: {  	_ = 	snop  }
0x6: {  	_ = 	snop  }
0x7: {  	_ = 	snop  }
__scs_overlays_trampoline_lowered:
0x8: {  	[smem:$0x3FA5] =	sst s0  }
0x9: {  	[smem:$0x3FA6] =	sst s1  }
0xa: {  	[smem:$0x3FA7] =	sst s2  }
0xb: {  	[smem:$0x3FA8] =	sst s3  }
0xc: {  	[smem:$0x3FA9] =	sst s4  }
0xd: {  	[smem:$0x3FAA] =	sst s5  }
0xe: {  	[smem:$0x3FAB] =	sst s6  }
0xf: {  	[smem:$0x3FAC] =	sst s7  }
0x10: {  	[smem:$0x3FAD] =	sst s8  }
0x11: {  	[smem:$0x3FAE] =	sst s9;
	s0 =	simm.s32 @!p0 $0x0  }
0x12: {  	s1 =	sld [smem:$0x3F94];
	s0 =	simm.s32 @p0 $0x1  }
0x13: {  	[smem:$0x3FAF] =	sst s0;
	s0 =	simm.s32 @!p1 $0x0  }
0x14: {  	s2 =	sld [smem:$0x3F93];
	s0 =	simm.s32 @p1 $0x1  }
0x15: {  	[smem:$0x3FB0] =	sst s0;
	s0 =	simm.s32 @!p2 $0x0  }
0x16: {  	s3 =	sld [smem:$0x3FDB];
	s0 =	simm.s32 @p2 $0x1  }
0x17: {  	s4 =	simm.s32 $0x1BF5;
	[smem:$0x3FB2] =	sst s0  }
0x18: {  	s0 =	sld [smem:$0x3F95];
	_ =	swait.ge [sflag:s4], $0x0  }
0x19: {  	s7 =	sld [smem:$0x3F96]  }
0x1a: {  	s8 =	sadd.s32 $0xFFFFE003, lr  }
0x1b: {  	s9 =	sadd.s32 $0xFFFFFEF7, lr;
	s5 =	simm.s32 $0xFFFFFFFF;
	p2 =	slt.u32 s8, $0xFFFFF086  }
0x1c: {  	p1 =	slt.u32 s9, $0xF7A;
	s5 =	simm.s32 @!p2 $0x0  }
0x1d: {  	s5 =	simm.s32 @p1 $0x1;
	p0 =	seq.s32 s7, s2  }
0x1e: {  	s7 =	smul.u32 @!p0 $0xF7A, s2;
	p2 =	seq.s32 @!p0 s5, $0x0  }
0x1f: {  	s9 =	smul.u32 $0xF7A, s1;
	s8 =	simm.s32 @!p0 $0x1BF5;
	p2 =	por !p2, p0  }
0x20: {  	[sflag:s8] =	ssyncset.s32 @!p0 $0xFFFFF086;
	s6 =	sadd.s32 @!p0 s3, s7;
	s7 =	simm.s32 @!p0 $0x108  }
0x21: {  	s3 =	sadd.s32 s3, s9;
	s6 =	sadd.s32 @!p0 $0x88, s6;
	s7 =	simm.s32 @p2 $0x1082  }
0x22: {  	[simem:s7], [sflag:s8] =	dma.local @!p0 [hbm:s6], $0xF7A  }
0x23: {  	s9 =	sor.u32 $0xD0000000, s2;
	s6 =	simm.s32 $0x108;
	_ =	swait.ge @!p0 [sflag:s8], $0x0  }
0x24: {  	s3 =	sadd.s32 $0x88, s3;
	s6 =	simm.s32 @!p1 $0x1082;
	[sflag:s4] =	ssyncset.s32 $0xFFFFF086  }
0x25: {  	[simem:s6], [sflag:s4] =	dma.local [hbm:s3], $0xF7A  }
0x26: {  	[smem:$0x3F96] =	sst s1;
	(tag) =	ssettag s2;
	_ =	strace s9  }
0x27: {  	s1 =	sld [smem:$0x3FA6]  }
0x28: {  	s2 =	sld [smem:$0x3FA7]  }
0x29: {  	s4 =	sld [smem:$0x3FA9]  }
0x2a: {  	p0 =	seq.s32 s5, $0x0;
	s5 =	sld [smem:$0x3FAA]  }
0x2b: {  	s6 =	sld [smem:$0x3FAB]  }
0x2c: {  	s7 =	sld [smem:$0x3FAC]  }
0x2d: {  	s3 =	simm.s32 $0x108;
	s8 =	sld [smem:$0x3FAD]  }
0x2e: {  	s3 =	simm.s32 @!p0 $0x1082;
	s9 =	sld [smem:$0x3FAE]  }
0x2f: {  	lr =	sadd.s32 s0, s3;
	s0 =	sld [smem:$0x3FA5]  }
0x30: {  	s3 =	sld [smem:$0x3FA8]  }
0x31: {  	[smem:$0x3FB1] =	sst s10  }
0x32: {  	s10 =	sld [smem:$0x3FAF];
	_ =	sdelay $0x3  }
0x33: {  	p0 =	seq.s32 s10, $0x1;
	s10 =	sld [smem:$0x3FB1];
	_ =	sdelay $0x3  }
0x34: {  	[smem:$0x3FB1] =	sst s10  }
0x35: {  	s10 =	sld [smem:$0x3FB0];
	_ =	sdelay $0x3  }
0x36: {  	p1 =	seq.s32 s10, $0x1;
	s10 =	sld [smem:$0x3FB1];
	_ =	sdelay $0x3  }
0x37: {  	[smem:$0x3FB1] =	sst s10  }
0x38: {  	s10 =	sld [smem:$0x3FB2]  }
0x39: {  	_ = 	snop;
	(pc) =	sbr.ind lr, $3  }
0x3a: {  	_ = 	snop  }
0x3b: {  	_ = 	snop  }
0x3c: {  	p2 =	seq.s32 s10, $0x1;
	s10 =	sld [smem:$0x3FB1]  }
0x3d: {  	_ =	shalt  }
0x3e: {  	_ =	shalt  }
0x3f: {  	_ =	shalt  }
0x40: {  	_ =	shalt  }
0x41: {  	_ =	shalt  }
0x42: {  	_ =	shalt  }
0x43: {  	_ =	shalt  }
0x44: {  	_ =	shalt  }
0x45: {  	_ =	shalt  }
0x46: {  	_ =	shalt  }
0x47: {  	_ =	shalt  }
0x48: {  	_ =	shalt  }
0x49: {  	_ =	shalt  }
0x4a: {  	_ =	shalt  }
0x4b: {  	_ =	shalt  }
0x4c: {  	_ =	shalt  }
0x4d: {  	_ =	shalt  }
0x4e: {  	_ =	shalt  }
0x4f: {  	_ =	shalt  }
0x50: {  	_ =	shalt  }
0x51: {  	_ =	shalt  }
0x52: {  	_ =	shalt  }
0x53: {  	_ =	shalt  }
0x54: {  	_ =	shalt  }
0x55: {  	_ =	shalt  }
0x56: {  	_ =	shalt  }
0x57: {  	_ =	shalt  }
0x58: {  	_ =	shalt  }
0x59: {  	_ =	shalt  }
0x5a: {  	_ =	shalt  }
0x5b: {  	_ =	shalt  }
0x5c: {  	_ =	shalt  }
0x5d: {  	_ =	shalt  }
0x5e: {  	_ =	shalt  }
0x5f: {  	_ =	shalt  }
0x60: {  	_ =	shalt  }
0x61: {  	_ =	shalt  }
0x62: {  	_ =	shalt  }
0x63: {  	_ =	shalt  }
0x64: {  	_ =	shalt  }
0x65: {  	_ =	shalt  }
0x66: {  	_ =	shalt  }
0x67: {  	_ =	shalt  }
0x68: {  	_ =	shalt  }
0x69: {  	_ =	shalt  }
0x6a: {  	_ =	shalt  }
0x6b: {  	_ =	shalt  }
0x6c: {  	_ =	shalt  }
0x6d: {  	_ =	shalt  }
0x6e: {  	_ =	shalt  }
0x6f: {  	_ =	shalt  }
0x70: {  	_ =	shalt  }
0x71: {  	_ =	shalt  }
0x72: {  	_ =	shalt  }
0x73: {  	_ =	shalt  }
0x74: {  	_ =	shalt  }
0x75: {  	_ =	shalt  }
0x76: {  	_ =	shalt  }
0x77: {  	_ =	shalt  }
0x78: {  	_ =	shalt  }
0x79: {  	_ =	shalt  }
0x7a: {  	_ =	shalt  }
0x7b: {  	_ =	shalt  }
0x7c: {  	_ =	shalt  }
0x7d: {  	_ =	shalt  }
0x7e: {  	_ =	shalt  }
0x7f: {  	_ =	shalt  }
0x80: {  	_ =	shalt  }
0x81: {  	_ =	shalt  }
0x82: {  	_ =	shalt  }
0x83: {  	_ =	shalt  }
0x84: {  	_ =	shalt  }
0x85: {  	_ =	shalt  }
0x86: {  	_ =	shalt  }
0x87: {  	_ =	shalt  }
.Lfunc_end0:
.L_simem_size_0:
called_computation.1_lowered:
.L_overlay_start_0:
0x88: {  	s2 =	sld [smem:$0x3FD9]  }
0x89: {  	s3 =	sld [smem:$0x3FFE];
	_ =	sdelay $0x1  }
0x8a: {  	s1 =	srdreg.scid  }
0x8b: {  	s0 =	sand.u32 $0x1, s1  }
0x8c: {  	s16 =	sshll.u32 s0, $0xA;
	s2 =	sadd.s32 s3, s2  }
0x8d: {  	s2 =	sadd.s32 s2, s16  }
0x8e: {  	[smem:$0x3FBD] =	sst s2  }
0x8f: {  	_ = 	snop  }
0x90: {  	(tm) =	ssettm $0x1  }
0x91: {  	s17 =	sld [smem:$0x3FFB];
	_ =	sdelay $0x3  }
0x92: {  	_ =	strace s17  }
0x93: {  	s2 =	sld [smem:$0x3FFC];
	_ =	sdelay $0x3  }
0x94: {  	_ =	strace s2  }
0x95: {  	s2 =	sld [smem:$0x3FFD];
	_ =	sdelay $0x3  }
0x96: {  	_ =	strace s2  }
0x97: {  	_ =	strace $0x8FFFFFFF  }
0x98: {  	s18 =	sld [smem:$0x3FDB];
	_ =	sdelay $0x1  }
0x99: {  	s19 =	simm.s32 $_scs_section_size  }
0x9a: {  	s4 =	simm.s32 $_size__tile_overlayer_lowered;
	s5 =	simm.s32 $_tile_overlayer_lowered  }
0x9b: {  	s22 =	simm.s32 $0x1BFF;
	s21 =	sshll.u32 s5, $0x1;
	s2 =	sadd.s32 s19, s18  }
0x9c: {  	s6 =	simm.s32 $0x0;
	s20 =	sshll.u32 s4, $0x1;
	s4 =	sadd.s32 s21, s2  }
0x9d: {  	[timem:s6], [sflag:s22] =	dma.local [hbm:s4], s20  }
0x9e: {  	_ =	swait.ge [sflag:s22], s20  }
0x9f: {  	s3 =	ssub.s32 $0x0, s20;
	[sflag:s22] =	ssyncset.done $0x0  }
0xa0: {  	[sflag:s22] =	ssyncadd.s32 s3;
	_ =	sdelay $0x1  }
0xa1: {  	s23 =	simm.s32 $0x1B8B  }
0xa2: {  	_ =	swait.ge [sflag:s23], $0x1  }
0xa3: {  	[sflag:s23] =	ssyncset.done $0x0  }
0xa4: {  	s25 =	simm.s32 $0x1B8E;
	s24 =	sld [smem:$0x3FFE];
	[sflag:s23] =	ssyncadd.s32 $0xFFFFFFFF  }
0xa5: {  	s26 =	simm.s32 $execute0_lowered;
	[smem:$0x3FD2] =	sst s25  }
0xa6: {  	s4 =	sshll.u32 s26, $0x1;
	_ =	strace $0x80000049;
	[dreg:$0x1] =	wrdreg $0xFFFFFFFF  }
0xa7: {  	s28 =	simm.s32 $_size_execute0_lowered;
	s2 =	sadd.s32 s2, s4;
	[dreg:$0x0] =	wrdreg $0x0  }
0xa8: {  	s4 =	sshll.u32 s28, $0x1;
	[dreg:$0x2] =	wrdreg s2  }
0xa9: {  	[dreg:$0x3] =	wrdreg s4  }
0xaa: {  	[dreg:$0x4] =	wrdreg $0xC0  }
0xab: {  	_ =	task [dreg:s6], $0x5FFFF  }
0xac: {  	[dreg:$0x1] =	wrdreg $0xFFFFFFFF  }
0xad: {  	[dreg:$0x0] =	wrdreg $0x60  }
0xae: {  	[dreg:$0x2] =	wrdreg s24  }
0xaf: {  	[dreg:$0x3] =	wrdreg $0x6C000  }
0xb0: {  	[dreg:$0x4] =	wrdreg $0x9  }
0xb1: {  	_ =	task.clear_ibuf [dreg:s6], $0x5FFFF;
	_ =	strace $0x90000049  }
0xb2: {  	s29 =	simm.s32 $0x9;
	_ =	strace $0x8000004B  }
0xb3: {  	_ =	swait.ge [sflag:s29], $0x1  }
0xb4: {  	[sflag:s29] =	ssyncadd.s32 $0xFFFFFFFF  }
0xb5: {  	_ =	strace $0x9000004B  }
0xb6: {  	_ =	sfence  }
0xb7: {  	s30 =	sld [smem:$0x0];
	_ =	sdelay $0x2  }
0xb8: {  	s31 =	sshll.u32 s1, $0xD;
	s1 =	sshrl.u32 s1, $0x2  }
0xb9: {  	s3 =	sand.u32 $0x4000, s31;
	s1 =	sadd.s32 s1, s30  }
0xba: {  	s0 =	sor.u32 s3, s0;
	s1 =	sshll.u32 s1, $0x11  }
0xbb: {  	s0 =	sor.u32 s1, s0  }
0xbc: {  	s0 =	sadd.s32 $0x8F2B, s0  }
0xbd: {  	[sflag:s0] =	ssyncadd.remote.s32 $0x1  }
0xbe: {  	_ =	sfence.sel $0xFFFF  }
0xbf: {  	[dreg:$0x0] =	wrdreg $0xFFFFFFFF;
	(pc) =	sbr.abs _section_cstart, $3  }
0xc0: {  	[dreg:$0x1] =	wrdreg $0xFFFFFFFF  }
0xc1: {  	_ =	task.clear_ibuf [dreg:s6], $0x2FFFF;
	_ =	strace $0x9FFFFFFF  }
0xc2: {  	(tm) =	ssettm $0x7FFFFFFF  }
0xc3: {  	_ =	shalt  }
tec
execute0_lowered:
.L_overlay_start_1:
0x0: {  	(tag) =	ssettag $0x1  }
0x1: {  	s0 =	rddreg [dreg:$0x0]  }
0x2: {  	s1 =	rddreg [dreg:$0x1];
	s3 =	simm.s32 $0x0  }
0x3: {  	s13 =	stileid.u32;
	s2 =	srdreg.scid;
	s29 =	simm.s32 $0xA  }
0x4: {  	s30 =	simm.s32 $0x200;
	s31 =	simm.s32 $0x400;
	[smem:$0x7FF] =	sst s3  }
0x5: {  	s4 =	sadd.s32 $0x68A00, s0;
	s6 =	smul.u32 $0x18800, s13;
	s2 =	sand.u32 $0x1, s2  }
0x6: {  	s5 =	sadd.s32 $0x3600, s0;
	s14 =	sadd.s32 $0x34600, s0;
	s15 =	sadd.s32 $0x1F0A00, s0  }
0x7: {  	s9 =	sshll.u32 s13, $0x1;
	_ =	strace $0x8000004A;
	s7 =	smul.u32 $0x188000, s2  }
0x8: {  	s10 =	ssub.s32 $0x2, s2;
	s9 =	sor.u32 s2, s9;
	[dreg:$0x3] =	wrdreg s14  }
0x9: {  	p0 =	seq.s32 s2, $0x0;
	s2 =	smul.u32 $0xC400, s2;
	[dreg:$0x4] =	wrdreg s15  }
0xa: {  	s8 =	sshrl.u32 s6, $0x3;
	s11 =	sshrl.u32 s10, $0x1;
	s9 =	smul.u32 $0xC400, s9  }
0xb: {  	s20 =	sadd.s32 s6, s1;
	s7 =	sadd.s32 s6, s7;
	s12 =	sadd.s32 s8, s0  }
0xc: {  	[dreg:$0x5] =	wrdreg s20;
	s7 =	sshrl.u32 s7, $0x3;
	s9 =	sshrl.u32 s9, $0x3  }
0xd: {  	s16 =	sadd.s32 $0x99A00, s12;
	s0 =	sadd.s32 s7, s0;
	s7 =	ssub.s32 s10, s11  }
0xe: {  	s10 =	sadd.s32 s4, s8;
	s21 =	sor.u32 $0x40, s9;
	s22 =	sadd.s32 s15, s9  }
0xf: {  	s24 =	sadd.s32 s14, s9;
	s25 =	sadd.s32 $0x80, s9;
	[dreg:$0x8] =	wrdreg s22  }
0x10: {  	s26 =	sadd.s32 $0xC0, s9;
	s23 =	sadd.s32 s14, s21;
	[dreg:$0x7] =	wrdreg s24  }
0x11: {  	s9 =	sadd.s32 $0x1840, s9;
	s11 =	sadd.s32 s15, s21;
	[dreg:$0x9] =	wrdreg s23  }
0x12: {  	s8 =	sadd.s32 s5, s8;
	s17 =	sadd.s32 s14, s25;
	[dreg:$0xa] =	wrdreg s11  }
0x13: {  	s18 =	sadd.s32 s14, s26;
	s12 =	sadd.s32 s15, s26;
	[dreg:$0xb] =	wrdreg s17  }
0x14: {  	s19 =	sadd.s32 s14, s9;
	s9 =	sadd.s32 s15, s9;
	[dreg:$0xd] =	wrdreg s18  }
0x15: {  	s20 =	sadd.s32 $0xCAA00, s0;
	s0 =	sadd.s32 $0x12CA00, s0;
	[dreg:$0xf] =	wrdreg s12  }
0x16: {  	s21 =	sadd.s32 s2, s6;
	s22 =	sshll.u32 s13, $0x6;
	[dreg:$0x10] =	wrdreg s19  }
0x17: {  	s2 =	simm.s32 $0x800;
	s13 =	simm.s32 $0x2;
	[dreg:$0x11] =	wrdreg s9  }
0x18: {  	s14 =	simm.s32 $0x5;
	s11 =	sadd.s32 s15, s25;
	[dreg:$0x12] =	wrdreg s20  }
0x19: {  	[dreg:$0x13] =	wrdreg s0;
	s23 =	smax.u32 s7, $0x1;
	s7 =	sor.u32 $0x1C0A, s22  }
0x1a: {  	s25 =	sadd.s32 $0xC00, s21;
	s26 =	sadd.s32 $0xA00, s21;
	s0 =	sadd.s32 $0x800, s21  }
0x1b: {  	s21 =	simm.s32 $0x7;
	s22 =	simm.s32 $0xC00;
	s17 =	simm.s32 $0x2C00  }
0x1c: {  	s9 =	simm.s32 $0x1;
	s12 =	simm.s32 $0x4C00;
	s15 =	simm.s32 $0x3  }
0x1d: {  	s18 =	simm.s32 $0x0;
	[dreg:$0xc] =	wrdreg s11;
	s11 =	smov.u32 s16  }
0x1e: {  	s16 =	smov.u32 @p0 s8;
	[dreg:$0x14] =	wrdreg s23;
	s25 =	sshrl.u32 s25, $0x3  }
0x1f: {  	s26 =	sshrl.u32 s26, $0x3;
	s28 =	sshrl.u32 s0, $0x3;
	s0 =	simm.s32 $0x600  }
0x20: {  	s8 =	simm.s32 $0xA00;
	s23 =	simm.s32 $0x8;
	[dreg:$0x15] =	wrdreg s7  }
0x21: {  	s11 =	smov.u32 @p0 s10;
	[dreg:$0x6] =	wrdreg s16;
	s10 =	simm.s32 $0x4  }
0x22: {  	s16 =	simm.s32 $0x6;
	[dreg:$0xe] =	wrdreg s11;
	s11 =	simm.s32 $0x9  }
.LBB2_1:
0x23: {  	s6 =	rddreg [dreg:$0x5]  }
0x24: {  	s20 =	rddreg [dreg:$0xe];
	s19 =	sshrl.u32 s6, $0x3  }
0x25: {  	[dreg:$0x16] =	wrdreg s19  }
0x26: {  	[spmem:s19], [sflag:s7] =	dma.local [hbm:s20], $0x3100  }
0x27: {  	_ =	swait.ge [sflag:s29], $0x3100  }
0x28: {  	[sflag:s29] =	ssyncset.done $0x0  }
0x29: {  	[sflag:s29] =	ssyncadd.s32 $0xFFFFCF00  }
0x2a: {  	[bflag:$0x0] =	sbarrier.arrive $0xFFFF  }
0x2b: {  	[tilespmem:s3], [sflag:$0x7] =	stream.linear.gather [hbm4b:s24+s3], $0x200, $0x38;
	[tilespmem:$0x1F400] =	vst v63  }
0x2c: {  	s20 =	rddreg [dreg:$0x8]  }
0x2d: {  	[tilespmem:s30], [sflag:$0x7] =	stream.linear.gather [hbm4b:s20+s3], $0x200, $0x38;
	[tilespmem:$0x1F400] =	vst v63  }
0x2e: {  	s24 =	rddreg [dreg:$0x9]  }
0x2f: {  	[tilespmem:s31], [sflag:$0x8] =	stream.linear.gather [hbm4b:s24+s3], $0x200, $0x38;
	[tilespmem:$0x1F400] =	vst v63  }
0x30: {  	s7 =	rddreg [dreg:$0xa]  }
0x31: {  	[tilespmem:s0], [sflag:$0x8] =	stream.linear.gather [hbm4b:s7+s3], $0x200, $0x38;
	[tilespmem:$0x1F400] =	vst v63  }
0x32: {  	s19 =	rddreg [dreg:$0xb]  }
0x33: {  	[tilespmem:s2], [sflag:$0x9] =	stream.linear.gather [hbm4b:s19+s3], $0x200, $0x38;
	[tilespmem:$0x1F400] =	vst v63  }
0x34: {  	s20 =	rddreg [dreg:$0xc]  }
0x35: {  	[tilespmem:s8], [sflag:$0x9] =	stream.linear.gather [hbm4b:s20+s3], $0x200, $0x38;
	[tilespmem:$0x1F400] =	vst v63  }
0x36: {  	_ =	swait.ge [sflag:s21], $0x200  }
0x37: {  	[sflag:s21] =	ssyncset.done $0x0  }
0x38: {  	[sflag:s21] =	ssyncadd.s32 $0xFFFFFE00  }
0x39: {  	_ =	swait.ge [sflag:s21], $0x200  }
0x3a: {  	[sflag:s21] =	ssyncset.done $0x0  }
0x3b: {  	[sflag:s21] =	ssyncadd.s32 $0xFFFFFE00  }
0x3c: {  	[tilespmem:s22], [sflag:$0x1] =	stream.indirect.gather [hbm4b:s4+s30], $0x10, s3, s30, $0xb8;
	[tilespmem:$0x1F400] =	vst v63  }
0x3d: {  	_ =	swait.ge [sflag:s23], $0x200  }
0x3e: {  	[sflag:s23] =	ssyncset.done $0x0  }
0x3f: {  	[sflag:s23] =	ssyncadd.s32 $0xFFFFFE00  }
0x40: {  	_ =	swait.ge [sflag:s23], $0x200  }
0x41: {  	[sflag:s23] =	ssyncset.done $0x0  }
0x42: {  	[sflag:s23] =	ssyncadd.s32 $0xFFFFFE00  }
0x43: {  	[tilespmem:s17], [sflag:$0x2] =	stream.indirect.gather [hbm4b:s4+s30], $0x10, s31, s30, $0xb8;
	[tilespmem:$0x1F400] =	vst v63  }
0x44: {  	_ =	swait.ge [sflag:s9], $0x2000  }
0x45: {  	[sflag:s9] =	ssyncset.done $0x0  }
0x46: {  	[sflag:s9] =	ssyncadd.s32 $0xFFFFE000  }
0x47: {  	[spmem:s1] =	stream.indirect.scatter.add.f32 [tilespmem:s22], [sflag:$0x4], $0x10, s30, s30, $0xb8;
	[tilespmem:$0x1F400] =	vst v63  }
0x48: {  	_ =	swait.ge [sflag:s10], $0x2000  }
0x49: {  	[sflag:s10] =	ssyncset.done $0x0  }
0x4a: {  	s24 =	rddreg [dreg:$0xd];
	[sflag:s10] =	ssyncadd.s32 $0xFFFFE000  }
0x4b: {  	[tilespmem:s3], [sflag:$0x7] =	stream.linear.gather [hbm4b:s24+s3], $0x200, $0x38;
	[tilespmem:$0x1F400] =	vst v63  }
0x4c: {  	s7 =	rddreg [dreg:$0xf]  }
0x4d: {  	[tilespmem:s30], [sflag:$0x7] =	stream.linear.gather [hbm4b:s7+s3], $0x200, $0x38;
	[tilespmem:$0x1F400] =	vst v63  }
0x4e: {  	_ =	swait.ge [sflag:s11], $0x200  }
0x4f: {  	[sflag:s11] =	ssyncset.done $0x0  }
0x50: {  	[sflag:s11] =	ssyncadd.s32 $0xFFFFFE00  }
0x51: {  	_ =	swait.ge [sflag:s11], $0x200  }
0x52: {  	[sflag:s11] =	ssyncset.done $0x0  }
0x53: {  	[sflag:s11] =	ssyncadd.s32 $0xFFFFFE00  }
0x54: {  	[tilespmem:s12], [sflag:$0x3] =	stream.indirect.gather [hbm4b:s4+s30], $0x10, s2, s30, $0xb8;
	[tilespmem:$0x1F400] =	vst v63  }
0x55: {  	_ =	swait.ge [sflag:s13], $0x2000  }
0x56: {  	[sflag:s13] =	ssyncset.done $0x0  }
0x57: {  	[sflag:s13] =	ssyncadd.s32 $0xFFFFE000  }
0x58: {  	[spmem:s1] =	stream.indirect.scatter.add.f32 [tilespmem:s17], [sflag:$0x5], $0x10, s0, s30, $0xb8;
	[tilespmem:$0x1F400] =	vst v63  }
0x59: {  	_ =	swait.ge [sflag:s14], $0x2000  }
0x5a: {  	s7 =	rddreg [dreg:$0x3]  }
0x5b: {  	[sflag:s14] =	ssyncset.done $0x0;
	s6 =	rddreg [dreg:$0x4];
	s19 =	sadd.s32 s7, s28  }
0x5c: {  	[sflag:s14] =	ssyncadd.s32 $0xFFFFE000;
	s20 =	sadd.s32 s6, s28;
	[dreg:$0x17] =	wrdreg s19  }
0x5d: {  	[tilespmem:s31], [sflag:$0x8] =	stream.linear.gather [hbm4b:s19+s3], $0x200, $0x38;
	[tilespmem:$0x1F400] =	vst v63  }
0x5e: {  	[dreg:$0x18] =	wrdreg s20  }
0x5f: {  	[tilespmem:s0], [sflag:$0x8] =	stream.linear.gather [hbm4b:s20+s3], $0x200, $0x38;
	[tilespmem:$0x1F400] =	vst v63  }
0x60: {  	_ =	swait.ge [sflag:s21], $0x200  }
0x61: {  	[sflag:s21] =	ssyncset.done $0x0  }
0x62: {  	[sflag:s21] =	ssyncadd.s32 $0xFFFFFE00  }
0x63: {  	_ =	swait.ge [sflag:s21], $0x200  }
0x64: {  	[sflag:s21] =	ssyncset.done $0x0  }
0x65: {  	[sflag:s21] =	ssyncadd.s32 $0xFFFFFE00  }
0x66: {  	[tilespmem:s22], [sflag:$0x1] =	stream.indirect.gather [hbm4b:s4+s30], $0x10, s3, s30, $0xb8;
	[tilespmem:$0x1F400] =	vst v63  }
0x67: {  	_ =	swait.ge [sflag:s15], $0x2000  }
0x68: {  	[sflag:s15] =	ssyncset.done $0x0  }
0x69: {  	[sflag:s15] =	ssyncadd.s32 $0xFFFFE000  }
0x6a: {  	[spmem:s1] =	stream.indirect.scatter.add.f32 [tilespmem:s12], [sflag:$0x6], $0x10, s8, s30, $0xb8;
	[tilespmem:$0x1F400] =	vst v63  }
0x6b: {  	_ =	swait.ge [sflag:s16], $0x2000  }
0x6c: {  	s24 =	sadd.s32 s7, s26;
	[sflag:s16] =	ssyncset.done $0x0  }
0x6d: {  	s20 =	sadd.s32 s6, s26;
	[dreg:$0x19] =	wrdreg s24;
	[sflag:s16] =	ssyncadd.s32 $0xFFFFE000  }
0x6e: {  	[tilespmem:s2], [sflag:$0x9] =	stream.linear.gather [hbm4b:s24+s3], $0x200, $0x38;
	[tilespmem:$0x1F400] =	vst v63  }
0x6f: {  	[dreg:$0x1a] =	wrdreg s20  }
0x70: {  	[tilespmem:s8], [sflag:$0x9] =	stream.linear.gather [hbm4b:s20+s3], $0x200, $0x38;
	[tilespmem:$0x1F400] =	vst v63  }
0x71: {  	_ =	swait.ge [sflag:s23], $0x200  }
0x72: {  	[sflag:s23] =	ssyncset.done $0x0  }
0x73: {  	[sflag:s23] =	ssyncadd.s32 $0xFFFFFE00  }
0x74: {  	_ =	swait.ge [sflag:s23], $0x200  }
0x75: {  	[sflag:s23] =	ssyncset.done $0x0  }
0x76: {  	[sflag:s23] =	ssyncadd.s32 $0xFFFFFE00  }
0x77: {  	[tilespmem:s17], [sflag:$0x2] =	stream.indirect.gather [hbm4b:s4+s30], $0x10, s31, s30, $0xb8;
	[tilespmem:$0x1F400] =	vst v63  }
0x78: {  	_ =	swait.ge [sflag:s9], $0x2000  }
0x79: {  	[sflag:s9] =	ssyncset.done $0x0  }
0x7a: {  	[sflag:s9] =	ssyncadd.s32 $0xFFFFE000  }
0x7b: {  	[spmem:s1] =	stream.indirect.scatter.add.f32 [tilespmem:s22], [sflag:$0x4], $0x10, s30, s30, $0xb8;
	[tilespmem:$0x1F400] =	vst v63  }
0x7c: {  	_ =	swait.ge [sflag:s10], $0x2000  }
0x7d: {  	[sflag:s10] =	ssyncset.done $0x0  }
0x7e: {  	s24 =	sadd.s32 s7, s25;
	[sflag:s10] =	ssyncadd.s32 $0xFFFFE000  }
0x7f: {  	[tilespmem:s3], [sflag:$0x7] =	stream.linear.gather [hbm4b:s24+s3], $0x200, $0x38;
	[tilespmem:$0x1F400] =	vst v63  }
0x80: {  	s20 =	sadd.s32 s6, s25;
	[dreg:$0x1b] =	wrdreg s24  }
0x81: {  	[tilespmem:s30], [sflag:$0x7] =	stream.linear.gather [hbm4b:s20+s3], $0x200, $0x38;
	[tilespmem:$0x1F400] =	vst v63  }
0x82: {  	_ =	swait.ge [sflag:s11], $0x200  }
0x83: {  	[sflag:s11] =	ssyncset.done $0x0  }
0x84: {  	[sflag:s11] =	ssyncadd.s32 $0xFFFFFE00  }
0x85: {  	_ =	swait.ge [sflag:s11], $0x200  }
0x86: {  	[sflag:s11] =	ssyncset.done $0x0  }
0x87: {  	[sflag:s11] =	ssyncadd.s32 $0xFFFFFE00  }
0x88: {  	[tilespmem:s12], [sflag:$0x3] =	stream.indirect.gather [hbm4b:s4+s30], $0x10, s2, s30, $0xb8;
	[tilespmem:$0x1F400] =	vst v63  }
0x89: {  	_ =	swait.ge [sflag:s13], $0x2000  }
0x8a: {  	s7 =	sadd.s32 $0xC0, s7;
	[sflag:s13] =	ssyncset.done $0x0  }
0x8b: {  	s6 =	sadd.s32 $0xC0, s6;
	s24 =	simm.s32 $0x1E;
	[sflag:s13] =	ssyncadd.s32 $0xFFFFE000  }
.LBB2_2:
0x8c: {  	[spmem:s1] =	stream.indirect.scatter.add.f32 [tilespmem:s17], [sflag:$0x5], $0x10, s0, s30, $0xb8;
	[tilespmem:$0x1F400] =	vst v63  }
0x8d: {  	p0 =	sne.s32 s24, $0x1;
	s24 =	sadd.s32 $0xFFFFFFFF, s24;
	_ =	swait.ge [sflag:s14], $0x2000  }
0x8e: {  	[sflag:s14] =	ssyncset.done $0x0  }
0x8f: {  	s19 =	sadd.s32 s7, s28;
	[sflag:s14] =	ssyncadd.s32 $0xFFFFE000  }
0x90: {  	[tilespmem:s31], [sflag:$0x8] =	stream.linear.gather [hbm4b:s19+s3], $0x200, $0x38;
	[tilespmem:$0x1F400] =	vst v63  }
0x91: {  	s19 =	sadd.s32 s6, s28  }
0x92: {  	[tilespmem:s0], [sflag:$0x8] =	stream.linear.gather [hbm4b:s19+s3], $0x200, $0x38;
	[tilespmem:$0x1F400] =	vst v63  }
0x93: {  	_ =	swait.ge [sflag:s21], $0x200  }
0x94: {  	[sflag:s21] =	ssyncset.done $0x0  }
0x95: {  	[sflag:s21] =	ssyncadd.s32 $0xFFFFFE00  }
0x96: {  	_ =	swait.ge [sflag:s21], $0x200  }
0x97: {  	[sflag:s21] =	ssyncset.done $0x0  }
0x98: {  	[sflag:s21] =	ssyncadd.s32 $0xFFFFFE00  }
0x99: {  	[tilespmem:s22], [sflag:$0x1] =	stream.indirect.gather [hbm4b:s4+s30], $0x10, s3, s30, $0xb8;
	[tilespmem:$0x1F400] =	vst v63  }
0x9a: {  	_ =	swait.ge [sflag:s15], $0x2000  }
0x9b: {  	[sflag:s15] =	ssyncset.done $0x0  }
0x9c: {  	[sflag:s15] =	ssyncadd.s32 $0xFFFFE000  }
0x9d: {  	[spmem:s1] =	stream.indirect.scatter.add.f32 [tilespmem:s12], [sflag:$0x6], $0x10, s8, s30, $0xb8;
	[tilespmem:$0x1F400] =	vst v63  }
0x9e: {  	_ =	swait.ge [sflag:s16], $0x2000  }
0x9f: {  	[sflag:s16] =	ssyncset.done $0x0  }
0xa0: {  	s19 =	sadd.s32 s7, s26;
	[sflag:s16] =	ssyncadd.s32 $0xFFFFE000  }
0xa1: {  	[tilespmem:s2], [sflag:$0x9] =	stream.linear.gather [hbm4b:s19+s3], $0x200, $0x38;
	[tilespmem:$0x1F400] =	vst v63  }
0xa2: {  	s19 =	sadd.s32 s6, s26  }
0xa3: {  	[tilespmem:s8], [sflag:$0x9] =	stream.linear.gather [hbm4b:s19+s3], $0x200, $0x38;
	[tilespmem:$0x1F400] =	vst v63  }
0xa4: {  	_ =	swait.ge [sflag:s23], $0x200  }
0xa5: {  	[sflag:s23] =	ssyncset.done $0x0  }
0xa6: {  	[sflag:s23] =	ssyncadd.s32 $0xFFFFFE00  }
0xa7: {  	_ =	swait.ge [sflag:s23], $0x200  }
0xa8: {  	[sflag:s23] =	ssyncset.done $0x0  }
0xa9: {  	[sflag:s23] =	ssyncadd.s32 $0xFFFFFE00  }
0xaa: {  	[tilespmem:s17], [sflag:$0x2] =	stream.indirect.gather [hbm4b:s4+s30], $0x10, s31, s30, $0xb8;
	[tilespmem:$0x1F400] =	vst v63  }
0xab: {  	_ =	swait.ge [sflag:s9], $0x2000  }
0xac: {  	[sflag:s9] =	ssyncset.done $0x0  }
0xad: {  	[sflag:s9] =	ssyncadd.s32 $0xFFFFE000  }
0xae: {  	[spmem:s1] =	stream.indirect.scatter.add.f32 [tilespmem:s22], [sflag:$0x4], $0x10, s30, s30, $0xb8;
	[tilespmem:$0x1F400] =	vst v63  }
0xaf: {  	_ =	swait.ge [sflag:s10], $0x2000  }
0xb0: {  	[sflag:s10] =	ssyncset.done $0x0  }
0xb1: {  	s19 =	sadd.s32 s7, s25;
	[sflag:s10] =	ssyncadd.s32 $0xFFFFE000  }
0xb2: {  	[tilespmem:s3], [sflag:$0x7] =	stream.linear.gather [hbm4b:s19+s3], $0x200, $0x38;
	[tilespmem:$0x1F400] =	vst v63  }
0xb3: {  	s19 =	sadd.s32 s6, s25  }
0xb4: {  	[tilespmem:s30], [sflag:$0x7] =	stream.linear.gather [hbm4b:s19+s3], $0x200, $0x38;
	[tilespmem:$0x1F400] =	vst v63  }
0xb5: {  	_ =	swait.ge [sflag:s11], $0x200  }
0xb6: {  	[sflag:s11] =	ssyncset.done $0x0  }
0xb7: {  	[sflag:s11] =	ssyncadd.s32 $0xFFFFFE00  }
0xb8: {  	_ =	swait.ge [sflag:s11], $0x200  }
0xb9: {  	[sflag:s11] =	ssyncset.done $0x0  }
.Ltmp0:
0xba: {  	[sflag:s11] =	ssyncadd.s32 $0xFFFFFE00;
	(pc) =	sbr.rel @p0 .LBB2_2-.Ltmp0, $4  }
0xbb: {  	[tilespmem:s12], [sflag:$0x3] =	stream.indirect.gather [hbm4b:s4+s30], $0x10, s2, s30, $0xb8;
	[tilespmem:$0x1F400] =	vst v63  }
0xbc: {  	_ =	swait.ge [sflag:s13], $0x2000  }
0xbd: {  	[sflag:s13] =	ssyncset.done $0x0  }
0xbe: {  	s7 =	sadd.s32 $0xC0, s7;
	s6 =	sadd.s32 $0xC0, s6;
	[sflag:s13] =	ssyncadd.s32 $0xFFFFE000  }
0xbf: {  	[spmem:s1] =	stream.indirect.scatter.add.f32 [tilespmem:s17], [sflag:$0x5], $0x10, s0, s30, $0xb8;
	[tilespmem:$0x1F400] =	vst v63  }
0xc0: {  	_ =	swait.ge [sflag:s14], $0x2000  }
0xc1: {  	[sflag:s14] =	ssyncset.done $0x0  }
0xc2: {  	s6 =	rddreg [dreg:$0x10];
	[sflag:s14] =	ssyncadd.s32 $0xFFFFE000  }
0xc3: {  	[tilespmem:s31], [sflag:$0x8] =	stream.linear.gather [hbm4b:s6+s3], $0x200, $0x38;
	[tilespmem:$0x1F400] =	vst v63  }
0xc4: {  	s19 =	rddreg [dreg:$0x11]  }
0xc5: {  	[tilespmem:s0], [sflag:$0x8] =	stream.linear.gather [hbm4b:s19+s3], $0x200, $0x38;
	[tilespmem:$0x1F400] =	vst v63  }
0xc6: {  	_ =	swait.ge [sflag:s21], $0x200  }
0xc7: {  	[sflag:s21] =	ssyncset.done $0x0  }
0xc8: {  	[sflag:s21] =	ssyncadd.s32 $0xFFFFFE00  }
0xc9: {  	_ =	swait.ge [sflag:s21], $0x200  }
0xca: {  	[sflag:s21] =	ssyncset.done $0x0  }
0xcb: {  	[sflag:s21] =	ssyncadd.s32 $0xFFFFFE00  }
0xcc: {  	[tilespmem:s22], [sflag:$0x1] =	stream.indirect.gather [hbm4b:s4+s30], $0x10, s3, s30, $0xb8;
	[tilespmem:$0x1F400] =	vst v63  }
0xcd: {  	_ =	swait.ge [sflag:s15], $0x2000  }
0xce: {  	[sflag:s15] =	ssyncset.done $0x0  }
0xcf: {  	[sflag:s15] =	ssyncadd.s32 $0xFFFFE000  }
0xd0: {  	[spmem:s1] =	stream.indirect.scatter.add.f32 [tilespmem:s12], [sflag:$0x6], $0x10, s8, s30, $0xb8;
	[tilespmem:$0x1F400] =	vst v63  }
0xd1: {  	_ =	swait.ge [sflag:s23], $0x200  }
0xd2: {  	[sflag:s23] =	ssyncset.done $0x0  }
0xd3: {  	[sflag:s23] =	ssyncadd.s32 $0xFFFFFE00  }
0xd4: {  	_ =	swait.ge [sflag:s23], $0x200  }
0xd5: {  	[sflag:s23] =	ssyncset.done $0x0  }
0xd6: {  	[sflag:s23] =	ssyncadd.s32 $0xFFFFFE00  }
0xd7: {  	[tilespmem:s17], [sflag:$0x2] =	stream.indirect.gather [hbm4b:s4+s30], $0x10, s31, s30, $0xb8;
	[tilespmem:$0x1F400] =	vst v63  }
0xd8: {  	_ =	swait.ge [sflag:s9], $0x2000  }
0xd9: {  	[sflag:s9] =	ssyncset.done $0x0  }
0xda: {  	[sflag:s9] =	ssyncadd.s32 $0xFFFFE000  }
0xdb: {  	[spmem:s1] =	stream.indirect.scatter.add.f32 [tilespmem:s22], [sflag:$0x4], $0x10, s30, s30, $0xb8;
	[tilespmem:$0x1F400] =	vst v63  }
0xdc: {  	_ =	swait.ge [sflag:s13], $0x2000  }
0xdd: {  	[sflag:s13] =	ssyncset.done $0x0  }
0xde: {  	[sflag:s13] =	ssyncadd.s32 $0xFFFFE000  }
0xdf: {  	[spmem:s1] =	stream.indirect.scatter.add.f32 [tilespmem:s17], [sflag:$0x5], $0x10, s0, s30, $0xb8;
	[tilespmem:$0x1F400] =	vst v63  }
0xe0: {  	_ =	swait.ge [sflag:s16], $0x2000  }
0xe1: {  	[sflag:s16] =	ssyncset.done $0x0  }
0xe2: {  	[sflag:s16] =	ssyncadd.s32 $0xFFFFE000  }
0xe3: {  	_ =	swait.ge [sflag:s10], $0x2000  }
0xe4: {  	[sflag:s10] =	ssyncset.done $0x0  }
0xe5: {  	[sflag:s10] =	ssyncadd.s32 $0xFFFFE000  }
0xe6: {  	_ =	swait.ge [sflag:s14], $0x2000  }
0xe7: {  	[sflag:s14] =	ssyncset.done $0x0  }
0xe8: {  	[sflag:s14] =	ssyncadd.s32 $0xFFFFE000  }
0xe9: {  	[bflag:$0x0] =	sbarrier.arrive $0xFFFF  }
0xea: {  	s24 =	rddreg [dreg:$0x12]  }
0xeb: {  	s7 =	rddreg [dreg:$0x15]  }
0xec: {  	s19 =	rddreg [dreg:$0x16]  }
0xed: {  	[hbm:s24], [sflag:s7] =	dma.local [spmem:s19], $0x3100  }
0xee: {  	_ =	swait.ge [sflag:s29], $0x3100  }
0xef: {  	[sflag:s29] =	ssyncset.done $0x0  }
0xf0: {  	[sflag:s29] =	ssyncadd.s32 $0xFFFFCF00  }
0xf1: {  	[bflag:$0x0] =	sbarrier.arrive $0xFFFF  }
0xf2: {  	s24 =	rddreg [dreg:$0x6]  }
0xf3: {  	[spmem:s19], [sflag:s7] =	dma.local [hbm:s24], $0x3100  }
0xf4: {  	_ =	swait.ge [sflag:s29], $0x3100  }
0xf5: {  	[sflag:s29] =	ssyncset.done $0x0  }
0xf6: {  	[sflag:s29] =	ssyncadd.s32 $0xFFFFCF00  }
0xf7: {  	[bflag:$0x0] =	sbarrier.arrive $0xFFFF  }
0xf8: {  	s24 =	rddreg [dreg:$0x7]  }
0xf9: {  	[tilespmem:s3], [sflag:$0x7] =	stream.linear.gather [hbm4b:s24+s3], $0x200, $0x38;
	[tilespmem:$0x1F400] =	vst v63  }
0xfa: {  	s19 =	rddreg [dreg:$0x8]  }
0xfb: {  	[tilespmem:s30], [sflag:$0x7] =	stream.linear.gather [hbm4b:s19+s3], $0x200, $0x38;
	[tilespmem:$0x1F400] =	vst v63  }
0xfc: {  	s7 =	rddreg [dreg:$0x9]  }
0xfd: {  	[tilespmem:s31], [sflag:$0x8] =	stream.linear.gather [hbm4b:s7+s3], $0x200, $0x38;
	[tilespmem:$0x1F400] =	vst v63  }
0xfe: {  	s19 =	rddreg [dreg:$0xa]  }
0xff: {  	[tilespmem:s0], [sflag:$0x8] =	stream.linear.gather [hbm4b:s19+s3], $0x200, $0x38;
	[tilespmem:$0x1F400] =	vst v63  }
0x100: {  	s7 =	rddreg [dreg:$0xb]  }
0x101: {  	[tilespmem:s2], [sflag:$0x9] =	stream.linear.gather [hbm4b:s7+s3], $0x200, $0x38;
	[tilespmem:$0x1F400] =	vst v63  }
0x102: {  	s19 =	rddreg [dreg:$0xc]  }
0x103: {  	[tilespmem:s8], [sflag:$0x9] =	stream.linear.gather [hbm4b:s19+s3], $0x200, $0x38;
	[tilespmem:$0x1F400] =	vst v63  }
0x104: {  	_ =	swait.ge [sflag:s21], $0x200  }
0x105: {  	[sflag:s21] =	ssyncset.done $0x0  }
0x106: {  	[sflag:s21] =	ssyncadd.s32 $0xFFFFFE00  }
0x107: {  	_ =	swait.ge [sflag:s21], $0x200  }
0x108: {  	[sflag:s21] =	ssyncset.done $0x0  }
0x109: {  	[sflag:s21] =	ssyncadd.s32 $0xFFFFFE00  }
0x10a: {  	[tilespmem:s22], [sflag:$0x1] =	stream.indirect.gather [hbm4b:s5+s30], $0x10, s3, s30, $0xb8;
	[tilespmem:$0x1F400] =	vst v63  }
0x10b: {  	_ =	swait.ge [sflag:s23], $0x200  }
0x10c: {  	[sflag:s23] =	ssyncset.done $0x0  }
0x10d: {  	[sflag:s23] =	ssyncadd.s32 $0xFFFFFE00  }
0x10e: {  	_ =	swait.ge [sflag:s23], $0x200  }
0x10f: {  	[sflag:s23] =	ssyncset.done $0x0  }
0x110: {  	[sflag:s23] =	ssyncadd.s32 $0xFFFFFE00  }
0x111: {  	[tilespmem:s17], [sflag:$0x2] =	stream.indirect.gather [hbm4b:s5+s30], $0x10, s31, s30, $0xb8;
	[tilespmem:$0x1F400] =	vst v63  }
0x112: {  	_ =	swait.ge [sflag:s9], $0x2000  }
0x113: {  	[sflag:s9] =	ssyncset.done $0x0  }
0x114: {  	[sflag:s9] =	ssyncadd.s32 $0xFFFFE000  }
0x115: {  	[spmem:s1] =	stream.indirect.scatter.add.f32 [tilespmem:s22], [sflag:$0x4], $0x10, s30, s30, $0xb8;
	[tilespmem:$0x1F400] =	vst v63  }
0x116: {  	_ =	swait.ge [sflag:s10], $0x2000  }
0x117: {  	[sflag:s10] =	ssyncset.done $0x0  }
0x118: {  	s7 =	rddreg [dreg:$0xd];
	[sflag:s10] =	ssyncadd.s32 $0xFFFFE000  }
0x119: {  	[tilespmem:s3], [sflag:$0x7] =	stream.linear.gather [hbm4b:s7+s3], $0x200, $0x38;
	[tilespmem:$0x1F400] =	vst v63  }
0x11a: {  	s19 =	rddreg [dreg:$0xf]  }
0x11b: {  	[tilespmem:s30], [sflag:$0x7] =	stream.linear.gather [hbm4b:s19+s3], $0x200, $0x38;
	[tilespmem:$0x1F400] =	vst v63  }
0x11c: {  	_ =	swait.ge [sflag:s11], $0x200  }
0x11d: {  	[sflag:s11] =	ssyncset.done $0x0  }
0x11e: {  	[sflag:s11] =	ssyncadd.s32 $0xFFFFFE00  }
0x11f: {  	_ =	swait.ge [sflag:s11], $0x200  }
0x120: {  	[sflag:s11] =	ssyncset.done $0x0  }
0x121: {  	[sflag:s11] =	ssyncadd.s32 $0xFFFFFE00  }
0x122: {  	[tilespmem:s12], [sflag:$0x3] =	stream.indirect.gather [hbm4b:s5+s30], $0x10, s2, s30, $0xb8;
	[tilespmem:$0x1F400] =	vst v63  }
0x123: {  	_ =	swait.ge [sflag:s13], $0x2000  }
0x124: {  	[sflag:s13] =	ssyncset.done $0x0  }
0x125: {  	[sflag:s13] =	ssyncadd.s32 $0xFFFFE000  }
0x126: {  	[spmem:s1] =	stream.indirect.scatter.add.f32 [tilespmem:s17], [sflag:$0x5], $0x10, s0, s30, $0xb8;
	[tilespmem:$0x1F400] =	vst v63  }
0x127: {  	_ =	swait.ge [sflag:s14], $0x2000  }
0x128: {  	[sflag:s14] =	ssyncset.done $0x0  }
0x129: {  	s7 =	rddreg [dreg:$0x17];
	[sflag:s14] =	ssyncadd.s32 $0xFFFFE000  }
0x12a: {  	[tilespmem:s31], [sflag:$0x8] =	stream.linear.gather [hbm4b:s7+s3], $0x200, $0x38;
	[tilespmem:$0x1F400] =	vst v63  }
0x12b: {  	s19 =	rddreg [dreg:$0x18]  }
0x12c: {  	[tilespmem:s0], [sflag:$0x8] =	stream.linear.gather [hbm4b:s19+s3], $0x200, $0x38;
	[tilespmem:$0x1F400] =	vst v63  }
0x12d: {  	_ =	swait.ge [sflag:s21], $0x200  }
0x12e: {  	[sflag:s21] =	ssyncset.done $0x0  }
0x12f: {  	[sflag:s21] =	ssyncadd.s32 $0xFFFFFE00  }
0x130: {  	_ =	swait.ge [sflag:s21], $0x200  }
0x131: {  	[sflag:s21] =	ssyncset.done $0x0  }
0x132: {  	[sflag:s21] =	ssyncadd.s32 $0xFFFFFE00  }
0x133: {  	[tilespmem:s22], [sflag:$0x1] =	stream.indirect.gather [hbm4b:s5+s30], $0x10, s3, s30, $0xb8;
	[tilespmem:$0x1F400] =	vst v63  }
0x134: {  	_ =	swait.ge [sflag:s15], $0x2000  }
0x135: {  	[sflag:s15] =	ssyncset.done $0x0  }
0x136: {  	[sflag:s15] =	ssyncadd.s32 $0xFFFFE000  }
0x137: {  	[spmem:s1] =	stream.indirect.scatter.add.f32 [tilespmem:s12], [sflag:$0x6], $0x10, s8, s30, $0xb8;
	[tilespmem:$0x1F400] =	vst v63  }
0x138: {  	_ =	swait.ge [sflag:s16], $0x2000  }
0x139: {  	[sflag:s16] =	ssyncset.done $0x0  }
0x13a: {  	s7 =	rddreg [dreg:$0x19];
	[sflag:s16] =	ssyncadd.s32 $0xFFFFE000  }
0x13b: {  	[tilespmem:s2], [sflag:$0x9] =	stream.linear.gather [hbm4b:s7+s3], $0x200, $0x38;
	[tilespmem:$0x1F400] =	vst v63  }
0x13c: {  	s19 =	rddreg [dreg:$0x1a]  }
0x13d: {  	[tilespmem:s8], [sflag:$0x9] =	stream.linear.gather [hbm4b:s19+s3], $0x200, $0x38;
	[tilespmem:$0x1F400] =	vst v63  }
0x13e: {  	_ =	swait.ge [sflag:s23], $0x200  }
0x13f: {  	[sflag:s23] =	ssyncset.done $0x0  }
0x140: {  	[sflag:s23] =	ssyncadd.s32 $0xFFFFFE00  }
0x141: {  	_ =	swait.ge [sflag:s23], $0x200  }
0x142: {  	[sflag:s23] =	ssyncset.done $0x0  }
0x143: {  	[sflag:s23] =	ssyncadd.s32 $0xFFFFFE00  }
0x144: {  	[tilespmem:s17], [sflag:$0x2] =	stream.indirect.gather [hbm4b:s5+s30], $0x10, s31, s30, $0xb8;
	[tilespmem:$0x1F400] =	vst v63  }
0x145: {  	_ =	swait.ge [sflag:s9], $0x2000  }
0x146: {  	[sflag:s9] =	ssyncset.done $0x0  }
0x147: {  	[sflag:s9] =	ssyncadd.s32 $0xFFFFE000  }
0x148: {  	[spmem:s1] =	stream.indirect.scatter.add.f32 [tilespmem:s22], [sflag:$0x4], $0x10, s30, s30, $0xb8;
	[tilespmem:$0x1F400] =	vst v63  }
0x149: {  	_ =	swait.ge [sflag:s10], $0x2000  }
0x14a: {  	[sflag:s10] =	ssyncset.done $0x0  }
0x14b: {  	s7 =	rddreg [dreg:$0x1b];
	[sflag:s10] =	ssyncadd.s32 $0xFFFFE000  }
0x14c: {  	[tilespmem:s3], [sflag:$0x7] =	stream.linear.gather [hbm4b:s7+s3], $0x200, $0x38;
	[tilespmem:$0x1F400] =	vst v63  }
0x14d: {  	_ = 	snop  }
0x14e: {  	[tilespmem:s30], [sflag:$0x7] =	stream.linear.gather [hbm4b:s20+s3], $0x200, $0x38;
	[tilespmem:$0x1F400] =	vst v63  }
0x14f: {  	_ =	swait.ge [sflag:s11], $0x200  }
0x150: {  	[sflag:s11] =	ssyncset.done $0x0  }
0x151: {  	[sflag:s11] =	ssyncadd.s32 $0xFFFFFE00  }
0x152: {  	_ =	swait.ge [sflag:s11], $0x200  }
0x153: {  	[sflag:s11] =	ssyncset.done $0x0  }
0x154: {  	[sflag:s11] =	ssyncadd.s32 $0xFFFFFE00  }
0x155: {  	[tilespmem:s12], [sflag:$0x3] =	stream.indirect.gather [hbm4b:s5+s30], $0x10, s2, s30, $0xb8;
	[tilespmem:$0x1F400] =	vst v63  }
0x156: {  	_ =	swait.ge [sflag:s13], $0x2000  }
0x157: {  	s19 =	rddreg [dreg:$0x4]  }
0x158: {  	s6 =	simm.s32 $0x1E;
	[sflag:s13] =	ssyncset.done $0x0;
	s20 =	rddreg [dreg:$0x3]  }
0x159: {  	[sflag:s13] =	ssyncadd.s32 $0xFFFFE000;
	s7 =	sadd.s32 $0xC0, s19;
	s19 =	sadd.s32 $0xC0, s20  }
.LBB2_4:
0x15a: {  	[spmem:s1] =	stream.indirect.scatter.add.f32 [tilespmem:s17], [sflag:$0x5], $0x10, s0, s30, $0xb8;
	[tilespmem:$0x1F400] =	vst v63  }
0x15b: {  	p0 =	sne.s32 s6, $0x1;
	s6 =	sadd.s32 $0xFFFFFFFF, s6;
	_ =	swait.ge [sflag:s14], $0x2000  }
0x15c: {  	[sflag:s14] =	ssyncset.done $0x0  }
0x15d: {  	s20 =	sadd.s32 s19, s28;
	[sflag:s14] =	ssyncadd.s32 $0xFFFFE000  }
0x15e: {  	[tilespmem:s31], [sflag:$0x8] =	stream.linear.gather [hbm4b:s20+s3], $0x200, $0x38;
	[tilespmem:$0x1F400] =	vst v63  }
0x15f: {  	s20 =	sadd.s32 s7, s28  }
0x160: {  	[tilespmem:s0], [sflag:$0x8] =	stream.linear.gather [hbm4b:s20+s3], $0x200, $0x38;
	[tilespmem:$0x1F400] =	vst v63  }
0x161: {  	_ =	swait.ge [sflag:s21], $0x200  }
0x162: {  	[sflag:s21] =	ssyncset.done $0x0  }
0x163: {  	[sflag:s21] =	ssyncadd.s32 $0xFFFFFE00  }
0x164: {  	_ =	swait.ge [sflag:s21], $0x200  }
0x165: {  	[sflag:s21] =	ssyncset.done $0x0  }
0x166: {  	[sflag:s21] =	ssyncadd.s32 $0xFFFFFE00  }
0x167: {  	[tilespmem:s22], [sflag:$0x1] =	stream.indirect.gather [hbm4b:s5+s30], $0x10, s3, s30, $0xb8;
	[tilespmem:$0x1F400] =	vst v63  }
0x168: {  	_ =	swait.ge [sflag:s15], $0x2000  }
0x169: {  	[sflag:s15] =	ssyncset.done $0x0  }
0x16a: {  	[sflag:s15] =	ssyncadd.s32 $0xFFFFE000  }
0x16b: {  	[spmem:s1] =	stream.indirect.scatter.add.f32 [tilespmem:s12], [sflag:$0x6], $0x10, s8, s30, $0xb8;
	[tilespmem:$0x1F400] =	vst v63  }
0x16c: {  	_ =	swait.ge [sflag:s16], $0x2000  }
0x16d: {  	[sflag:s16] =	ssyncset.done $0x0  }
0x16e: {  	s20 =	sadd.s32 s19, s26;
	[sflag:s16] =	ssyncadd.s32 $0xFFFFE000  }
0x16f: {  	[tilespmem:s2], [sflag:$0x9] =	stream.linear.gather [hbm4b:s20+s3], $0x200, $0x38;
	[tilespmem:$0x1F400] =	vst v63  }
0x170: {  	s20 =	sadd.s32 s7, s26  }
0x171: {  	[tilespmem:s8], [sflag:$0x9] =	stream.linear.gather [hbm4b:s20+s3], $0x200, $0x38;
	[tilespmem:$0x1F400] =	vst v63  }
0x172: {  	_ =	swait.ge [sflag:s23], $0x200  }
0x173: {  	[sflag:s23] =	ssyncset.done $0x0  }
0x174: {  	[sflag:s23] =	ssyncadd.s32 $0xFFFFFE00  }
0x175: {  	_ =	swait.ge [sflag:s23], $0x200  }
0x176: {  	[sflag:s23] =	ssyncset.done $0x0  }
0x177: {  	[sflag:s23] =	ssyncadd.s32 $0xFFFFFE00  }
0x178: {  	[tilespmem:s17], [sflag:$0x2] =	stream.indirect.gather [hbm4b:s5+s30], $0x10, s31, s30, $0xb8;
	[tilespmem:$0x1F400] =	vst v63  }
0x179: {  	_ =	swait.ge [sflag:s9], $0x2000  }
0x17a: {  	[sflag:s9] =	ssyncset.done $0x0  }
0x17b: {  	[sflag:s9] =	ssyncadd.s32 $0xFFFFE000  }
0x17c: {  	[spmem:s1] =	stream.indirect.scatter.add.f32 [tilespmem:s22], [sflag:$0x4], $0x10, s30, s30, $0xb8;
	[tilespmem:$0x1F400] =	vst v63  }
0x17d: {  	_ =	swait.ge [sflag:s10], $0x2000  }
0x17e: {  	[sflag:s10] =	ssyncset.done $0x0  }
0x17f: {  	s20 =	sadd.s32 s19, s25;
	[sflag:s10] =	ssyncadd.s32 $0xFFFFE000  }
0x180: {  	[tilespmem:s3], [sflag:$0x7] =	stream.linear.gather [hbm4b:s20+s3], $0x200, $0x38;
	[tilespmem:$0x1F400] =	vst v63  }
0x181: {  	s20 =	sadd.s32 s7, s25  }
0x182: {  	[tilespmem:s30], [sflag:$0x7] =	stream.linear.gather [hbm4b:s20+s3], $0x200, $0x38;
	[tilespmem:$0x1F400] =	vst v63  }
0x183: {  	_ =	swait.ge [sflag:s11], $0x200  }
0x184: {  	[sflag:s11] =	ssyncset.done $0x0  }
0x185: {  	[sflag:s11] =	ssyncadd.s32 $0xFFFFFE00  }
0x186: {  	_ =	swait.ge [sflag:s11], $0x200  }
0x187: {  	[sflag:s11] =	ssyncset.done $0x0  }
.Ltmp1:
0x188: {  	[sflag:s11] =	ssyncadd.s32 $0xFFFFFE00;
	(pc) =	sbr.rel @p0 .LBB2_4-.Ltmp1, $4  }
0x189: {  	[tilespmem:s12], [sflag:$0x3] =	stream.indirect.gather [hbm4b:s5+s30], $0x10, s2, s30, $0xb8;
	[tilespmem:$0x1F400] =	vst v63  }
0x18a: {  	_ =	swait.ge [sflag:s13], $0x2000  }
0x18b: {  	[sflag:s13] =	ssyncset.done $0x0  }
0x18c: {  	s19 =	sadd.s32 $0xC0, s19;
	s7 =	sadd.s32 $0xC0, s7;
	[sflag:s13] =	ssyncadd.s32 $0xFFFFE000  }
0x18d: {  	[spmem:s1] =	stream.indirect.scatter.add.f32 [tilespmem:s17], [sflag:$0x5], $0x10, s0, s30, $0xb8;
	[tilespmem:$0x1F400] =	vst v63  }
0x18e: {  	_ =	swait.ge [sflag:s14], $0x2000  }
0x18f: {  	[sflag:s14] =	ssyncset.done $0x0  }
0x190: {  	s6 =	rddreg [dreg:$0x10];
	[sflag:s14] =	ssyncadd.s32 $0xFFFFE000  }
0x191: {  	[tilespmem:s31], [sflag:$0x8] =	stream.linear.gather [hbm4b:s6+s3], $0x200, $0x38;
	[tilespmem:$0x1F400] =	vst v63  }
0x192: {  	s19 =	rddreg [dreg:$0x11]  }
0x193: {  	[tilespmem:s0], [sflag:$0x8] =	stream.linear.gather [hbm4b:s19+s3], $0x200, $0x38;
	[tilespmem:$0x1F400] =	vst v63  }
0x194: {  	_ =	swait.ge [sflag:s21], $0x200  }
0x195: {  	[sflag:s21] =	ssyncset.done $0x0  }
0x196: {  	[sflag:s21] =	ssyncadd.s32 $0xFFFFFE00  }
0x197: {  	_ =	swait.ge [sflag:s21], $0x200  }
0x198: {  	[sflag:s21] =	ssyncset.done $0x0  }
0x199: {  	[sflag:s21] =	ssyncadd.s32 $0xFFFFFE00  }
0x19a: {  	[tilespmem:s22], [sflag:$0x1] =	stream.indirect.gather [hbm4b:s5+s30], $0x10, s3, s30, $0xb8;
	[tilespmem:$0x1F400] =	vst v63  }
0x19b: {  	_ =	swait.ge [sflag:s15], $0x2000  }
0x19c: {  	[sflag:s15] =	ssyncset.done $0x0  }
0x19d: {  	[sflag:s15] =	ssyncadd.s32 $0xFFFFE000  }
0x19e: {  	[spmem:s1] =	stream.indirect.scatter.add.f32 [tilespmem:s12], [sflag:$0x6], $0x10, s8, s30, $0xb8;
	[tilespmem:$0x1F400] =	vst v63  }
0x19f: {  	_ =	swait.ge [sflag:s23], $0x200  }
0x1a0: {  	[sflag:s23] =	ssyncset.done $0x0  }
0x1a1: {  	[sflag:s23] =	ssyncadd.s32 $0xFFFFFE00  }
0x1a2: {  	_ =	swait.ge [sflag:s23], $0x200  }
0x1a3: {  	[sflag:s23] =	ssyncset.done $0x0  }
0x1a4: {  	[sflag:s23] =	ssyncadd.s32 $0xFFFFFE00  }
0x1a5: {  	[tilespmem:s17], [sflag:$0x2] =	stream.indirect.gather [hbm4b:s5+s30], $0x10, s31, s30, $0xb8;
	[tilespmem:$0x1F400] =	vst v63  }
0x1a6: {  	_ =	swait.ge [sflag:s9], $0x2000  }
0x1a7: {  	[sflag:s9] =	ssyncset.done $0x0  }
0x1a8: {  	[sflag:s9] =	ssyncadd.s32 $0xFFFFE000  }
0x1a9: {  	[spmem:s1] =	stream.indirect.scatter.add.f32 [tilespmem:s22], [sflag:$0x4], $0x10, s30, s30, $0xb8;
	[tilespmem:$0x1F400] =	vst v63  }
0x1aa: {  	_ =	swait.ge [sflag:s13], $0x2000  }
0x1ab: {  	[sflag:s13] =	ssyncset.done $0x0  }
0x1ac: {  	[sflag:s13] =	ssyncadd.s32 $0xFFFFE000  }
0x1ad: {  	[spmem:s1] =	stream.indirect.scatter.add.f32 [tilespmem:s17], [sflag:$0x5], $0x10, s0, s30, $0xb8;
	[tilespmem:$0x1F400] =	vst v63  }
0x1ae: {  	_ =	swait.ge [sflag:s16], $0x2000  }
0x1af: {  	[sflag:s16] =	ssyncset.done $0x0  }
0x1b0: {  	[sflag:s16] =	ssyncadd.s32 $0xFFFFE000  }
0x1b1: {  	_ =	swait.ge [sflag:s10], $0x2000  }
0x1b2: {  	[sflag:s10] =	ssyncset.done $0x0  }
0x1b3: {  	[sflag:s10] =	ssyncadd.s32 $0xFFFFE000  }
0x1b4: {  	_ =	swait.ge [sflag:s14], $0x2000  }
0x1b5: {  	[sflag:s14] =	ssyncset.done $0x0  }
0x1b6: {  	[sflag:s14] =	ssyncadd.s32 $0xFFFFE000  }
0x1b7: {  	[bflag:$0x0] =	sbarrier.arrive $0xFFFF  }
0x1b8: {  	s20 =	rddreg [dreg:$0x13]  }
0x1b9: {  	s7 =	rddreg [dreg:$0x15]  }
0x1ba: {  	s19 =	rddreg [dreg:$0x16]  }
0x1bb: {  	[hbm:s20], [sflag:s7] =	dma.local [spmem:s19], $0x3100  }
0x1bc: {  	_ =	swait.ge [sflag:s29], $0x3100  }
0x1bd: {  	s18 =	sadd.s32 $0x1, s18;
	s20 =	rddreg [dreg:$0x14]  }
0x1be: {  	p0 =	sne.s32 s18, s20  }
.Ltmp2:
0x1bf: {  	_ = 	snop;
	(pc) =	sbr.rel @p0 .LBB2_1-.Ltmp2, $3  }
0x1c0: {  	_ =	sdelay $0x1  }
0x1c1: {  	[sflag:s29] =	ssyncset.done $0x0  }
0x1c2: {  	[sflag:s29] =	ssyncadd.s32 $0xFFFFCF00  }
0x1c3: {  	_ =	sfence.sel $0x180000  }
0x1c4: {  	[bflag:$0x0] =	sbarrier.arrive $0xFFFF  }
0x1c5: {  	_ =	strace $0x9000004A  }
0x1c6: {  	s0 =	stileid.u32;
	[bflag:$0x2] =	sbarrier.arrive $0xFFFF  }
0x1c7: {  	p0 =	sne.s32 s0, $0x0;
	s0 =	rddreg [dreg:$0x2]  }
0x1c8: {  	s0 =	sadd.s32 @!p0 $0x100000, s0  }
0x1c9: {  	[sflag:s0] =	ssyncadd.tile.s32 @!p0 $0x1;
	_ =	shalt  }
.Lfunc_end2:
_tile_overlayer_lowered:
.L_overlay_start_2:
0x1ca: {  	(tag) =	ssettag $0x2  }
0x1cb: {  	s0 =	rddreg [dreg:$0x0];
	s2 =	stileid.u32  }
0x1cc: {  	s1 =	rddreg [dreg:$0x1];
	p0 =	sne.s32 s2, $0x0  }
0x1cd: {  	s3 =	rddreg [dreg:$0x2];
	[bflag:$0x3] =	sbarrier.arrive $0xFFFF;
	s2 =	simm.s32 @!p0 $0x1C0A  }
0x1ce: {  	[timem:s3], [sflag:s2] =	dma.local @!p0 [hbm:s0], s1  }
0x1cf: {  	s0 =	simm.s32 @!p0 $0xA  }
0x1d0: {  	_ =	swait.ge @!p0 [sflag:s0], s1  }
0x1d1: {  	s1 =	ssub.s32 @!p0 $0x0, s1;
	[sflag:s0] =	ssyncset.done @!p0 $0x0  }
0x1d2: {  	[sflag:s0] =	ssyncadd.s32 @!p0 s1  }
0x1d3: {  	[bflag:$0x3] =	sbarrier.arrive $0xFFFF  }
0x1d4: {  	_ =	shalt  }

// kernel: kernel.16.cloned.1.call-start
scs
__scs_entry_jumppad:
0x0: {  	(pc) =	sbr.rel $0x88, $3  }
0x1: {  	(tag) =	ssettag $0x0;
	lr =	simm.s32 $0x1  }
0x2: {  	[smem:$0x3F96] =	sst lr;
	_ =	strace $0xD0000000  }
0x3: {  	_ = 	snop  }
0x4: {  	_ = 	snop  }
0x5: {  	_ = 	snop  }
0x6: {  	_ = 	snop  }
0x7: {  	_ = 	snop  }
__scs_overlays_trampoline_lowered:
0x8: {  	[smem:$0x3FA5] =	sst s0  }
0x9: {  	[smem:$0x3FA6] =	sst s1  }
0xa: {  	[smem:$0x3FA7] =	sst s2  }
0xb: {  	[smem:$0x3FA8] =	sst s3  }
0xc: {  	[smem:$0x3FA9] =	sst s4  }
0xd: {  	[smem:$0x3FAA] =	sst s5  }
0xe: {  	[smem:$0x3FAB] =	sst s6  }
0xf: {  	[smem:$0x3FAC] =	sst s7  }
0x10: {  	[smem:$0x3FAD] =	sst s8  }
0x11: {  	[smem:$0x3FAE] =	sst s9;
	s0 =	simm.s32 @!p0 $0x0  }
0x12: {  	s1 =	sld [smem:$0x3F94];
	s0 =	simm.s32 @p0 $0x1  }
0x13: {  	[smem:$0x3FAF] =	sst s0;
	s0 =	simm.s32 @!p1 $0x0  }
0x14: {  	s2 =	sld [smem:$0x3F93];
	s0 =	simm.s32 @p1 $0x1  }
0x15: {  	[smem:$0x3FB0] =	sst s0;
	s0 =	simm.s32 @!p2 $0x0  }
0x16: {  	s3 =	sld [smem:$0x3FDB];
	s0 =	simm.s32 @p2 $0x1  }
0x17: {  	s4 =	simm.s32 $0x1BF5;
	[smem:$0x3FB2] =	sst s0  }
0x18: {  	s0 =	sld [smem:$0x3F95];
	_ =	swait.ge [sflag:s4], $0x0  }
0x19: {  	s7 =	sld [smem:$0x3F96]  }
0x1a: {  	s8 =	sadd.s32 $0xFFFFE003, lr  }
0x1b: {  	s9 =	sadd.s32 $0xFFFFFEF7, lr;
	s5 =	simm.s32 $0xFFFFFFFF;
	p2 =	slt.u32 s8, $0xFFFFF086  }
0x1c: {  	p1 =	slt.u32 s9, $0xF7A;
	s5 =	simm.s32 @!p2 $0x0  }
0x1d: {  	s5 =	simm.s32 @p1 $0x1;
	p0 =	seq.s32 s7, s2  }
0x1e: {  	s7 =	smul.u32 @!p0 $0xF7A, s2;
	p2 =	seq.s32 @!p0 s5, $0x0  }
0x1f: {  	s9 =	smul.u32 $0xF7A, s1;
	s8 =	simm.s32 @!p0 $0x1BF5;
	p2 =	por !p2, p0  }
0x20: {  	[sflag:s8] =	ssyncset.s32 @!p0 $0xFFFFF086;
	s6 =	sadd.s32 @!p0 s3, s7;
	s7 =	simm.s32 @!p0 $0x108  }
0x21: {  	s3 =	sadd.s32 s3, s9;
	s6 =	sadd.s32 @!p0 $0x88, s6;
	s7 =	simm.s32 @p2 $0x1082  }
0x22: {  	[simem:s7], [sflag:s8] =	dma.local @!p0 [hbm:s6], $0xF7A  }
0x23: {  	s9 =	sor.u32 $0xD0000000, s2;
	s6 =	simm.s32 $0x108;
	_ =	swait.ge @!p0 [sflag:s8], $0x0  }
0x24: {  	s3 =	sadd.s32 $0x88, s3;
	s6 =	simm.s32 @!p1 $0x1082;
	[sflag:s4] =	ssyncset.s32 $0xFFFFF086  }
0x25: {  	[simem:s6], [sflag:s4] =	dma.local [hbm:s3], $0xF7A  }
0x26: {  	[smem:$0x3F96] =	sst s1;
	(tag) =	ssettag s2;
	_ =	strace s9  }
0x27: {  	s1 =	sld [smem:$0x3FA6]  }
0x28: {  	s2 =	sld [smem:$0x3FA7]  }
0x29: {  	s4 =	sld [smem:$0x3FA9]  }
0x2a: {  	p0 =	seq.s32 s5, $0x0;
	s5 =	sld [smem:$0x3FAA]  }
0x2b: {  	s6 =	sld [smem:$0x3FAB]  }
0x2c: {  	s7 =	sld [smem:$0x3FAC]  }
0x2d: {  	s3 =	simm.s32 $0x108;
	s8 =	sld [smem:$0x3FAD]  }
0x2e: {  	s3 =	simm.s32 @!p0 $0x1082;
	s9 =	sld [smem:$0x3FAE]  }
0x2f: {  	lr =	sadd.s32 s0, s3;
	s0 =	sld [smem:$0x3FA5]  }
0x30: {  	s3 =	sld [smem:$0x3FA8]  }
0x31: {  	[smem:$0x3FB1] =	sst s10  }
0x32: {  	s10 =	sld [smem:$0x3FAF];
	_ =	sdelay $0x3  }
0x33: {  	p0 =	seq.s32 s10, $0x1;
	s10 =	sld [smem:$0x3FB1];
	_ =	sdelay $0x3  }
0x34: {  	[smem:$0x3FB1] =	sst s10  }
0x35: {  	s10 =	sld [smem:$0x3FB0];
	_ =	sdelay $0x3  }
0x36: {  	p1 =	seq.s32 s10, $0x1;
	s10 =	sld [smem:$0x3FB1];
	_ =	sdelay $0x3  }
0x37: {  	[smem:$0x3FB1] =	sst s10  }
0x38: {  	s10 =	sld [smem:$0x3FB2]  }
0x39: {  	_ = 	snop;
	(pc) =	sbr.ind lr, $3  }
0x3a: {  	_ = 	snop  }
0x3b: {  	_ = 	snop  }
0x3c: {  	p2 =	seq.s32 s10, $0x1;
	s10 =	sld [smem:$0x3FB1]  }
0x3d: {  	_ =	shalt  }
0x3e: {  	_ =	shalt  }
0x3f: {  	_ =	shalt  }
0x40: {  	_ =	shalt  }
0x41: {  	_ =	shalt  }
0x42: {  	_ =	shalt  }
0x43: {  	_ =	shalt  }
0x44: {  	_ =	shalt  }
0x45: {  	_ =	shalt  }
0x46: {  	_ =	shalt  }
0x47: {  	_ =	shalt  }
0x48: {  	_ =	shalt  }
0x49: {  	_ =	shalt  }
0x4a: {  	_ =	shalt  }
0x4b: {  	_ =	shalt  }
0x4c: {  	_ =	shalt  }
0x4d: {  	_ =	shalt  }
0x4e: {  	_ =	shalt  }
0x4f: {  	_ =	shalt  }
0x50: {  	_ =	shalt  }
0x51: {  	_ =	shalt  }
0x52: {  	_ =	shalt  }
0x53: {  	_ =	shalt  }
0x54: {  	_ =	shalt  }
0x55: {  	_ =	shalt  }
0x56: {  	_ =	shalt  }
0x57: {  	_ =	shalt  }
0x58: {  	_ =	shalt  }
0x59: {  	_ =	shalt  }
0x5a: {  	_ =	shalt  }
0x5b: {  	_ =	shalt  }
0x5c: {  	_ =	shalt  }
0x5d: {  	_ =	shalt  }
0x5e: {  	_ =	shalt  }
0x5f: {  	_ =	shalt  }
0x60: {  	_ =	shalt  }
0x61: {  	_ =	shalt  }
0x62: {  	_ =	shalt  }
0x63: {  	_ =	shalt  }
0x64: {  	_ =	shalt  }
0x65: {  	_ =	shalt  }
0x66: {  	_ =	shalt  }
0x67: {  	_ =	shalt  }
0x68: {  	_ =	shalt  }
0x69: {  	_ =	shalt  }
0x6a: {  	_ =	shalt  }
0x6b: {  	_ =	shalt  }
0x6c: {  	_ =	shalt  }
0x6d: {  	_ =	shalt  }
0x6e: {  	_ =	shalt  }
0x6f: {  	_ =	shalt  }
0x70: {  	_ =	shalt  }
0x71: {  	_ =	shalt  }
0x72: {  	_ =	shalt  }
0x73: {  	_ =	shalt  }
0x74: {  	_ =	shalt  }
0x75: {  	_ =	shalt  }
0x76: {  	_ =	shalt  }
0x77: {  	_ =	shalt  }
0x78: {  	_ =	shalt  }
0x79: {  	_ =	shalt  }
0x7a: {  	_ =	shalt  }
0x7b: {  	_ =	shalt  }
0x7c: {  	_ =	shalt  }
0x7d: {  	_ =	shalt  }
0x7e: {  	_ =	shalt  }
0x7f: {  	_ =	shalt  }
0x80: {  	_ =	shalt  }
0x81: {  	_ =	shalt  }
0x82: {  	_ =	shalt  }
0x83: {  	_ =	shalt  }
0x84: {  	_ =	shalt  }
0x85: {  	_ =	shalt  }
0x86: {  	_ =	shalt  }
0x87: {  	_ =	shalt  }
.Lfunc_end0:
.L_simem_size_0:
called_computation.2_lowered:
.L_overlay_start_0:
0x88: {  	s2 =	sld [smem:$0x3FD9]  }
0x89: {  	s3 =	sld [smem:$0x3FFE];
	_ =	sdelay $0x1  }
0x8a: {  	s1 =	srdreg.scid  }
0x8b: {  	s0 =	sand.u32 $0x1, s1  }
0x8c: {  	s16 =	sshll.u32 s0, $0xA;
	s2 =	sadd.s32 s3, s2  }
0x8d: {  	s2 =	sadd.s32 s2, s16  }
0x8e: {  	[smem:$0x3FBD] =	sst s2  }
0x8f: {  	_ = 	snop  }
0x90: {  	(tm) =	ssettm $0x1  }
0x91: {  	s17 =	sld [smem:$0x3FFB];
	_ =	sdelay $0x3  }
0x92: {  	_ =	strace s17  }
0x93: {  	s2 =	sld [smem:$0x3FFC];
	_ =	sdelay $0x3  }
0x94: {  	_ =	strace s2  }
0x95: {  	s2 =	sld [smem:$0x3FFD];
	_ =	sdelay $0x3  }
0x96: {  	_ =	strace s2  }
0x97: {  	_ =	strace $0x8FFFFFFF  }
0x98: {  	s18 =	sld [smem:$0x3FDB];
	_ =	sdelay $0x1  }
0x99: {  	s19 =	simm.s32 $_scs_section_size  }
0x9a: {  	s4 =	simm.s32 $_size__tile_overlayer_lowered;
	s5 =	simm.s32 $_tile_overlayer_lowered  }
0x9b: {  	s22 =	simm.s32 $0x1BFF;
	s21 =	sshll.u32 s5, $0x1;
	s2 =	sadd.s32 s19, s18  }
0x9c: {  	s6 =	simm.s32 $0x0;
	s20 =	sshll.u32 s4, $0x1;
	s4 =	sadd.s32 s21, s2  }
0x9d: {  	[timem:s6], [sflag:s22] =	dma.local [hbm:s4], s20  }
0x9e: {  	_ =	swait.ge [sflag:s22], s20  }
0x9f: {  	s3 =	ssub.s32 $0x0, s20;
	[sflag:s22] =	ssyncset.done $0x0  }
0xa0: {  	[sflag:s22] =	ssyncadd.s32 s3;
	_ =	sdelay $0x1  }
0xa1: {  	s23 =	simm.s32 $0x1B8B  }
0xa2: {  	_ =	swait.ge [sflag:s23], $0x1  }
0xa3: {  	[sflag:s23] =	ssyncset.done $0x0  }
0xa4: {  	s25 =	simm.s32 $0x1B8E;
	s24 =	sld [smem:$0x3FFE];
	[sflag:s23] =	ssyncadd.s32 $0xFFFFFFFF  }
0xa5: {  	s26 =	simm.s32 $execute0_lowered;
	[smem:$0x3FD2] =	sst s25  }
0xa6: {  	s4 =	sshll.u32 s26, $0x1;
	_ =	strace $0x8000004C;
	[dreg:$0x1] =	wrdreg $0xFFFFFFFF  }
0xa7: {  	s28 =	simm.s32 $_size_execute0_lowered;
	s2 =	sadd.s32 s2, s4;
	[dreg:$0x0] =	wrdreg $0x0  }
0xa8: {  	s4 =	sshll.u32 s28, $0x1;
	[dreg:$0x2] =	wrdreg s2  }
0xa9: {  	[dreg:$0x3] =	wrdreg s4  }
0xaa: {  	[dreg:$0x4] =	wrdreg $0xC0  }
0xab: {  	_ =	task [dreg:s6], $0x5FFFF  }
0xac: {  	[dreg:$0x1] =	wrdreg $0xFFFFFFFF  }
0xad: {  	[dreg:$0x0] =	wrdreg $0x60  }
0xae: {  	[dreg:$0x2] =	wrdreg s24  }
0xaf: {  	[dreg:$0x3] =	wrdreg $0x6C000  }
0xb0: {  	[dreg:$0x4] =	wrdreg $0x9  }
0xb1: {  	_ =	task.clear_ibuf [dreg:s6], $0x5FFFF;
	_ =	strace $0x9000004C  }
0xb2: {  	s29 =	simm.s32 $0x9;
	_ =	strace $0x8000004E  }
0xb3: {  	_ =	swait.ge [sflag:s29], $0x1  }
0xb4: {  	[sflag:s29] =	ssyncadd.s32 $0xFFFFFFFF  }
0xb5: {  	_ =	strace $0x9000004E  }
0xb6: {  	_ =	sfence  }
0xb7: {  	s30 =	sld [smem:$0x0];
	_ =	sdelay $0x2  }
0xb8: {  	s31 =	sshll.u32 s1, $0xD;
	s1 =	sshrl.u32 s1, $0x2  }
0xb9: {  	s3 =	sand.u32 $0x4000, s31;
	s1 =	sadd.s32 s1, s30  }
0xba: {  	s0 =	sor.u32 s3, s0;
	s1 =	sshll.u32 s1, $0x11  }
0xbb: {  	s0 =	sor.u32 s1, s0  }
0xbc: {  	s0 =	sadd.s32 $0x8F2B, s0  }
0xbd: {  	[sflag:s0] =	ssyncadd.remote.s32 $0x1  }
0xbe: {  	_ =	sfence.sel $0xFFFF  }
0xbf: {  	[dreg:$0x0] =	wrdreg $0xFFFFFFFF;
	(pc) =	sbr.abs _section_cstart, $3  }
0xc0: {  	[dreg:$0x1] =	wrdreg $0xFFFFFFFF  }
0xc1: {  	_ =	task.clear_ibuf [dreg:s6], $0x2FFFF;
	_ =	strace $0x9FFFFFFF  }
0xc2: {  	(tm) =	ssettm $0x7FFFFFFF  }
0xc3: {  	_ =	shalt  }
tec
execute0_lowered:
.L_overlay_start_1:
0x0: {  	(tag) =	ssettag $0x1  }
0x1: {  	s0 =	rddreg [dreg:$0x0]  }
0x2: {  	s1 =	rddreg [dreg:$0x1];
	s3 =	simm.s32 $0x0  }
0x3: {  	s13 =	stileid.u32;
	s2 =	srdreg.scid;
	s29 =	simm.s32 $0xA  }
0x4: {  	s30 =	simm.s32 $0x200;
	s31 =	simm.s32 $0x400;
	[smem:$0x7FF] =	sst s3  }
0x5: {  	s4 =	sadd.s32 $0x3600, s0;
	s6 =	smul.u32 $0x18800, s13;
	s2 =	sand.u32 $0x1, s2  }
0x6: {  	s5 =	sadd.s32 $0x68A00, s0;
	s14 =	sadd.s32 $0x34600, s0;
	s15 =	sadd.s32 $0x1F0A00, s0  }
0x7: {  	s9 =	sshll.u32 s13, $0x1;
	_ =	strace $0x8000004D;
	s7 =	smul.u32 $0x188000, s2  }
0x8: {  	s10 =	ssub.s32 $0x2, s2;
	s9 =	sor.u32 s2, s9;
	[dreg:$0x3] =	wrdreg s14  }
0x9: {  	p0 =	seq.s32 s2, $0x0;
	s2 =	smul.u32 $0xC400, s2;
	[dreg:$0x4] =	wrdreg s15  }
0xa: {  	s8 =	sshrl.u32 s6, $0x3;
	s11 =	sshrl.u32 s10, $0x1;
	s9 =	smul.u32 $0xC400, s9  }
0xb: {  	s20 =	sadd.s32 s6, s1;
	s7 =	sadd.s32 s6, s7;
	s12 =	sadd.s32 s8, s0  }
0xc: {  	[dreg:$0x5] =	wrdreg s20;
	s7 =	sshrl.u32 s7, $0x3;
	s9 =	sshrl.u32 s9, $0x3  }
0xd: {  	s16 =	sadd.s32 $0x99A00, s12;
	s0 =	sadd.s32 s7, s0;
	s7 =	ssub.s32 s10, s11  }
0xe: {  	s10 =	sadd.s32 s4, s8;
	s21 =	sor.u32 $0x40, s9;
	s22 =	sadd.s32 s15, s9  }
0xf: {  	s24 =	sadd.s32 s14, s9;
	s25 =	sadd.s32 $0x80, s9;
	[dreg:$0x8] =	wrdreg s22  }
0x10: {  	s26 =	sadd.s32 $0xC0, s9;
	s23 =	sadd.s32 s14, s21;
	[dreg:$0x7] =	wrdreg s24  }
0x11: {  	s9 =	sadd.s32 $0x1840, s9;
	s11 =	sadd.s32 s15, s21;
	[dreg:$0x9] =	wrdreg s23  }
0x12: {  	s8 =	sadd.s32 s5, s8;
	s17 =	sadd.s32 s14, s25;
	[dreg:$0xa] =	wrdreg s11  }
0x13: {  	s18 =	sadd.s32 s14, s26;
	s12 =	sadd.s32 s15, s26;
	[dreg:$0xb] =	wrdreg s17  }
0x14: {  	s19 =	sadd.s32 s14, s9;
	s9 =	sadd.s32 s15, s9;
	[dreg:$0xd] =	wrdreg s18  }
0x15: {  	s20 =	sadd.s32 $0xCAA00, s0;
	s0 =	sadd.s32 $0x12CA00, s0;
	[dreg:$0xf] =	wrdreg s12  }
0x16: {  	s21 =	sadd.s32 s2, s6;
	s22 =	sshll.u32 s13, $0x6;
	[dreg:$0x10] =	wrdreg s19  }
0x17: {  	s2 =	simm.s32 $0x800;
	s13 =	simm.s32 $0x2;
	[dreg:$0x11] =	wrdreg s9  }
0x18: {  	s14 =	simm.s32 $0x5;
	s11 =	sadd.s32 s15, s25;
	[dreg:$0x12] =	wrdreg s20  }
0x19: {  	[dreg:$0x13] =	wrdreg s0;
	s23 =	smax.u32 s7, $0x1;
	s7 =	sor.u32 $0x1C0A, s22  }
0x1a: {  	s25 =	sadd.s32 $0xC00, s21;
	s26 =	sadd.s32 $0xA00, s21;
	s0 =	sadd.s32 $0x800, s21  }
0x1b: {  	s21 =	simm.s32 $0x7;
	s22 =	simm.s32 $0xC00;
	s17 =	simm.s32 $0x2C00  }
0x1c: {  	s9 =	simm.s32 $0x1;
	s12 =	simm.s32 $0x4C00;
	s15 =	simm.s32 $0x3  }
0x1d: {  	s18 =	simm.s32 $0x0;
	[dreg:$0xc] =	wrdreg s11;
	s11 =	smov.u32 s16  }
0x1e: {  	s16 =	smov.u32 @p0 s8;
	[dreg:$0x14] =	wrdreg s23;
	s25 =	sshrl.u32 s25, $0x3  }
0x1f: {  	s26 =	sshrl.u32 s26, $0x3;
	s28 =	sshrl.u32 s0, $0x3;
	s0 =	simm.s32 $0x600  }
0x20: {  	s8 =	simm.s32 $0xA00;
	s23 =	simm.s32 $0x8;
	[dreg:$0x15] =	wrdreg s7  }
0x21: {  	s11 =	smov.u32 @p0 s10;
	[dreg:$0x6] =	wrdreg s16;
	s10 =	simm.s32 $0x4  }
0x22: {  	s16 =	simm.s32 $0x6;
	[dreg:$0xe] =	wrdreg s11;
	s11 =	simm.s32 $0x9  }
.LBB2_1:
0x23: {  	s6 =	rddreg [dreg:$0x5]  }
0x24: {  	s20 =	rddreg [dreg:$0xe];
	s19 =	sshrl.u32 s6, $0x3  }
0x25: {  	[dreg:$0x16] =	wrdreg s19  }
0x26: {  	[spmem:s19], [sflag:s7] =	dma.local [hbm:s20], $0x3100  }
0x27: {  	_ =	swait.ge [sflag:s29], $0x3100  }
0x28: {  	[sflag:s29] =	ssyncset.done $0x0  }
0x29: {  	[sflag:s29] =	ssyncadd.s32 $0xFFFFCF00  }
0x2a: {  	[bflag:$0x0] =	sbarrier.arrive $0xFFFF  }
0x2b: {  	[tilespmem:s3], [sflag:$0x7] =	stream.linear.gather [hbm4b:s24+s3], $0x200, $0x38;
	[tilespmem:$0x1F400] =	vst v63  }
0x2c: {  	s20 =	rddreg [dreg:$0x8]  }
0x2d: {  	[tilespmem:s30], [sflag:$0x7] =	stream.linear.gather [hbm4b:s20+s3], $0x200, $0x38;
	[tilespmem:$0x1F400] =	vst v63  }
0x2e: {  	s24 =	rddreg [dreg:$0x9]  }
0x2f: {  	[tilespmem:s31], [sflag:$0x8] =	stream.linear.gather [hbm4b:s24+s3], $0x200, $0x38;
	[tilespmem:$0x1F400] =	vst v63  }
0x30: {  	s7 =	rddreg [dreg:$0xa]  }
0x31: {  	[tilespmem:s0], [sflag:$0x8] =	stream.linear.gather [hbm4b:s7+s3], $0x200, $0x38;
	[tilespmem:$0x1F400] =	vst v63  }
0x32: {  	s19 =	rddreg [dreg:$0xb]  }
0x33: {  	[tilespmem:s2], [sflag:$0x9] =	stream.linear.gather [hbm4b:s19+s3], $0x200, $0x38;
	[tilespmem:$0x1F400] =	vst v63  }
0x34: {  	s20 =	rddreg [dreg:$0xc]  }
0x35: {  	[tilespmem:s8], [sflag:$0x9] =	stream.linear.gather [hbm4b:s20+s3], $0x200, $0x38;
	[tilespmem:$0x1F400] =	vst v63  }
0x36: {  	_ =	swait.ge [sflag:s21], $0x200  }
0x37: {  	[sflag:s21] =	ssyncset.done $0x0  }
0x38: {  	[sflag:s21] =	ssyncadd.s32 $0xFFFFFE00  }
0x39: {  	_ =	swait.ge [sflag:s21], $0x200  }
0x3a: {  	[sflag:s21] =	ssyncset.done $0x0  }
0x3b: {  	[sflag:s21] =	ssyncadd.s32 $0xFFFFFE00  }
0x3c: {  	[tilespmem:s22], [sflag:$0x1] =	stream.indirect.gather [hbm4b:s4+s30], $0x10, s3, s30, $0xb8;
	[tilespmem:$0x1F400] =	vst v63  }
0x3d: {  	_ =	swait.ge [sflag:s23], $0x200  }
0x3e: {  	[sflag:s23] =	ssyncset.done $0x0  }
0x3f: {  	[sflag:s23] =	ssyncadd.s32 $0xFFFFFE00  }
0x40: {  	_ =	swait.ge [sflag:s23], $0x200  }
0x41: {  	[sflag:s23] =	ssyncset.done $0x0  }
0x42: {  	[sflag:s23] =	ssyncadd.s32 $0xFFFFFE00  }
0x43: {  	[tilespmem:s17], [sflag:$0x2] =	stream.indirect.gather [hbm4b:s4+s30], $0x10, s31, s30, $0xb8;
	[tilespmem:$0x1F400] =	vst v63  }
0x44: {  	_ =	swait.ge [sflag:s9], $0x2000  }
0x45: {  	[sflag:s9] =	ssyncset.done $0x0  }
0x46: {  	[sflag:s9] =	ssyncadd.s32 $0xFFFFE000  }
0x47: {  	[spmem:s1] =	stream.indirect.scatter.add.f32 [tilespmem:s22], [sflag:$0x4], $0x10, s30, s30, $0xb8;
	[tilespmem:$0x1F400] =	vst v63  }
0x48: {  	_ =	swait.ge [sflag:s10], $0x2000  }
0x49: {  	[sflag:s10] =	ssyncset.done $0x0  }
0x4a: {  	s24 =	rddreg [dreg:$0xd];
	[sflag:s10] =	ssyncadd.s32 $0xFFFFE000  }
0x4b: {  	[tilespmem:s3], [sflag:$0x7] =	stream.linear.gather [hbm4b:s24+s3], $0x200, $0x38;
	[tilespmem:$0x1F400] =	vst v63  }
0x4c: {  	s7 =	rddreg [dreg:$0xf]  }
0x4d: {  	[tilespmem:s30], [sflag:$0x7] =	stream.linear.gather [hbm4b:s7+s3], $0x200, $0x38;
	[tilespmem:$0x1F400] =	vst v63  }
0x4e: {  	_ =	swait.ge [sflag:s11], $0x200  }
0x4f: {  	[sflag:s11] =	ssyncset.done $0x0  }
0x50: {  	[sflag:s11] =	ssyncadd.s32 $0xFFFFFE00  }
0x51: {  	_ =	swait.ge [sflag:s11], $0x200  }
0x52: {  	[sflag:s11] =	ssyncset.done $0x0  }
0x53: {  	[sflag:s11] =	ssyncadd.s32 $0xFFFFFE00  }
0x54: {  	[tilespmem:s12], [sflag:$0x3] =	stream.indirect.gather [hbm4b:s4+s30], $0x10, s2, s30, $0xb8;
	[tilespmem:$0x1F400] =	vst v63  }
0x55: {  	_ =	swait.ge [sflag:s13], $0x2000  }
0x56: {  	[sflag:s13] =	ssyncset.done $0x0  }
0x57: {  	[sflag:s13] =	ssyncadd.s32 $0xFFFFE000  }
0x58: {  	[spmem:s1] =	stream.indirect.scatter.add.f32 [tilespmem:s17], [sflag:$0x5], $0x10, s0, s30, $0xb8;
	[tilespmem:$0x1F400] =	vst v63  }
0x59: {  	_ =	swait.ge [sflag:s14], $0x2000  }
0x5a: {  	s7 =	rddreg [dreg:$0x3]  }
0x5b: {  	[sflag:s14] =	ssyncset.done $0x0;
	s6 =	rddreg [dreg:$0x4];
	s19 =	sadd.s32 s7, s28  }
0x5c: {  	[sflag:s14] =	ssyncadd.s32 $0xFFFFE000;
	s20 =	sadd.s32 s6, s28;
	[dreg:$0x17] =	wrdreg s19  }
0x5d: {  	[tilespmem:s31], [sflag:$0x8] =	stream.linear.gather [hbm4b:s19+s3], $0x200, $0x38;
	[tilespmem:$0x1F400] =	vst v63  }
0x5e: {  	[dreg:$0x18] =	wrdreg s20  }
0x5f: {  	[tilespmem:s0], [sflag:$0x8] =	stream.linear.gather [hbm4b:s20+s3], $0x200, $0x38;
	[tilespmem:$0x1F400] =	vst v63  }
0x60: {  	_ =	swait.ge [sflag:s21], $0x200  }
0x61: {  	[sflag:s21] =	ssyncset.done $0x0  }
0x62: {  	[sflag:s21] =	ssyncadd.s32 $0xFFFFFE00  }
0x63: {  	_ =	swait.ge [sflag:s21], $0x200  }
0x64: {  	[sflag:s21] =	ssyncset.done $0x0  }
0x65: {  	[sflag:s21] =	ssyncadd.s32 $0xFFFFFE00  }
0x66: {  	[tilespmem:s22], [sflag:$0x1] =	stream.indirect.gather [hbm4b:s4+s30], $0x10, s3, s30, $0xb8;
	[tilespmem:$0x1F400] =	vst v63  }
0x67: {  	_ =	swait.ge [sflag:s15], $0x2000  }
0x68: {  	[sflag:s15] =	ssyncset.done $0x0  }
0x69: {  	[sflag:s15] =	ssyncadd.s32 $0xFFFFE000  }
0x6a: {  	[spmem:s1] =	stream.indirect.scatter.add.f32 [tilespmem:s12], [sflag:$0x6], $0x10, s8, s30, $0xb8;
	[tilespmem:$0x1F400] =	vst v63  }
0x6b: {  	_ =	swait.ge [sflag:s16], $0x2000  }
0x6c: {  	s24 =	sadd.s32 s7, s26;
	[sflag:s16] =	ssyncset.done $0x0  }
0x6d: {  	s20 =	sadd.s32 s6, s26;
	[dreg:$0x19] =	wrdreg s24;
	[sflag:s16] =	ssyncadd.s32 $0xFFFFE000  }
0x6e: {  	[tilespmem:s2], [sflag:$0x9] =	stream.linear.gather [hbm4b:s24+s3], $0x200, $0x38;
	[tilespmem:$0x1F400] =	vst v63  }
0x6f: {  	[dreg:$0x1a] =	wrdreg s20  }
0x70: {  	[tilespmem:s8], [sflag:$0x9] =	stream.linear.gather [hbm4b:s20+s3], $0x200, $0x38;
	[tilespmem:$0x1F400] =	vst v63  }
0x71: {  	_ =	swait.ge [sflag:s23], $0x200  }
0x72: {  	[sflag:s23] =	ssyncset.done $0x0  }
0x73: {  	[sflag:s23] =	ssyncadd.s32 $0xFFFFFE00  }
0x74: {  	_ =	swait.ge [sflag:s23], $0x200  }
0x75: {  	[sflag:s23] =	ssyncset.done $0x0  }
0x76: {  	[sflag:s23] =	ssyncadd.s32 $0xFFFFFE00  }
0x77: {  	[tilespmem:s17], [sflag:$0x2] =	stream.indirect.gather [hbm4b:s4+s30], $0x10, s31, s30, $0xb8;
	[tilespmem:$0x1F400] =	vst v63  }
0x78: {  	_ =	swait.ge [sflag:s9], $0x2000  }
0x79: {  	[sflag:s9] =	ssyncset.done $0x0  }
0x7a: {  	[sflag:s9] =	ssyncadd.s32 $0xFFFFE000  }
0x7b: {  	[spmem:s1] =	stream.indirect.scatter.add.f32 [tilespmem:s22], [sflag:$0x4], $0x10, s30, s30, $0xb8;
	[tilespmem:$0x1F400] =	vst v63  }
0x7c: {  	_ =	swait.ge [sflag:s10], $0x2000  }
0x7d: {  	[sflag:s10] =	ssyncset.done $0x0  }
0x7e: {  	s24 =	sadd.s32 s7, s25;
	[sflag:s10] =	ssyncadd.s32 $0xFFFFE000  }
0x7f: {  	[tilespmem:s3], [sflag:$0x7] =	stream.linear.gather [hbm4b:s24+s3], $0x200, $0x38;
	[tilespmem:$0x1F400] =	vst v63  }
0x80: {  	s20 =	sadd.s32 s6, s25;
	[dreg:$0x1b] =	wrdreg s24  }
0x81: {  	[tilespmem:s30], [sflag:$0x7] =	stream.linear.gather [hbm4b:s20+s3], $0x200, $0x38;
	[tilespmem:$0x1F400] =	vst v63  }
0x82: {  	_ =	swait.ge [sflag:s11], $0x200  }
0x83: {  	[sflag:s11] =	ssyncset.done $0x0  }
0x84: {  	[sflag:s11] =	ssyncadd.s32 $0xFFFFFE00  }
0x85: {  	_ =	swait.ge [sflag:s11], $0x200  }
0x86: {  	[sflag:s11] =	ssyncset.done $0x0  }
0x87: {  	[sflag:s11] =	ssyncadd.s32 $0xFFFFFE00  }
0x88: {  	[tilespmem:s12], [sflag:$0x3] =	stream.indirect.gather [hbm4b:s4+s30], $0x10, s2, s30, $0xb8;
	[tilespmem:$0x1F400] =	vst v63  }
0x89: {  	_ =	swait.ge [sflag:s13], $0x2000  }
0x8a: {  	s7 =	sadd.s32 $0xC0, s7;
	[sflag:s13] =	ssyncset.done $0x0  }
0x8b: {  	s6 =	sadd.s32 $0xC0, s6;
	s24 =	simm.s32 $0x1E;
	[sflag:s13] =	ssyncadd.s32 $0xFFFFE000  }
.LBB2_2:
0x8c: {  	[spmem:s1] =	stream.indirect.scatter.add.f32 [tilespmem:s17], [sflag:$0x5], $0x10, s0, s30, $0xb8;
	[tilespmem:$0x1F400] =	vst v63  }
0x8d: {  	p0 =	sne.s32 s24, $0x1;
	s24 =	sadd.s32 $0xFFFFFFFF, s24;
	_ =	swait.ge [sflag:s14], $0x2000  }
0x8e: {  	[sflag:s14] =	ssyncset.done $0x0  }
0x8f: {  	s19 =	sadd.s32 s7, s28;
	[sflag:s14] =	ssyncadd.s32 $0xFFFFE000  }
0x90: {  	[tilespmem:s31], [sflag:$0x8] =	stream.linear.gather [hbm4b:s19+s3], $0x200, $0x38;
	[tilespmem:$0x1F400] =	vst v63  }
0x91: {  	s19 =	sadd.s32 s6, s28  }
0x92: {  	[tilespmem:s0], [sflag:$0x8] =	stream.linear.gather [hbm4b:s19+s3], $0x200, $0x38;
	[tilespmem:$0x1F400] =	vst v63  }
0x93: {  	_ =	swait.ge [sflag:s21], $0x200  }
0x94: {  	[sflag:s21] =	ssyncset.done $0x0  }
0x95: {  	[sflag:s21] =	ssyncadd.s32 $0xFFFFFE00  }
0x96: {  	_ =	swait.ge [sflag:s21], $0x200  }
0x97: {  	[sflag:s21] =	ssyncset.done $0x0  }
0x98: {  	[sflag:s21] =	ssyncadd.s32 $0xFFFFFE00  }
0x99: {  	[tilespmem:s22], [sflag:$0x1] =	stream.indirect.gather [hbm4b:s4+s30], $0x10, s3, s30, $0xb8;
	[tilespmem:$0x1F400] =	vst v63  }
0x9a: {  	_ =	swait.ge [sflag:s15], $0x2000  }
0x9b: {  	[sflag:s15] =	ssyncset.done $0x0  }
0x9c: {  	[sflag:s15] =	ssyncadd.s32 $0xFFFFE000  }
0x9d: {  	[spmem:s1] =	stream.indirect.scatter.add.f32 [tilespmem:s12], [sflag:$0x6], $0x10, s8, s30, $0xb8;
	[tilespmem:$0x1F400] =	vst v63  }
0x9e: {  	_ =	swait.ge [sflag:s16], $0x2000  }
0x9f: {  	[sflag:s16] =	ssyncset.done $0x0  }
0xa0: {  	s19 =	sadd.s32 s7, s26;
	[sflag:s16] =	ssyncadd.s32 $0xFFFFE000  }
0xa1: {  	[tilespmem:s2], [sflag:$0x9] =	stream.linear.gather [hbm4b:s19+s3], $0x200, $0x38;
	[tilespmem:$0x1F400] =	vst v63  }
0xa2: {  	s19 =	sadd.s32 s6, s26  }
0xa3: {  	[tilespmem:s8], [sflag:$0x9] =	stream.linear.gather [hbm4b:s19+s3], $0x200, $0x38;
	[tilespmem:$0x1F400] =	vst v63  }
0xa4: {  	_ =	swait.ge [sflag:s23], $0x200  }
0xa5: {  	[sflag:s23] =	ssyncset.done $0x0  }
0xa6: {  	[sflag:s23] =	ssyncadd.s32 $0xFFFFFE00  }
0xa7: {  	_ =	swait.ge [sflag:s23], $0x200  }
0xa8: {  	[sflag:s23] =	ssyncset.done $0x0  }
0xa9: {  	[sflag:s23] =	ssyncadd.s32 $0xFFFFFE00  }
0xaa: {  	[tilespmem:s17], [sflag:$0x2] =	stream.indirect.gather [hbm4b:s4+s30], $0x10, s31, s30, $0xb8;
	[tilespmem:$0x1F400] =	vst v63  }
0xab: {  	_ =	swait.ge [sflag:s9], $0x2000  }
0xac: {  	[sflag:s9] =	ssyncset.done $0x0  }
0xad: {  	[sflag:s9] =	ssyncadd.s32 $0xFFFFE000  }
0xae: {  	[spmem:s1] =	stream.indirect.scatter.add.f32 [tilespmem:s22], [sflag:$0x4], $0x10, s30, s30, $0xb8;
	[tilespmem:$0x1F400] =	vst v63  }
0xaf: {  	_ =	swait.ge [sflag:s10], $0x2000  }
0xb0: {  	[sflag:s10] =	ssyncset.done $0x0  }
0xb1: {  	s19 =	sadd.s32 s7, s25;
	[sflag:s10] =	ssyncadd.s32 $0xFFFFE000  }
0xb2: {  	[tilespmem:s3], [sflag:$0x7] =	stream.linear.gather [hbm4b:s19+s3], $0x200, $0x38;
	[tilespmem:$0x1F400] =	vst v63  }
0xb3: {  	s19 =	sadd.s32 s6, s25  }
0xb4: {  	[tilespmem:s30], [sflag:$0x7] =	stream.linear.gather [hbm4b:s19+s3], $0x200, $0x38;
	[tilespmem:$0x1F400] =	vst v63  }
0xb5: {  	_ =	swait.ge [sflag:s11], $0x200  }
0xb6: {  	[sflag:s11] =	ssyncset.done $0x0  }
0xb7: {  	[sflag:s11] =	ssyncadd.s32 $0xFFFFFE00  }
0xb8: {  	_ =	swait.ge [sflag:s11], $0x200  }
0xb9: {  	[sflag:s11] =	ssyncset.done $0x0  }
.Ltmp0:
0xba: {  	[sflag:s11] =	ssyncadd.s32 $0xFFFFFE00;
	(pc) =	sbr.rel @p0 .LBB2_2-.Ltmp0, $4  }
0xbb: {  	[tilespmem:s12], [sflag:$0x3] =	stream.indirect.gather [hbm4b:s4+s30], $0x10, s2, s30, $0xb8;
	[tilespmem:$0x1F400] =	vst v63  }
0xbc: {  	_ =	swait.ge [sflag:s13], $0x2000  }
0xbd: {  	[sflag:s13] =	ssyncset.done $0x0  }
0xbe: {  	s7 =	sadd.s32 $0xC0, s7;
	s6 =	sadd.s32 $0xC0, s6;
	[sflag:s13] =	ssyncadd.s32 $0xFFFFE000  }
0xbf: {  	[spmem:s1] =	stream.indirect.scatter.add.f32 [tilespmem:s17], [sflag:$0x5], $0x10, s0, s30, $0xb8;
	[tilespmem:$0x1F400] =	vst v63  }
0xc0: {  	_ =	swait.ge [sflag:s14], $0x2000  }
0xc1: {  	[sflag:s14] =	ssyncset.done $0x0  }
0xc2: {  	s6 =	rddreg [dreg:$0x10];
	[sflag:s14] =	ssyncadd.s32 $0xFFFFE000  }
0xc3: {  	[tilespmem:s31], [sflag:$0x8] =	stream.linear.gather [hbm4b:s6+s3], $0x200, $0x38;
	[tilespmem:$0x1F400] =	vst v63  }
0xc4: {  	s19 =	rddreg [dreg:$0x11]  }
0xc5: {  	[tilespmem:s0], [sflag:$0x8] =	stream.linear.gather [hbm4b:s19+s3], $0x200, $0x38;
	[tilespmem:$0x1F400] =	vst v63  }
0xc6: {  	_ =	swait.ge [sflag:s21], $0x200  }
0xc7: {  	[sflag:s21] =	ssyncset.done $0x0  }
0xc8: {  	[sflag:s21] =	ssyncadd.s32 $0xFFFFFE00  }
0xc9: {  	_ =	swait.ge [sflag:s21], $0x200  }
0xca: {  	[sflag:s21] =	ssyncset.done $0x0  }
0xcb: {  	[sflag:s21] =	ssyncadd.s32 $0xFFFFFE00  }
0xcc: {  	[tilespmem:s22], [sflag:$0x1] =	stream.indirect.gather [hbm4b:s4+s30], $0x10, s3, s30, $0xb8;
	[tilespmem:$0x1F400] =	vst v63  }
0xcd: {  	_ =	swait.ge [sflag:s15], $0x2000  }
0xce: {  	[sflag:s15] =	ssyncset.done $0x0  }
0xcf: {  	[sflag:s15] =	ssyncadd.s32 $0xFFFFE000  }
0xd0: {  	[spmem:s1] =	stream.indirect.scatter.add.f32 [tilespmem:s12], [sflag:$0x6], $0x10, s8, s30, $0xb8;
	[tilespmem:$0x1F400] =	vst v63  }
0xd1: {  	_ =	swait.ge [sflag:s23], $0x200  }
0xd2: {  	[sflag:s23] =	ssyncset.done $0x0  }
0xd3: {  	[sflag:s23] =	ssyncadd.s32 $0xFFFFFE00  }
0xd4: {  	_ =	swait.ge [sflag:s23], $0x200  }
0xd5: {  	[sflag:s23] =	ssyncset.done $0x0  }
0xd6: {  	[sflag:s23] =	ssyncadd.s32 $0xFFFFFE00  }
0xd7: {  	[tilespmem:s17], [sflag:$0x2] =	stream.indirect.gather [hbm4b:s4+s30], $0x10, s31, s30, $0xb8;
	[tilespmem:$0x1F400] =	vst v63  }
0xd8: {  	_ =	swait.ge [sflag:s9], $0x2000  }
0xd9: {  	[sflag:s9] =	ssyncset.done $0x0  }
0xda: {  	[sflag:s9] =	ssyncadd.s32 $0xFFFFE000  }
0xdb: {  	[spmem:s1] =	stream.indirect.scatter.add.f32 [tilespmem:s22], [sflag:$0x4], $0x10, s30, s30, $0xb8;
	[tilespmem:$0x1F400] =	vst v63  }
0xdc: {  	_ =	swait.ge [sflag:s13], $0x2000  }
0xdd: {  	[sflag:s13] =	ssyncset.done $0x0  }
0xde: {  	[sflag:s13] =	ssyncadd.s32 $0xFFFFE000  }
0xdf: {  	[spmem:s1] =	stream.indirect.scatter.add.f32 [tilespmem:s17], [sflag:$0x5], $0x10, s0, s30, $0xb8;
	[tilespmem:$0x1F400] =	vst v63  }
0xe0: {  	_ =	swait.ge [sflag:s16], $0x2000  }
0xe1: {  	[sflag:s16] =	ssyncset.done $0x0  }
0xe2: {  	[sflag:s16] =	ssyncadd.s32 $0xFFFFE000  }
0xe3: {  	_ =	swait.ge [sflag:s10], $0x2000  }
0xe4: {  	[sflag:s10] =	ssyncset.done $0x0  }
0xe5: {  	[sflag:s10] =	ssyncadd.s32 $0xFFFFE000  }
0xe6: {  	_ =	swait.ge [sflag:s14], $0x2000  }
0xe7: {  	[sflag:s14] =	ssyncset.done $0x0  }
0xe8: {  	[sflag:s14] =	ssyncadd.s32 $0xFFFFE000  }
0xe9: {  	[bflag:$0x0] =	sbarrier.arrive $0xFFFF  }
0xea: {  	s24 =	rddreg [dreg:$0x12]  }
0xeb: {  	s7 =	rddreg [dreg:$0x15]  }
0xec: {  	s19 =	rddreg [dreg:$0x16]  }
0xed: {  	[hbm:s24], [sflag:s7] =	dma.local [spmem:s19], $0x3100  }
0xee: {  	_ =	swait.ge [sflag:s29], $0x3100  }
0xef: {  	[sflag:s29] =	ssyncset.done $0x0  }
0xf0: {  	[sflag:s29] =	ssyncadd.s32 $0xFFFFCF00  }
0xf1: {  	[bflag:$0x0] =	sbarrier.arrive $0xFFFF  }
0xf2: {  	s24 =	rddreg [dreg:$0x6]  }
0xf3: {  	[spmem:s19], [sflag:s7] =	dma.local [hbm:s24], $0x3100  }
0xf4: {  	_ =	swait.ge [sflag:s29], $0x3100  }
0xf5: {  	[sflag:s29] =	ssyncset.done $0x0  }
0xf6: {  	[sflag:s29] =	ssyncadd.s32 $0xFFFFCF00  }
0xf7: {  	[bflag:$0x0] =	sbarrier.arrive $0xFFFF  }
0xf8: {  	s24 =	rddreg [dreg:$0x7]  }
0xf9: {  	[tilespmem:s3], [sflag:$0x7] =	stream.linear.gather [hbm4b:s24+s3], $0x200, $0x38;
	[tilespmem:$0x1F400] =	vst v63  }
0xfa: {  	s19 =	rddreg [dreg:$0x8]  }
0xfb: {  	[tilespmem:s30], [sflag:$0x7] =	stream.linear.gather [hbm4b:s19+s3], $0x200, $0x38;
	[tilespmem:$0x1F400] =	vst v63  }
0xfc: {  	s7 =	rddreg [dreg:$0x9]  }
0xfd: {  	[tilespmem:s31], [sflag:$0x8] =	stream.linear.gather [hbm4b:s7+s3], $0x200, $0x38;
	[tilespmem:$0x1F400] =	vst v63  }
0xfe: {  	s19 =	rddreg [dreg:$0xa]  }
0xff: {  	[tilespmem:s0], [sflag:$0x8] =	stream.linear.gather [hbm4b:s19+s3], $0x200, $0x38;
	[tilespmem:$0x1F400] =	vst v63  }
0x100: {  	s7 =	rddreg [dreg:$0xb]  }
0x101: {  	[tilespmem:s2], [sflag:$0x9] =	stream.linear.gather [hbm4b:s7+s3], $0x200, $0x38;
	[tilespmem:$0x1F400] =	vst v63  }
0x102: {  	s19 =	rddreg [dreg:$0xc]  }
0x103: {  	[tilespmem:s8], [sflag:$0x9] =	stream.linear.gather [hbm4b:s19+s3], $0x200, $0x38;
	[tilespmem:$0x1F400] =	vst v63  }
0x104: {  	_ =	swait.ge [sflag:s21], $0x200  }
0x105: {  	[sflag:s21] =	ssyncset.done $0x0  }
0x106: {  	[sflag:s21] =	ssyncadd.s32 $0xFFFFFE00  }
0x107: {  	_ =	swait.ge [sflag:s21], $0x200  }
0x108: {  	[sflag:s21] =	ssyncset.done $0x0  }
0x109: {  	[sflag:s21] =	ssyncadd.s32 $0xFFFFFE00  }
0x10a: {  	[tilespmem:s22], [sflag:$0x1] =	stream.indirect.gather [hbm4b:s5+s30], $0x10, s3, s30, $0xb8;
	[tilespmem:$0x1F400] =	vst v63  }
0x10b: {  	_ =	swait.ge [sflag:s23], $0x200  }
0x10c: {  	[sflag:s23] =	ssyncset.done $0x0  }
0x10d: {  	[sflag:s23] =	ssyncadd.s32 $0xFFFFFE00  }
0x10e: {  	_ =	swait.ge [sflag:s23], $0x200  }
0x10f: {  	[sflag:s23] =	ssyncset.done $0x0  }
0x110: {  	[sflag:s23] =	ssyncadd.s32 $0xFFFFFE00  }
0x111: {  	[tilespmem:s17], [sflag:$0x2] =	stream.indirect.gather [hbm4b:s5+s30], $0x10, s31, s30, $0xb8;
	[tilespmem:$0x1F400] =	vst v63  }
0x112: {  	_ =	swait.ge [sflag:s9], $0x2000  }
0x113: {  	[sflag:s9] =	ssyncset.done $0x0  }
0x114: {  	[sflag:s9] =	ssyncadd.s32 $0xFFFFE000  }
0x115: {  	[spmem:s1] =	stream.indirect.scatter.add.f32 [tilespmem:s22], [sflag:$0x4], $0x10, s30, s30, $0xb8;
	[tilespmem:$0x1F400] =	vst v63  }
0x116: {  	_ =	swait.ge [sflag:s10], $0x2000  }
0x117: {  	[sflag:s10] =	ssyncset.done $0x0  }
0x118: {  	s7 =	rddreg [dreg:$0xd];
	[sflag:s10] =	ssyncadd.s32 $0xFFFFE000  }
0x119: {  	[tilespmem:s3], [sflag:$0x7] =	stream.linear.gather [hbm4b:s7+s3], $0x200, $0x38;
	[tilespmem:$0x1F400] =	vst v63  }
0x11a: {  	s19 =	rddreg [dreg:$0xf]  }
0x11b: {  	[tilespmem:s30], [sflag:$0x7] =	stream.linear.gather [hbm4b:s19+s3], $0x200, $0x38;
	[tilespmem:$0x1F400] =	vst v63  }
0x11c: {  	_ =	swait.ge [sflag:s11], $0x200  }
0x11d: {  	[sflag:s11] =	ssyncset.done $0x0  }
0x11e: {  	[sflag:s11] =	ssyncadd.s32 $0xFFFFFE00  }
0x11f: {  	_ =	swait.ge [sflag:s11], $0x200  }
0x120: {  	[sflag:s11] =	ssyncset.done $0x0  }
0x121: {  	[sflag:s11] =	ssyncadd.s32 $0xFFFFFE00  }
0x122: {  	[tilespmem:s12], [sflag:$0x3] =	stream.indirect.gather [hbm4b:s5+s30], $0x10, s2, s30, $0xb8;
	[tilespmem:$0x1F400] =	vst v63  }
0x123: {  	_ =	swait.ge [sflag:s13], $0x2000  }
0x124: {  	[sflag:s13] =	ssyncset.done $0x0  }
0x125: {  	[sflag:s13] =	ssyncadd.s32 $0xFFFFE000  }
0x126: {  	[spmem:s1] =	stream.indirect.scatter.add.f32 [tilespmem:s17], [sflag:$0x5], $0x10, s0, s30, $0xb8;
	[tilespmem:$0x1F400] =	vst v63  }
0x127: {  	_ =	swait.ge [sflag:s14], $0x2000  }
0x128: {  	[sflag:s14] =	ssyncset.done $0x0  }
0x129: {  	s7 =	rddreg [dreg:$0x17];
	[sflag:s14] =	ssyncadd.s32 $0xFFFFE000  }
0x12a: {  	[tilespmem:s31], [sflag:$0x8] =	stream.linear.gather [hbm4b:s7+s3], $0x200, $0x38;
	[tilespmem:$0x1F400] =	vst v63  }
0x12b: {  	s19 =	rddreg [dreg:$0x18]  }
0x12c: {  	[tilespmem:s0], [sflag:$0x8] =	stream.linear.gather [hbm4b:s19+s3], $0x200, $0x38;
	[tilespmem:$0x1F400] =	vst v63  }
0x12d: {  	_ =	swait.ge [sflag:s21], $0x200  }
0x12e: {  	[sflag:s21] =	ssyncset.done $0x0  }
0x12f: {  	[sflag:s21] =	ssyncadd.s32 $0xFFFFFE00  }
0x130: {  	_ =	swait.ge [sflag:s21], $0x200  }
0x131: {  	[sflag:s21] =	ssyncset.done $0x0  }
0x132: {  	[sflag:s21] =	ssyncadd.s32 $0xFFFFFE00  }
0x133: {  	[tilespmem:s22], [sflag:$0x1] =	stream.indirect.gather [hbm4b:s5+s30], $0x10, s3, s30, $0xb8;
	[tilespmem:$0x1F400] =	vst v63  }
0x134: {  	_ =	swait.ge [sflag:s15], $0x2000  }
0x135: {  	[sflag:s15] =	ssyncset.done $0x0  }
0x136: {  	[sflag:s15] =	ssyncadd.s32 $0xFFFFE000  }
0x137: {  	[spmem:s1] =	stream.indirect.scatter.add.f32 [tilespmem:s12], [sflag:$0x6], $0x10, s8, s30, $0xb8;
	[tilespmem:$0x1F400] =	vst v63  }
0x138: {  	_ =	swait.ge [sflag:s16], $0x2000  }
0x139: {  	[sflag:s16] =	ssyncset.done $0x0  }
0x13a: {  	s7 =	rddreg [dreg:$0x19];
	[sflag:s16] =	ssyncadd.s32 $0xFFFFE000  }
0x13b: {  	[tilespmem:s2], [sflag:$0x9] =	stream.linear.gather [hbm4b:s7+s3], $0x200, $0x38;
	[tilespmem:$0x1F400] =	vst v63  }
0x13c: {  	s19 =	rddreg [dreg:$0x1a]  }
0x13d: {  	[tilespmem:s8], [sflag:$0x9] =	stream.linear.gather [hbm4b:s19+s3], $0x200, $0x38;
	[tilespmem:$0x1F400] =	vst v63  }
0x13e: {  	_ =	swait.ge [sflag:s23], $0x200  }
0x13f: {  	[sflag:s23] =	ssyncset.done $0x0  }
0x140: {  	[sflag:s23] =	ssyncadd.s32 $0xFFFFFE00  }
0x141: {  	_ =	swait.ge [sflag:s23], $0x200  }
0x142: {  	[sflag:s23] =	ssyncset.done $0x0  }
0x143: {  	[sflag:s23] =	ssyncadd.s32 $0xFFFFFE00  }
0x144: {  	[tilespmem:s17], [sflag:$0x2] =	stream.indirect.gather [hbm4b:s5+s30], $0x10, s31, s30, $0xb8;
	[tilespmem:$0x1F400] =	vst v63  }
0x145: {  	_ =	swait.ge [sflag:s9], $0x2000  }
0x146: {  	[sflag:s9] =	ssyncset.done $0x0  }
0x147: {  	[sflag:s9] =	ssyncadd.s32 $0xFFFFE000  }
0x148: {  	[spmem:s1] =	stream.indirect.scatter.add.f32 [tilespmem:s22], [sflag:$0x4], $0x10, s30, s30, $0xb8;
	[tilespmem:$0x1F400] =	vst v63  }
0x149: {  	_ =	swait.ge [sflag:s10], $0x2000  }
0x14a: {  	[sflag:s10] =	ssyncset.done $0x0  }
0x14b: {  	s7 =	rddreg [dreg:$0x1b];
	[sflag:s10] =	ssyncadd.s32 $0xFFFFE000  }
0x14c: {  	[tilespmem:s3], [sflag:$0x7] =	stream.linear.gather [hbm4b:s7+s3], $0x200, $0x38;
	[tilespmem:$0x1F400] =	vst v63  }
0x14d: {  	_ = 	snop  }
0x14e: {  	[tilespmem:s30], [sflag:$0x7] =	stream.linear.gather [hbm4b:s20+s3], $0x200, $0x38;
	[tilespmem:$0x1F400] =	vst v63  }
0x14f: {  	_ =	swait.ge [sflag:s11], $0x200  }
0x150: {  	[sflag:s11] =	ssyncset.done $0x0  }
0x151: {  	[sflag:s11] =	ssyncadd.s32 $0xFFFFFE00  }
0x152: {  	_ =	swait.ge [sflag:s11], $0x200  }
0x153: {  	[sflag:s11] =	ssyncset.done $0x0  }
0x154: {  	[sflag:s11] =	ssyncadd.s32 $0xFFFFFE00  }
0x155: {  	[tilespmem:s12], [sflag:$0x3] =	stream.indirect.gather [hbm4b:s5+s30], $0x10, s2, s30, $0xb8;
	[tilespmem:$0x1F400] =	vst v63  }
0x156: {  	_ =	swait.ge [sflag:s13], $0x2000  }
0x157: {  	s19 =	rddreg [dreg:$0x4]  }
0x158: {  	s6 =	simm.s32 $0x1E;
	[sflag:s13] =	ssyncset.done $0x0;
	s20 =	rddreg [dreg:$0x3]  }
0x159: {  	[sflag:s13] =	ssyncadd.s32 $0xFFFFE000;
	s7 =	sadd.s32 $0xC0, s19;
	s19 =	sadd.s32 $0xC0, s20  }
.LBB2_4:
0x15a: {  	[spmem:s1] =	stream.indirect.scatter.add.f32 [tilespmem:s17], [sflag:$0x5], $0x10, s0, s30, $0xb8;
	[tilespmem:$0x1F400] =	vst v63  }
0x15b: {  	p0 =	sne.s32 s6, $0x1;
	s6 =	sadd.s32 $0xFFFFFFFF, s6;
	_ =	swait.ge [sflag:s14], $0x2000  }
0x15c: {  	[sflag:s14] =	ssyncset.done $0x0  }
0x15d: {  	s20 =	sadd.s32 s19, s28;
	[sflag:s14] =	ssyncadd.s32 $0xFFFFE000  }
0x15e: {  	[tilespmem:s31], [sflag:$0x8] =	stream.linear.gather [hbm4b:s20+s3], $0x200, $0x38;
	[tilespmem:$0x1F400] =	vst v63  }
0x15f: {  	s20 =	sadd.s32 s7, s28  }
0x160: {  	[tilespmem:s0], [sflag:$0x8] =	stream.linear.gather [hbm4b:s20+s3], $0x200, $0x38;
	[tilespmem:$0x1F400] =	vst v63  }
0x161: {  	_ =	swait.ge [sflag:s21], $0x200  }
0x162: {  	[sflag:s21] =	ssyncset.done $0x0  }
0x163: {  	[sflag:s21] =	ssyncadd.s32 $0xFFFFFE00  }
0x164: {  	_ =	swait.ge [sflag:s21], $0x200  }
0x165: {  	[sflag:s21] =	ssyncset.done $0x0  }
0x166: {  	[sflag:s21] =	ssyncadd.s32 $0xFFFFFE00  }
0x167: {  	[tilespmem:s22], [sflag:$0x1] =	stream.indirect.gather [hbm4b:s5+s30], $0x10, s3, s30, $0xb8;
	[tilespmem:$0x1F400] =	vst v63  }
0x168: {  	_ =	swait.ge [sflag:s15], $0x2000  }
0x169: {  	[sflag:s15] =	ssyncset.done $0x0  }
0x16a: {  	[sflag:s15] =	ssyncadd.s32 $0xFFFFE000  }
0x16b: {  	[spmem:s1] =	stream.indirect.scatter.add.f32 [tilespmem:s12], [sflag:$0x6], $0x10, s8, s30, $0xb8;
	[tilespmem:$0x1F400] =	vst v63  }
0x16c: {  	_ =	swait.ge [sflag:s16], $0x2000  }
0x16d: {  	[sflag:s16] =	ssyncset.done $0x0  }
0x16e: {  	s20 =	sadd.s32 s19, s26;
	[sflag:s16] =	ssyncadd.s32 $0xFFFFE000  }
0x16f: {  	[tilespmem:s2], [sflag:$0x9] =	stream.linear.gather [hbm4b:s20+s3], $0x200, $0x38;
	[tilespmem:$0x1F400] =	vst v63  }
0x170: {  	s20 =	sadd.s32 s7, s26  }
0x171: {  	[tilespmem:s8], [sflag:$0x9] =	stream.linear.gather [hbm4b:s20+s3], $0x200, $0x38;
	[tilespmem:$0x1F400] =	vst v63  }
0x172: {  	_ =	swait.ge [sflag:s23], $0x200  }
0x173: {  	[sflag:s23] =	ssyncset.done $0x0  }
0x174: {  	[sflag:s23] =	ssyncadd.s32 $0xFFFFFE00  }
0x175: {  	_ =	swait.ge [sflag:s23], $0x200  }
0x176: {  	[sflag:s23] =	ssyncset.done $0x0  }
0x177: {  	[sflag:s23] =	ssyncadd.s32 $0xFFFFFE00  }
0x178: {  	[tilespmem:s17], [sflag:$0x2] =	stream.indirect.gather [hbm4b:s5+s30], $0x10, s31, s30, $0xb8;
	[tilespmem:$0x1F400] =	vst v63  }
0x179: {  	_ =	swait.ge [sflag:s9], $0x2000  }
0x17a: {  	[sflag:s9] =	ssyncset.done $0x0  }
0x17b: {  	[sflag:s9] =	ssyncadd.s32 $0xFFFFE000  }
0x17c: {  	[spmem:s1] =	stream.indirect.scatter.add.f32 [tilespmem:s22], [sflag:$0x4], $0x10, s30, s30, $0xb8;
	[tilespmem:$0x1F400] =	vst v63  }
0x17d: {  	_ =	swait.ge [sflag:s10], $0x2000  }
0x17e: {  	[sflag:s10] =	ssyncset.done $0x0  }
0x17f: {  	s20 =	sadd.s32 s19, s25;
	[sflag:s10] =	ssyncadd.s32 $0xFFFFE000  }
0x180: {  	[tilespmem:s3], [sflag:$0x7] =	stream.linear.gather [hbm4b:s20+s3], $0x200, $0x38;
	[tilespmem:$0x1F400] =	vst v63  }
0x181: {  	s20 =	sadd.s32 s7, s25  }
0x182: {  	[tilespmem:s30], [sflag:$0x7] =	stream.linear.gather [hbm4b:s20+s3], $0x200, $0x38;
	[tilespmem:$0x1F400] =	vst v63  }
0x183: {  	_ =	swait.ge [sflag:s11], $0x200  }
0x184: {  	[sflag:s11] =	ssyncset.done $0x0  }
0x185: {  	[sflag:s11] =	ssyncadd.s32 $0xFFFFFE00  }
0x186: {  	_ =	swait.ge [sflag:s11], $0x200  }
0x187: {  	[sflag:s11] =	ssyncset.done $0x0  }
.Ltmp1:
0x188: {  	[sflag:s11] =	ssyncadd.s32 $0xFFFFFE00;
	(pc) =	sbr.rel @p0 .LBB2_4-.Ltmp1, $4  }
0x189: {  	[tilespmem:s12], [sflag:$0x3] =	stream.indirect.gather [hbm4b:s5+s30], $0x10, s2, s30, $0xb8;
	[tilespmem:$0x1F400] =	vst v63  }
0x18a: {  	_ =	swait.ge [sflag:s13], $0x2000  }
0x18b: {  	[sflag:s13] =	ssyncset.done $0x0  }
0x18c: {  	s19 =	sadd.s32 $0xC0, s19;
	s7 =	sadd.s32 $0xC0, s7;
	[sflag:s13] =	ssyncadd.s32 $0xFFFFE000  }
0x18d: {  	[spmem:s1] =	stream.indirect.scatter.add.f32 [tilespmem:s17], [sflag:$0x5], $0x10, s0, s30, $0xb8;
	[tilespmem:$0x1F400] =	vst v63  }
0x18e: {  	_ =	swait.ge [sflag:s14], $0x2000  }
0x18f: {  	[sflag:s14] =	ssyncset.done $0x0  }
0x190: {  	s6 =	rddreg [dreg:$0x10];
	[sflag:s14] =	ssyncadd.s32 $0xFFFFE000  }
0x191: {  	[tilespmem:s31], [sflag:$0x8] =	stream.linear.gather [hbm4b:s6+s3], $0x200, $0x38;
	[tilespmem:$0x1F400] =	vst v63  }
0x192: {  	s19 =	rddreg [dreg:$0x11]  }
0x193: {  	[tilespmem:s0], [sflag:$0x8] =	stream.linear.gather [hbm4b:s19+s3], $0x200, $0x38;
	[tilespmem:$0x1F400] =	vst v63  }
0x194: {  	_ =	swait.ge [sflag:s21], $0x200  }
0x195: {  	[sflag:s21] =	ssyncset.done $0x0  }
0x196: {  	[sflag:s21] =	ssyncadd.s32 $0xFFFFFE00  }
0x197: {  	_ =	swait.ge [sflag:s21], $0x200  }
0x198: {  	[sflag:s21] =	ssyncset.done $0x0  }
0x199: {  	[sflag:s21] =	ssyncadd.s32 $0xFFFFFE00  }
0x19a: {  	[tilespmem:s22], [sflag:$0x1] =	stream.indirect.gather [hbm4b:s5+s30], $0x10, s3, s30, $0xb8;
	[tilespmem:$0x1F400] =	vst v63  }
0x19b: {  	_ =	swait.ge [sflag:s15], $0x2000  }
0x19c: {  	[sflag:s15] =	ssyncset.done $0x0  }
0x19d: {  	[sflag:s15] =	ssyncadd.s32 $0xFFFFE000  }
0x19e: {  	[spmem:s1] =	stream.indirect.scatter.add.f32 [tilespmem:s12], [sflag:$0x6], $0x10, s8, s30, $0xb8;
	[tilespmem:$0x1F400] =	vst v63  }
0x19f: {  	_ =	swait.ge [sflag:s23], $0x200  }
0x1a0: {  	[sflag:s23] =	ssyncset.done $0x0  }
0x1a1: {  	[sflag:s23] =	ssyncadd.s32 $0xFFFFFE00  }
0x1a2: {  	_ =	swait.ge [sflag:s23], $0x200  }
0x1a3: {  	[sflag:s23] =	ssyncset.done $0x0  }
0x1a4: {  	[sflag:s23] =	ssyncadd.s32 $0xFFFFFE00  }
0x1a5: {  	[tilespmem:s17], [sflag:$0x2] =	stream.indirect.gather [hbm4b:s5+s30], $0x10, s31, s30, $0xb8;
	[tilespmem:$0x1F400] =	vst v63  }
0x1a6: {  	_ =	swait.ge [sflag:s9], $0x2000  }
0x1a7: {  	[sflag:s9] =	ssyncset.done $0x0  }
0x1a8: {  	[sflag:s9] =	ssyncadd.s32 $0xFFFFE000  }
0x1a9: {  	[spmem:s1] =	stream.indirect.scatter.add.f32 [tilespmem:s22], [sflag:$0x4], $0x10, s30, s30, $0xb8;
	[tilespmem:$0x1F400] =	vst v63  }
0x1aa: {  	_ =	swait.ge [sflag:s13], $0x2000  }
0x1ab: {  	[sflag:s13] =	ssyncset.done $0x0  }
0x1ac: {  	[sflag:s13] =	ssyncadd.s32 $0xFFFFE000  }
0x1ad: {  	[spmem:s1] =	stream.indirect.scatter.add.f32 [tilespmem:s17], [sflag:$0x5], $0x10, s0, s30, $0xb8;
	[tilespmem:$0x1F400] =	vst v63  }
0x1ae: {  	_ =	swait.ge [sflag:s16], $0x2000  }
0x1af: {  	[sflag:s16] =	ssyncset.done $0x0  }
0x1b0: {  	[sflag:s16] =	ssyncadd.s32 $0xFFFFE000  }
0x1b1: {  	_ =	swait.ge [sflag:s10], $0x2000  }
0x1b2: {  	[sflag:s10] =	ssyncset.done $0x0  }
0x1b3: {  	[sflag:s10] =	ssyncadd.s32 $0xFFFFE000  }
0x1b4: {  	_ =	swait.ge [sflag:s14], $0x2000  }
0x1b5: {  	[sflag:s14] =	ssyncset.done $0x0  }
0x1b6: {  	[sflag:s14] =	ssyncadd.s32 $0xFFFFE000  }
0x1b7: {  	[bflag:$0x0] =	sbarrier.arrive $0xFFFF  }
0x1b8: {  	s20 =	rddreg [dreg:$0x13]  }
0x1b9: {  	s7 =	rddreg [dreg:$0x15]  }
0x1ba: {  	s19 =	rddreg [dreg:$0x16]  }
0x1bb: {  	[hbm:s20], [sflag:s7] =	dma.local [spmem:s19], $0x3100  }
0x1bc: {  	_ =	swait.ge [sflag:s29], $0x3100  }
0x1bd: {  	s18 =	sadd.s32 $0x1, s18;
	s20 =	rddreg [dreg:$0x14]  }
0x1be: {  	p0 =	sne.s32 s18, s20  }
.Ltmp2:
0x1bf: {  	_ = 	snop;
	(pc) =	sbr.rel @p0 .LBB2_1-.Ltmp2, $3  }
0x1c0: {  	_ =	sdelay $0x1  }
0x1c1: {  	[sflag:s29] =	ssyncset.done $0x0  }
0x1c2: {  	[sflag:s29] =	ssyncadd.s32 $0xFFFFCF00  }
0x1c3: {  	_ =	sfence.sel $0x180000  }
0x1c4: {  	[bflag:$0x0] =	sbarrier.arrive $0xFFFF  }
0x1c5: {  	_ =	strace $0x9000004D  }
0x1c6: {  	s0 =	stileid.u32;
	[bflag:$0x2] =	sbarrier.arrive $0xFFFF  }
0x1c7: {  	p0 =	sne.s32 s0, $0x0;
	s0 =	rddreg [dreg:$0x2]  }
0x1c8: {  	s0 =	sadd.s32 @!p0 $0x100000, s0  }
0x1c9: {  	[sflag:s0] =	ssyncadd.tile.s32 @!p0 $0x1;
	_ =	shalt  }
.Lfunc_end2:
_tile_overlayer_lowered:
.L_overlay_start_2:
0x1ca: {  	(tag) =	ssettag $0x2  }
0x1cb: {  	s0 =	rddreg [dreg:$0x0];
	s2 =	stileid.u32  }
0x1cc: {  	s1 =	rddreg [dreg:$0x1];
	p0 =	sne.s32 s2, $0x0  }
0x1cd: {  	s3 =	rddreg [dreg:$0x2];
	[bflag:$0x3] =	sbarrier.arrive $0xFFFF;
	s2 =	simm.s32 @!p0 $0x1C0A  }
0x1ce: {  	[timem:s3], [sflag:s2] =	dma.local @!p0 [hbm:s0], s1  }
0x1cf: {  	s0 =	simm.s32 @!p0 $0xA  }
0x1d0: {  	_ =	swait.ge @!p0 [sflag:s0], s1  }
0x1d1: {  	s1 =	ssub.s32 @!p0 $0x0, s1;
	[sflag:s0] =	ssyncset.done @!p0 $0x0  }
0x1d2: {  	[sflag:s0] =	ssyncadd.s32 @!p0 s1  }
0x1d3: {  	[bflag:$0x3] =	sbarrier.arrive $0xFFFF  }
0x1d4: {  	_ =	shalt  }

// kernel: kernel.19.cloned.1.call-start
scs
__scs_entry_jumppad:
0x0: {  	(pc) =	sbr.rel $0x88, $3  }
0x1: {  	(tag) =	ssettag $0x0;
	lr =	simm.s32 $0x1  }
0x2: {  	[smem:$0x3F96] =	sst lr;
	_ =	strace $0xD0000000  }
0x3: {  	_ = 	snop  }
0x4: {  	_ = 	snop  }
0x5: {  	_ = 	snop  }
0x6: {  	_ = 	snop  }
0x7: {  	_ = 	snop  }
__scs_overlays_trampoline_lowered:
0x8: {  	[smem:$0x3FA5] =	sst s0  }
0x9: {  	[smem:$0x3FA6] =	sst s1  }
0xa: {  	[smem:$0x3FA7] =	sst s2  }
0xb: {  	[smem:$0x3FA8] =	sst s3  }
0xc: {  	[smem:$0x3FA9] =	sst s4  }
0xd: {  	[smem:$0x3FAA] =	sst s5  }
0xe: {  	[smem:$0x3FAB] =	sst s6  }
0xf: {  	[smem:$0x3FAC] =	sst s7  }
0x10: {  	[smem:$0x3FAD] =	sst s8  }
0x11: {  	[smem:$0x3FAE] =	sst s9;
	s0 =	simm.s32 @!p0 $0x0  }
0x12: {  	s1 =	sld [smem:$0x3F94];
	s0 =	simm.s32 @p0 $0x1  }
0x13: {  	[smem:$0x3FAF] =	sst s0;
	s0 =	simm.s32 @!p1 $0x0  }
0x14: {  	s2 =	sld [smem:$0x3F93];
	s0 =	simm.s32 @p1 $0x1  }
0x15: {  	[smem:$0x3FB0] =	sst s0;
	s0 =	simm.s32 @!p2 $0x0  }
0x16: {  	s3 =	sld [smem:$0x3FDB];
	s0 =	simm.s32 @p2 $0x1  }
0x17: {  	s4 =	simm.s32 $0x1BF5;
	[smem:$0x3FB2] =	sst s0  }
0x18: {  	s0 =	sld [smem:$0x3F95];
	_ =	swait.ge [sflag:s4], $0x0  }
0x19: {  	s7 =	sld [smem:$0x3F96]  }
0x1a: {  	s8 =	sadd.s32 $0xFFFFE003, lr  }
0x1b: {  	s9 =	sadd.s32 $0xFFFFFEF7, lr;
	s5 =	simm.s32 $0xFFFFFFFF;
	p2 =	slt.u32 s8, $0xFFFFF086  }
0x1c: {  	p1 =	slt.u32 s9, $0xF7A;
	s5 =	simm.s32 @!p2 $0x0  }
0x1d: {  	s5 =	simm.s32 @p1 $0x1;
	p0 =	seq.s32 s7, s2  }
0x1e: {  	s7 =	smul.u32 @!p0 $0xF7A, s2;
	p2 =	seq.s32 @!p0 s5, $0x0  }
0x1f: {  	s9 =	smul.u32 $0xF7A, s1;
	s8 =	simm.s32 @!p0 $0x1BF5;
	p2 =	por !p2, p0  }
0x20: {  	[sflag:s8] =	ssyncset.s32 @!p0 $0xFFFFF086;
	s6 =	sadd.s32 @!p0 s3, s7;
	s7 =	simm.s32 @!p0 $0x108  }
0x21: {  	s3 =	sadd.s32 s3, s9;
	s6 =	sadd.s32 @!p0 $0x88, s6;
	s7 =	simm.s32 @p2 $0x1082  }
0x22: {  	[simem:s7], [sflag:s8] =	dma.local @!p0 [hbm:s6], $0xF7A  }
0x23: {  	s9 =	sor.u32 $0xD0000000, s2;
	s6 =	simm.s32 $0x108;
	_ =	swait.ge @!p0 [sflag:s8], $0x0  }
0x24: {  	s3 =	sadd.s32 $0x88, s3;
	s6 =	simm.s32 @!p1 $0x1082;
	[sflag:s4] =	ssyncset.s32 $0xFFFFF086  }
0x25: {  	[simem:s6], [sflag:s4] =	dma.local [hbm:s3], $0xF7A  }
0x26: {  	[smem:$0x3F96] =	sst s1;
	(tag) =	ssettag s2;
	_ =	strace s9  }
0x27: {  	s1 =	sld [smem:$0x3FA6]  }
0x28: {  	s2 =	sld [smem:$0x3FA7]  }
0x29: {  	s4 =	sld [smem:$0x3FA9]  }
0x2a: {  	p0 =	seq.s32 s5, $0x0;
	s5 =	sld [smem:$0x3FAA]  }
0x2b: {  	s6 =	sld [smem:$0x3FAB]  }
0x2c: {  	s7 =	sld [smem:$0x3FAC]  }
0x2d: {  	s3 =	simm.s32 $0x108;
	s8 =	sld [smem:$0x3FAD]  }
0x2e: {  	s3 =	simm.s32 @!p0 $0x1082;
	s9 =	sld [smem:$0x3FAE]  }
0x2f: {  	lr =	sadd.s32 s0, s3;
	s0 =	sld [smem:$0x3FA5]  }
0x30: {  	s3 =	sld [smem:$0x3FA8]  }
0x31: {  	[smem:$0x3FB1] =	sst s10  }
0x32: {  	s10 =	sld [smem:$0x3FAF];
	_ =	sdelay $0x3  }
0x33: {  	p0 =	seq.s32 s10, $0x1;
	s10 =	sld [smem:$0x3FB1];
	_ =	sdelay $0x3  }
0x34: {  	[smem:$0x3FB1] =	sst s10  }
0x35: {  	s10 =	sld [smem:$0x3FB0];
	_ =	sdelay $0x3  }
0x36: {  	p1 =	seq.s32 s10, $0x1;
	s10 =	sld [smem:$0x3FB1];
	_ =	sdelay $0x3  }
0x37: {  	[smem:$0x3FB1] =	sst s10  }
0x38: {  	s10 =	sld [smem:$0x3FB2]  }
0x39: {  	_ = 	snop;
	(pc) =	sbr.ind lr, $3  }
0x3a: {  	_ = 	snop  }
0x3b: {  	_ = 	snop  }
0x3c: {  	p2 =	seq.s32 s10, $0x1;
	s10 =	sld [smem:$0x3FB1]  }
0x3d: {  	_ =	shalt  }
0x3e: {  	_ =	shalt  }
0x3f: {  	_ =	shalt  }
0x40: {  	_ =	shalt  }
0x41: {  	_ =	shalt  }
0x42: {  	_ =	shalt  }
0x43: {  	_ =	shalt  }
0x44: {  	_ =	shalt  }
0x45: {  	_ =	shalt  }
0x46: {  	_ =	shalt  }
0x47: {  	_ =	shalt  }
0x48: {  	_ =	shalt  }
0x49: {  	_ =	shalt  }
0x4a: {  	_ =	shalt  }
0x4b: {  	_ =	shalt  }
0x4c: {  	_ =	shalt  }
0x4d: {  	_ =	shalt  }
0x4e: {  	_ =	shalt  }
0x4f: {  	_ =	shalt  }
0x50: {  	_ =	shalt  }
0x51: {  	_ =	shalt  }
0x52: {  	_ =	shalt  }
0x53: {  	_ =	shalt  }
0x54: {  	_ =	shalt  }
0x55: {  	_ =	shalt  }
0x56: {  	_ =	shalt  }
0x57: {  	_ =	shalt  }
0x58: {  	_ =	shalt  }
0x59: {  	_ =	shalt  }
0x5a: {  	_ =	shalt  }
0x5b: {  	_ =	shalt  }
0x5c: {  	_ =	shalt  }
0x5d: {  	_ =	shalt  }
0x5e: {  	_ =	shalt  }
0x5f: {  	_ =	shalt  }
0x60: {  	_ =	shalt  }
0x61: {  	_ =	shalt  }
0x62: {  	_ =	shalt  }
0x63: {  	_ =	shalt  }
0x64: {  	_ =	shalt  }
0x65: {  	_ =	shalt  }
0x66: {  	_ =	shalt  }
0x67: {  	_ =	shalt  }
0x68: {  	_ =	shalt  }
0x69: {  	_ =	shalt  }
0x6a: {  	_ =	shalt  }
0x6b: {  	_ =	shalt  }
0x6c: {  	_ =	shalt  }
0x6d: {  	_ =	shalt  }
0x6e: {  	_ =	shalt  }
0x6f: {  	_ =	shalt  }
0x70: {  	_ =	shalt  }
0x71: {  	_ =	shalt  }
0x72: {  	_ =	shalt  }
0x73: {  	_ =	shalt  }
0x74: {  	_ =	shalt  }
0x75: {  	_ =	shalt  }
0x76: {  	_ =	shalt  }
0x77: {  	_ =	shalt  }
0x78: {  	_ =	shalt  }
0x79: {  	_ =	shalt  }
0x7a: {  	_ =	shalt  }
0x7b: {  	_ =	shalt  }
0x7c: {  	_ =	shalt  }
0x7d: {  	_ =	shalt  }
0x7e: {  	_ =	shalt  }
0x7f: {  	_ =	shalt  }
0x80: {  	_ =	shalt  }
0x81: {  	_ =	shalt  }
0x82: {  	_ =	shalt  }
0x83: {  	_ =	shalt  }
0x84: {  	_ =	shalt  }
0x85: {  	_ =	shalt  }
0x86: {  	_ =	shalt  }
0x87: {  	_ =	shalt  }
.Lfunc_end0:
.L_simem_size_0:
called_computation.3_lowered:
.L_overlay_start_0:
0x88: {  	s2 =	sld [smem:$0x3FD9]  }
0x89: {  	s3 =	sld [smem:$0x3FFE];
	_ =	sdelay $0x1  }
0x8a: {  	s1 =	srdreg.scid  }
0x8b: {  	s0 =	sand.u32 $0x1, s1  }
0x8c: {  	s16 =	sshll.u32 s0, $0xA;
	s2 =	sadd.s32 s3, s2  }
0x8d: {  	s2 =	sadd.s32 s2, s16  }
0x8e: {  	[smem:$0x3FBD] =	sst s2  }
0x8f: {  	_ = 	snop  }
0x90: {  	(tm) =	ssettm $0x1  }
0x91: {  	s17 =	sld [smem:$0x3FFB];
	_ =	sdelay $0x3  }
0x92: {  	_ =	strace s17  }
0x93: {  	s2 =	sld [smem:$0x3FFC];
	_ =	sdelay $0x3  }
0x94: {  	_ =	strace s2  }
0x95: {  	s2 =	sld [smem:$0x3FFD];
	_ =	sdelay $0x3  }
0x96: {  	_ =	strace s2  }
0x97: {  	_ =	strace $0x8FFFFFFF  }
0x98: {  	s18 =	sld [smem:$0x3FDB];
	_ =	sdelay $0x1  }
0x99: {  	s19 =	simm.s32 $_scs_section_size  }
0x9a: {  	s4 =	simm.s32 $_size__tile_overlayer_lowered;
	s5 =	simm.s32 $_tile_overlayer_lowered  }
0x9b: {  	s22 =	simm.s32 $0x1BFF;
	s21 =	sshll.u32 s5, $0x1;
	s2 =	sadd.s32 s19, s18  }
0x9c: {  	s6 =	simm.s32 $0x0;
	s20 =	sshll.u32 s4, $0x1;
	s4 =	sadd.s32 s21, s2  }
0x9d: {  	[timem:s6], [sflag:s22] =	dma.local [hbm:s4], s20  }
0x9e: {  	_ =	swait.ge [sflag:s22], s20  }
0x9f: {  	s3 =	ssub.s32 $0x0, s20;
	[sflag:s22] =	ssyncset.done $0x0  }
0xa0: {  	[sflag:s22] =	ssyncadd.s32 s3;
	_ =	sdelay $0x1  }
0xa1: {  	s23 =	simm.s32 $0x1B8B  }
0xa2: {  	_ =	swait.ge [sflag:s23], $0x1  }
0xa3: {  	[sflag:s23] =	ssyncset.done $0x0  }
0xa4: {  	s25 =	simm.s32 $0x1B8E;
	s24 =	sld [smem:$0x3FFE];
	[sflag:s23] =	ssyncadd.s32 $0xFFFFFFFF  }
0xa5: {  	s26 =	simm.s32 $execute0_lowered;
	[smem:$0x3FD2] =	sst s25  }
0xa6: {  	s4 =	sshll.u32 s26, $0x1;
	_ =	strace $0x8000004F;
	[dreg:$0x1] =	wrdreg $0xFFFFFFFF  }
0xa7: {  	s28 =	simm.s32 $_size_execute0_lowered;
	s2 =	sadd.s32 s2, s4;
	[dreg:$0x0] =	wrdreg $0x0  }
0xa8: {  	s4 =	sshll.u32 s28, $0x1;
	[dreg:$0x2] =	wrdreg s2  }
0xa9: {  	[dreg:$0x3] =	wrdreg s4  }
0xaa: {  	[dreg:$0x4] =	wrdreg $0xC0  }
0xab: {  	_ =	task [dreg:s6], $0x5FFFF  }
0xac: {  	[dreg:$0x1] =	wrdreg $0xFFFFFFFF  }
0xad: {  	[dreg:$0x0] =	wrdreg $0x60  }
0xae: {  	[dreg:$0x2] =	wrdreg s24  }
0xaf: {  	[dreg:$0x3] =	wrdreg $0x6C000  }
0xb0: {  	[dreg:$0x4] =	wrdreg $0x9  }
0xb1: {  	_ =	task.clear_ibuf [dreg:s6], $0x5FFFF;
	_ =	strace $0x9000004F  }
0xb2: {  	s29 =	simm.s32 $0x9;
	_ =	strace $0x80000051  }
0xb3: {  	_ =	swait.ge [sflag:s29], $0x1  }
0xb4: {  	[sflag:s29] =	ssyncadd.s32 $0xFFFFFFFF  }
0xb5: {  	_ =	strace $0x90000051  }
0xb6: {  	_ =	sfence  }
0xb7: {  	s30 =	sld [smem:$0x0];
	_ =	sdelay $0x2  }
0xb8: {  	s31 =	sshll.u32 s1, $0xD;
	s1 =	sshrl.u32 s1, $0x2  }
0xb9: {  	s3 =	sand.u32 $0x4000, s31;
	s1 =	sadd.s32 s1, s30  }
0xba: {  	s0 =	sor.u32 s3, s0;
	s1 =	sshll.u32 s1, $0x11  }
0xbb: {  	s0 =	sor.u32 s1, s0  }
0xbc: {  	s0 =	sadd.s32 $0x8F2B, s0  }
0xbd: {  	[sflag:s0] =	ssyncadd.remote.s32 $0x1  }
0xbe: {  	_ =	sfence.sel $0xFFFF  }
0xbf: {  	[dreg:$0x0] =	wrdreg $0xFFFFFFFF;
	(pc) =	sbr.abs _section_cstart, $3  }
0xc0: {  	[dreg:$0x1] =	wrdreg $0xFFFFFFFF  }
0xc1: {  	_ =	task.clear_ibuf [dreg:s6], $0x2FFFF;
	_ =	strace $0x9FFFFFFF  }
0xc2: {  	(tm) =	ssettm $0x7FFFFFFF  }
0xc3: {  	_ =	shalt  }
tec
execute0_lowered:
.L_overlay_start_1:
0x0: {  	(tag) =	ssettag $0x1  }
0x1: {  	s0 =	rddreg [dreg:$0x0]  }
0x2: {  	s1 =	rddreg [dreg:$0x1];
	s3 =	simm.s32 $0x0  }
0x3: {  	s13 =	stileid.u32;
	s2 =	srdreg.scid;
	s29 =	simm.s32 $0xA  }
0x4: {  	s30 =	simm.s32 $0x200;
	s31 =	simm.s32 $0x400;
	[smem:$0x7FF] =	sst s3  }
0x5: {  	s4 =	sadd.s32 $0x3600, s0;
	s6 =	smul.u32 $0x18800, s13;
	s2 =	sand.u32 $0x1, s2  }
0x6: {  	s5 =	sadd.s32 $0x65600, s0;
	s14 =	sadd.s32 $0x34600, s0;
	s15 =	sadd.s32 $0x1F0A00, s0  }
0x7: {  	s9 =	sshll.u32 s13, $0x1;
	_ =	strace $0x80000050;
	s7 =	smul.u32 $0x188000, s2  }
0x8: {  	s10 =	ssub.s32 $0x2, s2;
	s9 =	sor.u32 s2, s9;
	[dreg:$0x3] =	wrdreg s14  }
0x9: {  	p0 =	seq.s32 s2, $0x0;
	s2 =	smul.u32 $0xC400, s2;
	[dreg:$0x4] =	wrdreg s15  }
0xa: {  	s8 =	sshrl.u32 s6, $0x3;
	s11 =	sshrl.u32 s10, $0x1;
	s9 =	smul.u32 $0xC400, s9  }
0xb: {  	s20 =	sadd.s32 s6, s1;
	s7 =	sadd.s32 s6, s7;
	s12 =	sadd.s32 s8, s0  }
0xc: {  	[dreg:$0x5] =	wrdreg s20;
	s7 =	sshrl.u32 s7, $0x3;
	s9 =	sshrl.u32 s9, $0x3  }
0xd: {  	s16 =	sadd.s32 $0x99A00, s12;
	s0 =	sadd.s32 s7, s0;
	s7 =	ssub.s32 s10, s11  }
0xe: {  	s10 =	sadd.s32 s4, s8;
	s21 =	sor.u32 $0x40, s9;
	s22 =	sadd.s32 s15, s9  }
0xf: {  	s24 =	sadd.s32 s14, s9;
	s25 =	sadd.s32 $0x80, s9;
	[dreg:$0x8] =	wrdreg s22  }
0x10: {  	s26 =	sadd.s32 $0xC0, s9;
	s23 =	sadd.s32 s14, s21;
	[dreg:$0x7] =	wrdreg s24  }
0x11: {  	s9 =	sadd.s32 $0x1840, s9;
	s11 =	sadd.s32 s15, s21;
	[dreg:$0x9] =	wrdreg s23  }
0x12: {  	s8 =	sadd.s32 s5, s8;
	s17 =	sadd.s32 s14, s25;
	[dreg:$0xa] =	wrdreg s11  }
0x13: {  	s18 =	sadd.s32 s14, s26;
	s12 =	sadd.s32 s15, s26;
	[dreg:$0xb] =	wrdreg s17  }
0x14: {  	s19 =	sadd.s32 s14, s9;
	s9 =	sadd.s32 s15, s9;
	[dreg:$0xd] =	wrdreg s18  }
0x15: {  	s20 =	sadd.s32 $0xCAA00, s0;
	s0 =	sadd.s32 $0x12CA00, s0;
	[dreg:$0xf] =	wrdreg s12  }
0x16: {  	s21 =	sadd.s32 s2, s6;
	s22 =	sshll.u32 s13, $0x6;
	[dreg:$0x10] =	wrdreg s19  }
0x17: {  	s2 =	simm.s32 $0x800;
	s13 =	simm.s32 $0x2;
	[dreg:$0x11] =	wrdreg s9  }
0x18: {  	s14 =	simm.s32 $0x5;
	s11 =	sadd.s32 s15, s25;
	[dreg:$0x12] =	wrdreg s20  }
0x19: {  	[dreg:$0x13] =	wrdreg s0;
	s23 =	smax.u32 s7, $0x1;
	s7 =	sor.u32 $0x1C0A, s22  }
0x1a: {  	s25 =	sadd.s32 $0xC00, s21;
	s26 =	sadd.s32 $0xA00, s21;
	s0 =	sadd.s32 $0x800, s21  }
0x1b: {  	s21 =	simm.s32 $0x7;
	s22 =	simm.s32 $0xC00;
	s17 =	simm.s32 $0x2C00  }
0x1c: {  	s9 =	simm.s32 $0x1;
	s12 =	simm.s32 $0x4C00;
	s15 =	simm.s32 $0x3  }
0x1d: {  	s18 =	simm.s32 $0x0;
	[dreg:$0xc] =	wrdreg s11;
	s11 =	smov.u32 s16  }
0x1e: {  	s16 =	smov.u32 @p0 s8;
	[dreg:$0x14] =	wrdreg s23;
	s25 =	sshrl.u32 s25, $0x3  }
0x1f: {  	s26 =	sshrl.u32 s26, $0x3;
	s28 =	sshrl.u32 s0, $0x3;
	s0 =	simm.s32 $0x600  }
0x20: {  	s8 =	simm.s32 $0xA00;
	s23 =	simm.s32 $0x8;
	[dreg:$0x15] =	wrdreg s7  }
0x21: {  	s11 =	smov.u32 @p0 s10;
	[dreg:$0x6] =	wrdreg s16;
	s10 =	simm.s32 $0x4  }
0x22: {  	s16 =	simm.s32 $0x6;
	[dreg:$0xe] =	wrdreg s11;
	s11 =	simm.s32 $0x9  }
.LBB2_1:
0x23: {  	s6 =	rddreg [dreg:$0x5]  }
0x24: {  	s20 =	rddreg [dreg:$0xe];
	s19 =	sshrl.u32 s6, $0x3  }
0x25: {  	[dreg:$0x16] =	wrdreg s19  }
0x26: {  	[spmem:s19], [sflag:s7] =	dma.local [hbm:s20], $0x3100  }
0x27: {  	_ =	swait.ge [sflag:s29], $0x3100  }
0x28: {  	[sflag:s29] =	ssyncset.done $0x0  }
0x29: {  	[sflag:s29] =	ssyncadd.s32 $0xFFFFCF00  }
0x2a: {  	[bflag:$0x0] =	sbarrier.arrive $0xFFFF  }
0x2b: {  	[tilespmem:s3], [sflag:$0x7] =	stream.linear.gather [hbm4b:s24+s3], $0x200, $0x38;
	[tilespmem:$0x1F400] =	vst v63  }
0x2c: {  	s20 =	rddreg [dreg:$0x8]  }
0x2d: {  	[tilespmem:s30], [sflag:$0x7] =	stream.linear.gather [hbm4b:s20+s3], $0x200, $0x38;
	[tilespmem:$0x1F400] =	vst v63  }
0x2e: {  	s24 =	rddreg [dreg:$0x9]  }
0x2f: {  	[tilespmem:s31], [sflag:$0x8] =	stream.linear.gather [hbm4b:s24+s3], $0x200, $0x38;
	[tilespmem:$0x1F400] =	vst v63  }
0x30: {  	s7 =	rddreg [dreg:$0xa]  }
0x31: {  	[tilespmem:s0], [sflag:$0x8] =	stream.linear.gather [hbm4b:s7+s3], $0x200, $0x38;
	[tilespmem:$0x1F400] =	vst v63  }
0x32: {  	s19 =	rddreg [dreg:$0xb]  }
0x33: {  	[tilespmem:s2], [sflag:$0x9] =	stream.linear.gather [hbm4b:s19+s3], $0x200, $0x38;
	[tilespmem:$0x1F400] =	vst v63  }
0x34: {  	s20 =	rddreg [dreg:$0xc]  }
0x35: {  	[tilespmem:s8], [sflag:$0x9] =	stream.linear.gather [hbm4b:s20+s3], $0x200, $0x38;
	[tilespmem:$0x1F400] =	vst v63  }
0x36: {  	_ =	swait.ge [sflag:s21], $0x200  }
0x37: {  	[sflag:s21] =	ssyncset.done $0x0  }
0x38: {  	[sflag:s21] =	ssyncadd.s32 $0xFFFFFE00  }
0x39: {  	_ =	swait.ge [sflag:s21], $0x200  }
0x3a: {  	[sflag:s21] =	ssyncset.done $0x0  }
0x3b: {  	[sflag:s21] =	ssyncadd.s32 $0xFFFFFE00  }
0x3c: {  	[tilespmem:s22], [sflag:$0x1] =	stream.indirect.gather [hbm4b:s4+s30], $0x10, s3, s30, $0xb8;
	[tilespmem:$0x1F400] =	vst v63  }
0x3d: {  	_ =	swait.ge [sflag:s23], $0x200  }
0x3e: {  	[sflag:s23] =	ssyncset.done $0x0  }
0x3f: {  	[sflag:s23] =	ssyncadd.s32 $0xFFFFFE00  }
0x40: {  	_ =	swait.ge [sflag:s23], $0x200  }
0x41: {  	[sflag:s23] =	ssyncset.done $0x0  }
0x42: {  	[sflag:s23] =	ssyncadd.s32 $0xFFFFFE00  }
0x43: {  	[tilespmem:s17], [sflag:$0x2] =	stream.indirect.gather [hbm4b:s4+s30], $0x10, s31, s30, $0xb8;
	[tilespmem:$0x1F400] =	vst v63  }
0x44: {  	_ =	swait.ge [sflag:s9], $0x2000  }
0x45: {  	[sflag:s9] =	ssyncset.done $0x0  }
0x46: {  	[sflag:s9] =	ssyncadd.s32 $0xFFFFE000  }
0x47: {  	[spmem:s1] =	stream.indirect.scatter.add.f32 [tilespmem:s22], [sflag:$0x4], $0x10, s30, s30, $0xb8;
	[tilespmem:$0x1F400] =	vst v63  }
0x48: {  	_ =	swait.ge [sflag:s10], $0x2000  }
0x49: {  	[sflag:s10] =	ssyncset.done $0x0  }
0x4a: {  	s24 =	rddreg [dreg:$0xd];
	[sflag:s10] =	ssyncadd.s32 $0xFFFFE000  }
0x4b: {  	[tilespmem:s3], [sflag:$0x7] =	stream.linear.gather [hbm4b:s24+s3], $0x200, $0x38;
	[tilespmem:$0x1F400] =	vst v63  }
0x4c: {  	s7 =	rddreg [dreg:$0xf]  }
0x4d: {  	[tilespmem:s30], [sflag:$0x7] =	stream.linear.gather [hbm4b:s7+s3], $0x200, $0x38;
	[tilespmem:$0x1F400] =	vst v63  }
0x4e: {  	_ =	swait.ge [sflag:s11], $0x200  }
0x4f: {  	[sflag:s11] =	ssyncset.done $0x0  }
0x50: {  	[sflag:s11] =	ssyncadd.s32 $0xFFFFFE00  }
0x51: {  	_ =	swait.ge [sflag:s11], $0x200  }
0x52: {  	[sflag:s11] =	ssyncset.done $0x0  }
0x53: {  	[sflag:s11] =	ssyncadd.s32 $0xFFFFFE00  }
0x54: {  	[tilespmem:s12], [sflag:$0x3] =	stream.indirect.gather [hbm4b:s4+s30], $0x10, s2, s30, $0xb8;
	[tilespmem:$0x1F400] =	vst v63  }
0x55: {  	_ =	swait.ge [sflag:s13], $0x2000  }
0x56: {  	[sflag:s13] =	ssyncset.done $0x0  }
0x57: {  	[sflag:s13] =	ssyncadd.s32 $0xFFFFE000  }
0x58: {  	[spmem:s1] =	stream.indirect.scatter.add.f32 [tilespmem:s17], [sflag:$0x5], $0x10, s0, s30, $0xb8;
	[tilespmem:$0x1F400] =	vst v63  }
0x59: {  	_ =	swait.ge [sflag:s14], $0x2000  }
0x5a: {  	s7 =	rddreg [dreg:$0x3]  }
0x5b: {  	[sflag:s14] =	ssyncset.done $0x0;
	s6 =	rddreg [dreg:$0x4];
	s19 =	sadd.s32 s7, s28  }
0x5c: {  	[sflag:s14] =	ssyncadd.s32 $0xFFFFE000;
	s20 =	sadd.s32 s6, s28;
	[dreg:$0x17] =	wrdreg s19  }
0x5d: {  	[tilespmem:s31], [sflag:$0x8] =	stream.linear.gather [hbm4b:s19+s3], $0x200, $0x38;
	[tilespmem:$0x1F400] =	vst v63  }
0x5e: {  	[dreg:$0x18] =	wrdreg s20  }
0x5f: {  	[tilespmem:s0], [sflag:$0x8] =	stream.linear.gather [hbm4b:s20+s3], $0x200, $0x38;
	[tilespmem:$0x1F400] =	vst v63  }
0x60: {  	_ =	swait.ge [sflag:s21], $0x200  }
0x61: {  	[sflag:s21] =	ssyncset.done $0x0  }
0x62: {  	[sflag:s21] =	ssyncadd.s32 $0xFFFFFE00  }
0x63: {  	_ =	swait.ge [sflag:s21], $0x200  }
0x64: {  	[sflag:s21] =	ssyncset.done $0x0  }
0x65: {  	[sflag:s21] =	ssyncadd.s32 $0xFFFFFE00  }
0x66: {  	[tilespmem:s22], [sflag:$0x1] =	stream.indirect.gather [hbm4b:s4+s30], $0x10, s3, s30, $0xb8;
	[tilespmem:$0x1F400] =	vst v63  }
0x67: {  	_ =	swait.ge [sflag:s15], $0x2000  }
0x68: {  	[sflag:s15] =	ssyncset.done $0x0  }
0x69: {  	[sflag:s15] =	ssyncadd.s32 $0xFFFFE000  }
0x6a: {  	[spmem:s1] =	stream.indirect.scatter.add.f32 [tilespmem:s12], [sflag:$0x6], $0x10, s8, s30, $0xb8;
	[tilespmem:$0x1F400] =	vst v63  }
0x6b: {  	_ =	swait.ge [sflag:s16], $0x2000  }
0x6c: {  	s24 =	sadd.s32 s7, s26;
	[sflag:s16] =	ssyncset.done $0x0  }
0x6d: {  	s20 =	sadd.s32 s6, s26;
	[dreg:$0x19] =	wrdreg s24;
	[sflag:s16] =	ssyncadd.s32 $0xFFFFE000  }
0x6e: {  	[tilespmem:s2], [sflag:$0x9] =	stream.linear.gather [hbm4b:s24+s3], $0x200, $0x38;
	[tilespmem:$0x1F400] =	vst v63  }
0x6f: {  	[dreg:$0x1a] =	wrdreg s20  }
0x70: {  	[tilespmem:s8], [sflag:$0x9] =	stream.linear.gather [hbm4b:s20+s3], $0x200, $0x38;
	[tilespmem:$0x1F400] =	vst v63  }
0x71: {  	_ =	swait.ge [sflag:s23], $0x200  }
0x72: {  	[sflag:s23] =	ssyncset.done $0x0  }
0x73: {  	[sflag:s23] =	ssyncadd.s32 $0xFFFFFE00  }
0x74: {  	_ =	swait.ge [sflag:s23], $0x200  }
0x75: {  	[sflag:s23] =	ssyncset.done $0x0  }
0x76: {  	[sflag:s23] =	ssyncadd.s32 $0xFFFFFE00  }
0x77: {  	[tilespmem:s17], [sflag:$0x2] =	stream.indirect.gather [hbm4b:s4+s30], $0x10, s31, s30, $0xb8;
	[tilespmem:$0x1F400] =	vst v63  }
0x78: {  	_ =	swait.ge [sflag:s9], $0x2000  }
0x79: {  	[sflag:s9] =	ssyncset.done $0x0  }
0x7a: {  	[sflag:s9] =	ssyncadd.s32 $0xFFFFE000  }
0x7b: {  	[spmem:s1] =	stream.indirect.scatter.add.f32 [tilespmem:s22], [sflag:$0x4], $0x10, s30, s30, $0xb8;
	[tilespmem:$0x1F400] =	vst v63  }
0x7c: {  	_ =	swait.ge [sflag:s10], $0x2000  }
0x7d: {  	[sflag:s10] =	ssyncset.done $0x0  }
0x7e: {  	s24 =	sadd.s32 s7, s25;
	[sflag:s10] =	ssyncadd.s32 $0xFFFFE000  }
0x7f: {  	[tilespmem:s3], [sflag:$0x7] =	stream.linear.gather [hbm4b:s24+s3], $0x200, $0x38;
	[tilespmem:$0x1F400] =	vst v63  }
0x80: {  	s20 =	sadd.s32 s6, s25;
	[dreg:$0x1b] =	wrdreg s24  }
0x81: {  	[tilespmem:s30], [sflag:$0x7] =	stream.linear.gather [hbm4b:s20+s3], $0x200, $0x38;
	[tilespmem:$0x1F400] =	vst v63  }
0x82: {  	_ =	swait.ge [sflag:s11], $0x200  }
0x83: {  	[sflag:s11] =	ssyncset.done $0x0  }
0x84: {  	[sflag:s11] =	ssyncadd.s32 $0xFFFFFE00  }
0x85: {  	_ =	swait.ge [sflag:s11], $0x200  }
0x86: {  	[sflag:s11] =	ssyncset.done $0x0  }
0x87: {  	[sflag:s11] =	ssyncadd.s32 $0xFFFFFE00  }
0x88: {  	[tilespmem:s12], [sflag:$0x3] =	stream.indirect.gather [hbm4b:s4+s30], $0x10, s2, s30, $0xb8;
	[tilespmem:$0x1F400] =	vst v63  }
0x89: {  	_ =	swait.ge [sflag:s13], $0x2000  }
0x8a: {  	s7 =	sadd.s32 $0xC0, s7;
	[sflag:s13] =	ssyncset.done $0x0  }
0x8b: {  	s6 =	sadd.s32 $0xC0, s6;
	s24 =	simm.s32 $0x1E;
	[sflag:s13] =	ssyncadd.s32 $0xFFFFE000  }
.LBB2_2:
0x8c: {  	[spmem:s1] =	stream.indirect.scatter.add.f32 [tilespmem:s17], [sflag:$0x5], $0x10, s0, s30, $0xb8;
	[tilespmem:$0x1F400] =	vst v63  }
0x8d: {  	p0 =	sne.s32 s24, $0x1;
	s24 =	sadd.s32 $0xFFFFFFFF, s24;
	_ =	swait.ge [sflag:s14], $0x2000  }
0x8e: {  	[sflag:s14] =	ssyncset.done $0x0  }
0x8f: {  	s19 =	sadd.s32 s7, s28;
	[sflag:s14] =	ssyncadd.s32 $0xFFFFE000  }
0x90: {  	[tilespmem:s31], [sflag:$0x8] =	stream.linear.gather [hbm4b:s19+s3], $0x200, $0x38;
	[tilespmem:$0x1F400] =	vst v63  }
0x91: {  	s19 =	sadd.s32 s6, s28  }
0x92: {  	[tilespmem:s0], [sflag:$0x8] =	stream.linear.gather [hbm4b:s19+s3], $0x200, $0x38;
	[tilespmem:$0x1F400] =	vst v63  }
0x93: {  	_ =	swait.ge [sflag:s21], $0x200  }
0x94: {  	[sflag:s21] =	ssyncset.done $0x0  }
0x95: {  	[sflag:s21] =	ssyncadd.s32 $0xFFFFFE00  }
0x96: {  	_ =	swait.ge [sflag:s21], $0x200  }
0x97: {  	[sflag:s21] =	ssyncset.done $0x0  }
0x98: {  	[sflag:s21] =	ssyncadd.s32 $0xFFFFFE00  }
0x99: {  	[tilespmem:s22], [sflag:$0x1] =	stream.indirect.gather [hbm4b:s4+s30], $0x10, s3, s30, $0xb8;
	[tilespmem:$0x1F400] =	vst v63  }
0x9a: {  	_ =	swait.ge [sflag:s15], $0x2000  }
0x9b: {  	[sflag:s15] =	ssyncset.done $0x0  }
0x9c: {  	[sflag:s15] =	ssyncadd.s32 $0xFFFFE000  }
0x9d: {  	[spmem:s1] =	stream.indirect.scatter.add.f32 [tilespmem:s12], [sflag:$0x6], $0x10, s8, s30, $0xb8;
	[tilespmem:$0x1F400] =	vst v63  }
0x9e: {  	_ =	swait.ge [sflag:s16], $0x2000  }
0x9f: {  	[sflag:s16] =	ssyncset.done $0x0  }
0xa0: {  	s19 =	sadd.s32 s7, s26;
	[sflag:s16] =	ssyncadd.s32 $0xFFFFE000  }
0xa1: {  	[tilespmem:s2], [sflag:$0x9] =	stream.linear.gather [hbm4b:s19+s3], $0x200, $0x38;
	[tilespmem:$0x1F400] =	vst v63  }
0xa2: {  	s19 =	sadd.s32 s6, s26  }
0xa3: {  	[tilespmem:s8], [sflag:$0x9] =	stream.linear.gather [hbm4b:s19+s3], $0x200, $0x38;
	[tilespmem:$0x1F400] =	vst v63  }
0xa4: {  	_ =	swait.ge [sflag:s23], $0x200  }
0xa5: {  	[sflag:s23] =	ssyncset.done $0x0  }
0xa6: {  	[sflag:s23] =	ssyncadd.s32 $0xFFFFFE00  }
0xa7: {  	_ =	swait.ge [sflag:s23], $0x200  }
0xa8: {  	[sflag:s23] =	ssyncset.done $0x0  }
0xa9: {  	[sflag:s23] =	ssyncadd.s32 $0xFFFFFE00  }
0xaa: {  	[tilespmem:s17], [sflag:$0x2] =	stream.indirect.gather [hbm4b:s4+s30], $0x10, s31, s30, $0xb8;
	[tilespmem:$0x1F400] =	vst v63  }
0xab: {  	_ =	swait.ge [sflag:s9], $0x2000  }
0xac: {  	[sflag:s9] =	ssyncset.done $0x0  }
0xad: {  	[sflag:s9] =	ssyncadd.s32 $0xFFFFE000  }
0xae: {  	[spmem:s1] =	stream.indirect.scatter.add.f32 [tilespmem:s22], [sflag:$0x4], $0x10, s30, s30, $0xb8;
	[tilespmem:$0x1F400] =	vst v63  }
0xaf: {  	_ =	swait.ge [sflag:s10], $0x2000  }
0xb0: {  	[sflag:s10] =	ssyncset.done $0x0  }
0xb1: {  	s19 =	sadd.s32 s7, s25;
	[sflag:s10] =	ssyncadd.s32 $0xFFFFE000  }
0xb2: {  	[tilespmem:s3], [sflag:$0x7] =	stream.linear.gather [hbm4b:s19+s3], $0x200, $0x38;
	[tilespmem:$0x1F400] =	vst v63  }
0xb3: {  	s19 =	sadd.s32 s6, s25  }
0xb4: {  	[tilespmem:s30], [sflag:$0x7] =	stream.linear.gather [hbm4b:s19+s3], $0x200, $0x38;
	[tilespmem:$0x1F400] =	vst v63  }
0xb5: {  	_ =	swait.ge [sflag:s11], $0x200  }
0xb6: {  	[sflag:s11] =	ssyncset.done $0x0  }
0xb7: {  	[sflag:s11] =	ssyncadd.s32 $0xFFFFFE00  }
0xb8: {  	_ =	swait.ge [sflag:s11], $0x200  }
0xb9: {  	[sflag:s11] =	ssyncset.done $0x0  }
.Ltmp0:
0xba: {  	[sflag:s11] =	ssyncadd.s32 $0xFFFFFE00;
	(pc) =	sbr.rel @p0 .LBB2_2-.Ltmp0, $4  }
0xbb: {  	[tilespmem:s12], [sflag:$0x3] =	stream.indirect.gather [hbm4b:s4+s30], $0x10, s2, s30, $0xb8;
	[tilespmem:$0x1F400] =	vst v63  }
0xbc: {  	_ =	swait.ge [sflag:s13], $0x2000  }
0xbd: {  	[sflag:s13] =	ssyncset.done $0x0  }
0xbe: {  	s7 =	sadd.s32 $0xC0, s7;
	s6 =	sadd.s32 $0xC0, s6;
	[sflag:s13] =	ssyncadd.s32 $0xFFFFE000  }
0xbf: {  	[spmem:s1] =	stream.indirect.scatter.add.f32 [tilespmem:s17], [sflag:$0x5], $0x10, s0, s30, $0xb8;
	[tilespmem:$0x1F400] =	vst v63  }
0xc0: {  	_ =	swait.ge [sflag:s14], $0x2000  }
0xc1: {  	[sflag:s14] =	ssyncset.done $0x0  }
0xc2: {  	s6 =	rddreg [dreg:$0x10];
	[sflag:s14] =	ssyncadd.s32 $0xFFFFE000  }
0xc3: {  	[tilespmem:s31], [sflag:$0x8] =	stream.linear.gather [hbm4b:s6+s3], $0x200, $0x38;
	[tilespmem:$0x1F400] =	vst v63  }
0xc4: {  	s19 =	rddreg [dreg:$0x11]  }
0xc5: {  	[tilespmem:s0], [sflag:$0x8] =	stream.linear.gather [hbm4b:s19+s3], $0x200, $0x38;
	[tilespmem:$0x1F400] =	vst v63  }
0xc6: {  	_ =	swait.ge [sflag:s21], $0x200  }
0xc7: {  	[sflag:s21] =	ssyncset.done $0x0  }
0xc8: {  	[sflag:s21] =	ssyncadd.s32 $0xFFFFFE00  }
0xc9: {  	_ =	swait.ge [sflag:s21], $0x200  }
0xca: {  	[sflag:s21] =	ssyncset.done $0x0  }
0xcb: {  	[sflag:s21] =	ssyncadd.s32 $0xFFFFFE00  }
0xcc: {  	[tilespmem:s22], [sflag:$0x1] =	stream.indirect.gather [hbm4b:s4+s30], $0x10, s3, s30, $0xb8;
	[tilespmem:$0x1F400] =	vst v63  }
0xcd: {  	_ =	swait.ge [sflag:s15], $0x2000  }
0xce: {  	[sflag:s15] =	ssyncset.done $0x0  }
0xcf: {  	[sflag:s15] =	ssyncadd.s32 $0xFFFFE000  }
0xd0: {  	[spmem:s1] =	stream.indirect.scatter.add.f32 [tilespmem:s12], [sflag:$0x6], $0x10, s8, s30, $0xb8;
	[tilespmem:$0x1F400] =	vst v63  }
0xd1: {  	_ =	swait.ge [sflag:s23], $0x200  }
0xd2: {  	[sflag:s23] =	ssyncset.done $0x0  }
0xd3: {  	[sflag:s23] =	ssyncadd.s32 $0xFFFFFE00  }
0xd4: {  	_ =	swait.ge [sflag:s23], $0x200  }
0xd5: {  	[sflag:s23] =	ssyncset.done $0x0  }
0xd6: {  	[sflag:s23] =	ssyncadd.s32 $0xFFFFFE00  }
0xd7: {  	[tilespmem:s17], [sflag:$0x2] =	stream.indirect.gather [hbm4b:s4+s30], $0x10, s31, s30, $0xb8;
	[tilespmem:$0x1F400] =	vst v63  }
0xd8: {  	_ =	swait.ge [sflag:s9], $0x2000  }
0xd9: {  	[sflag:s9] =	ssyncset.done $0x0  }
0xda: {  	[sflag:s9] =	ssyncadd.s32 $0xFFFFE000  }
0xdb: {  	[spmem:s1] =	stream.indirect.scatter.add.f32 [tilespmem:s22], [sflag:$0x4], $0x10, s30, s30, $0xb8;
	[tilespmem:$0x1F400] =	vst v63  }
0xdc: {  	_ =	swait.ge [sflag:s13], $0x2000  }
0xdd: {  	[sflag:s13] =	ssyncset.done $0x0  }
0xde: {  	[sflag:s13] =	ssyncadd.s32 $0xFFFFE000  }
0xdf: {  	[spmem:s1] =	stream.indirect.scatter.add.f32 [tilespmem:s17], [sflag:$0x5], $0x10, s0, s30, $0xb8;
	[tilespmem:$0x1F400] =	vst v63  }
0xe0: {  	_ =	swait.ge [sflag:s16], $0x2000  }
0xe1: {  	[sflag:s16] =	ssyncset.done $0x0  }
0xe2: {  	[sflag:s16] =	ssyncadd.s32 $0xFFFFE000  }
0xe3: {  	_ =	swait.ge [sflag:s10], $0x2000  }
0xe4: {  	[sflag:s10] =	ssyncset.done $0x0  }
0xe5: {  	[sflag:s10] =	ssyncadd.s32 $0xFFFFE000  }
0xe6: {  	_ =	swait.ge [sflag:s14], $0x2000  }
0xe7: {  	[sflag:s14] =	ssyncset.done $0x0  }
0xe8: {  	[sflag:s14] =	ssyncadd.s32 $0xFFFFE000  }
0xe9: {  	[bflag:$0x0] =	sbarrier.arrive $0xFFFF  }
0xea: {  	s24 =	rddreg [dreg:$0x12]  }
0xeb: {  	s7 =	rddreg [dreg:$0x15]  }
0xec: {  	s19 =	rddreg [dreg:$0x16]  }
0xed: {  	[hbm:s24], [sflag:s7] =	dma.local [spmem:s19], $0x3100  }
0xee: {  	_ =	swait.ge [sflag:s29], $0x3100  }
0xef: {  	[sflag:s29] =	ssyncset.done $0x0  }
0xf0: {  	[sflag:s29] =	ssyncadd.s32 $0xFFFFCF00  }
0xf1: {  	[bflag:$0x0] =	sbarrier.arrive $0xFFFF  }
0xf2: {  	s24 =	rddreg [dreg:$0x6]  }
0xf3: {  	[spmem:s19], [sflag:s7] =	dma.local [hbm:s24], $0x3100  }
0xf4: {  	_ =	swait.ge [sflag:s29], $0x3100  }
0xf5: {  	[sflag:s29] =	ssyncset.done $0x0  }
0xf6: {  	[sflag:s29] =	ssyncadd.s32 $0xFFFFCF00  }
0xf7: {  	[bflag:$0x0] =	sbarrier.arrive $0xFFFF  }
0xf8: {  	s24 =	rddreg [dreg:$0x7]  }
0xf9: {  	[tilespmem:s3], [sflag:$0x7] =	stream.linear.gather [hbm4b:s24+s3], $0x200, $0x38;
	[tilespmem:$0x1F400] =	vst v63  }
0xfa: {  	s19 =	rddreg [dreg:$0x8]  }
0xfb: {  	[tilespmem:s30], [sflag:$0x7] =	stream.linear.gather [hbm4b:s19+s3], $0x200, $0x38;
	[tilespmem:$0x1F400] =	vst v63  }
0xfc: {  	s7 =	rddreg [dreg:$0x9]  }
0xfd: {  	[tilespmem:s31], [sflag:$0x8] =	stream.linear.gather [hbm4b:s7+s3], $0x200, $0x38;
	[tilespmem:$0x1F400] =	vst v63  }
0xfe: {  	s19 =	rddreg [dreg:$0xa]  }
0xff: {  	[tilespmem:s0], [sflag:$0x8] =	stream.linear.gather [hbm4b:s19+s3], $0x200, $0x38;
	[tilespmem:$0x1F400] =	vst v63  }
0x100: {  	s7 =	rddreg [dreg:$0xb]  }
0x101: {  	[tilespmem:s2], [sflag:$0x9] =	stream.linear.gather [hbm4b:s7+s3], $0x200, $0x38;
	[tilespmem:$0x1F400] =	vst v63  }
0x102: {  	s19 =	rddreg [dreg:$0xc]  }
0x103: {  	[tilespmem:s8], [sflag:$0x9] =	stream.linear.gather [hbm4b:s19+s3], $0x200, $0x38;
	[tilespmem:$0x1F400] =	vst v63  }
0x104: {  	_ =	swait.ge [sflag:s21], $0x200  }
0x105: {  	[sflag:s21] =	ssyncset.done $0x0  }
0x106: {  	[sflag:s21] =	ssyncadd.s32 $0xFFFFFE00  }
0x107: {  	_ =	swait.ge [sflag:s21], $0x200  }
0x108: {  	[sflag:s21] =	ssyncset.done $0x0  }
0x109: {  	[sflag:s21] =	ssyncadd.s32 $0xFFFFFE00  }
0x10a: {  	[tilespmem:s22], [sflag:$0x1] =	stream.indirect.gather [hbm4b:s5+s30], $0x10, s3, s30, $0xb8;
	[tilespmem:$0x1F400] =	vst v63  }
0x10b: {  	_ =	swait.ge [sflag:s23], $0x200  }
0x10c: {  	[sflag:s23] =	ssyncset.done $0x0  }
0x10d: {  	[sflag:s23] =	ssyncadd.s32 $0xFFFFFE00  }
0x10e: {  	_ =	swait.ge [sflag:s23], $0x200  }
0x10f: {  	[sflag:s23] =	ssyncset.done $0x0  }
0x110: {  	[sflag:s23] =	ssyncadd.s32 $0xFFFFFE00  }
0x111: {  	[tilespmem:s17], [sflag:$0x2] =	stream.indirect.gather [hbm4b:s5+s30], $0x10, s31, s30, $0xb8;
	[tilespmem:$0x1F400] =	vst v63  }
0x112: {  	_ =	swait.ge [sflag:s9], $0x2000  }
0x113: {  	[sflag:s9] =	ssyncset.done $0x0  }
0x114: {  	[sflag:s9] =	ssyncadd.s32 $0xFFFFE000  }
0x115: {  	[spmem:s1] =	stream.indirect.scatter.add.f32 [tilespmem:s22], [sflag:$0x4], $0x10, s30, s30, $0xb8;
	[tilespmem:$0x1F400] =	vst v63  }
0x116: {  	_ =	swait.ge [sflag:s10], $0x2000  }
0x117: {  	[sflag:s10] =	ssyncset.done $0x0  }
0x118: {  	s7 =	rddreg [dreg:$0xd];
	[sflag:s10] =	ssyncadd.s32 $0xFFFFE000  }
0x119: {  	[tilespmem:s3], [sflag:$0x7] =	stream.linear.gather [hbm4b:s7+s3], $0x200, $0x38;
	[tilespmem:$0x1F400] =	vst v63  }
0x11a: {  	s19 =	rddreg [dreg:$0xf]  }
0x11b: {  	[tilespmem:s30], [sflag:$0x7] =	stream.linear.gather [hbm4b:s19+s3], $0x200, $0x38;
	[tilespmem:$0x1F400] =	vst v63  }
0x11c: {  	_ =	swait.ge [sflag:s11], $0x200  }
0x11d: {  	[sflag:s11] =	ssyncset.done $0x0  }
0x11e: {  	[sflag:s11] =	ssyncadd.s32 $0xFFFFFE00  }
0x11f: {  	_ =	swait.ge [sflag:s11], $0x200  }
0x120: {  	[sflag:s11] =	ssyncset.done $0x0  }
0x121: {  	[sflag:s11] =	ssyncadd.s32 $0xFFFFFE00  }
0x122: {  	[tilespmem:s12], [sflag:$0x3] =	stream.indirect.gather [hbm4b:s5+s30], $0x10, s2, s30, $0xb8;
	[tilespmem:$0x1F400] =	vst v63  }
0x123: {  	_ =	swait.ge [sflag:s13], $0x2000  }
0x124: {  	[sflag:s13] =	ssyncset.done $0x0  }
0x125: {  	[sflag:s13] =	ssyncadd.s32 $0xFFFFE000  }
0x126: {  	[spmem:s1] =	stream.indirect.scatter.add.f32 [tilespmem:s17], [sflag:$0x5], $0x10, s0, s30, $0xb8;
	[tilespmem:$0x1F400] =	vst v63  }
0x127: {  	_ =	swait.ge [sflag:s14], $0x2000  }
0x128: {  	[sflag:s14] =	ssyncset.done $0x0  }
0x129: {  	s7 =	rddreg [dreg:$0x17];
	[sflag:s14] =	ssyncadd.s32 $0xFFFFE000  }
0x12a: {  	[tilespmem:s31], [sflag:$0x8] =	stream.linear.gather [hbm4b:s7+s3], $0x200, $0x38;
	[tilespmem:$0x1F400] =	vst v63  }
0x12b: {  	s19 =	rddreg [dreg:$0x18]  }
0x12c: {  	[tilespmem:s0], [sflag:$0x8] =	stream.linear.gather [hbm4b:s19+s3], $0x200, $0x38;
	[tilespmem:$0x1F400] =	vst v63  }
0x12d: {  	_ =	swait.ge [sflag:s21], $0x200  }
0x12e: {  	[sflag:s21] =	ssyncset.done $0x0  }
0x12f: {  	[sflag:s21] =	ssyncadd.s32 $0xFFFFFE00  }
0x130: {  	_ =	swait.ge [sflag:s21], $0x200  }
0x131: {  	[sflag:s21] =	ssyncset.done $0x0  }
0x132: {  	[sflag:s21] =	ssyncadd.s32 $0xFFFFFE00  }
0x133: {  	[tilespmem:s22], [sflag:$0x1] =	stream.indirect.gather [hbm4b:s5+s30], $0x10, s3, s30, $0xb8;
	[tilespmem:$0x1F400] =	vst v63  }
0x134: {  	_ =	swait.ge [sflag:s15], $0x2000  }
0x135: {  	[sflag:s15] =	ssyncset.done $0x0  }
0x136: {  	[sflag:s15] =	ssyncadd.s32 $0xFFFFE000  }
0x137: {  	[spmem:s1] =	stream.indirect.scatter.add.f32 [tilespmem:s12], [sflag:$0x6], $0x10, s8, s30, $0xb8;
	[tilespmem:$0x1F400] =	vst v63  }
0x138: {  	_ =	swait.ge [sflag:s16], $0x2000  }
0x139: {  	[sflag:s16] =	ssyncset.done $0x0  }
0x13a: {  	s7 =	rddreg [dreg:$0x19];
	[sflag:s16] =	ssyncadd.s32 $0xFFFFE000  }
0x13b: {  	[tilespmem:s2], [sflag:$0x9] =	stream.linear.gather [hbm4b:s7+s3], $0x200, $0x38;
	[tilespmem:$0x1F400] =	vst v63  }
0x13c: {  	s19 =	rddreg [dreg:$0x1a]  }
0x13d: {  	[tilespmem:s8], [sflag:$0x9] =	stream.linear.gather [hbm4b:s19+s3], $0x200, $0x38;
	[tilespmem:$0x1F400] =	vst v63  }
0x13e: {  	_ =	swait.ge [sflag:s23], $0x200  }
0x13f: {  	[sflag:s23] =	ssyncset.done $0x0  }
0x140: {  	[sflag:s23] =	ssyncadd.s32 $0xFFFFFE00  }
0x141: {  	_ =	swait.ge [sflag:s23], $0x200  }
0x142: {  	[sflag:s23] =	ssyncset.done $0x0  }
0x143: {  	[sflag:s23] =	ssyncadd.s32 $0xFFFFFE00  }
0x144: {  	[tilespmem:s17], [sflag:$0x2] =	stream.indirect.gather [hbm4b:s5+s30], $0x10, s31, s30, $0xb8;
	[tilespmem:$0x1F400] =	vst v63  }
0x145: {  	_ =	swait.ge [sflag:s9], $0x2000  }
0x146: {  	[sflag:s9] =	ssyncset.done $0x0  }
0x147: {  	[sflag:s9] =	ssyncadd.s32 $0xFFFFE000  }
0x148: {  	[spmem:s1] =	stream.indirect.scatter.add.f32 [tilespmem:s22], [sflag:$0x4], $0x10, s30, s30, $0xb8;
	[tilespmem:$0x1F400] =	vst v63  }
0x149: {  	_ =	swait.ge [sflag:s10], $0x2000  }
0x14a: {  	[sflag:s10] =	ssyncset.done $0x0  }
0x14b: {  	s7 =	rddreg [dreg:$0x1b];
	[sflag:s10] =	ssyncadd.s32 $0xFFFFE000  }
0x14c: {  	[tilespmem:s3], [sflag:$0x7] =	stream.linear.gather [hbm4b:s7+s3], $0x200, $0x38;
	[tilespmem:$0x1F400] =	vst v63  }
0x14d: {  	_ = 	snop  }
0x14e: {  	[tilespmem:s30], [sflag:$0x7] =	stream.linear.gather [hbm4b:s20+s3], $0x200, $0x38;
	[tilespmem:$0x1F400] =	vst v63  }
0x14f: {  	_ =	swait.ge [sflag:s11], $0x200  }
0x150: {  	[sflag:s11] =	ssyncset.done $0x0  }
0x151: {  	[sflag:s11] =	ssyncadd.s32 $0xFFFFFE00  }
0x152: {  	_ =	swait.ge [sflag:s11], $0x200  }
0x153: {  	[sflag:s11] =	ssyncset.done $0x0  }
0x154: {  	[sflag:s11] =	ssyncadd.s32 $0xFFFFFE00  }
0x155: {  	[tilespmem:s12], [sflag:$0x3] =	stream.indirect.gather [hbm4b:s5+s30], $0x10, s2, s30, $0xb8;
	[tilespmem:$0x1F400] =	vst v63  }
0x156: {  	_ =	swait.ge [sflag:s13], $0x2000  }
0x157: {  	s19 =	rddreg [dreg:$0x4]  }
0x158: {  	s6 =	simm.s32 $0x1E;
	[sflag:s13] =	ssyncset.done $0x0;
	s20 =	rddreg [dreg:$0x3]  }
0x159: {  	[sflag:s13] =	ssyncadd.s32 $0xFFFFE000;
	s7 =	sadd.s32 $0xC0, s19;
	s19 =	sadd.s32 $0xC0, s20  }
.LBB2_4:
0x15a: {  	[spmem:s1] =	stream.indirect.scatter.add.f32 [tilespmem:s17], [sflag:$0x5], $0x10, s0, s30, $0xb8;
	[tilespmem:$0x1F400] =	vst v63  }
0x15b: {  	p0 =	sne.s32 s6, $0x1;
	s6 =	sadd.s32 $0xFFFFFFFF, s6;
	_ =	swait.ge [sflag:s14], $0x2000  }
0x15c: {  	[sflag:s14] =	ssyncset.done $0x0  }
0x15d: {  	s20 =	sadd.s32 s19, s28;
	[sflag:s14] =	ssyncadd.s32 $0xFFFFE000  }
0x15e: {  	[tilespmem:s31], [sflag:$0x8] =	stream.linear.gather [hbm4b:s20+s3], $0x200, $0x38;
	[tilespmem:$0x1F400] =	vst v63  }
0x15f: {  	s20 =	sadd.s32 s7, s28  }
0x160: {  	[tilespmem:s0], [sflag:$0x8] =	stream.linear.gather [hbm4b:s20+s3], $0x200, $0x38;
	[tilespmem:$0x1F400] =	vst v63  }
0x161: {  	_ =	swait.ge [sflag:s21], $0x200  }
0x162: {  	[sflag:s21] =	ssyncset.done $0x0  }
0x163: {  	[sflag:s21] =	ssyncadd.s32 $0xFFFFFE00  }
0x164: {  	_ =	swait.ge [sflag:s21], $0x200  }
0x165: {  	[sflag:s21] =	ssyncset.done $0x0  }
0x166: {  	[sflag:s21] =	ssyncadd.s32 $0xFFFFFE00  }
0x167: {  	[tilespmem:s22], [sflag:$0x1] =	stream.indirect.gather [hbm4b:s5+s30], $0x10, s3, s30, $0xb8;
	[tilespmem:$0x1F400] =	vst v63  }
0x168: {  	_ =	swait.ge [sflag:s15], $0x2000  }
0x169: {  	[sflag:s15] =	ssyncset.done $0x0  }
0x16a: {  	[sflag:s15] =	ssyncadd.s32 $0xFFFFE000  }
0x16b: {  	[spmem:s1] =	stream.indirect.scatter.add.f32 [tilespmem:s12], [sflag:$0x6], $0x10, s8, s30, $0xb8;
	[tilespmem:$0x1F400] =	vst v63  }
0x16c: {  	_ =	swait.ge [sflag:s16], $0x2000  }
0x16d: {  	[sflag:s16] =	ssyncset.done $0x0  }
0x16e: {  	s20 =	sadd.s32 s19, s26;
	[sflag:s16] =	ssyncadd.s32 $0xFFFFE000  }
0x16f: {  	[tilespmem:s2], [sflag:$0x9] =	stream.linear.gather [hbm4b:s20+s3], $0x200, $0x38;
	[tilespmem:$0x1F400] =	vst v63  }
0x170: {  	s20 =	sadd.s32 s7, s26  }
0x171: {  	[tilespmem:s8], [sflag:$0x9] =	stream.linear.gather [hbm4b:s20+s3], $0x200, $0x38;
	[tilespmem:$0x1F400] =	vst v63  }
0x172: {  	_ =	swait.ge [sflag:s23], $0x200  }
0x173: {  	[sflag:s23] =	ssyncset.done $0x0  }
0x174: {  	[sflag:s23] =	ssyncadd.s32 $0xFFFFFE00  }
0x175: {  	_ =	swait.ge [sflag:s23], $0x200  }
0x176: {  	[sflag:s23] =	ssyncset.done $0x0  }
0x177: {  	[sflag:s23] =	ssyncadd.s32 $0xFFFFFE00  }
0x178: {  	[tilespmem:s17], [sflag:$0x2] =	stream.indirect.gather [hbm4b:s5+s30], $0x10, s31, s30, $0xb8;
	[tilespmem:$0x1F400] =	vst v63  }
0x179: {  	_ =	swait.ge [sflag:s9], $0x2000  }
0x17a: {  	[sflag:s9] =	ssyncset.done $0x0  }
0x17b: {  	[sflag:s9] =	ssyncadd.s32 $0xFFFFE000  }
0x17c: {  	[spmem:s1] =	stream.indirect.scatter.add.f32 [tilespmem:s22], [sflag:$0x4], $0x10, s30, s30, $0xb8;
	[tilespmem:$0x1F400] =	vst v63  }
0x17d: {  	_ =	swait.ge [sflag:s10], $0x2000  }
0x17e: {  	[sflag:s10] =	ssyncset.done $0x0  }
0x17f: {  	s20 =	sadd.s32 s19, s25;
	[sflag:s10] =	ssyncadd.s32 $0xFFFFE000  }
0x180: {  	[tilespmem:s3], [sflag:$0x7] =	stream.linear.gather [hbm4b:s20+s3], $0x200, $0x38;
	[tilespmem:$0x1F400] =	vst v63  }
0x181: {  	s20 =	sadd.s32 s7, s25  }
0x182: {  	[tilespmem:s30], [sflag:$0x7] =	stream.linear.gather [hbm4b:s20+s3], $0x200, $0x38;
	[tilespmem:$0x1F400] =	vst v63  }
0x183: {  	_ =	swait.ge [sflag:s11], $0x200  }
0x184: {  	[sflag:s11] =	ssyncset.done $0x0  }
0x185: {  	[sflag:s11] =	ssyncadd.s32 $0xFFFFFE00  }
0x186: {  	_ =	swait.ge [sflag:s11], $0x200  }
0x187: {  	[sflag:s11] =	ssyncset.done $0x0  }
.Ltmp1:
0x188: {  	[sflag:s11] =	ssyncadd.s32 $0xFFFFFE00;
	(pc) =	sbr.rel @p0 .LBB2_4-.Ltmp1, $4  }
0x189: {  	[tilespmem:s12], [sflag:$0x3] =	stream.indirect.gather [hbm4b:s5+s30], $0x10, s2, s30, $0xb8;
	[tilespmem:$0x1F400] =	vst v63  }
0x18a: {  	_ =	swait.ge [sflag:s13], $0x2000  }
0x18b: {  	[sflag:s13] =	ssyncset.done $0x0  }
0x18c: {  	s19 =	sadd.s32 $0xC0, s19;
	s7 =	sadd.s32 $0xC0, s7;
	[sflag:s13] =	ssyncadd.s32 $0xFFFFE000  }
0x18d: {  	[spmem:s1] =	stream.indirect.scatter.add.f32 [tilespmem:s17], [sflag:$0x5], $0x10, s0, s30, $0xb8;
	[tilespmem:$0x1F400] =	vst v63  }
0x18e: {  	_ =	swait.ge [sflag:s14], $0x2000  }
0x18f: {  	[sflag:s14] =	ssyncset.done $0x0  }
0x190: {  	s6 =	rddreg [dreg:$0x10];
	[sflag:s14] =	ssyncadd.s32 $0xFFFFE000  }
0x191: {  	[tilespmem:s31], [sflag:$0x8] =	stream.linear.gather [hbm4b:s6+s3], $0x200, $0x38;
	[tilespmem:$0x1F400] =	vst v63  }
0x192: {  	s19 =	rddreg [dreg:$0x11]  }
0x193: {  	[tilespmem:s0], [sflag:$0x8] =	stream.linear.gather [hbm4b:s19+s3], $0x200, $0x38;
	[tilespmem:$0x1F400] =	vst v63  }
0x194: {  	_ =	swait.ge [sflag:s21], $0x200  }
0x195: {  	[sflag:s21] =	ssyncset.done $0x0  }
0x196: {  	[sflag:s21] =	ssyncadd.s32 $0xFFFFFE00  }
0x197: {  	_ =	swait.ge [sflag:s21], $0x200  }
0x198: {  	[sflag:s21] =	ssyncset.done $0x0  }
0x199: {  	[sflag:s21] =	ssyncadd.s32 $0xFFFFFE00  }
0x19a: {  	[tilespmem:s22], [sflag:$0x1] =	stream.indirect.gather [hbm4b:s5+s30], $0x10, s3, s30, $0xb8;
	[tilespmem:$0x1F400] =	vst v63  }
0x19b: {  	_ =	swait.ge [sflag:s15], $0x2000  }
0x19c: {  	[sflag:s15] =	ssyncset.done $0x0  }
0x19d: {  	[sflag:s15] =	ssyncadd.s32 $0xFFFFE000  }
0x19e: {  	[spmem:s1] =	stream.indirect.scatter.add.f32 [tilespmem:s12], [sflag:$0x6], $0x10, s8, s30, $0xb8;
	[tilespmem:$0x1F400] =	vst v63  }
0x19f: {  	_ =	swait.ge [sflag:s23], $0x200  }
0x1a0: {  	[sflag:s23] =	ssyncset.done $0x0  }
0x1a1: {  	[sflag:s23] =	ssyncadd.s32 $0xFFFFFE00  }
0x1a2: {  	_ =	swait.ge [sflag:s23], $0x200  }
0x1a3: {  	[sflag:s23] =	ssyncset.done $0x0  }
0x1a4: {  	[sflag:s23] =	ssyncadd.s32 $0xFFFFFE00  }
0x1a5: {  	[tilespmem:s17], [sflag:$0x2] =	stream.indirect.gather [hbm4b:s5+s30], $0x10, s31, s30, $0xb8;
	[tilespmem:$0x1F400] =	vst v63  }
0x1a6: {  	_ =	swait.ge [sflag:s9], $0x2000  }
0x1a7: {  	[sflag:s9] =	ssyncset.done $0x0  }
0x1a8: {  	[sflag:s9] =	ssyncadd.s32 $0xFFFFE000  }
0x1a9: {  	[spmem:s1] =	stream.indirect.scatter.add.f32 [tilespmem:s22], [sflag:$0x4], $0x10, s30, s30, $0xb8;
	[tilespmem:$0x1F400] =	vst v63  }
0x1aa: {  	_ =	swait.ge [sflag:s13], $0x2000  }
0x1ab: {  	[sflag:s13] =	ssyncset.done $0x0  }
0x1ac: {  	[sflag:s13] =	ssyncadd.s32 $0xFFFFE000  }
0x1ad: {  	[spmem:s1] =	stream.indirect.scatter.add.f32 [tilespmem:s17], [sflag:$0x5], $0x10, s0, s30, $0xb8;
	[tilespmem:$0x1F400] =	vst v63  }
0x1ae: {  	_ =	swait.ge [sflag:s16], $0x2000  }
0x1af: {  	[sflag:s16] =	ssyncset.done $0x0  }
0x1b0: {  	[sflag:s16] =	ssyncadd.s32 $0xFFFFE000  }
0x1b1: {  	_ =	swait.ge [sflag:s10], $0x2000  }
0x1b2: {  	[sflag:s10] =	ssyncset.done $0x0  }
0x1b3: {  	[sflag:s10] =	ssyncadd.s32 $0xFFFFE000  }
0x1b4: {  	_ =	swait.ge [sflag:s14], $0x2000  }
0x1b5: {  	[sflag:s14] =	ssyncset.done $0x0  }
0x1b6: {  	[sflag:s14] =	ssyncadd.s32 $0xFFFFE000  }
0x1b7: {  	[bflag:$0x0] =	sbarrier.arrive $0xFFFF  }
0x1b8: {  	s20 =	rddreg [dreg:$0x13]  }
0x1b9: {  	s7 =	rddreg [dreg:$0x15]  }
0x1ba: {  	s19 =	rddreg [dreg:$0x16]  }
0x1bb: {  	[hbm:s20], [sflag:s7] =	dma.local [spmem:s19], $0x3100  }
0x1bc: {  	_ =	swait.ge [sflag:s29], $0x3100  }
0x1bd: {  	s18 =	sadd.s32 $0x1, s18;
	s20 =	rddreg [dreg:$0x14]  }
0x1be: {  	p0 =	sne.s32 s18, s20  }
.Ltmp2:
0x1bf: {  	_ = 	snop;
	(pc) =	sbr.rel @p0 .LBB2_1-.Ltmp2, $3  }
0x1c0: {  	_ =	sdelay $0x1  }
0x1c1: {  	[sflag:s29] =	ssyncset.done $0x0  }
0x1c2: {  	[sflag:s29] =	ssyncadd.s32 $0xFFFFCF00  }
0x1c3: {  	_ =	sfence.sel $0x180000  }
0x1c4: {  	[bflag:$0x0] =	sbarrier.arrive $0xFFFF  }
0x1c5: {  	_ =	strace $0x90000050  }
0x1c6: {  	s0 =	stileid.u32;
	[bflag:$0x2] =	sbarrier.arrive $0xFFFF  }
0x1c7: {  	p0 =	sne.s32 s0, $0x0;
	s0 =	rddreg [dreg:$0x2]  }
0x1c8: {  	s0 =	sadd.s32 @!p0 $0x100000, s0  }
0x1c9: {  	[sflag:s0] =	ssyncadd.tile.s32 @!p0 $0x1;
	_ =	shalt  }
.Lfunc_end2:
_tile_overlayer_lowered:
.L_overlay_start_2:
0x1ca: {  	(tag) =	ssettag $0x2  }
0x1cb: {  	s0 =	rddreg [dreg:$0x0];
	s2 =	stileid.u32  }
0x1cc: {  	s1 =	rddreg [dreg:$0x1];
	p0 =	sne.s32 s2, $0x0  }
0x1cd: {  	s3 =	rddreg [dreg:$0x2];
	[bflag:$0x3] =	sbarrier.arrive $0xFFFF;
	s2 =	simm.s32 @!p0 $0x1C0A  }
0x1ce: {  	[timem:s3], [sflag:s2] =	dma.local @!p0 [hbm:s0], s1  }
0x1cf: {  	s0 =	simm.s32 @!p0 $0xA  }
0x1d0: {  	_ =	swait.ge @!p0 [sflag:s0], s1  }
0x1d1: {  	s1 =	ssub.s32 @!p0 $0x0, s1;
	[sflag:s0] =	ssyncset.done @!p0 $0x0  }
0x1d2: {  	[sflag:s0] =	ssyncadd.s32 @!p0 s1  }
0x1d3: {  	[bflag:$0x3] =	sbarrier.arrive $0xFFFF  }
0x1d4: {  	_ =	shalt  }

</sc_bundles>
